<compile_context>
chip_gen: v7x
topology: tpu7x:2x2x1
jax: 0.10.2.dev20260603
libtpu: 0.0.44.dev20260713+nightly
codegen_flags: <defaults>
</compile_context>

<pallas_src>
import functools
import jax
import jax.numpy as jnp
from jax import lax
from jax.experimental import pallas as pl
from jax.experimental.pallas import tpu as pltpu
from jax.experimental.pallas import tpu_sc as plsc

EMB = 64
SCALE = 8.0
NC, NS = 2, 16
NW = NC * NS
CHUNK = 128
L = 16
NBUF = 4
KB = 2048


def _tc_pack(tt):
    V = tt.shape[1]

    def body(tt_ref, o_ref):
        i = lax.broadcasted_iota(jnp.int32, (EMB, 2 * EMB), 0)
        j = lax.broadcasted_iota(jnp.int32, (EMB, 2 * EMB), 1)
        sel = jnp.where(lax.rem(j, EMB) == i, SCALE, 0.0).astype(jnp.float32)
        o_ref[...] = lax.dot_general(
            tt_ref[...], sel, (((0,), (0,)), ((), ())),
            preferred_element_type=jnp.float32,
        )

    return pl.pallas_call(
        body,
        grid=((V + KB - 1) // KB,),
        in_specs=[pl.BlockSpec((EMB, KB), lambda g: (0, g))],
        out_specs=pl.BlockSpec((KB, 2 * EMB), lambda g: (g, 0)),
        out_shape=jax.ShapeDtypeStruct((V, 2 * EMB), jnp.float32),
    )(tt)


def _make_kernel(T, S):
    n_tb = T // CHUNK
    n_st = S * n_tb
    spw = n_st // NW
    assert spw % NBUF == 0
    mesh = plsc.VectorSubcoreMesh(core_axis_name="c", subcore_axis_name="s")

    @functools.partial(
        pl.kernel,
        out_type=jax.ShapeDtypeStruct((S * (EMB // 8) * n_tb, 8, CHUNK), jnp.float32),
        mesh=mesh,
        compiler_params=pltpu.CompilerParams(
            use_tc_tiling_on_sc=False, needs_layout_passes=False
        ),
        scratch_types=[
            pltpu.VMEM((spw, CHUNK), jnp.int32),
            pltpu.VMEM((NBUF, CHUNK, 2 * EMB), jnp.float32),
            pltpu.VMEM((NBUF, 8 * 8, 129), jnp.float32),
            pltpu.SemaphoreType.DMA((NBUF,)),
            pltpu.SemaphoreType.DMA((NBUF,)),
        ],
    )
    def k(tok_hbm, tbl_hbm, out_hbm, tok_v, gbufs, obufs, gsem, wsem):
        wid = lax.axis_index("s") * NC + lax.axis_index("c")
        st0 = wid * spw
        pltpu.sync_copy(tok_hbm.at[pl.ds(st0, spw)], tok_v)

        iot = lax.iota(jnp.int32, L)
        erow = [c + iot for c in range(0, EMB, L)]

        for b in range(NBUF):
            pltpu.async_copy(tbl_hbm.at[tok_v.at[b]], gbufs.at[b], gsem.at[b])

        @pl.loop(0, spw, step=NBUF)
        def outer(kblk):
            for b in range(NBUF):
                kk = kblk + b
                st = st0 + kk
                s = st // n_tb
                tb = lax.rem(st, n_tb)
                pltpu.make_async_copy(
                    tbl_hbm.at[tok_v.at[0]], gbufs.at[b], gsem.at[b]
                ).wait()

                @pl.when(kblk > 0)
                def _():
                    for eb in range(8):
                        pltpu.make_async_copy(
                            obufs.at[b, pl.ds(0, 8), pl.ds(0, CHUNK)],
                            out_hbm.at[0],
                            wsem.at[b],
                        ).wait()

                @plsc.parallel_loop(0, CHUNK, unroll=2)
                def rows(r):
                    rbc = iot * 0 + r
                    for ci in range(EMB // L):
                        val = gbufs[b, r, pl.ds(ci * L, L)]
                        plsc.store_scatter(obufs.at[b], [erow[ci], rbc], val)

                srow = (s * 8) * n_tb + tb
                for eb in range(8):
                    pltpu.async_copy(
                        obufs.at[b, pl.ds(eb * 8, 8), pl.ds(0, CHUNK)],
                        out_hbm.at[srow + eb * n_tb],
                        wsem.at[b],
                    )

                kn = kk + NBUF

                @pl.when(kn < spw)
                def _():
                    pltpu.async_copy(
                        tbl_hbm.at[tok_v.at[kn]], gbufs.at[b], gsem.at[b]
                    )

        for b in range(NBUF):
            for eb in range(8):
                pltpu.make_async_copy(
                    obufs.at[b, pl.ds(0, 8), pl.ds(0, CHUNK)], out_hbm.at[0], wsem.at[b]
                ).wait()

    return k


def kernel(tokens, table):
    T, S = tokens.shape
    tokT = jnp.transpose(tokens).reshape(-1, CHUNK).astype(jnp.int32)
    t2 = _tc_pack(jnp.transpose(table))
    X = _make_kernel(T, S)(tokT, t2)
    X = X.reshape(S, EMB // 8, T // CHUNK, 8, CHUNK)
    return X.transpose(2, 4, 0, 1, 3).reshape(T, S, EMB)

# --- scband reference (transcript-rebuilt; emitter-appended) ---
"""Pipeline reference for scband-token-embedding-15453292331036 (READ-ONLY COPY).

The authoritative reference and input builder live on the scoring server;
editing this copy changes nothing except your own understanding.
"""

import jax, jax.numpy as jnp
import numpy as np
import math

VOCAB = 1000000
EMB = 64

def setup_inputs(seed: int = 0) -> dict:
    key = jax.random.key(seed)
    k1, k2 = jax.random.split(key)
    tokens = jax.random.randint(k1, (16384, 50), 0, VOCAB, dtype=jnp.int64 if jax.config.jax_enable_x64 else jnp.int32)
    table = jax.random.normal(k2, (VOCAB, EMB), dtype=jnp.float32)
    return {"tokens": tokens, "table": table}

def reference(tokens, table):
    # TokenEmbedding.forward: embedding(tokens.long()) * sqrt(emb_size)
    emb = jnp.take(table, tokens, axis=0)
    return emb * math.sqrt(EMB)

if __name__ == "__main__":
    import jax
    _d = setup_inputs()
    print(jax.jit(kernel)(*tuple(_d.values())))

</pallas_src>

<mosaic_0001>
#map = affine_map<(d0, d1) -> (0, 0)>
#map1 = affine_map<(d0, d1) -> (0, 0, 0)>
module attributes {stable_mosaic.version = 14 : i64} {
  func.func @k(%arg0: i32, %arg1: i32, %arg2: memref<6400x128xi32, #tpu.memory_space<hbm>>, %arg3: memref<1000000x128xf32, #tpu.memory_space<hbm>>, %arg4: memref<51200x8x128xf32, #tpu.memory_space<hbm>>, %arg5: memref<200x128xi32, #tpu.memory_space<vmem>>, %arg6: memref<4x128x128xf32, #tpu.memory_space<vmem>>, %arg7: memref<4x64x129xf32, #tpu.memory_space<vmem>>, %arg8: memref<4x!tpu.dma_semaphore, #tpu.memory_space<semaphore_mem>>, %arg9: memref<4x!tpu.dma_semaphore, #tpu.memory_space<semaphore_mem>>) attributes {dimension_semantics = [#tpu.dimension_semantics<core_parallel>, #tpu.dimension_semantics<subcore_parallel>], iteration_bounds = array<i64: 2, 16>, scalar_prefetch = 0 : i64, scratch_operands = 5 : i64, tpu.core_type = #tpu.core_type<sc_vector_subcore>, window_params = [{transform_indices = #map}, {transform_indices = #map}, {transform_indices = #map1}]} {
    %mul3A = arith.constant 2 : i32
    %mul3A_0 = arith.muli %arg1, %mul3A : i32
    %add3A = arith.addi %mul3A_0, %arg0 : i32
    %mul3A_1 = arith.constant 200 : i32
    %mul3A_2 = arith.muli %add3A, %mul3A_1 : i32
    "tpu.region"() ({
      %run_scoped3A = tpu.sem_alloc : memref<!tpu.dma_semaphore, #tpu.memory_space<semaphore_mem>>
      %dma_start3A_749 = arith.constant 0 : i32
      %dma_start3A_750 = tpu.memref_slice %arg2[%mul3A_2, %dma_start3A_749] : memref<6400x128xi32, #tpu.memory_space<hbm>> -> memref<200x128xi32, #tpu.memory_space<hbm>>
      %dma_start3A_751 = arith.constant 0 : i32
      %dma_start3A_752 = tpu.memref_slice %arg2[%mul3A_2, %dma_start3A_751] : memref<6400x128xi32, #tpu.memory_space<hbm>> -> memref<200x128xi32, #tpu.memory_space<hbm>>
      tpu.enqueue_dma source(%dma_start3A_752 : memref<200x128xi32, #tpu.memory_space<hbm>>) target(%arg5 : memref<200x128xi32, #tpu.memory_space<vmem>>) target_semaphore(%run_scoped3A : memref<!tpu.dma_semaphore, #tpu.memory_space<semaphore_mem>>)
      %dma_wait3A_753 = arith.constant 0 : i32
      %dma_wait3A_754 = tpu.memref_slice %arg2[%mul3A_2, %dma_wait3A_753] : memref<6400x128xi32, #tpu.memory_space<hbm>> -> memref<200x128xi32, #tpu.memory_space<hbm>>
      %dma_wait3A_755 = arith.constant 0 : i32
      %dma_wait3A_756 = tpu.memref_slice %arg2[%mul3A_2, %dma_wait3A_755] : memref<6400x128xi32, #tpu.memory_space<hbm>> -> memref<200x128xi32, #tpu.memory_space<hbm>>
      tpu.wait_dma2 semaphore(%run_scoped3A : memref<!tpu.dma_semaphore, #tpu.memory_space<semaphore_mem>>) src(%dma_wait3A_756 : memref<200x128xi32, #tpu.memory_space<hbm>>) dst(%arg5 : memref<200x128xi32, #tpu.memory_space<vmem>>)
      tpu.yield
    }) : () -> ()
    %iota3A = tpu.iota {dimensions = array<i32: 0>} : vector<16xi32>
    %add3A_3 = arith.constant 0 : i32
    %add3A_4 = vector.broadcast %add3A_3 : i32 to vector<16xi32>
    %add3A_5 = arith.addi %add3A_4, %iota3A : vector<16xi32>
    %add3A_6 = arith.constant 16 : i32
    %add3A_7 = vector.broadcast %add3A_6 : i32 to vector<16xi32>
    %add3A_8 = arith.addi %add3A_7, %iota3A : vector<16xi32>
    %add3A_9 = arith.constant 32 : i32
    %add3A_10 = vector.broadcast %add3A_9 : i32 to vector<16xi32>
    %add3A_11 = arith.addi %add3A_10, %iota3A : vector<16xi32>
    %add3A_12 = arith.constant 48 : i32
    %add3A_13 = vector.broadcast %add3A_12 : i32 to vector<16xi32>
    %add3A_14 = arith.addi %add3A_13, %iota3A : vector<16xi32>
    %dma_start3A = arith.constant 0 : i32
    %dma_start3A_15 = arith.constant 0 : i32
    %dma_start3A_16 = arith.constant 0 : i32
    %dma_start3A_17 = arith.constant 0 : i32
    %dma_start3A_18 = arith.constant 0 : i32
    %dma_start3A_19 = tpu.memref_slice %arg6[%dma_start3A_15, %dma_start3A_17, %dma_start3A_18] : memref<4x128x128xf32, #tpu.memory_space<vmem>> -> memref<1x128x128xf32, #tpu.memory_space<vmem>>
    %dma_start3A_20 = tpu.memref_squeeze %dma_start3A_19 : memref<1x128x128xf32, #tpu.memory_space<vmem>> -> memref<128x128xf32, #tpu.memory_space<vmem>>
    %dma_start3A_21 = arith.constant 0 : i32
    %dma_start3A_22 = tpu.memref_slice %arg5[%dma_start3A, %dma_start3A_21] : memref<200x128xi32, #tpu.memory_space<vmem>> -> memref<1x128xi32, #tpu.memory_space<vmem>>
    %dma_start3A_23 = tpu.memref_squeeze %dma_start3A_22 : memref<1x128xi32, #tpu.memory_space<vmem>> -> memref<128xi32, #tpu.memory_space<vmem>>
    %dma_start3A_24 = arith.constant 0 : i32
    %dma_start3A_25 = arith.constant 0 : i32
    %dma_start3A_26 = tpu.memref_slice %arg3[%dma_start3A_24, %dma_start3A_25] : memref<1000000x128xf32, #tpu.memory_space<hbm>> -> memref<1000000x128xf32, #tpu.memory_space<hbm>>
    %dma_start3A_27 = tpu.memref_slice %arg8[%dma_start3A_16] : memref<4x!tpu.dma_semaphore, #tpu.memory_space<semaphore_mem>> -> memref<1x!tpu.dma_semaphore, #tpu.memory_space<semaphore_mem>>
    %dma_start3A_28 = tpu.memref_squeeze %dma_start3A_27 : memref<1x!tpu.dma_semaphore, #tpu.memory_space<semaphore_mem>> -> memref<!tpu.dma_semaphore, #tpu.memory_space<semaphore_mem>>
    tpu.enqueue_indirect_dma source(%dma_start3A_26 : memref<1000000x128xf32, #tpu.memory_space<hbm>>) target(%dma_start3A_20 : memref<128x128xf32, #tpu.memory_space<vmem>>) offsets(%dma_start3A_23 : memref<128xi32, #tpu.memory_space<vmem>>) semaphore(%dma_start3A_28 : memref<!tpu.dma_semaphore, #tpu.memory_space<semaphore_mem>>)
    %dma_start3A_29 = arith.constant 1 : i32
    %dma_start3A_30 = arith.constant 1 : i32
    %dma_start3A_31 = arith.constant 1 : i32
    %dma_start3A_32 = arith.constant 0 : i32
    %dma_start3A_33 = arith.constant 0 : i32
    %dma_start3A_34 = tpu.memref_slice %arg6[%dma_start3A_30, %dma_start3A_32, %dma_start3A_33] : memref<4x128x128xf32, #tpu.memory_space<vmem>> -> memref<1x128x128xf32, #tpu.memory_space<vmem>>
    %dma_start3A_35 = tpu.memref_squeeze %dma_start3A_34 : memref<1x128x128xf32, #tpu.memory_space<vmem>> -> memref<128x128xf32, #tpu.memory_space<vmem>>
    %dma_start3A_36 = arith.constant 0 : i32
    %dma_start3A_37 = tpu.memref_slice %arg5[%dma_start3A_29, %dma_start3A_36] : memref<200x128xi32, #tpu.memory_space<vmem>> -> memref<1x128xi32, #tpu.memory_space<vmem>>
    %dma_start3A_38 = tpu.memref_squeeze %dma_start3A_37 : memref<1x128xi32, #tpu.memory_space<vmem>> -> memref<128xi32, #tpu.memory_space<vmem>>
    %dma_start3A_39 = arith.constant 0 : i32
    %dma_start3A_40 = arith.constant 0 : i32
    %dma_start3A_41 = tpu.memref_slice %arg3[%dma_start3A_39, %dma_start3A_40] : memref<1000000x128xf32, #tpu.memory_space<hbm>> -> memref<1000000x128xf32, #tpu.memory_space<hbm>>
    %dma_start3A_42 = tpu.memref_slice %arg8[%dma_start3A_31] : memref<4x!tpu.dma_semaphore, #tpu.memory_space<semaphore_mem>> -> memref<1x!tpu.dma_semaphore, #tpu.memory_space<semaphore_mem>>
    %dma_start3A_43 = tpu.memref_squeeze %dma_start3A_42 : memref<1x!tpu.dma_semaphore, #tpu.memory_space<semaphore_mem>> -> memref<!tpu.dma_semaphore, #tpu.memory_space<semaphore_mem>>
    tpu.enqueue_indirect_dma source(%dma_start3A_41 : memref<1000000x128xf32, #tpu.memory_space<hbm>>) target(%dma_start3A_35 : memref<128x128xf32, #tpu.memory_space<vmem>>) offsets(%dma_start3A_38 : memref<128xi32, #tpu.memory_space<vmem>>) semaphore(%dma_start3A_43 : memref<!tpu.dma_semaphore, #tpu.memory_space<semaphore_mem>>)
    %dma_start3A_44 = arith.constant 2 : i32
    %dma_start3A_45 = arith.constant 2 : i32
    %dma_start3A_46 = arith.constant 2 : i32
    %dma_start3A_47 = arith.constant 0 : i32
    %dma_start3A_48 = arith.constant 0 : i32
    %dma_start3A_49 = tpu.memref_slice %arg6[%dma_start3A_45, %dma_start3A_47, %dma_start3A_48] : memref<4x128x128xf32, #tpu.memory_space<vmem>> -> memref<1x128x128xf32, #tpu.memory_space<vmem>>
    %dma_start3A_50 = tpu.memref_squeeze %dma_start3A_49 : memref<1x128x128xf32, #tpu.memory_space<vmem>> -> memref<128x128xf32, #tpu.memory_space<vmem>>
    %dma_start3A_51 = arith.constant 0 : i32
    %dma_start3A_52 = tpu.memref_slice %arg5[%dma_start3A_44, %dma_start3A_51] : memref<200x128xi32, #tpu.memory_space<vmem>> -> memref<1x128xi32, #tpu.memory_space<vmem>>
    %dma_start3A_53 = tpu.memref_squeeze %dma_start3A_52 : memref<1x128xi32, #tpu.memory_space<vmem>> -> memref<128xi32, #tpu.memory_space<vmem>>
    %dma_start3A_54 = arith.constant 0 : i32
    %dma_start3A_55 = arith.constant 0 : i32
    %dma_start3A_56 = tpu.memref_slice %arg3[%dma_start3A_54, %dma_start3A_55] : memref<1000000x128xf32, #tpu.memory_space<hbm>> -> memref<1000000x128xf32, #tpu.memory_space<hbm>>
    %dma_start3A_57 = tpu.memref_slice %arg8[%dma_start3A_46] : memref<4x!tpu.dma_semaphore, #tpu.memory_space<semaphore_mem>> -> memref<1x!tpu.dma_semaphore, #tpu.memory_space<semaphore_mem>>
    %dma_start3A_58 = tpu.memref_squeeze %dma_start3A_57 : memref<1x!tpu.dma_semaphore, #tpu.memory_space<semaphore_mem>> -> memref<!tpu.dma_semaphore, #tpu.memory_space<semaphore_mem>>
    tpu.enqueue_indirect_dma source(%dma_start3A_56 : memref<1000000x128xf32, #tpu.memory_space<hbm>>) target(%dma_start3A_50 : memref<128x128xf32, #tpu.memory_space<vmem>>) offsets(%dma_start3A_53 : memref<128xi32, #tpu.memory_space<vmem>>) semaphore(%dma_start3A_58 : memref<!tpu.dma_semaphore, #tpu.memory_space<semaphore_mem>>)
    %dma_start3A_59 = arith.constant 3 : i32
    %dma_start3A_60 = arith.constant 3 : i32
    %dma_start3A_61 = arith.constant 3 : i32
    %dma_start3A_62 = arith.constant 0 : i32
    %dma_start3A_63 = arith.constant 0 : i32
    %dma_start3A_64 = tpu.memref_slice %arg6[%dma_start3A_60, %dma_start3A_62, %dma_start3A_63] : memref<4x128x128xf32, #tpu.memory_space<vmem>> -> memref<1x128x128xf32, #tpu.memory_space<vmem>>
    %dma_start3A_65 = tpu.memref_squeeze %dma_start3A_64 : memref<1x128x128xf32, #tpu.memory_space<vmem>> -> memref<128x128xf32, #tpu.memory_space<vmem>>
    %dma_start3A_66 = arith.constant 0 : i32
    %dma_start3A_67 = tpu.memref_slice %arg5[%dma_start3A_59, %dma_start3A_66] : memref<200x128xi32, #tpu.memory_space<vmem>> -> memref<1x128xi32, #tpu.memory_space<vmem>>
    %dma_start3A_68 = tpu.memref_squeeze %dma_start3A_67 : memref<1x128xi32, #tpu.memory_space<vmem>> -> memref<128xi32, #tpu.memory_space<vmem>>
    %dma_start3A_69 = arith.constant 0 : i32
    %dma_start3A_70 = arith.constant 0 : i32
    %dma_start3A_71 = tpu.memref_slice %arg3[%dma_start3A_69, %dma_start3A_70] : memref<1000000x128xf32, #tpu.memory_space<hbm>> -> memref<1000000x128xf32, #tpu.memory_space<hbm>>
    %dma_start3A_72 = tpu.memref_slice %arg8[%dma_start3A_61] : memref<4x!tpu.dma_semaphore, #tpu.memory_space<semaphore_mem>> -> memref<1x!tpu.dma_semaphore, #tpu.memory_space<semaphore_mem>>
    %dma_start3A_73 = tpu.memref_squeeze %dma_start3A_72 : memref<1x!tpu.dma_semaphore, #tpu.memory_space<semaphore_mem>> -> memref<!tpu.dma_semaphore, #tpu.memory_space<semaphore_mem>>
    tpu.enqueue_indirect_dma source(%dma_start3A_71 : memref<1000000x128xf32, #tpu.memory_space<hbm>>) target(%dma_start3A_65 : memref<128x128xf32, #tpu.memory_space<vmem>>) offsets(%dma_start3A_68 : memref<128xi32, #tpu.memory_space<vmem>>) semaphore(%dma_start3A_73 : memref<!tpu.dma_semaphore, #tpu.memory_space<semaphore_mem>>)
    %scan3A = arith.constant 0 : i32
    %scan3A_74 = arith.constant 50 : i32
    %scan3A_75 = arith.addi %scan3A, %scan3A_74 : i32
    %scan3A_76 = arith.constant 1 : i32
    scf.for %scan3A_749 = %scan3A to %scan3A_75 step %scan3A_76  : i32 {
      %mul3A_750 = arith.constant 4 : i32
      %mul3A_751 = arith.muli %scan3A_749, %mul3A_750 : i32
      %add3A_752 = arith.constant 0 : i32
      %add3A_753 = arith.addi %add3A_752, %mul3A_751 : i32
      %add3A_754 = arith.constant 0 : i32
      %add3A_755 = arith.addi %add3A_753, %add3A_754 : i32
      %add3A_756 = arith.addi %mul3A_2, %add3A_755 : i32
      %jit3A = arith.constant 128 : i32
      %div3A = arith.divsi %add3A_756, %jit3A : i32
      %sign3A = arith.constant 0 : i32
      %sign3A_757 = arith.cmpi sgt, %add3A_756, %sign3A : i32
      %sign3A_758 = arith.extui %sign3A_757 : i1 to i32
      %sign3A_759 = arith.constant 0 : i32
      %sign3A_760 = arith.cmpi slt, %add3A_756, %sign3A_759 : i32
      %sign3A_761 = arith.extui %sign3A_760 : i1 to i32
      %sign3A_762 = arith.subi %sign3A_758, %sign3A_761 : i32
      %sign3A_763 = arith.constant 0 : i32
      %sign3A_764 = arith.cmpi sgt, %jit3A, %sign3A_763 : i32
      %sign3A_765 = arith.extui %sign3A_764 : i1 to i32
      %sign3A_766 = arith.constant 0 : i32
      %sign3A_767 = arith.cmpi slt, %jit3A, %sign3A_766 : i32
      %sign3A_768 = arith.extui %sign3A_767 : i1 to i32
      %sign3A_769 = arith.subi %sign3A_765, %sign3A_768 : i32
      %ne3A = arith.cmpi ne, %sign3A_762, %sign3A_769 : i32
      %rem3A = arith.remsi %add3A_756, %jit3A : i32
      %ne3A_770 = arith.constant 0 : i32
      %ne3A_771 = arith.cmpi ne, %rem3A, %ne3A_770 : i32
      %and3A = arith.andi %ne3A, %ne3A_771 : i1
      %sub3A = arith.constant 1 : i32
      %sub3A_772 = arith.subi %div3A, %sub3A : i32
      %select_n3A = arith.select %and3A, %sub3A_772, %div3A : i32
      %rem3A_773 = arith.constant 128 : i32
      %rem3A_774 = arith.remsi %add3A_756, %rem3A_773 : i32
      %dma_wait3A_775 = arith.constant 0 : i32
      %dma_wait3A_776 = arith.constant 0 : i32
      %dma_wait3A_777 = arith.constant 0 : i32
      %dma_wait3A_778 = arith.constant 0 : i32
      %dma_wait3A_779 = arith.constant 0 : i32
      %dma_wait3A_780 = tpu.memref_slice %arg6[%dma_wait3A_776, %dma_wait3A_778, %dma_wait3A_779] : memref<4x128x128xf32, #tpu.memory_space<vmem>> -> memref<1x128x128xf32, #tpu.memory_space<vmem>>
      %dma_wait3A_781 = tpu.memref_squeeze %dma_wait3A_780 : memref<1x128x128xf32, #tpu.memory_space<vmem>> -> memref<128x128xf32, #tpu.memory_space<vmem>>
      %dma_wait3A_782 = arith.constant 0 : i32
      %dma_wait3A_783 = tpu.memref_slice %arg5[%dma_wait3A_775, %dma_wait3A_782] : memref<200x128xi32, #tpu.memory_space<vmem>> -> memref<1x128xi32, #tpu.memory_space<vmem>>
      %dma_wait3A_784 = tpu.memref_squeeze %dma_wait3A_783 : memref<1x128xi32, #tpu.memory_space<vmem>> -> memref<128xi32, #tpu.memory_space<vmem>>
      %dma_wait3A_785 = arith.constant 0 : i32
      %dma_wait3A_786 = arith.constant 0 : i32
      %dma_wait3A_787 = tpu.memref_slice %arg3[%dma_wait3A_785, %dma_wait3A_786] : memref<1000000x128xf32, #tpu.memory_space<hbm>> -> memref<1000000x128xf32, #tpu.memory_space<hbm>>
      %dma_wait3A_788 = tpu.memref_slice %arg8[%dma_wait3A_777] : memref<4x!tpu.dma_semaphore, #tpu.memory_space<semaphore_mem>> -> memref<1x!tpu.dma_semaphore, #tpu.memory_space<semaphore_mem>>
      %dma_wait3A_789 = tpu.memref_squeeze %dma_wait3A_788 : memref<1x!tpu.dma_semaphore, #tpu.memory_space<semaphore_mem>> -> memref<!tpu.dma_semaphore, #tpu.memory_space<semaphore_mem>>
      tpu.wait_indirect_dma semaphore(%dma_wait3A_789 : memref<!tpu.dma_semaphore, #tpu.memory_space<semaphore_mem>>) src(%dma_wait3A_787 : memref<1000000x128xf32, #tpu.memory_space<hbm>>) dst(%dma_wait3A_781 : memref<128x128xf32, #tpu.memory_space<vmem>>)
      %gt3A = arith.constant 0 : i32
      %gt3A_790 = arith.cmpi sgt, %add3A_753, %gt3A : i32
      %convert_element_type3A = arith.extui %gt3A_790 : i1 to i32
      %cond3A = arith.constant 0 : i32
      %cond3A_791 = arith.cmpi ne, %convert_element_type3A, %cond3A : i32
      scf.if %cond3A_791 {
        %dma_wait3A_1701 = arith.constant 0 : i32
        %dma_wait3A_1702 = arith.constant 0 : i32
        %dma_wait3A_1703 = arith.constant 0 : i32
        %dma_wait3A_1704 = arith.constant 0 : i32
        %dma_wait3A_1705 = arith.constant 0 : i32
        %dma_wait3A_1706 = tpu.memref_slice %arg7[%dma_wait3A_1701, %dma_wait3A_1704, %dma_wait3A_1705] : memref<4x64x129xf32, #tpu.memory_space<vmem>> -> memref<1x8x128xf32, #tpu.memory_space<vmem>>
        %dma_wait3A_1707 = tpu.memref_squeeze %dma_wait3A_1706 : memref<1x8x128xf32, #tpu.memory_space<vmem>> -> memref<8x128xf32, #tpu.memory_space<vmem>>
        %dma_wait3A_1708 = arith.constant 0 : i32
        %dma_wait3A_1709 = arith.constant 0 : i32
        %dma_wait3A_1710 = tpu.memref_slice %arg4[%dma_wait3A_1702, %dma_wait3A_1708, %dma_wait3A_1709] : memref<51200x8x128xf32, #tpu.memory_space<hbm>> -> memref<1x8x128xf32, #tpu.memory_space<hbm>>
        %dma_wait3A_1711 = tpu.memref_squeeze %dma_wait3A_1710 : memref<1x8x128xf32, #tpu.memory_space<hbm>> -> memref<8x128xf32, #tpu.memory_space<hbm>>
        %dma_wait3A_1712 = tpu.memref_slice %arg9[%dma_wait3A_1703] : memref<4x!tpu.dma_semaphore, #tpu.memory_space<semaphore_mem>> -> memref<1x!tpu.dma_semaphore, #tpu.memory_space<semaphore_mem>>
        %dma_wait3A_1713 = tpu.memref_squeeze %dma_wait3A_1712 : memref<1x!tpu.dma_semaphore, #tpu.memory_space<semaphore_mem>> -> memref<!tpu.dma_semaphore, #tpu.memory_space<semaphore_mem>>
        %dma_wait3A_1714 = arith.constant 0 : i32
        %dma_wait3A_1715 = arith.constant 0 : i32
        %dma_wait3A_1716 = tpu.memref_slice %arg4[%dma_wait3A_1702, %dma_wait3A_1714, %dma_wait3A_1715] : memref<51200x8x128xf32, #tpu.memory_space<hbm>> -> memref<1x8x128xf32, #tpu.memory_space<hbm>>
        %dma_wait3A_1717 = tpu.memref_squeeze %dma_wait3A_1716 : memref<1x8x128xf32, #tpu.memory_space<hbm>> -> memref<8x128xf32, #tpu.memory_space<hbm>>
        %dma_wait3A_1718 = arith.constant 0 : i32
        %dma_wait3A_1719 = arith.constant 0 : i32
        %dma_wait3A_1720 = tpu.memref_slice %arg7[%dma_wait3A_1701, %dma_wait3A_1718, %dma_wait3A_1719] : memref<4x64x129xf32, #tpu.memory_space<vmem>> -> memref<1x8x128xf32, #tpu.memory_space<vmem>>
        %dma_wait3A_1721 = tpu.memref_squeeze %dma_wait3A_1720 : memref<1x8x128xf32, #tpu.memory_space<vmem>> -> memref<8x128xf32, #tpu.memory_space<vmem>>
        tpu.wait_dma2 semaphore(%dma_wait3A_1713 : memref<!tpu.dma_semaphore, #tpu.memory_space<semaphore_mem>>) src(%dma_wait3A_1721 : memref<8x128xf32, #tpu.memory_space<vmem>>) dst(%dma_wait3A_1717 : memref<8x128xf32, #tpu.memory_space<hbm>>)
        %dma_wait3A_1722 = arith.constant 0 : i32
        %dma_wait3A_1723 = arith.constant 0 : i32
        %dma_wait3A_1724 = arith.constant 0 : i32
        %dma_wait3A_1725 = arith.constant 0 : i32
        %dma_wait3A_1726 = arith.constant 0 : i32
        %dma_wait3A_1727 = tpu.memref_slice %arg7[%dma_wait3A_1722, %dma_wait3A_1725, %dma_wait3A_1726] : memref<4x64x129xf32, #tpu.memory_space<vmem>> -> memref<1x8x128xf32, #tpu.memory_space<vmem>>
        %dma_wait3A_1728 = tpu.memref_squeeze %dma_wait3A_1727 : memref<1x8x128xf32, #tpu.memory_space<vmem>> -> memref<8x128xf32, #tpu.memory_space<vmem>>
        %dma_wait3A_1729 = arith.constant 0 : i32
        %dma_wait3A_1730 = arith.constant 0 : i32
        %dma_wait3A_1731 = tpu.memref_slice %arg4[%dma_wait3A_1723, %dma_wait3A_1729, %dma_wait3A_1730] : memref<51200x8x128xf32, #tpu.memory_space<hbm>> -> memref<1x8x128xf32, #tpu.memory_space<hbm>>
        %dma_wait3A_1732 = tpu.memref_squeeze %dma_wait3A_1731 : memref<1x8x128xf32, #tpu.memory_space<hbm>> -> memref<8x128xf32, #tpu.memory_space<hbm>>
        %dma_wait3A_1733 = tpu.memref_slice %arg9[%dma_wait3A_1724] : memref<4x!tpu.dma_semaphore, #tpu.memory_space<semaphore_mem>> -> memref<1x!tpu.dma_semaphore, #tpu.memory_space<semaphore_mem>>
        %dma_wait3A_1734 = tpu.memref_squeeze %dma_wait3A_1733 : memref<1x!tpu.dma_semaphore, #tpu.memory_space<semaphore_mem>> -> memref<!tpu.dma_semaphore, #tpu.memory_space<semaphore_mem>>
        %dma_wait3A_1735 = arith.constant 0 : i32
        %dma_wait3A_1736 = arith.constant 0 : i32
        %dma_wait3A_1737 = tpu.memref_slice %arg4[%dma_wait3A_1723, %dma_wait3A_1735, %dma_wait3A_1736] : memref<51200x8x128xf32, #tpu.memory_space<hbm>> -> memref<1x8x128xf32, #tpu.memory_space<hbm>>
        %dma_wait3A_1738 = tpu.memref_squeeze %dma_wait3A_1737 : memref<1x8x128xf32, #tpu.memory_space<hbm>> -> memref<8x128xf32, #tpu.memory_space<hbm>>
        %dma_wait3A_1739 = arith.constant 0 : i32
        %dma_wait3A_1740 = arith.constant 0 : i32
        %dma_wait3A_1741 = tpu.memref_slice %arg7[%dma_wait3A_1722, %dma_wait3A_1739, %dma_wait3A_1740] : memref<4x64x129xf32, #tpu.memory_space<vmem>> -> memref<1x8x128xf32, #tpu.memory_space<vmem>>
        %dma_wait3A_1742 = tpu.memref_squeeze %dma_wait3A_1741 : memref<1x8x128xf32, #tpu.memory_space<vmem>> -> memref<8x128xf32, #tpu.memory_space<vmem>>
        tpu.wait_dma2 semaphore(%dma_wait3A_1734 : memref<!tpu.dma_semaphore, #tpu.memory_space<semaphore_mem>>) src(%dma_wait3A_1742 : memref<8x128xf32, #tpu.memory_space<vmem>>) dst(%dma_wait3A_1738 : memref<8x128xf32, #tpu.memory_space<hbm>>)
        %dma_wait3A_1743 = arith.constant 0 : i32
        %dma_wait3A_1744 = arith.constant 0 : i32
        %dma_wait3A_1745 = arith.constant 0 : i32
        %dma_wait3A_1746 = arith.constant 0 : i32
        %dma_wait3A_1747 = arith.constant 0 : i32
        %dma_wait3A_1748 = tpu.memref_slice %arg7[%dma_wait3A_1743, %dma_wait3A_1746, %dma_wait3A_1747] : memref<4x64x129xf32, #tpu.memory_space<vmem>> -> memref<1x8x128xf32, #tpu.memory_space<vmem>>
        %dma_wait3A_1749 = tpu.memref_squeeze %dma_wait3A_1748 : memref<1x8x128xf32, #tpu.memory_space<vmem>> -> memref<8x128xf32, #tpu.memory_space<vmem>>
        %dma_wait3A_1750 = arith.constant 0 : i32
        %dma_wait3A_1751 = arith.constant 0 : i32
        %dma_wait3A_1752 = tpu.memref_slice %arg4[%dma_wait3A_1744, %dma_wait3A_1750, %dma_wait3A_1751] : memref<51200x8x128xf32, #tpu.memory_space<hbm>> -> memref<1x8x128xf32, #tpu.memory_space<hbm>>
        %dma_wait3A_1753 = tpu.memref_squeeze %dma_wait3A_1752 : memref<1x8x128xf32, #tpu.memory_space<hbm>> -> memref<8x128xf32, #tpu.memory_space<hbm>>
        %dma_wait3A_1754 = tpu.memref_slice %arg9[%dma_wait3A_1745] : memref<4x!tpu.dma_semaphore, #tpu.memory_space<semaphore_mem>> -> memref<1x!tpu.dma_semaphore, #tpu.memory_space<semaphore_mem>>
        %dma_wait3A_1755 = tpu.memref_squeeze %dma_wait3A_1754 : memref<1x!tpu.dma_semaphore, #tpu.memory_space<semaphore_mem>> -> memref<!tpu.dma_semaphore, #tpu.memory_space<semaphore_mem>>
        %dma_wait3A_1756 = arith.constant 0 : i32
        %dma_wait3A_1757 = arith.constant 0 : i32
        %dma_wait3A_1758 = tpu.memref_slice %arg4[%dma_wait3A_1744, %dma_wait3A_1756, %dma_wait3A_1757] : memref<51200x8x128xf32, #tpu.memory_space<hbm>> -> memref<1x8x128xf32, #tpu.memory_space<hbm>>
        %dma_wait3A_1759 = tpu.memref_squeeze %dma_wait3A_1758 : memref<1x8x128xf32, #tpu.memory_space<hbm>> -> memref<8x128xf32, #tpu.memory_space<hbm>>
        %dma_wait3A_1760 = arith.constant 0 : i32
        %dma_wait3A_1761 = arith.constant 0 : i32
        %dma_wait3A_1762 = tpu.memref_slice %arg7[%dma_wait3A_1743, %dma_wait3A_1760, %dma_wait3A_1761] : memref<4x64x129xf32, #tpu.memory_space<vmem>> -> memref<1x8x128xf32, #tpu.memory_space<vmem>>
        %dma_wait3A_1763 = tpu.memref_squeeze %dma_wait3A_1762 : memref<1x8x128xf32, #tpu.memory_space<vmem>> -> memref<8x128xf32, #tpu.memory_space<vmem>>
        tpu.wait_dma2 semaphore(%dma_wait3A_1755 : memref<!tpu.dma_semaphore, #tpu.memory_space<semaphore_mem>>) src(%dma_wait3A_1763 : memref<8x128xf32, #tpu.memory_space<vmem>>) dst(%dma_wait3A_1759 : memref<8x128xf32, #tpu.memory_space<hbm>>)
        %dma_wait3A_1764 = arith.constant 0 : i32
        %dma_wait3A_1765 = arith.constant 0 : i32
        %dma_wait3A_1766 = arith.constant 0 : i32
        %dma_wait3A_1767 = arith.constant 0 : i32
        %dma_wait3A_1768 = arith.constant 0 : i32
        %dma_wait3A_1769 = tpu.memref_slice %arg7[%dma_wait3A_1764, %dma_wait3A_1767, %dma_wait3A_1768] : memref<4x64x129xf32, #tpu.memory_space<vmem>> -> memref<1x8x128xf32, #tpu.memory_space<vmem>>
        %dma_wait3A_1770 = tpu.memref_squeeze %dma_wait3A_1769 : memref<1x8x128xf32, #tpu.memory_space<vmem>> -> memref<8x128xf32, #tpu.memory_space<vmem>>
        %dma_wait3A_1771 = arith.constant 0 : i32
        %dma_wait3A_1772 = arith.constant 0 : i32
        %dma_wait3A_1773 = tpu.memref_slice %arg4[%dma_wait3A_1765, %dma_wait3A_1771, %dma_wait3A_1772] : memref<51200x8x128xf32, #tpu.memory_space<hbm>> -> memref<1x8x128xf32, #tpu.memory_space<hbm>>
        %dma_wait3A_1774 = tpu.memref_squeeze %dma_wait3A_1773 : memref<1x8x128xf32, #tpu.memory_space<hbm>> -> memref<8x128xf32, #tpu.memory_space<hbm>>
        %dma_wait3A_1775 = tpu.memref_slice %arg9[%dma_wait3A_1766] : memref<4x!tpu.dma_semaphore, #tpu.memory_space<semaphore_mem>> -> memref<1x!tpu.dma_semaphore, #tpu.memory_space<semaphore_mem>>
        %dma_wait3A_1776 = tpu.memref_squeeze %dma_wait3A_1775 : memref<1x!tpu.dma_semaphore, #tpu.memory_space<semaphore_mem>> -> memref<!tpu.dma_semaphore, #tpu.memory_space<semaphore_mem>>
        %dma_wait3A_1777 = arith.constant 0 : i32
        %dma_wait3A_1778 = arith.constant 0 : i32
        %dma_wait3A_1779 = tpu.memref_slice %arg4[%dma_wait3A_1765, %dma_wait3A_1777, %dma_wait3A_1778] : memref<51200x8x128xf32, #tpu.memory_space<hbm>> -> memref<1x8x128xf32, #tpu.memory_space<hbm>>
        %dma_wait3A_1780 = tpu.memref_squeeze %dma_wait3A_1779 : memref<1x8x128xf32, #tpu.memory_space<hbm>> -> memref<8x128xf32, #tpu.memory_space<hbm>>
        %dma_wait3A_1781 = arith.constant 0 : i32
        %dma_wait3A_1782 = arith.constant 0 : i32
        %dma_wait3A_1783 = tpu.memref_slice %arg7[%dma_wait3A_1764, %dma_wait3A_1781, %dma_wait3A_1782] : memref<4x64x129xf32, #tpu.memory_space<vmem>> -> memref<1x8x128xf32, #tpu.memory_space<vmem>>
        %dma_wait3A_1784 = tpu.memref_squeeze %dma_wait3A_1783 : memref<1x8x128xf32, #tpu.memory_space<vmem>> -> memref<8x128xf32, #tpu.memory_space<vmem>>
        tpu.wait_dma2 semaphore(%dma_wait3A_1776 : memref<!tpu.dma_semaphore, #tpu.memory_space<semaphore_mem>>) src(%dma_wait3A_1784 : memref<8x128xf32, #tpu.memory_space<vmem>>) dst(%dma_wait3A_1780 : memref<8x128xf32, #tpu.memory_space<hbm>>)
        %dma_wait3A_1785 = arith.constant 0 : i32
        %dma_wait3A_1786 = arith.constant 0 : i32
        %dma_wait3A_1787 = arith.constant 0 : i32
        %dma_wait3A_1788 = arith.constant 0 : i32
        %dma_wait3A_1789 = arith.constant 0 : i32
        %dma_wait3A_1790 = tpu.memref_slice %arg7[%dma_wait3A_1785, %dma_wait3A_1788, %dma_wait3A_1789] : memref<4x64x129xf32, #tpu.memory_space<vmem>> -> memref<1x8x128xf32, #tpu.memory_space<vmem>>
        %dma_wait3A_1791 = tpu.memref_squeeze %dma_wait3A_1790 : memref<1x8x128xf32, #tpu.memory_space<vmem>> -> memref<8x128xf32, #tpu.memory_space<vmem>>
        %dma_wait3A_1792 = arith.constant 0 : i32
        %dma_wait3A_1793 = arith.constant 0 : i32
        %dma_wait3A_1794 = tpu.memref_slice %arg4[%dma_wait3A_1786, %dma_wait3A_1792, %dma_wait3A_1793] : memref<51200x8x128xf32, #tpu.memory_space<hbm>> -> memref<1x8x128xf32, #tpu.memory_space<hbm>>
        %dma_wait3A_1795 = tpu.memref_squeeze %dma_wait3A_1794 : memref<1x8x128xf32, #tpu.memory_space<hbm>> -> memref<8x128xf32, #tpu.memory_space<hbm>>
        %dma_wait3A_1796 = tpu.memref_slice %arg9[%dma_wait3A_1787] : memref<4x!tpu.dma_semaphore, #tpu.memory_space<semaphore_mem>> -> memref<1x!tpu.dma_semaphore, #tpu.memory_space<semaphore_mem>>
        %dma_wait3A_1797 = tpu.memref_squeeze %dma_wait3A_1796 : memref<1x!tpu.dma_semaphore, #tpu.memory_space<semaphore_mem>> -> memref<!tpu.dma_semaphore, #tpu.memory_space<semaphore_mem>>
        %dma_wait3A_1798 = arith.constant 0 : i32
        %dma_wait3A_1799 = arith.constant 0 : i32
        %dma_wait3A_1800 = tpu.memref_slice %arg4[%dma_wait3A_1786, %dma_wait3A_1798, %dma_wait3A_1799] : memref<51200x8x128xf32, #tpu.memory_space<hbm>> -> memref<1x8x128xf32, #tpu.memory_space<hbm>>
        %dma_wait3A_1801 = tpu.memref_squeeze %dma_wait3A_1800 : memref<1x8x128xf32, #tpu.memory_space<hbm>> -> memref<8x128xf32, #tpu.memory_space<hbm>>
        %dma_wait3A_1802 = arith.constant 0 : i32
        %dma_wait3A_1803 = arith.constant 0 : i32
        %dma_wait3A_1804 = tpu.memref_slice %arg7[%dma_wait3A_1785, %dma_wait3A_1802, %dma_wait3A_1803] : memref<4x64x129xf32, #tpu.memory_space<vmem>> -> memref<1x8x128xf32, #tpu.memory_space<vmem>>
        %dma_wait3A_1805 = tpu.memref_squeeze %dma_wait3A_1804 : memref<1x8x128xf32, #tpu.memory_space<vmem>> -> memref<8x128xf32, #tpu.memory_space<vmem>>
        tpu.wait_dma2 semaphore(%dma_wait3A_1797 : memref<!tpu.dma_semaphore, #tpu.memory_space<semaphore_mem>>) src(%dma_wait3A_1805 : memref<8x128xf32, #tpu.memory_space<vmem>>) dst(%dma_wait3A_1801 : memref<8x128xf32, #tpu.memory_space<hbm>>)
        %dma_wait3A_1806 = arith.constant 0 : i32
        %dma_wait3A_1807 = arith.constant 0 : i32
        %dma_wait3A_1808 = arith.constant 0 : i32
        %dma_wait3A_1809 = arith.constant 0 : i32
        %dma_wait3A_1810 = arith.constant 0 : i32
        %dma_wait3A_1811 = tpu.memref_slice %arg7[%dma_wait3A_1806, %dma_wait3A_1809, %dma_wait3A_1810] : memref<4x64x129xf32, #tpu.memory_space<vmem>> -> memref<1x8x128xf32, #tpu.memory_space<vmem>>
        %dma_wait3A_1812 = tpu.memref_squeeze %dma_wait3A_1811 : memref<1x8x128xf32, #tpu.memory_space<vmem>> -> memref<8x128xf32, #tpu.memory_space<vmem>>
        %dma_wait3A_1813 = arith.constant 0 : i32
        %dma_wait3A_1814 = arith.constant 0 : i32
        %dma_wait3A_1815 = tpu.memref_slice %arg4[%dma_wait3A_1807, %dma_wait3A_1813, %dma_wait3A_1814] : memref<51200x8x128xf32, #tpu.memory_space<hbm>> -> memref<1x8x128xf32, #tpu.memory_space<hbm>>
        %dma_wait3A_1816 = tpu.memref_squeeze %dma_wait3A_1815 : memref<1x8x128xf32, #tpu.memory_space<hbm>> -> memref<8x128xf32, #tpu.memory_space<hbm>>
        %dma_wait3A_1817 = tpu.memref_slice %arg9[%dma_wait3A_1808] : memref<4x!tpu.dma_semaphore, #tpu.memory_space<semaphore_mem>> -> memref<1x!tpu.dma_semaphore, #tpu.memory_space<semaphore_mem>>
        %dma_wait3A_1818 = tpu.memref_squeeze %dma_wait3A_1817 : memref<1x!tpu.dma_semaphore, #tpu.memory_space<semaphore_mem>> -> memref<!tpu.dma_semaphore, #tpu.memory_space<semaphore_mem>>
        %dma_wait3A_1819 = arith.constant 0 : i32
        %dma_wait3A_1820 = arith.constant 0 : i32
        %dma_wait3A_1821 = tpu.memref_slice %arg4[%dma_wait3A_1807, %dma_wait3A_1819, %dma_wait3A_1820] : memref<51200x8x128xf32, #tpu.memory_space<hbm>> -> memref<1x8x128xf32, #tpu.memory_space<hbm>>
        %dma_wait3A_1822 = tpu.memref_squeeze %dma_wait3A_1821 : memref<1x8x128xf32, #tpu.memory_space<hbm>> -> memref<8x128xf32, #tpu.memory_space<hbm>>
        %dma_wait3A_1823 = arith.constant 0 : i32
        %dma_wait3A_1824 = arith.constant 0 : i32
        %dma_wait3A_1825 = tpu.memref_slice %arg7[%dma_wait3A_1806, %dma_wait3A_1823, %dma_wait3A_1824] : memref<4x64x129xf32, #tpu.memory_space<vmem>> -> memref<1x8x128xf32, #tpu.memory_space<vmem>>
        %dma_wait3A_1826 = tpu.memref_squeeze %dma_wait3A_1825 : memref<1x8x128xf32, #tpu.memory_space<vmem>> -> memref<8x128xf32, #tpu.memory_space<vmem>>
        tpu.wait_dma2 semaphore(%dma_wait3A_1818 : memref<!tpu.dma_semaphore, #tpu.memory_space<semaphore_mem>>) src(%dma_wait3A_1826 : memref<8x128xf32, #tpu.memory_space<vmem>>) dst(%dma_wait3A_1822 : memref<8x128xf32, #tpu.memory_space<hbm>>)
        %dma_wait3A_1827 = arith.constant 0 : i32
        %dma_wait3A_1828 = arith.constant 0 : i32
        %dma_wait3A_1829 = arith.constant 0 : i32
        %dma_wait3A_1830 = arith.constant 0 : i32
        %dma_wait3A_1831 = arith.constant 0 : i32
        %dma_wait3A_1832 = tpu.memref_slice %arg7[%dma_wait3A_1827, %dma_wait3A_1830, %dma_wait3A_1831] : memref<4x64x129xf32, #tpu.memory_space<vmem>> -> memref<1x8x128xf32, #tpu.memory_space<vmem>>
        %dma_wait3A_1833 = tpu.memref_squeeze %dma_wait3A_1832 : memref<1x8x128xf32, #tpu.memory_space<vmem>> -> memref<8x128xf32, #tpu.memory_space<vmem>>
        %dma_wait3A_1834 = arith.constant 0 : i32
        %dma_wait3A_1835 = arith.constant 0 : i32
        %dma_wait3A_1836 = tpu.memref_slice %arg4[%dma_wait3A_1828, %dma_wait3A_1834, %dma_wait3A_1835] : memref<51200x8x128xf32, #tpu.memory_space<hbm>> -> memref<1x8x128xf32, #tpu.memory_space<hbm>>
        %dma_wait3A_1837 = tpu.memref_squeeze %dma_wait3A_1836 : memref<1x8x128xf32, #tpu.memory_space<hbm>> -> memref<8x128xf32, #tpu.memory_space<hbm>>
        %dma_wait3A_1838 = tpu.memref_slice %arg9[%dma_wait3A_1829] : memref<4x!tpu.dma_semaphore, #tpu.memory_space<semaphore_mem>> -> memref<1x!tpu.dma_semaphore, #tpu.memory_space<semaphore_mem>>
        %dma_wait3A_1839 = tpu.memref_squeeze %dma_wait3A_1838 : memref<1x!tpu.dma_semaphore, #tpu.memory_space<semaphore_mem>> -> memref<!tpu.dma_semaphore, #tpu.memory_space<semaphore_mem>>
        %dma_wait3A_1840 = arith.constant 0 : i32
        %dma_wait3A_1841 = arith.constant 0 : i32
        %dma_wait3A_1842 = tpu.memref_slice %arg4[%dma_wait3A_1828, %dma_wait3A_1840, %dma_wait3A_1841] : memref<51200x8x128xf32, #tpu.memory_space<hbm>> -> memref<1x8x128xf32, #tpu.memory_space<hbm>>
        %dma_wait3A_1843 = tpu.memref_squeeze %dma_wait3A_1842 : memref<1x8x128xf32, #tpu.memory_space<hbm>> -> memref<8x128xf32, #tpu.memory_space<hbm>>
        %dma_wait3A_1844 = arith.constant 0 : i32
        %dma_wait3A_1845 = arith.constant 0 : i32
        %dma_wait3A_1846 = tpu.memref_slice %arg7[%dma_wait3A_1827, %dma_wait3A_1844, %dma_wait3A_1845] : memref<4x64x129xf32, #tpu.memory_space<vmem>> -> memref<1x8x128xf32, #tpu.memory_space<vmem>>
        %dma_wait3A_1847 = tpu.memref_squeeze %dma_wait3A_1846 : memref<1x8x128xf32, #tpu.memory_space<vmem>> -> memref<8x128xf32, #tpu.memory_space<vmem>>
        tpu.wait_dma2 semaphore(%dma_wait3A_1839 : memref<!tpu.dma_semaphore, #tpu.memory_space<semaphore_mem>>) src(%dma_wait3A_1847 : memref<8x128xf32, #tpu.memory_space<vmem>>) dst(%dma_wait3A_1843 : memref<8x128xf32, #tpu.memory_space<hbm>>)
        %dma_wait3A_1848 = arith.constant 0 : i32
        %dma_wait3A_1849 = arith.constant 0 : i32
        %dma_wait3A_1850 = arith.constant 0 : i32
        %dma_wait3A_1851 = arith.constant 0 : i32
        %dma_wait3A_1852 = arith.constant 0 : i32
        %dma_wait3A_1853 = tpu.memref_slice %arg7[%dma_wait3A_1848, %dma_wait3A_1851, %dma_wait3A_1852] : memref<4x64x129xf32, #tpu.memory_space<vmem>> -> memref<1x8x128xf32, #tpu.memory_space<vmem>>
        %dma_wait3A_1854 = tpu.memref_squeeze %dma_wait3A_1853 : memref<1x8x128xf32, #tpu.memory_space<vmem>> -> memref<8x128xf32, #tpu.memory_space<vmem>>
        %dma_wait3A_1855 = arith.constant 0 : i32
        %dma_wait3A_1856 = arith.constant 0 : i32
        %dma_wait3A_1857 = tpu.memref_slice %arg4[%dma_wait3A_1849, %dma_wait3A_1855, %dma_wait3A_1856] : memref<51200x8x128xf32, #tpu.memory_space<hbm>> -> memref<1x8x128xf32, #tpu.memory_space<hbm>>
        %dma_wait3A_1858 = tpu.memref_squeeze %dma_wait3A_1857 : memref<1x8x128xf32, #tpu.memory_space<hbm>> -> memref<8x128xf32, #tpu.memory_space<hbm>>
        %dma_wait3A_1859 = tpu.memref_slice %arg9[%dma_wait3A_1850] : memref<4x!tpu.dma_semaphore, #tpu.memory_space<semaphore_mem>> -> memref<1x!tpu.dma_semaphore, #tpu.memory_space<semaphore_mem>>
        %dma_wait3A_1860 = tpu.memref_squeeze %dma_wait3A_1859 : memref<1x!tpu.dma_semaphore, #tpu.memory_space<semaphore_mem>> -> memref<!tpu.dma_semaphore, #tpu.memory_space<semaphore_mem>>
        %dma_wait3A_1861 = arith.constant 0 : i32
        %dma_wait3A_1862 = arith.constant 0 : i32
        %dma_wait3A_1863 = tpu.memref_slice %arg4[%dma_wait3A_1849, %dma_wait3A_1861, %dma_wait3A_1862] : memref<51200x8x128xf32, #tpu.memory_space<hbm>> -> memref<1x8x128xf32, #tpu.memory_space<hbm>>
        %dma_wait3A_1864 = tpu.memref_squeeze %dma_wait3A_1863 : memref<1x8x128xf32, #tpu.memory_space<hbm>> -> memref<8x128xf32, #tpu.memory_space<hbm>>
        %dma_wait3A_1865 = arith.constant 0 : i32
        %dma_wait3A_1866 = arith.constant 0 : i32
        %dma_wait3A_1867 = tpu.memref_slice %arg7[%dma_wait3A_1848, %dma_wait3A_1865, %dma_wait3A_1866] : memref<4x64x129xf32, #tpu.memory_space<vmem>> -> memref<1x8x128xf32, #tpu.memory_space<vmem>>
        %dma_wait3A_1868 = tpu.memref_squeeze %dma_wait3A_1867 : memref<1x8x128xf32, #tpu.memory_space<vmem>> -> memref<8x128xf32, #tpu.memory_space<vmem>>
        tpu.wait_dma2 semaphore(%dma_wait3A_1860 : memref<!tpu.dma_semaphore, #tpu.memory_space<semaphore_mem>>) src(%dma_wait3A_1868 : memref<8x128xf32, #tpu.memory_space<vmem>>) dst(%dma_wait3A_1864 : memref<8x128xf32, #tpu.memory_space<hbm>>)
      } else {
      }
      %parallel_loop3A = arith.constant 0 : i32
      %parallel_loop3A_792 = arith.constant 128 : i32
      %parallel_loop3A_793 = arith.constant 1 : i32
      scf.for %parallel_loop3A_1701 = %parallel_loop3A to %parallel_loop3A_792 step %parallel_loop3A_793  : i32 {
        %parallel_loop3A_1702 = arith.constant 0 : i32
        %parallel_loop3A_1703 = vector.broadcast %parallel_loop3A_1702 : i32 to vector<16xi32>
        %parallel_loop3A_1704 = arith.muli %iota3A, %parallel_loop3A_1703 : vector<16xi32>
        %parallel_loop3A_1705 = vector.broadcast %parallel_loop3A_1701 : i32 to vector<16xi32>
        %parallel_loop3A_1706 = arith.addi %parallel_loop3A_1704, %parallel_loop3A_1705 : vector<16xi32>
        %parallel_loop3A_1707 = arith.constant 0 : i32
        %parallel_loop3A_1708 = arith.index_cast %parallel_loop3A_1707 : i32 to index
        %parallel_loop3A_1709 = arith.index_cast %parallel_loop3A_1701 : i32 to index
        %parallel_loop3A_1710 = arith.constant 0 : index
        %parallel_loop3A_1711 = tpu.vector_load %arg6[%parallel_loop3A_1708, %parallel_loop3A_1709, %parallel_loop3A_1710] {strides = array<i32>} : memref<4x128x128xf32, #tpu.memory_space<vmem>>, vector<16xf32>,
        %parallel_loop3A_1712 = arith.constant 0 : i32
        %parallel_loop3A_1713 = arith.constant 0 : i32
        %parallel_loop3A_1714 = arith.constant 0 : i32
        %parallel_loop3A_1715 = tpu.memref_slice %arg7[%parallel_loop3A_1712, %parallel_loop3A_1713, %parallel_loop3A_1714] : memref<4x64x129xf32, #tpu.memory_space<vmem>> -> memref<1x64x129xf32, #tpu.memory_space<vmem>>
        %parallel_loop3A_1716 = tpu.memref_squeeze %parallel_loop3A_1715 : memref<1x64x129xf32, #tpu.memory_space<vmem>> -> memref<64x129xf32, #tpu.memory_space<vmem>>
        tpu.vector_store_idx %parallel_loop3A_1716[%add3A_5, %parallel_loop3A_1706], %parallel_loop3A_1711 : memref<64x129xf32, #tpu.memory_space<vmem>>[vector<16xi32>, vector<16xi32>], vector<16xf32>,
        %parallel_loop3A_1717 = arith.constant 0 : i32
        %parallel_loop3A_1718 = arith.index_cast %parallel_loop3A_1717 : i32 to index
        %parallel_loop3A_1719 = arith.index_cast %parallel_loop3A_1701 : i32 to index
        %parallel_loop3A_1720 = arith.constant 16 : index
        %parallel_loop3A_1721 = tpu.vector_load %arg6[%parallel_loop3A_1718, %parallel_loop3A_1719, %parallel_loop3A_1720] {strides = array<i32>} : memref<4x128x128xf32, #tpu.memory_space<vmem>>, vector<16xf32>,
        %parallel_loop3A_1722 = arith.constant 0 : i32
        %parallel_loop3A_1723 = arith.constant 0 : i32
        %parallel_loop3A_1724 = arith.constant 0 : i32
        %parallel_loop3A_1725 = tpu.memref_slice %arg7[%parallel_loop3A_1722, %parallel_loop3A_1723, %parallel_loop3A_1724] : memref<4x64x129xf32, #tpu.memory_space<vmem>> -> memref<1x64x129xf32, #tpu.memory_space<vmem>>
        %parallel_loop3A_1726 = tpu.memref_squeeze %parallel_loop3A_1725 : memref<1x64x129xf32, #tpu.memory_space<vmem>> -> memref<64x129xf32, #tpu.memory_space<vmem>>
        tpu.vector_store_idx %parallel_loop3A_1726[%add3A_8, %parallel_loop3A_1706], %parallel_loop3A_1721 : memref<64x129xf32, #tpu.memory_space<vmem>>[vector<16xi32>, vector<16xi32>], vector<16xf32>,
        %parallel_loop3A_1727 = arith.constant 0 : i32
        %parallel_loop3A_1728 = arith.index_cast %parallel_loop3A_1727 : i32 to index
        %parallel_loop3A_1729 = arith.index_cast %parallel_loop3A_1701 : i32 to index
        %parallel_loop3A_1730 = arith.constant 32 : index
        %parallel_loop3A_1731 = tpu.vector_load %arg6[%parallel_loop3A_1728, %parallel_loop3A_1729, %parallel_loop3A_1730] {strides = array<i32>} : memref<4x128x128xf32, #tpu.memory_space<vmem>>, vector<16xf32>,
        %parallel_loop3A_1732 = arith.constant 0 : i32
        %parallel_loop3A_1733 = arith.constant 0 : i32
        %parallel_loop3A_1734 = arith.constant 0 : i32
        %parallel_loop3A_1735 = tpu.memref_slice %arg7[%parallel_loop3A_1732, %parallel_loop3A_1733, %parallel_loop3A_1734] : memref<4x64x129xf32, #tpu.memory_space<vmem>> -> memref<1x64x129xf32, #tpu.memory_space<vmem>>
        %parallel_loop3A_1736 = tpu.memref_squeeze %parallel_loop3A_1735 : memref<1x64x129xf32, #tpu.memory_space<vmem>> -> memref<64x129xf32, #tpu.memory_space<vmem>>
        tpu.vector_store_idx %parallel_loop3A_1736[%add3A_11, %parallel_loop3A_1706], %parallel_loop3A_1731 : memref<64x129xf32, #tpu.memory_space<vmem>>[vector<16xi32>, vector<16xi32>], vector<16xf32>,
        %parallel_loop3A_1737 = arith.constant 0 : i32
        %parallel_loop3A_1738 = arith.index_cast %parallel_loop3A_1737 : i32 to index
        %parallel_loop3A_1739 = arith.index_cast %parallel_loop3A_1701 : i32 to index
        %parallel_loop3A_1740 = arith.constant 48 : index
        %parallel_loop3A_1741 = tpu.vector_load %arg6[%parallel_loop3A_1738, %parallel_loop3A_1739, %parallel_loop3A_1740] {strides = array<i32>} : memref<4x128x128xf32, #tpu.memory_space<vmem>>, vector<16xf32>,
        %parallel_loop3A_1742 = arith.constant 0 : i32
        %parallel_loop3A_1743 = arith.constant 0 : i32
        %parallel_loop3A_1744 = arith.constant 0 : i32
        %parallel_loop3A_1745 = tpu.memref_slice %arg7[%parallel_loop3A_1742, %parallel_loop3A_1743, %parallel_loop3A_1744] : memref<4x64x129xf32, #tpu.memory_space<vmem>> -> memref<1x64x129xf32, #tpu.memory_space<vmem>>
        %parallel_loop3A_1746 = tpu.memref_squeeze %parallel_loop3A_1745 : memref<1x64x129xf32, #tpu.memory_space<vmem>> -> memref<64x129xf32, #tpu.memory_space<vmem>>
        tpu.vector_store_idx %parallel_loop3A_1746[%add3A_14, %parallel_loop3A_1706], %parallel_loop3A_1741 : memref<64x129xf32, #tpu.memory_space<vmem>>[vector<16xi32>, vector<16xi32>], vector<16xf32>,
      } {sc.loop_unroll_factor = 2 : i64, sc.parallel_access}
      %mul3A_794 = arith.constant 8 : i32
      %mul3A_795 = arith.muli %select_n3A, %mul3A_794 : i32
      %mul3A_796 = arith.constant 128 : i32
      %mul3A_797 = arith.muli %mul3A_795, %mul3A_796 : i32
      %add3A_798 = arith.addi %mul3A_797, %rem3A_774 : i32
      %add3A_799 = arith.constant 0 : i32
      %add3A_800 = arith.addi %add3A_798, %add3A_799 : i32
      %dma_start3A_801 = arith.constant 0 : i32
      %dma_start3A_802 = arith.constant 0 : i32
      %dma_start3A_803 = arith.constant 0 : i32
      %dma_start3A_804 = arith.constant 0 : i32
      %dma_start3A_805 = tpu.memref_slice %arg7[%dma_start3A_801, %dma_start3A_803, %dma_start3A_804] : memref<4x64x129xf32, #tpu.memory_space<vmem>> -> memref<1x8x128xf32, #tpu.memory_space<vmem>>
      %dma_start3A_806 = tpu.memref_squeeze %dma_start3A_805 : memref<1x8x128xf32, #tpu.memory_space<vmem>> -> memref<8x128xf32, #tpu.memory_space<vmem>>
      %dma_start3A_807 = arith.constant 0 : i32
      %dma_start3A_808 = arith.constant 0 : i32
      %dma_start3A_809 = tpu.memref_slice %arg4[%add3A_800, %dma_start3A_807, %dma_start3A_808] : memref<51200x8x128xf32, #tpu.memory_space<hbm>> -> memref<1x8x128xf32, #tpu.memory_space<hbm>>
      %dma_start3A_810 = tpu.memref_squeeze %dma_start3A_809 : memref<1x8x128xf32, #tpu.memory_space<hbm>> -> memref<8x128xf32, #tpu.memory_space<hbm>>
      %dma_start3A_811 = tpu.memref_slice %arg9[%dma_start3A_802] : memref<4x!tpu.dma_semaphore, #tpu.memory_space<semaphore_mem>> -> memref<1x!tpu.dma_semaphore, #tpu.memory_space<semaphore_mem>>
      %dma_start3A_812 = tpu.memref_squeeze %dma_start3A_811 : memref<1x!tpu.dma_semaphore, #tpu.memory_space<semaphore_mem>> -> memref<!tpu.dma_semaphore, #tpu.memory_space<semaphore_mem>>
      %dma_start3A_813 = arith.constant 0 : i32
      %dma_start3A_814 = arith.constant 0 : i32
      %dma_start3A_815 = tpu.memref_slice %arg4[%add3A_800, %dma_start3A_813, %dma_start3A_814] : memref<51200x8x128xf32, #tpu.memory_space<hbm>> -> memref<1x8x128xf32, #tpu.memory_space<hbm>>
      %dma_start3A_816 = tpu.memref_squeeze %dma_start3A_815 : memref<1x8x128xf32, #tpu.memory_space<hbm>> -> memref<8x128xf32, #tpu.memory_space<hbm>>
      %dma_start3A_817 = arith.constant 0 : i32
      %dma_start3A_818 = arith.constant 0 : i32
      %dma_start3A_819 = tpu.memref_slice %arg7[%dma_start3A_801, %dma_start3A_817, %dma_start3A_818] : memref<4x64x129xf32, #tpu.memory_space<vmem>> -> memref<1x8x128xf32, #tpu.memory_space<vmem>>
      %dma_start3A_820 = tpu.memref_squeeze %dma_start3A_819 : memref<1x8x128xf32, #tpu.memory_space<vmem>> -> memref<8x128xf32, #tpu.memory_space<vmem>>
      tpu.enqueue_dma source(%dma_start3A_820 : memref<8x128xf32, #tpu.memory_space<vmem>>) target(%dma_start3A_816 : memref<8x128xf32, #tpu.memory_space<hbm>>) target_semaphore(%dma_start3A_812 : memref<!tpu.dma_semaphore, #tpu.memory_space<semaphore_mem>>)
      %add3A_821 = arith.constant 128 : i32
      %add3A_822 = arith.addi %add3A_798, %add3A_821 : i32
      %dma_start3A_823 = arith.constant 0 : i32
      %dma_start3A_824 = arith.constant 0 : i32
      %dma_start3A_825 = arith.constant 8 : i32
      %dma_start3A_826 = arith.constant 0 : i32
      %dma_start3A_827 = tpu.memref_slice %arg7[%dma_start3A_823, %dma_start3A_825, %dma_start3A_826] : memref<4x64x129xf32, #tpu.memory_space<vmem>> -> memref<1x8x128xf32, #tpu.memory_space<vmem>>
      %dma_start3A_828 = tpu.memref_squeeze %dma_start3A_827 : memref<1x8x128xf32, #tpu.memory_space<vmem>> -> memref<8x128xf32, #tpu.memory_space<vmem>>
      %dma_start3A_829 = arith.constant 0 : i32
      %dma_start3A_830 = arith.constant 0 : i32
      %dma_start3A_831 = tpu.memref_slice %arg4[%add3A_822, %dma_start3A_829, %dma_start3A_830] : memref<51200x8x128xf32, #tpu.memory_space<hbm>> -> memref<1x8x128xf32, #tpu.memory_space<hbm>>
      %dma_start3A_832 = tpu.memref_squeeze %dma_start3A_831 : memref<1x8x128xf32, #tpu.memory_space<hbm>> -> memref<8x128xf32, #tpu.memory_space<hbm>>
      %dma_start3A_833 = tpu.memref_slice %arg9[%dma_start3A_824] : memref<4x!tpu.dma_semaphore, #tpu.memory_space<semaphore_mem>> -> memref<1x!tpu.dma_semaphore, #tpu.memory_space<semaphore_mem>>
      %dma_start3A_834 = tpu.memref_squeeze %dma_start3A_833 : memref<1x!tpu.dma_semaphore, #tpu.memory_space<semaphore_mem>> -> memref<!tpu.dma_semaphore, #tpu.memory_space<semaphore_mem>>
      %dma_start3A_835 = arith.constant 0 : i32
      %dma_start3A_836 = arith.constant 0 : i32
      %dma_start3A_837 = tpu.memref_slice %arg4[%add3A_822, %dma_start3A_835, %dma_start3A_836] : memref<51200x8x128xf32, #tpu.memory_space<hbm>> -> memref<1x8x128xf32, #tpu.memory_space<hbm>>
      %dma_start3A_838 = tpu.memref_squeeze %dma_start3A_837 : memref<1x8x128xf32, #tpu.memory_space<hbm>> -> memref<8x128xf32, #tpu.memory_space<hbm>>
      %dma_start3A_839 = arith.constant 8 : i32
      %dma_start3A_840 = arith.constant 0 : i32
      %dma_start3A_841 = tpu.memref_slice %arg7[%dma_start3A_823, %dma_start3A_839, %dma_start3A_840] : memref<4x64x129xf32, #tpu.memory_space<vmem>> -> memref<1x8x128xf32, #tpu.memory_space<vmem>>
      %dma_start3A_842 = tpu.memref_squeeze %dma_start3A_841 : memref<1x8x128xf32, #tpu.memory_space<vmem>> -> memref<8x128xf32, #tpu.memory_space<vmem>>
      tpu.enqueue_dma source(%dma_start3A_842 : memref<8x128xf32, #tpu.memory_space<vmem>>) target(%dma_start3A_838 : memref<8x128xf32, #tpu.memory_space<hbm>>) target_semaphore(%dma_start3A_834 : memref<!tpu.dma_semaphore, #tpu.memory_space<semaphore_mem>>)
      %add3A_843 = arith.constant 256 : i32
      %add3A_844 = arith.addi %add3A_798, %add3A_843 : i32
      %dma_start3A_845 = arith.constant 0 : i32
      %dma_start3A_846 = arith.constant 0 : i32
      %dma_start3A_847 = arith.constant 16 : i32
      %dma_start3A_848 = arith.constant 0 : i32
      %dma_start3A_849 = tpu.memref_slice %arg7[%dma_start3A_845, %dma_start3A_847, %dma_start3A_848] : memref<4x64x129xf32, #tpu.memory_space<vmem>> -> memref<1x8x128xf32, #tpu.memory_space<vmem>>
      %dma_start3A_850 = tpu.memref_squeeze %dma_start3A_849 : memref<1x8x128xf32, #tpu.memory_space<vmem>> -> memref<8x128xf32, #tpu.memory_space<vmem>>
      %dma_start3A_851 = arith.constant 0 : i32
      %dma_start3A_852 = arith.constant 0 : i32
      %dma_start3A_853 = tpu.memref_slice %arg4[%add3A_844, %dma_start3A_851, %dma_start3A_852] : memref<51200x8x128xf32, #tpu.memory_space<hbm>> -> memref<1x8x128xf32, #tpu.memory_space<hbm>>
      %dma_start3A_854 = tpu.memref_squeeze %dma_start3A_853 : memref<1x8x128xf32, #tpu.memory_space<hbm>> -> memref<8x128xf32, #tpu.memory_space<hbm>>
      %dma_start3A_855 = tpu.memref_slice %arg9[%dma_start3A_846] : memref<4x!tpu.dma_semaphore, #tpu.memory_space<semaphore_mem>> -> memref<1x!tpu.dma_semaphore, #tpu.memory_space<semaphore_mem>>
      %dma_start3A_856 = tpu.memref_squeeze %dma_start3A_855 : memref<1x!tpu.dma_semaphore, #tpu.memory_space<semaphore_mem>> -> memref<!tpu.dma_semaphore, #tpu.memory_space<semaphore_mem>>
      %dma_start3A_857 = arith.constant 0 : i32
      %dma_start3A_858 = arith.constant 0 : i32
      %dma_start3A_859 = tpu.memref_slice %arg4[%add3A_844, %dma_start3A_857, %dma_start3A_858] : memref<51200x8x128xf32, #tpu.memory_space<hbm>> -> memref<1x8x128xf32, #tpu.memory_space<hbm>>
      %dma_start3A_860 = tpu.memref_squeeze %dma_start3A_859 : memref<1x8x128xf32, #tpu.memory_space<hbm>> -> memref<8x128xf32, #tpu.memory_space<hbm>>
      %dma_start3A_861 = arith.constant 16 : i32
      %dma_start3A_862 = arith.constant 0 : i32
      %dma_start3A_863 = tpu.memref_slice %arg7[%dma_start3A_845, %dma_start3A_861, %dma_start3A_862] : memref<4x64x129xf32, #tpu.memory_space<vmem>> -> memref<1x8x128xf32, #tpu.memory_space<vmem>>
      %dma_start3A_864 = tpu.memref_squeeze %dma_start3A_863 : memref<1x8x128xf32, #tpu.memory_space<vmem>> -> memref<8x128xf32, #tpu.memory_space<vmem>>
      tpu.enqueue_dma source(%dma_start3A_864 : memref<8x128xf32, #tpu.memory_space<vmem>>) target(%dma_start3A_860 : memref<8x128xf32, #tpu.memory_space<hbm>>) target_semaphore(%dma_start3A_856 : memref<!tpu.dma_semaphore, #tpu.memory_space<semaphore_mem>>)
      %add3A_865 = arith.constant 384 : i32
      %add3A_866 = arith.addi %add3A_798, %add3A_865 : i32
      %dma_start3A_867 = arith.constant 0 : i32
      %dma_start3A_868 = arith.constant 0 : i32
      %dma_start3A_869 = arith.constant 24 : i32
      %dma_start3A_870 = arith.constant 0 : i32
      %dma_start3A_871 = tpu.memref_slice %arg7[%dma_start3A_867, %dma_start3A_869, %dma_start3A_870] : memref<4x64x129xf32, #tpu.memory_space<vmem>> -> memref<1x8x128xf32, #tpu.memory_space<vmem>>
      %dma_start3A_872 = tpu.memref_squeeze %dma_start3A_871 : memref<1x8x128xf32, #tpu.memory_space<vmem>> -> memref<8x128xf32, #tpu.memory_space<vmem>>
      %dma_start3A_873 = arith.constant 0 : i32
      %dma_start3A_874 = arith.constant 0 : i32
      %dma_start3A_875 = tpu.memref_slice %arg4[%add3A_866, %dma_start3A_873, %dma_start3A_874] : memref<51200x8x128xf32, #tpu.memory_space<hbm>> -> memref<1x8x128xf32, #tpu.memory_space<hbm>>
      %dma_start3A_876 = tpu.memref_squeeze %dma_start3A_875 : memref<1x8x128xf32, #tpu.memory_space<hbm>> -> memref<8x128xf32, #tpu.memory_space<hbm>>
      %dma_start3A_877 = tpu.memref_slice %arg9[%dma_start3A_868] : memref<4x!tpu.dma_semaphore, #tpu.memory_space<semaphore_mem>> -> memref<1x!tpu.dma_semaphore, #tpu.memory_space<semaphore_mem>>
      %dma_start3A_878 = tpu.memref_squeeze %dma_start3A_877 : memref<1x!tpu.dma_semaphore, #tpu.memory_space<semaphore_mem>> -> memref<!tpu.dma_semaphore, #tpu.memory_space<semaphore_mem>>
      %dma_start3A_879 = arith.constant 0 : i32
      %dma_start3A_880 = arith.constant 0 : i32
      %dma_start3A_881 = tpu.memref_slice %arg4[%add3A_866, %dma_start3A_879, %dma_start3A_880] : memref<51200x8x128xf32, #tpu.memory_space<hbm>> -> memref<1x8x128xf32, #tpu.memory_space<hbm>>
      %dma_start3A_882 = tpu.memref_squeeze %dma_start3A_881 : memref<1x8x128xf32, #tpu.memory_space<hbm>> -> memref<8x128xf32, #tpu.memory_space<hbm>>
      %dma_start3A_883 = arith.constant 24 : i32
      %dma_start3A_884 = arith.constant 0 : i32
      %dma_start3A_885 = tpu.memref_slice %arg7[%dma_start3A_867, %dma_start3A_883, %dma_start3A_884] : memref<4x64x129xf32, #tpu.memory_space<vmem>> -> memref<1x8x128xf32, #tpu.memory_space<vmem>>
      %dma_start3A_886 = tpu.memref_squeeze %dma_start3A_885 : memref<1x8x128xf32, #tpu.memory_space<vmem>> -> memref<8x128xf32, #tpu.memory_space<vmem>>
      tpu.enqueue_dma source(%dma_start3A_886 : memref<8x128xf32, #tpu.memory_space<vmem>>) target(%dma_start3A_882 : memref<8x128xf32, #tpu.memory_space<hbm>>) target_semaphore(%dma_start3A_878 : memref<!tpu.dma_semaphore, #tpu.memory_space<semaphore_mem>>)
      %add3A_887 = arith.constant 512 : i32
      %add3A_888 = arith.addi %add3A_798, %add3A_887 : i32
      %dma_start3A_889 = arith.constant 0 : i32
      %dma_start3A_890 = arith.constant 0 : i32
      %dma_start3A_891 = arith.constant 32 : i32
      %dma_start3A_892 = arith.constant 0 : i32
      %dma_start3A_893 = tpu.memref_slice %arg7[%dma_start3A_889, %dma_start3A_891, %dma_start3A_892] : memref<4x64x129xf32, #tpu.memory_space<vmem>> -> memref<1x8x128xf32, #tpu.memory_space<vmem>>
      %dma_start3A_894 = tpu.memref_squeeze %dma_start3A_893 : memref<1x8x128xf32, #tpu.memory_space<vmem>> -> memref<8x128xf32, #tpu.memory_space<vmem>>
      %dma_start3A_895 = arith.constant 0 : i32
      %dma_start3A_896 = arith.constant 0 : i32
      %dma_start3A_897 = tpu.memref_slice %arg4[%add3A_888, %dma_start3A_895, %dma_start3A_896] : memref<51200x8x128xf32, #tpu.memory_space<hbm>> -> memref<1x8x128xf32, #tpu.memory_space<hbm>>
      %dma_start3A_898 = tpu.memref_squeeze %dma_start3A_897 : memref<1x8x128xf32, #tpu.memory_space<hbm>> -> memref<8x128xf32, #tpu.memory_space<hbm>>
      %dma_start3A_899 = tpu.memref_slice %arg9[%dma_start3A_890] : memref<4x!tpu.dma_semaphore, #tpu.memory_space<semaphore_mem>> -> memref<1x!tpu.dma_semaphore, #tpu.memory_space<semaphore_mem>>
      %dma_start3A_900 = tpu.memref_squeeze %dma_start3A_899 : memref<1x!tpu.dma_semaphore, #tpu.memory_space<semaphore_mem>> -> memref<!tpu.dma_semaphore, #tpu.memory_space<semaphore_mem>>
      %dma_start3A_901 = arith.constant 0 : i32
      %dma_start3A_902 = arith.constant 0 : i32
      %dma_start3A_903 = tpu.memref_slice %arg4[%add3A_888, %dma_start3A_901, %dma_start3A_902] : memref<51200x8x128xf32, #tpu.memory_space<hbm>> -> memref<1x8x128xf32, #tpu.memory_space<hbm>>
      %dma_start3A_904 = tpu.memref_squeeze %dma_start3A_903 : memref<1x8x128xf32, #tpu.memory_space<hbm>> -> memref<8x128xf32, #tpu.memory_space<hbm>>
      %dma_start3A_905 = arith.constant 32 : i32
      %dma_start3A_906 = arith.constant 0 : i32
      %dma_start3A_907 = tpu.memref_slice %arg7[%dma_start3A_889, %dma_start3A_905, %dma_start3A_906] : memref<4x64x129xf32, #tpu.memory_space<vmem>> -> memref<1x8x128xf32, #tpu.memory_space<vmem>>
      %dma_start3A_908 = tpu.memref_squeeze %dma_start3A_907 : memref<1x8x128xf32, #tpu.memory_space<vmem>> -> memref<8x128xf32, #tpu.memory_space<vmem>>
      tpu.enqueue_dma source(%dma_start3A_908 : memref<8x128xf32, #tpu.memory_space<vmem>>) target(%dma_start3A_904 : memref<8x128xf32, #tpu.memory_space<hbm>>) target_semaphore(%dma_start3A_900 : memref<!tpu.dma_semaphore, #tpu.memory_space<semaphore_mem>>)
      %add3A_909 = arith.constant 640 : i32
      %add3A_910 = arith.addi %add3A_798, %add3A_909 : i32
      %dma_start3A_911 = arith.constant 0 : i32
      %dma_start3A_912 = arith.constant 0 : i32
      %dma_start3A_913 = arith.constant 40 : i32
      %dma_start3A_914 = arith.constant 0 : i32
      %dma_start3A_915 = tpu.memref_slice %arg7[%dma_start3A_911, %dma_start3A_913, %dma_start3A_914] : memref<4x64x129xf32, #tpu.memory_space<vmem>> -> memref<1x8x128xf32, #tpu.memory_space<vmem>>
      %dma_start3A_916 = tpu.memref_squeeze %dma_start3A_915 : memref<1x8x128xf32, #tpu.memory_space<vmem>> -> memref<8x128xf32, #tpu.memory_space<vmem>>
      %dma_start3A_917 = arith.constant 0 : i32
      %dma_start3A_918 = arith.constant 0 : i32
      %dma_start3A_919 = tpu.memref_slice %arg4[%add3A_910, %dma_start3A_917, %dma_start3A_918] : memref<51200x8x128xf32, #tpu.memory_space<hbm>> -> memref<1x8x128xf32, #tpu.memory_space<hbm>>
      %dma_start3A_920 = tpu.memref_squeeze %dma_start3A_919 : memref<1x8x128xf32, #tpu.memory_space<hbm>> -> memref<8x128xf32, #tpu.memory_space<hbm>>
      %dma_start3A_921 = tpu.memref_slice %arg9[%dma_start3A_912] : memref<4x!tpu.dma_semaphore, #tpu.memory_space<semaphore_mem>> -> memref<1x!tpu.dma_semaphore, #tpu.memory_space<semaphore_mem>>
      %dma_start3A_922 = tpu.memref_squeeze %dma_start3A_921 : memref<1x!tpu.dma_semaphore, #tpu.memory_space<semaphore_mem>> -> memref<!tpu.dma_semaphore, #tpu.memory_space<semaphore_mem>>
      %dma_start3A_923 = arith.constant 0 : i32
      %dma_start3A_924 = arith.constant 0 : i32
      %dma_start3A_925 = tpu.memref_slice %arg4[%add3A_910, %dma_start3A_923, %dma_start3A_924] : memref<51200x8x128xf32, #tpu.memory_space<hbm>> -> memref<1x8x128xf32, #tpu.memory_space<hbm>>
      %dma_start3A_926 = tpu.memref_squeeze %dma_start3A_925 : memref<1x8x128xf32, #tpu.memory_space<hbm>> -> memref<8x128xf32, #tpu.memory_space<hbm>>
      %dma_start3A_927 = arith.constant 40 : i32
      %dma_start3A_928 = arith.constant 0 : i32
      %dma_start3A_929 = tpu.memref_slice %arg7[%dma_start3A_911, %dma_start3A_927, %dma_start3A_928] : memref<4x64x129xf32, #tpu.memory_space<vmem>> -> memref<1x8x128xf32, #tpu.memory_space<vmem>>
      %dma_start3A_930 = tpu.memref_squeeze %dma_start3A_929 : memref<1x8x128xf32, #tpu.memory_space<vmem>> -> memref<8x128xf32, #tpu.memory_space<vmem>>
      tpu.enqueue_dma source(%dma_start3A_930 : memref<8x128xf32, #tpu.memory_space<vmem>>) target(%dma_start3A_926 : memref<8x128xf32, #tpu.memory_space<hbm>>) target_semaphore(%dma_start3A_922 : memref<!tpu.dma_semaphore, #tpu.memory_space<semaphore_mem>>)
      %add3A_931 = arith.constant 768 : i32
      %add3A_932 = arith.addi %add3A_798, %add3A_931 : i32
      %dma_start3A_933 = arith.constant 0 : i32
      %dma_start3A_934 = arith.constant 0 : i32
      %dma_start3A_935 = arith.constant 48 : i32
      %dma_start3A_936 = arith.constant 0 : i32
      %dma_start3A_937 = tpu.memref_slice %arg7[%dma_start3A_933, %dma_start3A_935, %dma_start3A_936] : memref<4x64x129xf32, #tpu.memory_space<vmem>> -> memref<1x8x128xf32, #tpu.memory_space<vmem>>
      %dma_start3A_938 = tpu.memref_squeeze %dma_start3A_937 : memref<1x8x128xf32, #tpu.memory_space<vmem>> -> memref<8x128xf32, #tpu.memory_space<vmem>>
      %dma_start3A_939 = arith.constant 0 : i32
      %dma_start3A_940 = arith.constant 0 : i32
      %dma_start3A_941 = tpu.memref_slice %arg4[%add3A_932, %dma_start3A_939, %dma_start3A_940] : memref<51200x8x128xf32, #tpu.memory_space<hbm>> -> memref<1x8x128xf32, #tpu.memory_space<hbm>>
      %dma_start3A_942 = tpu.memref_squeeze %dma_start3A_941 : memref<1x8x128xf32, #tpu.memory_space<hbm>> -> memref<8x128xf32, #tpu.memory_space<hbm>>
      %dma_start3A_943 = tpu.memref_slice %arg9[%dma_start3A_934] : memref<4x!tpu.dma_semaphore, #tpu.memory_space<semaphore_mem>> -> memref<1x!tpu.dma_semaphore, #tpu.memory_space<semaphore_mem>>
      %dma_start3A_944 = tpu.memref_squeeze %dma_start3A_943 : memref<1x!tpu.dma_semaphore, #tpu.memory_space<semaphore_mem>> -> memref<!tpu.dma_semaphore, #tpu.memory_space<semaphore_mem>>
      %dma_start3A_945 = arith.constant 0 : i32
      %dma_start3A_946 = arith.constant 0 : i32
      %dma_start3A_947 = tpu.memref_slice %arg4[%add3A_932, %dma_start3A_945, %dma_start3A_946] : memref<51200x8x128xf32, #tpu.memory_space<hbm>> -> memref<1x8x128xf32, #tpu.memory_space<hbm>>
      %dma_start3A_948 = tpu.memref_squeeze %dma_start3A_947 : memref<1x8x128xf32, #tpu.memory_space<hbm>> -> memref<8x128xf32, #tpu.memory_space<hbm>>
      %dma_start3A_949 = arith.constant 48 : i32
      %dma_start3A_950 = arith.constant 0 : i32
      %dma_start3A_951 = tpu.memref_slice %arg7[%dma_start3A_933, %dma_start3A_949, %dma_start3A_950] : memref<4x64x129xf32, #tpu.memory_space<vmem>> -> memref<1x8x128xf32, #tpu.memory_space<vmem>>
      %dma_start3A_952 = tpu.memref_squeeze %dma_start3A_951 : memref<1x8x128xf32, #tpu.memory_space<vmem>> -> memref<8x128xf32, #tpu.memory_space<vmem>>
      tpu.enqueue_dma source(%dma_start3A_952 : memref<8x128xf32, #tpu.memory_space<vmem>>) target(%dma_start3A_948 : memref<8x128xf32, #tpu.memory_space<hbm>>) target_semaphore(%dma_start3A_944 : memref<!tpu.dma_semaphore, #tpu.memory_space<semaphore_mem>>)
      %add3A_953 = arith.constant 896 : i32
      %add3A_954 = arith.addi %add3A_798, %add3A_953 : i32
      %dma_start3A_955 = arith.constant 0 : i32
      %dma_start3A_956 = arith.constant 0 : i32
      %dma_start3A_957 = arith.constant 56 : i32
      %dma_start3A_958 = arith.constant 0 : i32
      %dma_start3A_959 = tpu.memref_slice %arg7[%dma_start3A_955, %dma_start3A_957, %dma_start3A_958] : memref<4x64x129xf32, #tpu.memory_space<vmem>> -> memref<1x8x128xf32, #tpu.memory_space<vmem>>
      %dma_start3A_960 = tpu.memref_squeeze %dma_start3A_959 : memref<1x8x128xf32, #tpu.memory_space<vmem>> -> memref<8x128xf32, #tpu.memory_space<vmem>>
      %dma_start3A_961 = arith.constant 0 : i32
      %dma_start3A_962 = arith.constant 0 : i32
      %dma_start3A_963 = tpu.memref_slice %arg4[%add3A_954, %dma_start3A_961, %dma_start3A_962] : memref<51200x8x128xf32, #tpu.memory_space<hbm>> -> memref<1x8x128xf32, #tpu.memory_space<hbm>>
      %dma_start3A_964 = tpu.memref_squeeze %dma_start3A_963 : memref<1x8x128xf32, #tpu.memory_space<hbm>> -> memref<8x128xf32, #tpu.memory_space<hbm>>
      %dma_start3A_965 = tpu.memref_slice %arg9[%dma_start3A_956] : memref<4x!tpu.dma_semaphore, #tpu.memory_space<semaphore_mem>> -> memref<1x!tpu.dma_semaphore, #tpu.memory_space<semaphore_mem>>
      %dma_start3A_966 = tpu.memref_squeeze %dma_start3A_965 : memref<1x!tpu.dma_semaphore, #tpu.memory_space<semaphore_mem>> -> memref<!tpu.dma_semaphore, #tpu.memory_space<semaphore_mem>>
      %dma_start3A_967 = arith.constant 0 : i32
      %dma_start3A_968 = arith.constant 0 : i32
      %dma_start3A_969 = tpu.memref_slice %arg4[%add3A_954, %dma_start3A_967, %dma_start3A_968] : memref<51200x8x128xf32, #tpu.memory_space<hbm>> -> memref<1x8x128xf32, #tpu.memory_space<hbm>>
      %dma_start3A_970 = tpu.memref_squeeze %dma_start3A_969 : memref<1x8x128xf32, #tpu.memory_space<hbm>> -> memref<8x128xf32, #tpu.memory_space<hbm>>
      %dma_start3A_971 = arith.constant 56 : i32
      %dma_start3A_972 = arith.constant 0 : i32
      %dma_start3A_973 = tpu.memref_slice %arg7[%dma_start3A_955, %dma_start3A_971, %dma_start3A_972] : memref<4x64x129xf32, #tpu.memory_space<vmem>> -> memref<1x8x128xf32, #tpu.memory_space<vmem>>
      %dma_start3A_974 = tpu.memref_squeeze %dma_start3A_973 : memref<1x8x128xf32, #tpu.memory_space<vmem>> -> memref<8x128xf32, #tpu.memory_space<vmem>>
      tpu.enqueue_dma source(%dma_start3A_974 : memref<8x128xf32, #tpu.memory_space<vmem>>) target(%dma_start3A_970 : memref<8x128xf32, #tpu.memory_space<hbm>>) target_semaphore(%dma_start3A_966 : memref<!tpu.dma_semaphore, #tpu.memory_space<semaphore_mem>>)
      %add3A_975 = arith.constant 4 : i32
      %add3A_976 = arith.addi %add3A_755, %add3A_975 : i32
      %lt3A = arith.constant 200 : i32
      %lt3A_977 = arith.cmpi slt, %add3A_976, %lt3A : i32
      %convert_element_type3A_978 = arith.extui %lt3A_977 : i1 to i32
      %cond3A_979 = arith.constant 0 : i32
      %cond3A_980 = arith.cmpi ne, %convert_element_type3A_978, %cond3A_979 : i32
      scf.if %cond3A_980 {
        %dma_start3A_1701 = arith.constant 0 : i32
        %dma_start3A_1702 = arith.constant 0 : i32
        %dma_start3A_1703 = arith.constant 0 : i32
        %dma_start3A_1704 = arith.constant 0 : i32
        %dma_start3A_1705 = tpu.memref_slice %arg6[%dma_start3A_1701, %dma_start3A_1703, %dma_start3A_1704] : memref<4x128x128xf32, #tpu.memory_space<vmem>> -> memref<1x128x128xf32, #tpu.memory_space<vmem>>
        %dma_start3A_1706 = tpu.memref_squeeze %dma_start3A_1705 : memref<1x128x128xf32, #tpu.memory_space<vmem>> -> memref<128x128xf32, #tpu.memory_space<vmem>>
        %dma_start3A_1707 = arith.constant 0 : i32
        %dma_start3A_1708 = tpu.memref_slice %arg5[%add3A_976, %dma_start3A_1707] : memref<200x128xi32, #tpu.memory_space<vmem>> -> memref<1x128xi32, #tpu.memory_space<vmem>>
        %dma_start3A_1709 = tpu.memref_squeeze %dma_start3A_1708 : memref<1x128xi32, #tpu.memory_space<vmem>> -> memref<128xi32, #tpu.memory_space<vmem>>
        %dma_start3A_1710 = arith.constant 0 : i32
        %dma_start3A_1711 = arith.constant 0 : i32
        %dma_start3A_1712 = tpu.memref_slice %arg3[%dma_start3A_1710, %dma_start3A_1711] : memref<1000000x128xf32, #tpu.memory_space<hbm>> -> memref<1000000x128xf32, #tpu.memory_space<hbm>>
        %dma_start3A_1713 = tpu.memref_slice %arg8[%dma_start3A_1702] : memref<4x!tpu.dma_semaphore, #tpu.memory_space<semaphore_mem>> -> memref<1x!tpu.dma_semaphore, #tpu.memory_space<semaphore_mem>>
        %dma_start3A_1714 = tpu.memref_squeeze %dma_start3A_1713 : memref<1x!tpu.dma_semaphore, #tpu.memory_space<semaphore_mem>> -> memref<!tpu.dma_semaphore, #tpu.memory_space<semaphore_mem>>
        tpu.enqueue_indirect_dma source(%dma_start3A_1712 : memref<1000000x128xf32, #tpu.memory_space<hbm>>) target(%dma_start3A_1706 : memref<128x128xf32, #tpu.memory_space<vmem>>) offsets(%dma_start3A_1709 : memref<128xi32, #tpu.memory_space<vmem>>) semaphore(%dma_start3A_1714 : memref<!tpu.dma_semaphore, #tpu.memory_space<semaphore_mem>>)
      } else {
      }
      %add3A_981 = arith.constant 1 : i32
      %add3A_982 = arith.addi %add3A_753, %add3A_981 : i32
      %add3A_983 = arith.addi %mul3A_2, %add3A_982 : i32
      %jit3A_984 = arith.constant 128 : i32
      %div3A_985 = arith.divsi %add3A_983, %jit3A_984 : i32
      %sign3A_986 = arith.constant 0 : i32
      %sign3A_987 = arith.cmpi sgt, %add3A_983, %sign3A_986 : i32
      %sign3A_988 = arith.extui %sign3A_987 : i1 to i32
      %sign3A_989 = arith.constant 0 : i32
      %sign3A_990 = arith.cmpi slt, %add3A_983, %sign3A_989 : i32
      %sign3A_991 = arith.extui %sign3A_990 : i1 to i32
      %sign3A_992 = arith.subi %sign3A_988, %sign3A_991 : i32
      %sign3A_993 = arith.constant 0 : i32
      %sign3A_994 = arith.cmpi sgt, %jit3A_984, %sign3A_993 : i32
      %sign3A_995 = arith.extui %sign3A_994 : i1 to i32
      %sign3A_996 = arith.constant 0 : i32
      %sign3A_997 = arith.cmpi slt, %jit3A_984, %sign3A_996 : i32
      %sign3A_998 = arith.extui %sign3A_997 : i1 to i32
      %sign3A_999 = arith.subi %sign3A_995, %sign3A_998 : i32
      %ne3A_1000 = arith.cmpi ne, %sign3A_992, %sign3A_999 : i32
      %rem3A_1001 = arith.remsi %add3A_983, %jit3A_984 : i32
      %ne3A_1002 = arith.constant 0 : i32
      %ne3A_1003 = arith.cmpi ne, %rem3A_1001, %ne3A_1002 : i32
      %and3A_1004 = arith.andi %ne3A_1000, %ne3A_1003 : i1
      %sub3A_1005 = arith.constant 1 : i32
      %sub3A_1006 = arith.subi %div3A_985, %sub3A_1005 : i32
      %select_n3A_1007 = arith.select %and3A_1004, %sub3A_1006, %div3A_985 : i32
      %rem3A_1008 = arith.constant 128 : i32
      %rem3A_1009 = arith.remsi %add3A_983, %rem3A_1008 : i32
      %dma_wait3A_1010 = arith.constant 0 : i32
      %dma_wait3A_1011 = arith.constant 1 : i32
      %dma_wait3A_1012 = arith.constant 1 : i32
      %dma_wait3A_1013 = arith.constant 0 : i32
      %dma_wait3A_1014 = arith.constant 0 : i32
      %dma_wait3A_1015 = tpu.memref_slice %arg6[%dma_wait3A_1011, %dma_wait3A_1013, %dma_wait3A_1014] : memref<4x128x128xf32, #tpu.memory_space<vmem>> -> memref<1x128x128xf32, #tpu.memory_space<vmem>>
      %dma_wait3A_1016 = tpu.memref_squeeze %dma_wait3A_1015 : memref<1x128x128xf32, #tpu.memory_space<vmem>> -> memref<128x128xf32, #tpu.memory_space<vmem>>
      %dma_wait3A_1017 = arith.constant 0 : i32
      %dma_wait3A_1018 = tpu.memref_slice %arg5[%dma_wait3A_1010, %dma_wait3A_1017] : memref<200x128xi32, #tpu.memory_space<vmem>> -> memref<1x128xi32, #tpu.memory_space<vmem>>
      %dma_wait3A_1019 = tpu.memref_squeeze %dma_wait3A_1018 : memref<1x128xi32, #tpu.memory_space<vmem>> -> memref<128xi32, #tpu.memory_space<vmem>>
      %dma_wait3A_1020 = arith.constant 0 : i32
      %dma_wait3A_1021 = arith.constant 0 : i32
      %dma_wait3A_1022 = tpu.memref_slice %arg3[%dma_wait3A_1020, %dma_wait3A_1021] : memref<1000000x128xf32, #tpu.memory_space<hbm>> -> memref<1000000x128xf32, #tpu.memory_space<hbm>>
      %dma_wait3A_1023 = tpu.memref_slice %arg8[%dma_wait3A_1012] : memref<4x!tpu.dma_semaphore, #tpu.memory_space<semaphore_mem>> -> memref<1x!tpu.dma_semaphore, #tpu.memory_space<semaphore_mem>>
      %dma_wait3A_1024 = tpu.memref_squeeze %dma_wait3A_1023 : memref<1x!tpu.dma_semaphore, #tpu.memory_space<semaphore_mem>> -> memref<!tpu.dma_semaphore, #tpu.memory_space<semaphore_mem>>
      tpu.wait_indirect_dma semaphore(%dma_wait3A_1024 : memref<!tpu.dma_semaphore, #tpu.memory_space<semaphore_mem>>) src(%dma_wait3A_1022 : memref<1000000x128xf32, #tpu.memory_space<hbm>>) dst(%dma_wait3A_1016 : memref<128x128xf32, #tpu.memory_space<vmem>>)
      %gt3A_1025 = arith.constant 0 : i32
      %gt3A_1026 = arith.cmpi sgt, %add3A_753, %gt3A_1025 : i32
      %convert_element_type3A_1027 = arith.extui %gt3A_1026 : i1 to i32
      %cond3A_1028 = arith.constant 0 : i32
      %cond3A_1029 = arith.cmpi ne, %convert_element_type3A_1027, %cond3A_1028 : i32
      scf.if %cond3A_1029 {
        %dma_wait3A_1701 = arith.constant 1 : i32
        %dma_wait3A_1702 = arith.constant 0 : i32
        %dma_wait3A_1703 = arith.constant 1 : i32
        %dma_wait3A_1704 = arith.constant 0 : i32
        %dma_wait3A_1705 = arith.constant 0 : i32
        %dma_wait3A_1706 = tpu.memref_slice %arg7[%dma_wait3A_1701, %dma_wait3A_1704, %dma_wait3A_1705] : memref<4x64x129xf32, #tpu.memory_space<vmem>> -> memref<1x8x128xf32, #tpu.memory_space<vmem>>
        %dma_wait3A_1707 = tpu.memref_squeeze %dma_wait3A_1706 : memref<1x8x128xf32, #tpu.memory_space<vmem>> -> memref<8x128xf32, #tpu.memory_space<vmem>>
        %dma_wait3A_1708 = arith.constant 0 : i32
        %dma_wait3A_1709 = arith.constant 0 : i32
        %dma_wait3A_1710 = tpu.memref_slice %arg4[%dma_wait3A_1702, %dma_wait3A_1708, %dma_wait3A_1709] : memref<51200x8x128xf32, #tpu.memory_space<hbm>> -> memref<1x8x128xf32, #tpu.memory_space<hbm>>
        %dma_wait3A_1711 = tpu.memref_squeeze %dma_wait3A_1710 : memref<1x8x128xf32, #tpu.memory_space<hbm>> -> memref<8x128xf32, #tpu.memory_space<hbm>>
        %dma_wait3A_1712 = tpu.memref_slice %arg9[%dma_wait3A_1703] : memref<4x!tpu.dma_semaphore, #tpu.memory_space<semaphore_mem>> -> memref<1x!tpu.dma_semaphore, #tpu.memory_space<semaphore_mem>>
        %dma_wait3A_1713 = tpu.memref_squeeze %dma_wait3A_1712 : memref<1x!tpu.dma_semaphore, #tpu.memory_space<semaphore_mem>> -> memref<!tpu.dma_semaphore, #tpu.memory_space<semaphore_mem>>
        %dma_wait3A_1714 = arith.constant 0 : i32
        %dma_wait3A_1715 = arith.constant 0 : i32
        %dma_wait3A_1716 = tpu.memref_slice %arg4[%dma_wait3A_1702, %dma_wait3A_1714, %dma_wait3A_1715] : memref<51200x8x128xf32, #tpu.memory_space<hbm>> -> memref<1x8x128xf32, #tpu.memory_space<hbm>>
        %dma_wait3A_1717 = tpu.memref_squeeze %dma_wait3A_1716 : memref<1x8x128xf32, #tpu.memory_space<hbm>> -> memref<8x128xf32, #tpu.memory_space<hbm>>
        %dma_wait3A_1718 = arith.constant 0 : i32
        %dma_wait3A_1719 = arith.constant 0 : i32
        %dma_wait3A_1720 = tpu.memref_slice %arg7[%dma_wait3A_1701, %dma_wait3A_1718, %dma_wait3A_1719] : memref<4x64x129xf32, #tpu.memory_space<vmem>> -> memref<1x8x128xf32, #tpu.memory_space<vmem>>
        %dma_wait3A_1721 = tpu.memref_squeeze %dma_wait3A_1720 : memref<1x8x128xf32, #tpu.memory_space<vmem>> -> memref<8x128xf32, #tpu.memory_space<vmem>>
        tpu.wait_dma2 semaphore(%dma_wait3A_1713 : memref<!tpu.dma_semaphore, #tpu.memory_space<semaphore_mem>>) src(%dma_wait3A_1721 : memref<8x128xf32, #tpu.memory_space<vmem>>) dst(%dma_wait3A_1717 : memref<8x128xf32, #tpu.memory_space<hbm>>)
        %dma_wait3A_1722 = arith.constant 1 : i32
        %dma_wait3A_1723 = arith.constant 0 : i32
        %dma_wait3A_1724 = arith.constant 1 : i32
        %dma_wait3A_1725 = arith.constant 0 : i32
        %dma_wait3A_1726 = arith.constant 0 : i32
        %dma_wait3A_1727 = tpu.memref_slice %arg7[%dma_wait3A_1722, %dma_wait3A_1725, %dma_wait3A_1726] : memref<4x64x129xf32, #tpu.memory_space<vmem>> -> memref<1x8x128xf32, #tpu.memory_space<vmem>>
        %dma_wait3A_1728 = tpu.memref_squeeze %dma_wait3A_1727 : memref<1x8x128xf32, #tpu.memory_space<vmem>> -> memref<8x128xf32, #tpu.memory_space<vmem>>
        %dma_wait3A_1729 = arith.constant 0 : i32
        %dma_wait3A_1730 = arith.constant 0 : i32
        %dma_wait3A_1731 = tpu.memref_slice %arg4[%dma_wait3A_1723, %dma_wait3A_1729, %dma_wait3A_1730] : memref<51200x8x128xf32, #tpu.memory_space<hbm>> -> memref<1x8x128xf32, #tpu.memory_space<hbm>>
        %dma_wait3A_1732 = tpu.memref_squeeze %dma_wait3A_1731 : memref<1x8x128xf32, #tpu.memory_space<hbm>> -> memref<8x128xf32, #tpu.memory_space<hbm>>
        %dma_wait3A_1733 = tpu.memref_slice %arg9[%dma_wait3A_1724] : memref<4x!tpu.dma_semaphore, #tpu.memory_space<semaphore_mem>> -> memref<1x!tpu.dma_semaphore, #tpu.memory_space<semaphore_mem>>
        %dma_wait3A_1734 = tpu.memref_squeeze %dma_wait3A_1733 : memref<1x!tpu.dma_semaphore, #tpu.memory_space<semaphore_mem>> -> memref<!tpu.dma_semaphore, #tpu.memory_space<semaphore_mem>>
        %dma_wait3A_1735 = arith.constant 0 : i32
        %dma_wait3A_1736 = arith.constant 0 : i32
        %dma_wait3A_1737 = tpu.memref_slice %arg4[%dma_wait3A_1723, %dma_wait3A_1735, %dma_wait3A_1736] : memref<51200x8x128xf32, #tpu.memory_space<hbm>> -> memref<1x8x128xf32, #tpu.memory_space<hbm>>
        %dma_wait3A_1738 = tpu.memref_squeeze %dma_wait3A_1737 : memref<1x8x128xf32, #tpu.memory_space<hbm>> -> memref<8x128xf32, #tpu.memory_space<hbm>>
        %dma_wait3A_1739 = arith.constant 0 : i32
        %dma_wait3A_1740 = arith.constant 0 : i32
        %dma_wait3A_1741 = tpu.memref_slice %arg7[%dma_wait3A_1722, %dma_wait3A_1739, %dma_wait3A_1740] : memref<4x64x129xf32, #tpu.memory_space<vmem>> -> memref<1x8x128xf32, #tpu.memory_space<vmem>>
        %dma_wait3A_1742 = tpu.memref_squeeze %dma_wait3A_1741 : memref<1x8x128xf32, #tpu.memory_space<vmem>> -> memref<8x128xf32, #tpu.memory_space<vmem>>
        tpu.wait_dma2 semaphore(%dma_wait3A_1734 : memref<!tpu.dma_semaphore, #tpu.memory_space<semaphore_mem>>) src(%dma_wait3A_1742 : memref<8x128xf32, #tpu.memory_space<vmem>>) dst(%dma_wait3A_1738 : memref<8x128xf32, #tpu.memory_space<hbm>>)
        %dma_wait3A_1743 = arith.constant 1 : i32
        %dma_wait3A_1744 = arith.constant 0 : i32
        %dma_wait3A_1745 = arith.constant 1 : i32
        %dma_wait3A_1746 = arith.constant 0 : i32
        %dma_wait3A_1747 = arith.constant 0 : i32
        %dma_wait3A_1748 = tpu.memref_slice %arg7[%dma_wait3A_1743, %dma_wait3A_1746, %dma_wait3A_1747] : memref<4x64x129xf32, #tpu.memory_space<vmem>> -> memref<1x8x128xf32, #tpu.memory_space<vmem>>
        %dma_wait3A_1749 = tpu.memref_squeeze %dma_wait3A_1748 : memref<1x8x128xf32, #tpu.memory_space<vmem>> -> memref<8x128xf32, #tpu.memory_space<vmem>>
        %dma_wait3A_1750 = arith.constant 0 : i32
        %dma_wait3A_1751 = arith.constant 0 : i32
        %dma_wait3A_1752 = tpu.memref_slice %arg4[%dma_wait3A_1744, %dma_wait3A_1750, %dma_wait3A_1751] : memref<51200x8x128xf32, #tpu.memory_space<hbm>> -> memref<1x8x128xf32, #tpu.memory_space<hbm>>
        %dma_wait3A_1753 = tpu.memref_squeeze %dma_wait3A_1752 : memref<1x8x128xf32, #tpu.memory_space<hbm>> -> memref<8x128xf32, #tpu.memory_space<hbm>>
        %dma_wait3A_1754 = tpu.memref_slice %arg9[%dma_wait3A_1745] : memref<4x!tpu.dma_semaphore, #tpu.memory_space<semaphore_mem>> -> memref<1x!tpu.dma_semaphore, #tpu.memory_space<semaphore_mem>>
        %dma_wait3A_1755 = tpu.memref_squeeze %dma_wait3A_1754 : memref<1x!tpu.dma_semaphore, #tpu.memory_space<semaphore_mem>> -> memref<!tpu.dma_semaphore, #tpu.memory_space<semaphore_mem>>
        %dma_wait3A_1756 = arith.constant 0 : i32
        %dma_wait3A_1757 = arith.constant 0 : i32
        %dma_wait3A_1758 = tpu.memref_slice %arg4[%dma_wait3A_1744, %dma_wait3A_1756, %dma_wait3A_1757] : memref<51200x8x128xf32, #tpu.memory_space<hbm>> -> memref<1x8x128xf32, #tpu.memory_space<hbm>>
        %dma_wait3A_1759 = tpu.memref_squeeze %dma_wait3A_1758 : memref<1x8x128xf32, #tpu.memory_space<hbm>> -> memref<8x128xf32, #tpu.memory_space<hbm>>
        %dma_wait3A_1760 = arith.constant 0 : i32
        %dma_wait3A_1761 = arith.constant 0 : i32
        %dma_wait3A_1762 = tpu.memref_slice %arg7[%dma_wait3A_1743, %dma_wait3A_1760, %dma_wait3A_1761] : memref<4x64x129xf32, #tpu.memory_space<vmem>> -> memref<1x8x128xf32, #tpu.memory_space<vmem>>
        %dma_wait3A_1763 = tpu.memref_squeeze %dma_wait3A_1762 : memref<1x8x128xf32, #tpu.memory_space<vmem>> -> memref<8x128xf32, #tpu.memory_space<vmem>>
        tpu.wait_dma2 semaphore(%dma_wait3A_1755 : memref<!tpu.dma_semaphore, #tpu.memory_space<semaphore_mem>>) src(%dma_wait3A_1763 : memref<8x128xf32, #tpu.memory_space<vmem>>) dst(%dma_wait3A_1759 : memref<8x128xf32, #tpu.memory_space<hbm>>)
        %dma_wait3A_1764 = arith.constant 1 : i32
        %dma_wait3A_1765 = arith.constant 0 : i32
        %dma_wait3A_1766 = arith.constant 1 : i32
        %dma_wait3A_1767 = arith.constant 0 : i32
        %dma_wait3A_1768 = arith.constant 0 : i32
        %dma_wait3A_1769 = tpu.memref_slice %arg7[%dma_wait3A_1764, %dma_wait3A_1767, %dma_wait3A_1768] : memref<4x64x129xf32, #tpu.memory_space<vmem>> -> memref<1x8x128xf32, #tpu.memory_space<vmem>>
        %dma_wait3A_1770 = tpu.memref_squeeze %dma_wait3A_1769 : memref<1x8x128xf32, #tpu.memory_space<vmem>> -> memref<8x128xf32, #tpu.memory_space<vmem>>
        %dma_wait3A_1771 = arith.constant 0 : i32
        %dma_wait3A_1772 = arith.constant 0 : i32
        %dma_wait3A_1773 = tpu.memref_slice %arg4[%dma_wait3A_1765, %dma_wait3A_1771, %dma_wait3A_1772] : memref<51200x8x128xf32, #tpu.memory_space<hbm>> -> memref<1x8x128xf32, #tpu.memory_space<hbm>>
        %dma_wait3A_1774 = tpu.memref_squeeze %dma_wait3A_1773 : memref<1x8x128xf32, #tpu.memory_space<hbm>> -> memref<8x128xf32, #tpu.memory_space<hbm>>
        %dma_wait3A_1775 = tpu.memref_slice %arg9[%dma_wait3A_1766] : memref<4x!tpu.dma_semaphore, #tpu.memory_space<semaphore_mem>> -> memref<1x!tpu.dma_semaphore, #tpu.memory_space<semaphore_mem>>
        %dma_wait3A_1776 = tpu.memref_squeeze %dma_wait3A_1775 : memref<1x!tpu.dma_semaphore, #tpu.memory_space<semaphore_mem>> -> memref<!tpu.dma_semaphore, #tpu.memory_space<semaphore_mem>>
        %dma_wait3A_1777 = arith.constant 0 : i32
        %dma_wait3A_1778 = arith.constant 0 : i32
        %dma_wait3A_1779 = tpu.memref_slice %arg4[%dma_wait3A_1765, %dma_wait3A_1777, %dma_wait3A_1778] : memref<51200x8x128xf32, #tpu.memory_space<hbm>> -> memref<1x8x128xf32, #tpu.memory_space<hbm>>
        %dma_wait3A_1780 = tpu.memref_squeeze %dma_wait3A_1779 : memref<1x8x128xf32, #tpu.memory_space<hbm>> -> memref<8x128xf32, #tpu.memory_space<hbm>>
        %dma_wait3A_1781 = arith.constant 0 : i32
        %dma_wait3A_1782 = arith.constant 0 : i32
        %dma_wait3A_1783 = tpu.memref_slice %arg7[%dma_wait3A_1764, %dma_wait3A_1781, %dma_wait3A_1782] : memref<4x64x129xf32, #tpu.memory_space<vmem>> -> memref<1x8x128xf32, #tpu.memory_space<vmem>>
        %dma_wait3A_1784 = tpu.memref_squeeze %dma_wait3A_1783 : memref<1x8x128xf32, #tpu.memory_space<vmem>> -> memref<8x128xf32, #tpu.memory_space<vmem>>
        tpu.wait_dma2 semaphore(%dma_wait3A_1776 : memref<!tpu.dma_semaphore, #tpu.memory_space<semaphore_mem>>) src(%dma_wait3A_1784 : memref<8x128xf32, #tpu.memory_space<vmem>>) dst(%dma_wait3A_1780 : memref<8x128xf32, #tpu.memory_space<hbm>>)
        %dma_wait3A_1785 = arith.constant 1 : i32
        %dma_wait3A_1786 = arith.constant 0 : i32
        %dma_wait3A_1787 = arith.constant 1 : i32
        %dma_wait3A_1788 = arith.constant 0 : i32
        %dma_wait3A_1789 = arith.constant 0 : i32
        %dma_wait3A_1790 = tpu.memref_slice %arg7[%dma_wait3A_1785, %dma_wait3A_1788, %dma_wait3A_1789] : memref<4x64x129xf32, #tpu.memory_space<vmem>> -> memref<1x8x128xf32, #tpu.memory_space<vmem>>
        %dma_wait3A_1791 = tpu.memref_squeeze %dma_wait3A_1790 : memref<1x8x128xf32, #tpu.memory_space<vmem>> -> memref<8x128xf32, #tpu.memory_space<vmem>>
        %dma_wait3A_1792 = arith.constant 0 : i32
        %dma_wait3A_1793 = arith.constant 0 : i32
        %dma_wait3A_1794 = tpu.memref_slice %arg4[%dma_wait3A_1786, %dma_wait3A_1792, %dma_wait3A_1793] : memref<51200x8x128xf32, #tpu.memory_space<hbm>> -> memref<1x8x128xf32, #tpu.memory_space<hbm>>
        %dma_wait3A_1795 = tpu.memref_squeeze %dma_wait3A_1794 : memref<1x8x128xf32, #tpu.memory_space<hbm>> -> memref<8x128xf32, #tpu.memory_space<hbm>>
        %dma_wait3A_1796 = tpu.memref_slice %arg9[%dma_wait3A_1787] : memref<4x!tpu.dma_semaphore, #tpu.memory_space<semaphore_mem>> -> memref<1x!tpu.dma_semaphore, #tpu.memory_space<semaphore_mem>>
        %dma_wait3A_1797 = tpu.memref_squeeze %dma_wait3A_1796 : memref<1x!tpu.dma_semaphore, #tpu.memory_space<semaphore_mem>> -> memref<!tpu.dma_semaphore, #tpu.memory_space<semaphore_mem>>
        %dma_wait3A_1798 = arith.constant 0 : i32
        %dma_wait3A_1799 = arith.constant 0 : i32
        %dma_wait3A_1800 = tpu.memref_slice %arg4[%dma_wait3A_1786, %dma_wait3A_1798, %dma_wait3A_1799] : memref<51200x8x128xf32, #tpu.memory_space<hbm>> -> memref<1x8x128xf32, #tpu.memory_space<hbm>>
        %dma_wait3A_1801 = tpu.memref_squeeze %dma_wait3A_1800 : memref<1x8x128xf32, #tpu.memory_space<hbm>> -> memref<8x128xf32, #tpu.memory_space<hbm>>
        %dma_wait3A_1802 = arith.constant 0 : i32
        %dma_wait3A_1803 = arith.constant 0 : i32
        %dma_wait3A_1804 = tpu.memref_slice %arg7[%dma_wait3A_1785, %dma_wait3A_1802, %dma_wait3A_1803] : memref<4x64x129xf32, #tpu.memory_space<vmem>> -> memref<1x8x128xf32, #tpu.memory_space<vmem>>
        %dma_wait3A_1805 = tpu.memref_squeeze %dma_wait3A_1804 : memref<1x8x128xf32, #tpu.memory_space<vmem>> -> memref<8x128xf32, #tpu.memory_space<vmem>>
        tpu.wait_dma2 semaphore(%dma_wait3A_1797 : memref<!tpu.dma_semaphore, #tpu.memory_space<semaphore_mem>>) src(%dma_wait3A_1805 : memref<8x128xf32, #tpu.memory_space<vmem>>) dst(%dma_wait3A_1801 : memref<8x128xf32, #tpu.memory_space<hbm>>)
        %dma_wait3A_1806 = arith.constant 1 : i32
        %dma_wait3A_1807 = arith.constant 0 : i32
        %dma_wait3A_1808 = arith.constant 1 : i32
        %dma_wait3A_1809 = arith.constant 0 : i32
        %dma_wait3A_1810 = arith.constant 0 : i32
        %dma_wait3A_1811 = tpu.memref_slice %arg7[%dma_wait3A_1806, %dma_wait3A_1809, %dma_wait3A_1810] : memref<4x64x129xf32, #tpu.memory_space<vmem>> -> memref<1x8x128xf32, #tpu.memory_space<vmem>>
        %dma_wait3A_1812 = tpu.memref_squeeze %dma_wait3A_1811 : memref<1x8x128xf32, #tpu.memory_space<vmem>> -> memref<8x128xf32, #tpu.memory_space<vmem>>
        %dma_wait3A_1813 = arith.constant 0 : i32
        %dma_wait3A_1814 = arith.constant 0 : i32
        %dma_wait3A_1815 = tpu.memref_slice %arg4[%dma_wait3A_1807, %dma_wait3A_1813, %dma_wait3A_1814] : memref<51200x8x128xf32, #tpu.memory_space<hbm>> -> memref<1x8x128xf32, #tpu.memory_space<hbm>>
        %dma_wait3A_1816 = tpu.memref_squeeze %dma_wait3A_1815 : memref<1x8x128xf32, #tpu.memory_space<hbm>> -> memref<8x128xf32, #tpu.memory_space<hbm>>
        %dma_wait3A_1817 = tpu.memref_slice %arg9[%dma_wait3A_1808] : memref<4x!tpu.dma_semaphore, #tpu.memory_space<semaphore_mem>> -> memref<1x!tpu.dma_semaphore, #tpu.memory_space<semaphore_mem>>
        %dma_wait3A_1818 = tpu.memref_squeeze %dma_wait3A_1817 : memref<1x!tpu.dma_semaphore, #tpu.memory_space<semaphore_mem>> -> memref<!tpu.dma_semaphore, #tpu.memory_space<semaphore_mem>>
        %dma_wait3A_1819 = arith.constant 0 : i32
        %dma_wait3A_1820 = arith.constant 0 : i32
        %dma_wait3A_1821 = tpu.memref_slice %arg4[%dma_wait3A_1807, %dma_wait3A_1819, %dma_wait3A_1820] : memref<51200x8x128xf32, #tpu.memory_space<hbm>> -> memref<1x8x128xf32, #tpu.memory_space<hbm>>
        %dma_wait3A_1822 = tpu.memref_squeeze %dma_wait3A_1821 : memref<1x8x128xf32, #tpu.memory_space<hbm>> -> memref<8x128xf32, #tpu.memory_space<hbm>>
        %dma_wait3A_1823 = arith.constant 0 : i32
        %dma_wait3A_1824 = arith.constant 0 : i32
        %dma_wait3A_1825 = tpu.memref_slice %arg7[%dma_wait3A_1806, %dma_wait3A_1823, %dma_wait3A_1824] : memref<4x64x129xf32, #tpu.memory_space<vmem>> -> memref<1x8x128xf32, #tpu.memory_space<vmem>>
        %dma_wait3A_1826 = tpu.memref_squeeze %dma_wait3A_1825 : memref<1x8x128xf32, #tpu.memory_space<vmem>> -> memref<8x128xf32, #tpu.memory_space<vmem>>
        tpu.wait_dma2 semaphore(%dma_wait3A_1818 : memref<!tpu.dma_semaphore, #tpu.memory_space<semaphore_mem>>) src(%dma_wait3A_1826 : memref<8x128xf32, #tpu.memory_space<vmem>>) dst(%dma_wait3A_1822 : memref<8x128xf32, #tpu.memory_space<hbm>>)
        %dma_wait3A_1827 = arith.constant 1 : i32
        %dma_wait3A_1828 = arith.constant 0 : i32
        %dma_wait3A_1829 = arith.constant 1 : i32
        %dma_wait3A_1830 = arith.constant 0 : i32
        %dma_wait3A_1831 = arith.constant 0 : i32
        %dma_wait3A_1832 = tpu.memref_slice %arg7[%dma_wait3A_1827, %dma_wait3A_1830, %dma_wait3A_1831] : memref<4x64x129xf32, #tpu.memory_space<vmem>> -> memref<1x8x128xf32, #tpu.memory_space<vmem>>
        %dma_wait3A_1833 = tpu.memref_squeeze %dma_wait3A_1832 : memref<1x8x128xf32, #tpu.memory_space<vmem>> -> memref<8x128xf32, #tpu.memory_space<vmem>>
        %dma_wait3A_1834 = arith.constant 0 : i32
        %dma_wait3A_1835 = arith.constant 0 : i32
        %dma_wait3A_1836 = tpu.memref_slice %arg4[%dma_wait3A_1828, %dma_wait3A_1834, %dma_wait3A_1835] : memref<51200x8x128xf32, #tpu.memory_space<hbm>> -> memref<1x8x128xf32, #tpu.memory_space<hbm>>
        %dma_wait3A_1837 = tpu.memref_squeeze %dma_wait3A_1836 : memref<1x8x128xf32, #tpu.memory_space<hbm>> -> memref<8x128xf32, #tpu.memory_space<hbm>>
        %dma_wait3A_1838 = tpu.memref_slice %arg9[%dma_wait3A_1829] : memref<4x!tpu.dma_semaphore, #tpu.memory_space<semaphore_mem>> -> memref<1x!tpu.dma_semaphore, #tpu.memory_space<semaphore_mem>>
        %dma_wait3A_1839 = tpu.memref_squeeze %dma_wait3A_1838 : memref<1x!tpu.dma_semaphore, #tpu.memory_space<semaphore_mem>> -> memref<!tpu.dma_semaphore, #tpu.memory_space<semaphore_mem>>
        %dma_wait3A_1840 = arith.constant 0 : i32
        %dma_wait3A_1841 = arith.constant 0 : i32
        %dma_wait3A_1842 = tpu.memref_slice %arg4[%dma_wait3A_1828, %dma_wait3A_1840, %dma_wait3A_1841] : memref<51200x8x128xf32, #tpu.memory_space<hbm>> -> memref<1x8x128xf32, #tpu.memory_space<hbm>>
        %dma_wait3A_1843 = tpu.memref_squeeze %dma_wait3A_1842 : memref<1x8x128xf32, #tpu.memory_space<hbm>> -> memref<8x128xf32, #tpu.memory_space<hbm>>
        %dma_wait3A_1844 = arith.constant 0 : i32
        %dma_wait3A_1845 = arith.constant 0 : i32
        %dma_wait3A_1846 = tpu.memref_slice %arg7[%dma_wait3A_1827, %dma_wait3A_1844, %dma_wait3A_1845] : memref<4x64x129xf32, #tpu.memory_space<vmem>> -> memref<1x8x128xf32, #tpu.memory_space<vmem>>
        %dma_wait3A_1847 = tpu.memref_squeeze %dma_wait3A_1846 : memref<1x8x128xf32, #tpu.memory_space<vmem>> -> memref<8x128xf32, #tpu.memory_space<vmem>>
        tpu.wait_dma2 semaphore(%dma_wait3A_1839 : memref<!tpu.dma_semaphore, #tpu.memory_space<semaphore_mem>>) src(%dma_wait3A_1847 : memref<8x128xf32, #tpu.memory_space<vmem>>) dst(%dma_wait3A_1843 : memref<8x128xf32, #tpu.memory_space<hbm>>)
        %dma_wait3A_1848 = arith.constant 1 : i32
        %dma_wait3A_1849 = arith.constant 0 : i32
        %dma_wait3A_1850 = arith.constant 1 : i32
        %dma_wait3A_1851 = arith.constant 0 : i32
        %dma_wait3A_1852 = arith.constant 0 : i32
        %dma_wait3A_1853 = tpu.memref_slice %arg7[%dma_wait3A_1848, %dma_wait3A_1851, %dma_wait3A_1852] : memref<4x64x129xf32, #tpu.memory_space<vmem>> -> memref<1x8x128xf32, #tpu.memory_space<vmem>>
        %dma_wait3A_1854 = tpu.memref_squeeze %dma_wait3A_1853 : memref<1x8x128xf32, #tpu.memory_space<vmem>> -> memref<8x128xf32, #tpu.memory_space<vmem>>
        %dma_wait3A_1855 = arith.constant 0 : i32
        %dma_wait3A_1856 = arith.constant 0 : i32
        %dma_wait3A_1857 = tpu.memref_slice %arg4[%dma_wait3A_1849, %dma_wait3A_1855, %dma_wait3A_1856] : memref<51200x8x128xf32, #tpu.memory_space<hbm>> -> memref<1x8x128xf32, #tpu.memory_space<hbm>>
        %dma_wait3A_1858 = tpu.memref_squeeze %dma_wait3A_1857 : memref<1x8x128xf32, #tpu.memory_space<hbm>> -> memref<8x128xf32, #tpu.memory_space<hbm>>
        %dma_wait3A_1859 = tpu.memref_slice %arg9[%dma_wait3A_1850] : memref<4x!tpu.dma_semaphore, #tpu.memory_space<semaphore_mem>> -> memref<1x!tpu.dma_semaphore, #tpu.memory_space<semaphore_mem>>
        %dma_wait3A_1860 = tpu.memref_squeeze %dma_wait3A_1859 : memref<1x!tpu.dma_semaphore, #tpu.memory_space<semaphore_mem>> -> memref<!tpu.dma_semaphore, #tpu.memory_space<semaphore_mem>>
        %dma_wait3A_1861 = arith.constant 0 : i32
        %dma_wait3A_1862 = arith.constant 0 : i32
        %dma_wait3A_1863 = tpu.memref_slice %arg4[%dma_wait3A_1849, %dma_wait3A_1861, %dma_wait3A_1862] : memref<51200x8x128xf32, #tpu.memory_space<hbm>> -> memref<1x8x128xf32, #tpu.memory_space<hbm>>
        %dma_wait3A_1864 = tpu.memref_squeeze %dma_wait3A_1863 : memref<1x8x128xf32, #tpu.memory_space<hbm>> -> memref<8x128xf32, #tpu.memory_space<hbm>>
        %dma_wait3A_1865 = arith.constant 0 : i32
        %dma_wait3A_1866 = arith.constant 0 : i32
        %dma_wait3A_1867 = tpu.memref_slice %arg7[%dma_wait3A_1848, %dma_wait3A_1865, %dma_wait3A_1866] : memref<4x64x129xf32, #tpu.memory_space<vmem>> -> memref<1x8x128xf32, #tpu.memory_space<vmem>>
        %dma_wait3A_1868 = tpu.memref_squeeze %dma_wait3A_1867 : memref<1x8x128xf32, #tpu.memory_space<vmem>> -> memref<8x128xf32, #tpu.memory_space<vmem>>
        tpu.wait_dma2 semaphore(%dma_wait3A_1860 : memref<!tpu.dma_semaphore, #tpu.memory_space<semaphore_mem>>) src(%dma_wait3A_1868 : memref<8x128xf32, #tpu.memory_space<vmem>>) dst(%dma_wait3A_1864 : memref<8x128xf32, #tpu.memory_space<hbm>>)
      } else {
      }
      %parallel_loop3A_1030 = arith.constant 0 : i32
      %parallel_loop3A_1031 = arith.constant 128 : i32
      %parallel_loop3A_1032 = arith.constant 1 : i32
      scf.for %parallel_loop3A_1701 = %parallel_loop3A_1030 to %parallel_loop3A_1031 step %parallel_loop3A_1032  : i32 {
        %parallel_loop3A_1702 = arith.constant 0 : i32
        %parallel_loop3A_1703 = vector.broadcast %parallel_loop3A_1702 : i32 to vector<16xi32>
        %parallel_loop3A_1704 = arith.muli %iota3A, %parallel_loop3A_1703 : vector<16xi32>
        %parallel_loop3A_1705 = vector.broadcast %parallel_loop3A_1701 : i32 to vector<16xi32>
        %parallel_loop3A_1706 = arith.addi %parallel_loop3A_1704, %parallel_loop3A_1705 : vector<16xi32>
        %parallel_loop3A_1707 = arith.constant 1 : i32
        %parallel_loop3A_1708 = arith.index_cast %parallel_loop3A_1707 : i32 to index
        %parallel_loop3A_1709 = arith.index_cast %parallel_loop3A_1701 : i32 to index
        %parallel_loop3A_1710 = arith.constant 0 : index
        %parallel_loop3A_1711 = tpu.vector_load %arg6[%parallel_loop3A_1708, %parallel_loop3A_1709, %parallel_loop3A_1710] {strides = array<i32>} : memref<4x128x128xf32, #tpu.memory_space<vmem>>, vector<16xf32>,
        %parallel_loop3A_1712 = arith.constant 1 : i32
        %parallel_loop3A_1713 = arith.constant 0 : i32
        %parallel_loop3A_1714 = arith.constant 0 : i32
        %parallel_loop3A_1715 = tpu.memref_slice %arg7[%parallel_loop3A_1712, %parallel_loop3A_1713, %parallel_loop3A_1714] : memref<4x64x129xf32, #tpu.memory_space<vmem>> -> memref<1x64x129xf32, #tpu.memory_space<vmem>>
        %parallel_loop3A_1716 = tpu.memref_squeeze %parallel_loop3A_1715 : memref<1x64x129xf32, #tpu.memory_space<vmem>> -> memref<64x129xf32, #tpu.memory_space<vmem>>
        tpu.vector_store_idx %parallel_loop3A_1716[%add3A_5, %parallel_loop3A_1706], %parallel_loop3A_1711 : memref<64x129xf32, #tpu.memory_space<vmem>>[vector<16xi32>, vector<16xi32>], vector<16xf32>,
        %parallel_loop3A_1717 = arith.constant 1 : i32
        %parallel_loop3A_1718 = arith.index_cast %parallel_loop3A_1717 : i32 to index
        %parallel_loop3A_1719 = arith.index_cast %parallel_loop3A_1701 : i32 to index
        %parallel_loop3A_1720 = arith.constant 16 : index
        %parallel_loop3A_1721 = tpu.vector_load %arg6[%parallel_loop3A_1718, %parallel_loop3A_1719, %parallel_loop3A_1720] {strides = array<i32>} : memref<4x128x128xf32, #tpu.memory_space<vmem>>, vector<16xf32>,
        %parallel_loop3A_1722 = arith.constant 1 : i32
        %parallel_loop3A_1723 = arith.constant 0 : i32
        %parallel_loop3A_1724 = arith.constant 0 : i32
        %parallel_loop3A_1725 = tpu.memref_slice %arg7[%parallel_loop3A_1722, %parallel_loop3A_1723, %parallel_loop3A_1724] : memref<4x64x129xf32, #tpu.memory_space<vmem>> -> memref<1x64x129xf32, #tpu.memory_space<vmem>>
        %parallel_loop3A_1726 = tpu.memref_squeeze %parallel_loop3A_1725 : memref<1x64x129xf32, #tpu.memory_space<vmem>> -> memref<64x129xf32, #tpu.memory_space<vmem>>
        tpu.vector_store_idx %parallel_loop3A_1726[%add3A_8, %parallel_loop3A_1706], %parallel_loop3A_1721 : memref<64x129xf32, #tpu.memory_space<vmem>>[vector<16xi32>, vector<16xi32>], vector<16xf32>,
        %parallel_loop3A_1727 = arith.constant 1 : i32
        %parallel_loop3A_1728 = arith.index_cast %parallel_loop3A_1727 : i32 to index
        %parallel_loop3A_1729 = arith.index_cast %parallel_loop3A_1701 : i32 to index
        %parallel_loop3A_1730 = arith.constant 32 : index
        %parallel_loop3A_1731 = tpu.vector_load %arg6[%parallel_loop3A_1728, %parallel_loop3A_1729, %parallel_loop3A_1730] {strides = array<i32>} : memref<4x128x128xf32, #tpu.memory_space<vmem>>, vector<16xf32>,
        %parallel_loop3A_1732 = arith.constant 1 : i32
        %parallel_loop3A_1733 = arith.constant 0 : i32
        %parallel_loop3A_1734 = arith.constant 0 : i32
        %parallel_loop3A_1735 = tpu.memref_slice %arg7[%parallel_loop3A_1732, %parallel_loop3A_1733, %parallel_loop3A_1734] : memref<4x64x129xf32, #tpu.memory_space<vmem>> -> memref<1x64x129xf32, #tpu.memory_space<vmem>>
        %parallel_loop3A_1736 = tpu.memref_squeeze %parallel_loop3A_1735 : memref<1x64x129xf32, #tpu.memory_space<vmem>> -> memref<64x129xf32, #tpu.memory_space<vmem>>
        tpu.vector_store_idx %parallel_loop3A_1736[%add3A_11, %parallel_loop3A_1706], %parallel_loop3A_1731 : memref<64x129xf32, #tpu.memory_space<vmem>>[vector<16xi32>, vector<16xi32>], vector<16xf32>,
        %parallel_loop3A_1737 = arith.constant 1 : i32
        %parallel_loop3A_1738 = arith.index_cast %parallel_loop3A_1737 : i32 to index
        %parallel_loop3A_1739 = arith.index_cast %parallel_loop3A_1701 : i32 to index
        %parallel_loop3A_1740 = arith.constant 48 : index
        %parallel_loop3A_1741 = tpu.vector_load %arg6[%parallel_loop3A_1738, %parallel_loop3A_1739, %parallel_loop3A_1740] {strides = array<i32>} : memref<4x128x128xf32, #tpu.memory_space<vmem>>, vector<16xf32>,
        %parallel_loop3A_1742 = arith.constant 1 : i32
        %parallel_loop3A_1743 = arith.constant 0 : i32
        %parallel_loop3A_1744 = arith.constant 0 : i32
        %parallel_loop3A_1745 = tpu.memref_slice %arg7[%parallel_loop3A_1742, %parallel_loop3A_1743, %parallel_loop3A_1744] : memref<4x64x129xf32, #tpu.memory_space<vmem>> -> memref<1x64x129xf32, #tpu.memory_space<vmem>>
        %parallel_loop3A_1746 = tpu.memref_squeeze %parallel_loop3A_1745 : memref<1x64x129xf32, #tpu.memory_space<vmem>> -> memref<64x129xf32, #tpu.memory_space<vmem>>
        tpu.vector_store_idx %parallel_loop3A_1746[%add3A_14, %parallel_loop3A_1706], %parallel_loop3A_1741 : memref<64x129xf32, #tpu.memory_space<vmem>>[vector<16xi32>, vector<16xi32>], vector<16xf32>,
      } {sc.loop_unroll_factor = 2 : i64, sc.parallel_access}
      %mul3A_1033 = arith.constant 8 : i32
      %mul3A_1034 = arith.muli %select_n3A_1007, %mul3A_1033 : i32
      %mul3A_1035 = arith.constant 128 : i32
      %mul3A_1036 = arith.muli %mul3A_1034, %mul3A_1035 : i32
      %add3A_1037 = arith.addi %mul3A_1036, %rem3A_1009 : i32
      %add3A_1038 = arith.constant 0 : i32
      %add3A_1039 = arith.addi %add3A_1037, %add3A_1038 : i32
      %dma_start3A_1040 = arith.constant 1 : i32
      %dma_start3A_1041 = arith.constant 1 : i32
      %dma_start3A_1042 = arith.constant 0 : i32
      %dma_start3A_1043 = arith.constant 0 : i32
      %dma_start3A_1044 = tpu.memref_slice %arg7[%dma_start3A_1040, %dma_start3A_1042, %dma_start3A_1043] : memref<4x64x129xf32, #tpu.memory_space<vmem>> -> memref<1x8x128xf32, #tpu.memory_space<vmem>>
      %dma_start3A_1045 = tpu.memref_squeeze %dma_start3A_1044 : memref<1x8x128xf32, #tpu.memory_space<vmem>> -> memref<8x128xf32, #tpu.memory_space<vmem>>
      %dma_start3A_1046 = arith.constant 0 : i32
      %dma_start3A_1047 = arith.constant 0 : i32
      %dma_start3A_1048 = tpu.memref_slice %arg4[%add3A_1039, %dma_start3A_1046, %dma_start3A_1047] : memref<51200x8x128xf32, #tpu.memory_space<hbm>> -> memref<1x8x128xf32, #tpu.memory_space<hbm>>
      %dma_start3A_1049 = tpu.memref_squeeze %dma_start3A_1048 : memref<1x8x128xf32, #tpu.memory_space<hbm>> -> memref<8x128xf32, #tpu.memory_space<hbm>>
      %dma_start3A_1050 = tpu.memref_slice %arg9[%dma_start3A_1041] : memref<4x!tpu.dma_semaphore, #tpu.memory_space<semaphore_mem>> -> memref<1x!tpu.dma_semaphore, #tpu.memory_space<semaphore_mem>>
      %dma_start3A_1051 = tpu.memref_squeeze %dma_start3A_1050 : memref<1x!tpu.dma_semaphore, #tpu.memory_space<semaphore_mem>> -> memref<!tpu.dma_semaphore, #tpu.memory_space<semaphore_mem>>
      %dma_start3A_1052 = arith.constant 0 : i32
      %dma_start3A_1053 = arith.constant 0 : i32
      %dma_start3A_1054 = tpu.memref_slice %arg4[%add3A_1039, %dma_start3A_1052, %dma_start3A_1053] : memref<51200x8x128xf32, #tpu.memory_space<hbm>> -> memref<1x8x128xf32, #tpu.memory_space<hbm>>
      %dma_start3A_1055 = tpu.memref_squeeze %dma_start3A_1054 : memref<1x8x128xf32, #tpu.memory_space<hbm>> -> memref<8x128xf32, #tpu.memory_space<hbm>>
      %dma_start3A_1056 = arith.constant 0 : i32
      %dma_start3A_1057 = arith.constant 0 : i32
      %dma_start3A_1058 = tpu.memref_slice %arg7[%dma_start3A_1040, %dma_start3A_1056, %dma_start3A_1057] : memref<4x64x129xf32, #tpu.memory_space<vmem>> -> memref<1x8x128xf32, #tpu.memory_space<vmem>>
      %dma_start3A_1059 = tpu.memref_squeeze %dma_start3A_1058 : memref<1x8x128xf32, #tpu.memory_space<vmem>> -> memref<8x128xf32, #tpu.memory_space<vmem>>
      tpu.enqueue_dma source(%dma_start3A_1059 : memref<8x128xf32, #tpu.memory_space<vmem>>) target(%dma_start3A_1055 : memref<8x128xf32, #tpu.memory_space<hbm>>) target_semaphore(%dma_start3A_1051 : memref<!tpu.dma_semaphore, #tpu.memory_space<semaphore_mem>>)
      %add3A_1060 = arith.constant 128 : i32
      %add3A_1061 = arith.addi %add3A_1037, %add3A_1060 : i32
      %dma_start3A_1062 = arith.constant 1 : i32
      %dma_start3A_1063 = arith.constant 1 : i32
      %dma_start3A_1064 = arith.constant 8 : i32
      %dma_start3A_1065 = arith.constant 0 : i32
      %dma_start3A_1066 = tpu.memref_slice %arg7[%dma_start3A_1062, %dma_start3A_1064, %dma_start3A_1065] : memref<4x64x129xf32, #tpu.memory_space<vmem>> -> memref<1x8x128xf32, #tpu.memory_space<vmem>>
      %dma_start3A_1067 = tpu.memref_squeeze %dma_start3A_1066 : memref<1x8x128xf32, #tpu.memory_space<vmem>> -> memref<8x128xf32, #tpu.memory_space<vmem>>
      %dma_start3A_1068 = arith.constant 0 : i32
      %dma_start3A_1069 = arith.constant 0 : i32
      %dma_start3A_1070 = tpu.memref_slice %arg4[%add3A_1061, %dma_start3A_1068, %dma_start3A_1069] : memref<51200x8x128xf32, #tpu.memory_space<hbm>> -> memref<1x8x128xf32, #tpu.memory_space<hbm>>
      %dma_start3A_1071 = tpu.memref_squeeze %dma_start3A_1070 : memref<1x8x128xf32, #tpu.memory_space<hbm>> -> memref<8x128xf32, #tpu.memory_space<hbm>>
      %dma_start3A_1072 = tpu.memref_slice %arg9[%dma_start3A_1063] : memref<4x!tpu.dma_semaphore, #tpu.memory_space<semaphore_mem>> -> memref<1x!tpu.dma_semaphore, #tpu.memory_space<semaphore_mem>>
      %dma_start3A_1073 = tpu.memref_squeeze %dma_start3A_1072 : memref<1x!tpu.dma_semaphore, #tpu.memory_space<semaphore_mem>> -> memref<!tpu.dma_semaphore, #tpu.memory_space<semaphore_mem>>
      %dma_start3A_1074 = arith.constant 0 : i32
      %dma_start3A_1075 = arith.constant 0 : i32
      %dma_start3A_1076 = tpu.memref_slice %arg4[%add3A_1061, %dma_start3A_1074, %dma_start3A_1075] : memref<51200x8x128xf32, #tpu.memory_space<hbm>> -> memref<1x8x128xf32, #tpu.memory_space<hbm>>
      %dma_start3A_1077 = tpu.memref_squeeze %dma_start3A_1076 : memref<1x8x128xf32, #tpu.memory_space<hbm>> -> memref<8x128xf32, #tpu.memory_space<hbm>>
      %dma_start3A_1078 = arith.constant 8 : i32
      %dma_start3A_1079 = arith.constant 0 : i32
      %dma_start3A_1080 = tpu.memref_slice %arg7[%dma_start3A_1062, %dma_start3A_1078, %dma_start3A_1079] : memref<4x64x129xf32, #tpu.memory_space<vmem>> -> memref<1x8x128xf32, #tpu.memory_space<vmem>>
      %dma_start3A_1081 = tpu.memref_squeeze %dma_start3A_1080 : memref<1x8x128xf32, #tpu.memory_space<vmem>> -> memref<8x128xf32, #tpu.memory_space<vmem>>
      tpu.enqueue_dma source(%dma_start3A_1081 : memref<8x128xf32, #tpu.memory_space<vmem>>) target(%dma_start3A_1077 : memref<8x128xf32, #tpu.memory_space<hbm>>) target_semaphore(%dma_start3A_1073 : memref<!tpu.dma_semaphore, #tpu.memory_space<semaphore_mem>>)
      %add3A_1082 = arith.constant 256 : i32
      %add3A_1083 = arith.addi %add3A_1037, %add3A_1082 : i32
      %dma_start3A_1084 = arith.constant 1 : i32
      %dma_start3A_1085 = arith.constant 1 : i32
      %dma_start3A_1086 = arith.constant 16 : i32
      %dma_start3A_1087 = arith.constant 0 : i32
      %dma_start3A_1088 = tpu.memref_slice %arg7[%dma_start3A_1084, %dma_start3A_1086, %dma_start3A_1087] : memref<4x64x129xf32, #tpu.memory_space<vmem>> -> memref<1x8x128xf32, #tpu.memory_space<vmem>>
      %dma_start3A_1089 = tpu.memref_squeeze %dma_start3A_1088 : memref<1x8x128xf32, #tpu.memory_space<vmem>> -> memref<8x128xf32, #tpu.memory_space<vmem>>
      %dma_start3A_1090 = arith.constant 0 : i32
      %dma_start3A_1091 = arith.constant 0 : i32
      %dma_start3A_1092 = tpu.memref_slice %arg4[%add3A_1083, %dma_start3A_1090, %dma_start3A_1091] : memref<51200x8x128xf32, #tpu.memory_space<hbm>> -> memref<1x8x128xf32, #tpu.memory_space<hbm>>
      %dma_start3A_1093 = tpu.memref_squeeze %dma_start3A_1092 : memref<1x8x128xf32, #tpu.memory_space<hbm>> -> memref<8x128xf32, #tpu.memory_space<hbm>>
      %dma_start3A_1094 = tpu.memref_slice %arg9[%dma_start3A_1085] : memref<4x!tpu.dma_semaphore, #tpu.memory_space<semaphore_mem>> -> memref<1x!tpu.dma_semaphore, #tpu.memory_space<semaphore_mem>>
      %dma_start3A_1095 = tpu.memref_squeeze %dma_start3A_1094 : memref<1x!tpu.dma_semaphore, #tpu.memory_space<semaphore_mem>> -> memref<!tpu.dma_semaphore, #tpu.memory_space<semaphore_mem>>
      %dma_start3A_1096 = arith.constant 0 : i32
      %dma_start3A_1097 = arith.constant 0 : i32
      %dma_start3A_1098 = tpu.memref_slice %arg4[%add3A_1083, %dma_start3A_1096, %dma_start3A_1097] : memref<51200x8x128xf32, #tpu.memory_space<hbm>> -> memref<1x8x128xf32, #tpu.memory_space<hbm>>
      %dma_start3A_1099 = tpu.memref_squeeze %dma_start3A_1098 : memref<1x8x128xf32, #tpu.memory_space<hbm>> -> memref<8x128xf32, #tpu.memory_space<hbm>>
      %dma_start3A_1100 = arith.constant 16 : i32
      %dma_start3A_1101 = arith.constant 0 : i32
      %dma_start3A_1102 = tpu.memref_slice %arg7[%dma_start3A_1084, %dma_start3A_1100, %dma_start3A_1101] : memref<4x64x129xf32, #tpu.memory_space<vmem>> -> memref<1x8x128xf32, #tpu.memory_space<vmem>>
      %dma_start3A_1103 = tpu.memref_squeeze %dma_start3A_1102 : memref<1x8x128xf32, #tpu.memory_space<vmem>> -> memref<8x128xf32, #tpu.memory_space<vmem>>
      tpu.enqueue_dma source(%dma_start3A_1103 : memref<8x128xf32, #tpu.memory_space<vmem>>) target(%dma_start3A_1099 : memref<8x128xf32, #tpu.memory_space<hbm>>) target_semaphore(%dma_start3A_1095 : memref<!tpu.dma_semaphore, #tpu.memory_space<semaphore_mem>>)
      %add3A_1104 = arith.constant 384 : i32
      %add3A_1105 = arith.addi %add3A_1037, %add3A_1104 : i32
      %dma_start3A_1106 = arith.constant 1 : i32
      %dma_start3A_1107 = arith.constant 1 : i32
      %dma_start3A_1108 = arith.constant 24 : i32
      %dma_start3A_1109 = arith.constant 0 : i32
      %dma_start3A_1110 = tpu.memref_slice %arg7[%dma_start3A_1106, %dma_start3A_1108, %dma_start3A_1109] : memref<4x64x129xf32, #tpu.memory_space<vmem>> -> memref<1x8x128xf32, #tpu.memory_space<vmem>>
      %dma_start3A_1111 = tpu.memref_squeeze %dma_start3A_1110 : memref<1x8x128xf32, #tpu.memory_space<vmem>> -> memref<8x128xf32, #tpu.memory_space<vmem>>
      %dma_start3A_1112 = arith.constant 0 : i32
      %dma_start3A_1113 = arith.constant 0 : i32
      %dma_start3A_1114 = tpu.memref_slice %arg4[%add3A_1105, %dma_start3A_1112, %dma_start3A_1113] : memref<51200x8x128xf32, #tpu.memory_space<hbm>> -> memref<1x8x128xf32, #tpu.memory_space<hbm>>
      %dma_start3A_1115 = tpu.memref_squeeze %dma_start3A_1114 : memref<1x8x128xf32, #tpu.memory_space<hbm>> -> memref<8x128xf32, #tpu.memory_space<hbm>>
      %dma_start3A_1116 = tpu.memref_slice %arg9[%dma_start3A_1107] : memref<4x!tpu.dma_semaphore, #tpu.memory_space<semaphore_mem>> -> memref<1x!tpu.dma_semaphore, #tpu.memory_space<semaphore_mem>>
      %dma_start3A_1117 = tpu.memref_squeeze %dma_start3A_1116 : memref<1x!tpu.dma_semaphore, #tpu.memory_space<semaphore_mem>> -> memref<!tpu.dma_semaphore, #tpu.memory_space<semaphore_mem>>
      %dma_start3A_1118 = arith.constant 0 : i32
      %dma_start3A_1119 = arith.constant 0 : i32
      %dma_start3A_1120 = tpu.memref_slice %arg4[%add3A_1105, %dma_start3A_1118, %dma_start3A_1119] : memref<51200x8x128xf32, #tpu.memory_space<hbm>> -> memref<1x8x128xf32, #tpu.memory_space<hbm>>
      %dma_start3A_1121 = tpu.memref_squeeze %dma_start3A_1120 : memref<1x8x128xf32, #tpu.memory_space<hbm>> -> memref<8x128xf32, #tpu.memory_space<hbm>>
      %dma_start3A_1122 = arith.constant 24 : i32
      %dma_start3A_1123 = arith.constant 0 : i32
      %dma_start3A_1124 = tpu.memref_slice %arg7[%dma_start3A_1106, %dma_start3A_1122, %dma_start3A_1123] : memref<4x64x129xf32, #tpu.memory_space<vmem>> -> memref<1x8x128xf32, #tpu.memory_space<vmem>>
      %dma_start3A_1125 = tpu.memref_squeeze %dma_start3A_1124 : memref<1x8x128xf32, #tpu.memory_space<vmem>> -> memref<8x128xf32, #tpu.memory_space<vmem>>
      tpu.enqueue_dma source(%dma_start3A_1125 : memref<8x128xf32, #tpu.memory_space<vmem>>) target(%dma_start3A_1121 : memref<8x128xf32, #tpu.memory_space<hbm>>) target_semaphore(%dma_start3A_1117 : memref<!tpu.dma_semaphore, #tpu.memory_space<semaphore_mem>>)
      %add3A_1126 = arith.constant 512 : i32
      %add3A_1127 = arith.addi %add3A_1037, %add3A_1126 : i32
      %dma_start3A_1128 = arith.constant 1 : i32
      %dma_start3A_1129 = arith.constant 1 : i32
      %dma_start3A_1130 = arith.constant 32 : i32
      %dma_start3A_1131 = arith.constant 0 : i32
      %dma_start3A_1132 = tpu.memref_slice %arg7[%dma_start3A_1128, %dma_start3A_1130, %dma_start3A_1131] : memref<4x64x129xf32, #tpu.memory_space<vmem>> -> memref<1x8x128xf32, #tpu.memory_space<vmem>>
      %dma_start3A_1133 = tpu.memref_squeeze %dma_start3A_1132 : memref<1x8x128xf32, #tpu.memory_space<vmem>> -> memref<8x128xf32, #tpu.memory_space<vmem>>
      %dma_start3A_1134 = arith.constant 0 : i32
      %dma_start3A_1135 = arith.constant 0 : i32
      %dma_start3A_1136 = tpu.memref_slice %arg4[%add3A_1127, %dma_start3A_1134, %dma_start3A_1135] : memref<51200x8x128xf32, #tpu.memory_space<hbm>> -> memref<1x8x128xf32, #tpu.memory_space<hbm>>
      %dma_start3A_1137 = tpu.memref_squeeze %dma_start3A_1136 : memref<1x8x128xf32, #tpu.memory_space<hbm>> -> memref<8x128xf32, #tpu.memory_space<hbm>>
      %dma_start3A_1138 = tpu.memref_slice %arg9[%dma_start3A_1129] : memref<4x!tpu.dma_semaphore, #tpu.memory_space<semaphore_mem>> -> memref<1x!tpu.dma_semaphore, #tpu.memory_space<semaphore_mem>>
      %dma_start3A_1139 = tpu.memref_squeeze %dma_start3A_1138 : memref<1x!tpu.dma_semaphore, #tpu.memory_space<semaphore_mem>> -> memref<!tpu.dma_semaphore, #tpu.memory_space<semaphore_mem>>
      %dma_start3A_1140 = arith.constant 0 : i32
      %dma_start3A_1141 = arith.constant 0 : i32
      %dma_start3A_1142 = tpu.memref_slice %arg4[%add3A_1127, %dma_start3A_1140, %dma_start3A_1141] : memref<51200x8x128xf32, #tpu.memory_space<hbm>> -> memref<1x8x128xf32, #tpu.memory_space<hbm>>
      %dma_start3A_1143 = tpu.memref_squeeze %dma_start3A_1142 : memref<1x8x128xf32, #tpu.memory_space<hbm>> -> memref<8x128xf32, #tpu.memory_space<hbm>>
      %dma_start3A_1144 = arith.constant 32 : i32
      %dma_start3A_1145 = arith.constant 0 : i32
      %dma_start3A_1146 = tpu.memref_slice %arg7[%dma_start3A_1128, %dma_start3A_1144, %dma_start3A_1145] : memref<4x64x129xf32, #tpu.memory_space<vmem>> -> memref<1x8x128xf32, #tpu.memory_space<vmem>>
      %dma_start3A_1147 = tpu.memref_squeeze %dma_start3A_1146 : memref<1x8x128xf32, #tpu.memory_space<vmem>> -> memref<8x128xf32, #tpu.memory_space<vmem>>
      tpu.enqueue_dma source(%dma_start3A_1147 : memref<8x128xf32, #tpu.memory_space<vmem>>) target(%dma_start3A_1143 : memref<8x128xf32, #tpu.memory_space<hbm>>) target_semaphore(%dma_start3A_1139 : memref<!tpu.dma_semaphore, #tpu.memory_space<semaphore_mem>>)
      %add3A_1148 = arith.constant 640 : i32
      %add3A_1149 = arith.addi %add3A_1037, %add3A_1148 : i32
      %dma_start3A_1150 = arith.constant 1 : i32
      %dma_start3A_1151 = arith.constant 1 : i32
      %dma_start3A_1152 = arith.constant 40 : i32
      %dma_start3A_1153 = arith.constant 0 : i32
      %dma_start3A_1154 = tpu.memref_slice %arg7[%dma_start3A_1150, %dma_start3A_1152, %dma_start3A_1153] : memref<4x64x129xf32, #tpu.memory_space<vmem>> -> memref<1x8x128xf32, #tpu.memory_space<vmem>>
      %dma_start3A_1155 = tpu.memref_squeeze %dma_start3A_1154 : memref<1x8x128xf32, #tpu.memory_space<vmem>> -> memref<8x128xf32, #tpu.memory_space<vmem>>
      %dma_start3A_1156 = arith.constant 0 : i32
      %dma_start3A_1157 = arith.constant 0 : i32
      %dma_start3A_1158 = tpu.memref_slice %arg4[%add3A_1149, %dma_start3A_1156, %dma_start3A_1157] : memref<51200x8x128xf32, #tpu.memory_space<hbm>> -> memref<1x8x128xf32, #tpu.memory_space<hbm>>
      %dma_start3A_1159 = tpu.memref_squeeze %dma_start3A_1158 : memref<1x8x128xf32, #tpu.memory_space<hbm>> -> memref<8x128xf32, #tpu.memory_space<hbm>>
      %dma_start3A_1160 = tpu.memref_slice %arg9[%dma_start3A_1151] : memref<4x!tpu.dma_semaphore, #tpu.memory_space<semaphore_mem>> -> memref<1x!tpu.dma_semaphore, #tpu.memory_space<semaphore_mem>>
      %dma_start3A_1161 = tpu.memref_squeeze %dma_start3A_1160 : memref<1x!tpu.dma_semaphore, #tpu.memory_space<semaphore_mem>> -> memref<!tpu.dma_semaphore, #tpu.memory_space<semaphore_mem>>
      %dma_start3A_1162 = arith.constant 0 : i32
      %dma_start3A_1163 = arith.constant 0 : i32
      %dma_start3A_1164 = tpu.memref_slice %arg4[%add3A_1149, %dma_start3A_1162, %dma_start3A_1163] : memref<51200x8x128xf32, #tpu.memory_space<hbm>> -> memref<1x8x128xf32, #tpu.memory_space<hbm>>
      %dma_start3A_1165 = tpu.memref_squeeze %dma_start3A_1164 : memref<1x8x128xf32, #tpu.memory_space<hbm>> -> memref<8x128xf32, #tpu.memory_space<hbm>>
      %dma_start3A_1166 = arith.constant 40 : i32
      %dma_start3A_1167 = arith.constant 0 : i32
      %dma_start3A_1168 = tpu.memref_slice %arg7[%dma_start3A_1150, %dma_start3A_1166, %dma_start3A_1167] : memref<4x64x129xf32, #tpu.memory_space<vmem>> -> memref<1x8x128xf32, #tpu.memory_space<vmem>>
      %dma_start3A_1169 = tpu.memref_squeeze %dma_start3A_1168 : memref<1x8x128xf32, #tpu.memory_space<vmem>> -> memref<8x128xf32, #tpu.memory_space<vmem>>
      tpu.enqueue_dma source(%dma_start3A_1169 : memref<8x128xf32, #tpu.memory_space<vmem>>) target(%dma_start3A_1165 : memref<8x128xf32, #tpu.memory_space<hbm>>) target_semaphore(%dma_start3A_1161 : memref<!tpu.dma_semaphore, #tpu.memory_space<semaphore_mem>>)
      %add3A_1170 = arith.constant 768 : i32
      %add3A_1171 = arith.addi %add3A_1037, %add3A_1170 : i32
      %dma_start3A_1172 = arith.constant 1 : i32
      %dma_start3A_1173 = arith.constant 1 : i32
      %dma_start3A_1174 = arith.constant 48 : i32
      %dma_start3A_1175 = arith.constant 0 : i32
      %dma_start3A_1176 = tpu.memref_slice %arg7[%dma_start3A_1172, %dma_start3A_1174, %dma_start3A_1175] : memref<4x64x129xf32, #tpu.memory_space<vmem>> -> memref<1x8x128xf32, #tpu.memory_space<vmem>>
      %dma_start3A_1177 = tpu.memref_squeeze %dma_start3A_1176 : memref<1x8x128xf32, #tpu.memory_space<vmem>> -> memref<8x128xf32, #tpu.memory_space<vmem>>
      %dma_start3A_1178 = arith.constant 0 : i32
      %dma_start3A_1179 = arith.constant 0 : i32
      %dma_start3A_1180 = tpu.memref_slice %arg4[%add3A_1171, %dma_start3A_1178, %dma_start3A_1179] : memref<51200x8x128xf32, #tpu.memory_space<hbm>> -> memref<1x8x128xf32, #tpu.memory_space<hbm>>
      %dma_start3A_1181 = tpu.memref_squeeze %dma_start3A_1180 : memref<1x8x128xf32, #tpu.memory_space<hbm>> -> memref<8x128xf32, #tpu.memory_space<hbm>>
      %dma_start3A_1182 = tpu.memref_slice %arg9[%dma_start3A_1173] : memref<4x!tpu.dma_semaphore, #tpu.memory_space<semaphore_mem>> -> memref<1x!tpu.dma_semaphore, #tpu.memory_space<semaphore_mem>>
      %dma_start3A_1183 = tpu.memref_squeeze %dma_start3A_1182 : memref<1x!tpu.dma_semaphore, #tpu.memory_space<semaphore_mem>> -> memref<!tpu.dma_semaphore, #tpu.memory_space<semaphore_mem>>
      %dma_start3A_1184 = arith.constant 0 : i32
      %dma_start3A_1185 = arith.constant 0 : i32
      %dma_start3A_1186 = tpu.memref_slice %arg4[%add3A_1171, %dma_start3A_1184, %dma_start3A_1185] : memref<51200x8x128xf32, #tpu.memory_space<hbm>> -> memref<1x8x128xf32, #tpu.memory_space<hbm>>
      %dma_start3A_1187 = tpu.memref_squeeze %dma_start3A_1186 : memref<1x8x128xf32, #tpu.memory_space<hbm>> -> memref<8x128xf32, #tpu.memory_space<hbm>>
      %dma_start3A_1188 = arith.constant 48 : i32
      %dma_start3A_1189 = arith.constant 0 : i32
      %dma_start3A_1190 = tpu.memref_slice %arg7[%dma_start3A_1172, %dma_start3A_1188, %dma_start3A_1189] : memref<4x64x129xf32, #tpu.memory_space<vmem>> -> memref<1x8x128xf32, #tpu.memory_space<vmem>>
      %dma_start3A_1191 = tpu.memref_squeeze %dma_start3A_1190 : memref<1x8x128xf32, #tpu.memory_space<vmem>> -> memref<8x128xf32, #tpu.memory_space<vmem>>
      tpu.enqueue_dma source(%dma_start3A_1191 : memref<8x128xf32, #tpu.memory_space<vmem>>) target(%dma_start3A_1187 : memref<8x128xf32, #tpu.memory_space<hbm>>) target_semaphore(%dma_start3A_1183 : memref<!tpu.dma_semaphore, #tpu.memory_space<semaphore_mem>>)
      %add3A_1192 = arith.constant 896 : i32
      %add3A_1193 = arith.addi %add3A_1037, %add3A_1192 : i32
      %dma_start3A_1194 = arith.constant 1 : i32
      %dma_start3A_1195 = arith.constant 1 : i32
      %dma_start3A_1196 = arith.constant 56 : i32
      %dma_start3A_1197 = arith.constant 0 : i32
      %dma_start3A_1198 = tpu.memref_slice %arg7[%dma_start3A_1194, %dma_start3A_1196, %dma_start3A_1197] : memref<4x64x129xf32, #tpu.memory_space<vmem>> -> memref<1x8x128xf32, #tpu.memory_space<vmem>>
      %dma_start3A_1199 = tpu.memref_squeeze %dma_start3A_1198 : memref<1x8x128xf32, #tpu.memory_space<vmem>> -> memref<8x128xf32, #tpu.memory_space<vmem>>
      %dma_start3A_1200 = arith.constant 0 : i32
      %dma_start3A_1201 = arith.constant 0 : i32
      %dma_start3A_1202 = tpu.memref_slice %arg4[%add3A_1193, %dma_start3A_1200, %dma_start3A_1201] : memref<51200x8x128xf32, #tpu.memory_space<hbm>> -> memref<1x8x128xf32, #tpu.memory_space<hbm>>
      %dma_start3A_1203 = tpu.memref_squeeze %dma_start3A_1202 : memref<1x8x128xf32, #tpu.memory_space<hbm>> -> memref<8x128xf32, #tpu.memory_space<hbm>>
      %dma_start3A_1204 = tpu.memref_slice %arg9[%dma_start3A_1195] : memref<4x!tpu.dma_semaphore, #tpu.memory_space<semaphore_mem>> -> memref<1x!tpu.dma_semaphore, #tpu.memory_space<semaphore_mem>>
      %dma_start3A_1205 = tpu.memref_squeeze %dma_start3A_1204 : memref<1x!tpu.dma_semaphore, #tpu.memory_space<semaphore_mem>> -> memref<!tpu.dma_semaphore, #tpu.memory_space<semaphore_mem>>
      %dma_start3A_1206 = arith.constant 0 : i32
      %dma_start3A_1207 = arith.constant 0 : i32
      %dma_start3A_1208 = tpu.memref_slice %arg4[%add3A_1193, %dma_start3A_1206, %dma_start3A_1207] : memref<51200x8x128xf32, #tpu.memory_space<hbm>> -> memref<1x8x128xf32, #tpu.memory_space<hbm>>
      %dma_start3A_1209 = tpu.memref_squeeze %dma_start3A_1208 : memref<1x8x128xf32, #tpu.memory_space<hbm>> -> memref<8x128xf32, #tpu.memory_space<hbm>>
      %dma_start3A_1210 = arith.constant 56 : i32
      %dma_start3A_1211 = arith.constant 0 : i32
      %dma_start3A_1212 = tpu.memref_slice %arg7[%dma_start3A_1194, %dma_start3A_1210, %dma_start3A_1211] : memref<4x64x129xf32, #tpu.memory_space<vmem>> -> memref<1x8x128xf32, #tpu.memory_space<vmem>>
      %dma_start3A_1213 = tpu.memref_squeeze %dma_start3A_1212 : memref<1x8x128xf32, #tpu.memory_space<vmem>> -> memref<8x128xf32, #tpu.memory_space<vmem>>
      tpu.enqueue_dma source(%dma_start3A_1213 : memref<8x128xf32, #tpu.memory_space<vmem>>) target(%dma_start3A_1209 : memref<8x128xf32, #tpu.memory_space<hbm>>) target_semaphore(%dma_start3A_1205 : memref<!tpu.dma_semaphore, #tpu.memory_space<semaphore_mem>>)
      %add3A_1214 = arith.constant 4 : i32
      %add3A_1215 = arith.addi %add3A_982, %add3A_1214 : i32
      %lt3A_1216 = arith.constant 200 : i32
      %lt3A_1217 = arith.cmpi slt, %add3A_1215, %lt3A_1216 : i32
      %convert_element_type3A_1218 = arith.extui %lt3A_1217 : i1 to i32
      %cond3A_1219 = arith.constant 0 : i32
      %cond3A_1220 = arith.cmpi ne, %convert_element_type3A_1218, %cond3A_1219 : i32
      scf.if %cond3A_1220 {
        %dma_start3A_1701 = arith.constant 1 : i32
        %dma_start3A_1702 = arith.constant 1 : i32
        %dma_start3A_1703 = arith.constant 0 : i32
        %dma_start3A_1704 = arith.constant 0 : i32
        %dma_start3A_1705 = tpu.memref_slice %arg6[%dma_start3A_1701, %dma_start3A_1703, %dma_start3A_1704] : memref<4x128x128xf32, #tpu.memory_space<vmem>> -> memref<1x128x128xf32, #tpu.memory_space<vmem>>
        %dma_start3A_1706 = tpu.memref_squeeze %dma_start3A_1705 : memref<1x128x128xf32, #tpu.memory_space<vmem>> -> memref<128x128xf32, #tpu.memory_space<vmem>>
        %dma_start3A_1707 = arith.constant 0 : i32
        %dma_start3A_1708 = tpu.memref_slice %arg5[%add3A_1215, %dma_start3A_1707] : memref<200x128xi32, #tpu.memory_space<vmem>> -> memref<1x128xi32, #tpu.memory_space<vmem>>
        %dma_start3A_1709 = tpu.memref_squeeze %dma_start3A_1708 : memref<1x128xi32, #tpu.memory_space<vmem>> -> memref<128xi32, #tpu.memory_space<vmem>>
        %dma_start3A_1710 = arith.constant 0 : i32
        %dma_start3A_1711 = arith.constant 0 : i32
        %dma_start3A_1712 = tpu.memref_slice %arg3[%dma_start3A_1710, %dma_start3A_1711] : memref<1000000x128xf32, #tpu.memory_space<hbm>> -> memref<1000000x128xf32, #tpu.memory_space<hbm>>
        %dma_start3A_1713 = tpu.memref_slice %arg8[%dma_start3A_1702] : memref<4x!tpu.dma_semaphore, #tpu.memory_space<semaphore_mem>> -> memref<1x!tpu.dma_semaphore, #tpu.memory_space<semaphore_mem>>
        %dma_start3A_1714 = tpu.memref_squeeze %dma_start3A_1713 : memref<1x!tpu.dma_semaphore, #tpu.memory_space<semaphore_mem>> -> memref<!tpu.dma_semaphore, #tpu.memory_space<semaphore_mem>>
        tpu.enqueue_indirect_dma source(%dma_start3A_1712 : memref<1000000x128xf32, #tpu.memory_space<hbm>>) target(%dma_start3A_1706 : memref<128x128xf32, #tpu.memory_space<vmem>>) offsets(%dma_start3A_1709 : memref<128xi32, #tpu.memory_space<vmem>>) semaphore(%dma_start3A_1714 : memref<!tpu.dma_semaphore, #tpu.memory_space<semaphore_mem>>)
      } else {
      }
      %add3A_1221 = arith.constant 2 : i32
      %add3A_1222 = arith.addi %add3A_753, %add3A_1221 : i32
      %add3A_1223 = arith.addi %mul3A_2, %add3A_1222 : i32
      %jit3A_1224 = arith.constant 128 : i32
      %div3A_1225 = arith.divsi %add3A_1223, %jit3A_1224 : i32
      %sign3A_1226 = arith.constant 0 : i32
      %sign3A_1227 = arith.cmpi sgt, %add3A_1223, %sign3A_1226 : i32
      %sign3A_1228 = arith.extui %sign3A_1227 : i1 to i32
      %sign3A_1229 = arith.constant 0 : i32
      %sign3A_1230 = arith.cmpi slt, %add3A_1223, %sign3A_1229 : i32
      %sign3A_1231 = arith.extui %sign3A_1230 : i1 to i32
      %sign3A_1232 = arith.subi %sign3A_1228, %sign3A_1231 : i32
      %sign3A_1233 = arith.constant 0 : i32
      %sign3A_1234 = arith.cmpi sgt, %jit3A_1224, %sign3A_1233 : i32
      %sign3A_1235 = arith.extui %sign3A_1234 : i1 to i32
      %sign3A_1236 = arith.constant 0 : i32
      %sign3A_1237 = arith.cmpi slt, %jit3A_1224, %sign3A_1236 : i32
      %sign3A_1238 = arith.extui %sign3A_1237 : i1 to i32
      %sign3A_1239 = arith.subi %sign3A_1235, %sign3A_1238 : i32
      %ne3A_1240 = arith.cmpi ne, %sign3A_1232, %sign3A_1239 : i32
      %rem3A_1241 = arith.remsi %add3A_1223, %jit3A_1224 : i32
      %ne3A_1242 = arith.constant 0 : i32
      %ne3A_1243 = arith.cmpi ne, %rem3A_1241, %ne3A_1242 : i32
      %and3A_1244 = arith.andi %ne3A_1240, %ne3A_1243 : i1
      %sub3A_1245 = arith.constant 1 : i32
      %sub3A_1246 = arith.subi %div3A_1225, %sub3A_1245 : i32
      %select_n3A_1247 = arith.select %and3A_1244, %sub3A_1246, %div3A_1225 : i32
      %rem3A_1248 = arith.constant 128 : i32
      %rem3A_1249 = arith.remsi %add3A_1223, %rem3A_1248 : i32
      %dma_wait3A_1250 = arith.constant 0 : i32
      %dma_wait3A_1251 = arith.constant 2 : i32
      %dma_wait3A_1252 = arith.constant 2 : i32
      %dma_wait3A_1253 = arith.constant 0 : i32
      %dma_wait3A_1254 = arith.constant 0 : i32
      %dma_wait3A_1255 = tpu.memref_slice %arg6[%dma_wait3A_1251, %dma_wait3A_1253, %dma_wait3A_1254] : memref<4x128x128xf32, #tpu.memory_space<vmem>> -> memref<1x128x128xf32, #tpu.memory_space<vmem>>
      %dma_wait3A_1256 = tpu.memref_squeeze %dma_wait3A_1255 : memref<1x128x128xf32, #tpu.memory_space<vmem>> -> memref<128x128xf32, #tpu.memory_space<vmem>>
      %dma_wait3A_1257 = arith.constant 0 : i32
      %dma_wait3A_1258 = tpu.memref_slice %arg5[%dma_wait3A_1250, %dma_wait3A_1257] : memref<200x128xi32, #tpu.memory_space<vmem>> -> memref<1x128xi32, #tpu.memory_space<vmem>>
      %dma_wait3A_1259 = tpu.memref_squeeze %dma_wait3A_1258 : memref<1x128xi32, #tpu.memory_space<vmem>> -> memref<128xi32, #tpu.memory_space<vmem>>
      %dma_wait3A_1260 = arith.constant 0 : i32
      %dma_wait3A_1261 = arith.constant 0 : i32
      %dma_wait3A_1262 = tpu.memref_slice %arg3[%dma_wait3A_1260, %dma_wait3A_1261] : memref<1000000x128xf32, #tpu.memory_space<hbm>> -> memref<1000000x128xf32, #tpu.memory_space<hbm>>
      %dma_wait3A_1263 = tpu.memref_slice %arg8[%dma_wait3A_1252] : memref<4x!tpu.dma_semaphore, #tpu.memory_space<semaphore_mem>> -> memref<1x!tpu.dma_semaphore, #tpu.memory_space<semaphore_mem>>
      %dma_wait3A_1264 = tpu.memref_squeeze %dma_wait3A_1263 : memref<1x!tpu.dma_semaphore, #tpu.memory_space<semaphore_mem>> -> memref<!tpu.dma_semaphore, #tpu.memory_space<semaphore_mem>>
      tpu.wait_indirect_dma semaphore(%dma_wait3A_1264 : memref<!tpu.dma_semaphore, #tpu.memory_space<semaphore_mem>>) src(%dma_wait3A_1262 : memref<1000000x128xf32, #tpu.memory_space<hbm>>) dst(%dma_wait3A_1256 : memref<128x128xf32, #tpu.memory_space<vmem>>)
      %gt3A_1265 = arith.constant 0 : i32
      %gt3A_1266 = arith.cmpi sgt, %add3A_753, %gt3A_1265 : i32
      %convert_element_type3A_1267 = arith.extui %gt3A_1266 : i1 to i32
      %cond3A_1268 = arith.constant 0 : i32
      %cond3A_1269 = arith.cmpi ne, %convert_element_type3A_1267, %cond3A_1268 : i32
      scf.if %cond3A_1269 {
        %dma_wait3A_1701 = arith.constant 2 : i32
        %dma_wait3A_1702 = arith.constant 0 : i32
        %dma_wait3A_1703 = arith.constant 2 : i32
        %dma_wait3A_1704 = arith.constant 0 : i32
        %dma_wait3A_1705 = arith.constant 0 : i32
        %dma_wait3A_1706 = tpu.memref_slice %arg7[%dma_wait3A_1701, %dma_wait3A_1704, %dma_wait3A_1705] : memref<4x64x129xf32, #tpu.memory_space<vmem>> -> memref<1x8x128xf32, #tpu.memory_space<vmem>>
        %dma_wait3A_1707 = tpu.memref_squeeze %dma_wait3A_1706 : memref<1x8x128xf32, #tpu.memory_space<vmem>> -> memref<8x128xf32, #tpu.memory_space<vmem>>
        %dma_wait3A_1708 = arith.constant 0 : i32
        %dma_wait3A_1709 = arith.constant 0 : i32
        %dma_wait3A_1710 = tpu.memref_slice %arg4[%dma_wait3A_1702, %dma_wait3A_1708, %dma_wait3A_1709] : memref<51200x8x128xf32, #tpu.memory_space<hbm>> -> memref<1x8x128xf32, #tpu.memory_space<hbm>>
        %dma_wait3A_1711 = tpu.memref_squeeze %dma_wait3A_1710 : memref<1x8x128xf32, #tpu.memory_space<hbm>> -> memref<8x128xf32, #tpu.memory_space<hbm>>
        %dma_wait3A_1712 = tpu.memref_slice %arg9[%dma_wait3A_1703] : memref<4x!tpu.dma_semaphore, #tpu.memory_space<semaphore_mem>> -> memref<1x!tpu.dma_semaphore, #tpu.memory_space<semaphore_mem>>
        %dma_wait3A_1713 = tpu.memref_squeeze %dma_wait3A_1712 : memref<1x!tpu.dma_semaphore, #tpu.memory_space<semaphore_mem>> -> memref<!tpu.dma_semaphore, #tpu.memory_space<semaphore_mem>>
        %dma_wait3A_1714 = arith.constant 0 : i32
        %dma_wait3A_1715 = arith.constant 0 : i32
        %dma_wait3A_1716 = tpu.memref_slice %arg4[%dma_wait3A_1702, %dma_wait3A_1714, %dma_wait3A_1715] : memref<51200x8x128xf32, #tpu.memory_space<hbm>> -> memref<1x8x128xf32, #tpu.memory_space<hbm>>
        %dma_wait3A_1717 = tpu.memref_squeeze %dma_wait3A_1716 : memref<1x8x128xf32, #tpu.memory_space<hbm>> -> memref<8x128xf32, #tpu.memory_space<hbm>>
        %dma_wait3A_1718 = arith.constant 0 : i32
        %dma_wait3A_1719 = arith.constant 0 : i32
        %dma_wait3A_1720 = tpu.memref_slice %arg7[%dma_wait3A_1701, %dma_wait3A_1718, %dma_wait3A_1719] : memref<4x64x129xf32, #tpu.memory_space<vmem>> -> memref<1x8x128xf32, #tpu.memory_space<vmem>>
        %dma_wait3A_1721 = tpu.memref_squeeze %dma_wait3A_1720 : memref<1x8x128xf32, #tpu.memory_space<vmem>> -> memref<8x128xf32, #tpu.memory_space<vmem>>
        tpu.wait_dma2 semaphore(%dma_wait3A_1713 : memref<!tpu.dma_semaphore, #tpu.memory_space<semaphore_mem>>) src(%dma_wait3A_1721 : memref<8x128xf32, #tpu.memory_space<vmem>>) dst(%dma_wait3A_1717 : memref<8x128xf32, #tpu.memory_space<hbm>>)
        %dma_wait3A_1722 = arith.constant 2 : i32
        %dma_wait3A_1723 = arith.constant 0 : i32
        %dma_wait3A_1724 = arith.constant 2 : i32
        %dma_wait3A_1725 = arith.constant 0 : i32
        %dma_wait3A_1726 = arith.constant 0 : i32
        %dma_wait3A_1727 = tpu.memref_slice %arg7[%dma_wait3A_1722, %dma_wait3A_1725, %dma_wait3A_1726] : memref<4x64x129xf32, #tpu.memory_space<vmem>> -> memref<1x8x128xf32, #tpu.memory_space<vmem>>
        %dma_wait3A_1728 = tpu.memref_squeeze %dma_wait3A_1727 : memref<1x8x128xf32, #tpu.memory_space<vmem>> -> memref<8x128xf32, #tpu.memory_space<vmem>>
        %dma_wait3A_1729 = arith.constant 0 : i32
        %dma_wait3A_1730 = arith.constant 0 : i32
        %dma_wait3A_1731 = tpu.memref_slice %arg4[%dma_wait3A_1723, %dma_wait3A_1729, %dma_wait3A_1730] : memref<51200x8x128xf32, #tpu.memory_space<hbm>> -> memref<1x8x128xf32, #tpu.memory_space<hbm>>
        %dma_wait3A_1732 = tpu.memref_squeeze %dma_wait3A_1731 : memref<1x8x128xf32, #tpu.memory_space<hbm>> -> memref<8x128xf32, #tpu.memory_space<hbm>>
        %dma_wait3A_1733 = tpu.memref_slice %arg9[%dma_wait3A_1724] : memref<4x!tpu.dma_semaphore, #tpu.memory_space<semaphore_mem>> -> memref<1x!tpu.dma_semaphore, #tpu.memory_space<semaphore_mem>>
        %dma_wait3A_1734 = tpu.memref_squeeze %dma_wait3A_1733 : memref<1x!tpu.dma_semaphore, #tpu.memory_space<semaphore_mem>> -> memref<!tpu.dma_semaphore, #tpu.memory_space<semaphore_mem>>
        %dma_wait3A_1735 = arith.constant 0 : i32
        %dma_wait3A_1736 = arith.constant 0 : i32
        %dma_wait3A_1737 = tpu.memref_slice %arg4[%dma_wait3A_1723, %dma_wait3A_1735, %dma_wait3A_1736] : memref<51200x8x128xf32, #tpu.memory_space<hbm>> -> memref<1x8x128xf32, #tpu.memory_space<hbm>>
        %dma_wait3A_1738 = tpu.memref_squeeze %dma_wait3A_1737 : memref<1x8x128xf32, #tpu.memory_space<hbm>> -> memref<8x128xf32, #tpu.memory_space<hbm>>
        %dma_wait3A_1739 = arith.constant 0 : i32
        %dma_wait3A_1740 = arith.constant 0 : i32
        %dma_wait3A_1741 = tpu.memref_slice %arg7[%dma_wait3A_1722, %dma_wait3A_1739, %dma_wait3A_1740] : memref<4x64x129xf32, #tpu.memory_space<vmem>> -> memref<1x8x128xf32, #tpu.memory_space<vmem>>
        %dma_wait3A_1742 = tpu.memref_squeeze %dma_wait3A_1741 : memref<1x8x128xf32, #tpu.memory_space<vmem>> -> memref<8x128xf32, #tpu.memory_space<vmem>>
        tpu.wait_dma2 semaphore(%dma_wait3A_1734 : memref<!tpu.dma_semaphore, #tpu.memory_space<semaphore_mem>>) src(%dma_wait3A_1742 : memref<8x128xf32, #tpu.memory_space<vmem>>) dst(%dma_wait3A_1738 : memref<8x128xf32, #tpu.memory_space<hbm>>)
        %dma_wait3A_1743 = arith.constant 2 : i32
        %dma_wait3A_1744 = arith.constant 0 : i32
        %dma_wait3A_1745 = arith.constant 2 : i32
        %dma_wait3A_1746 = arith.constant 0 : i32
        %dma_wait3A_1747 = arith.constant 0 : i32
        %dma_wait3A_1748 = tpu.memref_slice %arg7[%dma_wait3A_1743, %dma_wait3A_1746, %dma_wait3A_1747] : memref<4x64x129xf32, #tpu.memory_space<vmem>> -> memref<1x8x128xf32, #tpu.memory_space<vmem>>
        %dma_wait3A_1749 = tpu.memref_squeeze %dma_wait3A_1748 : memref<1x8x128xf32, #tpu.memory_space<vmem>> -> memref<8x128xf32, #tpu.memory_space<vmem>>
        %dma_wait3A_1750 = arith.constant 0 : i32
        %dma_wait3A_1751 = arith.constant 0 : i32
        %dma_wait3A_1752 = tpu.memref_slice %arg4[%dma_wait3A_1744, %dma_wait3A_1750, %dma_wait3A_1751] : memref<51200x8x128xf32, #tpu.memory_space<hbm>> -> memref<1x8x128xf32, #tpu.memory_space<hbm>>
        %dma_wait3A_1753 = tpu.memref_squeeze %dma_wait3A_1752 : memref<1x8x128xf32, #tpu.memory_space<hbm>> -> memref<8x128xf32, #tpu.memory_space<hbm>>
        %dma_wait3A_1754 = tpu.memref_slice %arg9[%dma_wait3A_1745] : memref<4x!tpu.dma_semaphore, #tpu.memory_space<semaphore_mem>> -> memref<1x!tpu.dma_semaphore, #tpu.memory_space<semaphore_mem>>
        %dma_wait3A_1755 = tpu.memref_squeeze %dma_wait3A_1754 : memref<1x!tpu.dma_semaphore, #tpu.memory_space<semaphore_mem>> -> memref<!tpu.dma_semaphore, #tpu.memory_space<semaphore_mem>>
        %dma_wait3A_1756 = arith.constant 0 : i32
        %dma_wait3A_1757 = arith.constant 0 : i32
        %dma_wait3A_1758 = tpu.memref_slice %arg4[%dma_wait3A_1744, %dma_wait3A_1756, %dma_wait3A_1757] : memref<51200x8x128xf32, #tpu.memory_space<hbm>> -> memref<1x8x128xf32, #tpu.memory_space<hbm>>
        %dma_wait3A_1759 = tpu.memref_squeeze %dma_wait3A_1758 : memref<1x8x128xf32, #tpu.memory_space<hbm>> -> memref<8x128xf32, #tpu.memory_space<hbm>>
        %dma_wait3A_1760 = arith.constant 0 : i32
        %dma_wait3A_1761 = arith.constant 0 : i32
        %dma_wait3A_1762 = tpu.memref_slice %arg7[%dma_wait3A_1743, %dma_wait3A_1760, %dma_wait3A_1761] : memref<4x64x129xf32, #tpu.memory_space<vmem>> -> memref<1x8x128xf32, #tpu.memory_space<vmem>>
        %dma_wait3A_1763 = tpu.memref_squeeze %dma_wait3A_1762 : memref<1x8x128xf32, #tpu.memory_space<vmem>> -> memref<8x128xf32, #tpu.memory_space<vmem>>
        tpu.wait_dma2 semaphore(%dma_wait3A_1755 : memref<!tpu.dma_semaphore, #tpu.memory_space<semaphore_mem>>) src(%dma_wait3A_1763 : memref<8x128xf32, #tpu.memory_space<vmem>>) dst(%dma_wait3A_1759 : memref<8x128xf32, #tpu.memory_space<hbm>>)
        %dma_wait3A_1764 = arith.constant 2 : i32
        %dma_wait3A_1765 = arith.constant 0 : i32
        %dma_wait3A_1766 = arith.constant 2 : i32
        %dma_wait3A_1767 = arith.constant 0 : i32
        %dma_wait3A_1768 = arith.constant 0 : i32
        %dma_wait3A_1769 = tpu.memref_slice %arg7[%dma_wait3A_1764, %dma_wait3A_1767, %dma_wait3A_1768] : memref<4x64x129xf32, #tpu.memory_space<vmem>> -> memref<1x8x128xf32, #tpu.memory_space<vmem>>
        %dma_wait3A_1770 = tpu.memref_squeeze %dma_wait3A_1769 : memref<1x8x128xf32, #tpu.memory_space<vmem>> -> memref<8x128xf32, #tpu.memory_space<vmem>>
        %dma_wait3A_1771 = arith.constant 0 : i32
        %dma_wait3A_1772 = arith.constant 0 : i32
        %dma_wait3A_1773 = tpu.memref_slice %arg4[%dma_wait3A_1765, %dma_wait3A_1771, %dma_wait3A_1772] : memref<51200x8x128xf32, #tpu.memory_space<hbm>> -> memref<1x8x128xf32, #tpu.memory_space<hbm>>
        %dma_wait3A_1774 = tpu.memref_squeeze %dma_wait3A_1773 : memref<1x8x128xf32, #tpu.memory_space<hbm>> -> memref<8x128xf32, #tpu.memory_space<hbm>>
        %dma_wait3A_1775 = tpu.memref_slice %arg9[%dma_wait3A_1766] : memref<4x!tpu.dma_semaphore, #tpu.memory_space<semaphore_mem>> -> memref<1x!tpu.dma_semaphore, #tpu.memory_space<semaphore_mem>>
        %dma_wait3A_1776 = tpu.memref_squeeze %dma_wait3A_1775 : memref<1x!tpu.dma_semaphore, #tpu.memory_space<semaphore_mem>> -> memref<!tpu.dma_semaphore, #tpu.memory_space<semaphore_mem>>
        %dma_wait3A_1777 = arith.constant 0 : i32
        %dma_wait3A_1778 = arith.constant 0 : i32
        %dma_wait3A_1779 = tpu.memref_slice %arg4[%dma_wait3A_1765, %dma_wait3A_1777, %dma_wait3A_1778] : memref<51200x8x128xf32, #tpu.memory_space<hbm>> -> memref<1x8x128xf32, #tpu.memory_space<hbm>>
        %dma_wait3A_1780 = tpu.memref_squeeze %dma_wait3A_1779 : memref<1x8x128xf32, #tpu.memory_space<hbm>> -> memref<8x128xf32, #tpu.memory_space<hbm>>
        %dma_wait3A_1781 = arith.constant 0 : i32
        %dma_wait3A_1782 = arith.constant 0 : i32
        %dma_wait3A_1783 = tpu.memref_slice %arg7[%dma_wait3A_1764, %dma_wait3A_1781, %dma_wait3A_1782] : memref<4x64x129xf32, #tpu.memory_space<vmem>> -> memref<1x8x128xf32, #tpu.memory_space<vmem>>
        %dma_wait3A_1784 = tpu.memref_squeeze %dma_wait3A_1783 : memref<1x8x128xf32, #tpu.memory_space<vmem>> -> memref<8x128xf32, #tpu.memory_space<vmem>>
        tpu.wait_dma2 semaphore(%dma_wait3A_1776 : memref<!tpu.dma_semaphore, #tpu.memory_space<semaphore_mem>>) src(%dma_wait3A_1784 : memref<8x128xf32, #tpu.memory_space<vmem>>) dst(%dma_wait3A_1780 : memref<8x128xf32, #tpu.memory_space<hbm>>)
        %dma_wait3A_1785 = arith.constant 2 : i32
        %dma_wait3A_1786 = arith.constant 0 : i32
        %dma_wait3A_1787 = arith.constant 2 : i32
        %dma_wait3A_1788 = arith.constant 0 : i32
        %dma_wait3A_1789 = arith.constant 0 : i32
        %dma_wait3A_1790 = tpu.memref_slice %arg7[%dma_wait3A_1785, %dma_wait3A_1788, %dma_wait3A_1789] : memref<4x64x129xf32, #tpu.memory_space<vmem>> -> memref<1x8x128xf32, #tpu.memory_space<vmem>>
        %dma_wait3A_1791 = tpu.memref_squeeze %dma_wait3A_1790 : memref<1x8x128xf32, #tpu.memory_space<vmem>> -> memref<8x128xf32, #tpu.memory_space<vmem>>
        %dma_wait3A_1792 = arith.constant 0 : i32
        %dma_wait3A_1793 = arith.constant 0 : i32
        %dma_wait3A_1794 = tpu.memref_slice %arg4[%dma_wait3A_1786, %dma_wait3A_1792, %dma_wait3A_1793] : memref<51200x8x128xf32, #tpu.memory_space<hbm>> -> memref<1x8x128xf32, #tpu.memory_space<hbm>>
        %dma_wait3A_1795 = tpu.memref_squeeze %dma_wait3A_1794 : memref<1x8x128xf32, #tpu.memory_space<hbm>> -> memref<8x128xf32, #tpu.memory_space<hbm>>
        %dma_wait3A_1796 = tpu.memref_slice %arg9[%dma_wait3A_1787] : memref<4x!tpu.dma_semaphore, #tpu.memory_space<semaphore_mem>> -> memref<1x!tpu.dma_semaphore, #tpu.memory_space<semaphore_mem>>
        %dma_wait3A_1797 = tpu.memref_squeeze %dma_wait3A_1796 : memref<1x!tpu.dma_semaphore, #tpu.memory_space<semaphore_mem>> -> memref<!tpu.dma_semaphore, #tpu.memory_space<semaphore_mem>>
        %dma_wait3A_1798 = arith.constant 0 : i32
        %dma_wait3A_1799 = arith.constant 0 : i32
        %dma_wait3A_1800 = tpu.memref_slice %arg4[%dma_wait3A_1786, %dma_wait3A_1798, %dma_wait3A_1799] : memref<51200x8x128xf32, #tpu.memory_space<hbm>> -> memref<1x8x128xf32, #tpu.memory_space<hbm>>
        %dma_wait3A_1801 = tpu.memref_squeeze %dma_wait3A_1800 : memref<1x8x128xf32, #tpu.memory_space<hbm>> -> memref<8x128xf32, #tpu.memory_space<hbm>>
        %dma_wait3A_1802 = arith.constant 0 : i32
        %dma_wait3A_1803 = arith.constant 0 : i32
        %dma_wait3A_1804 = tpu.memref_slice %arg7[%dma_wait3A_1785, %dma_wait3A_1802, %dma_wait3A_1803] : memref<4x64x129xf32, #tpu.memory_space<vmem>> -> memref<1x8x128xf32, #tpu.memory_space<vmem>>
        %dma_wait3A_1805 = tpu.memref_squeeze %dma_wait3A_1804 : memref<1x8x128xf32, #tpu.memory_space<vmem>> -> memref<8x128xf32, #tpu.memory_space<vmem>>
        tpu.wait_dma2 semaphore(%dma_wait3A_1797 : memref<!tpu.dma_semaphore, #tpu.memory_space<semaphore_mem>>) src(%dma_wait3A_1805 : memref<8x128xf32, #tpu.memory_space<vmem>>) dst(%dma_wait3A_1801 : memref<8x128xf32, #tpu.memory_space<hbm>>)
        %dma_wait3A_1806 = arith.constant 2 : i32
        %dma_wait3A_1807 = arith.constant 0 : i32
        %dma_wait3A_1808 = arith.constant 2 : i32
        %dma_wait3A_1809 = arith.constant 0 : i32
        %dma_wait3A_1810 = arith.constant 0 : i32
        %dma_wait3A_1811 = tpu.memref_slice %arg7[%dma_wait3A_1806, %dma_wait3A_1809, %dma_wait3A_1810] : memref<4x64x129xf32, #tpu.memory_space<vmem>> -> memref<1x8x128xf32, #tpu.memory_space<vmem>>
        %dma_wait3A_1812 = tpu.memref_squeeze %dma_wait3A_1811 : memref<1x8x128xf32, #tpu.memory_space<vmem>> -> memref<8x128xf32, #tpu.memory_space<vmem>>
        %dma_wait3A_1813 = arith.constant 0 : i32
        %dma_wait3A_1814 = arith.constant 0 : i32
        %dma_wait3A_1815 = tpu.memref_slice %arg4[%dma_wait3A_1807, %dma_wait3A_1813, %dma_wait3A_1814] : memref<51200x8x128xf32, #tpu.memory_space<hbm>> -> memref<1x8x128xf32, #tpu.memory_space<hbm>>
        %dma_wait3A_1816 = tpu.memref_squeeze %dma_wait3A_1815 : memref<1x8x128xf32, #tpu.memory_space<hbm>> -> memref<8x128xf32, #tpu.memory_space<hbm>>
        %dma_wait3A_1817 = tpu.memref_slice %arg9[%dma_wait3A_1808] : memref<4x!tpu.dma_semaphore, #tpu.memory_space<semaphore_mem>> -> memref<1x!tpu.dma_semaphore, #tpu.memory_space<semaphore_mem>>
        %dma_wait3A_1818 = tpu.memref_squeeze %dma_wait3A_1817 : memref<1x!tpu.dma_semaphore, #tpu.memory_space<semaphore_mem>> -> memref<!tpu.dma_semaphore, #tpu.memory_space<semaphore_mem>>
        %dma_wait3A_1819 = arith.constant 0 : i32
        %dma_wait3A_1820 = arith.constant 0 : i32
        %dma_wait3A_1821 = tpu.memref_slice %arg4[%dma_wait3A_1807, %dma_wait3A_1819, %dma_wait3A_1820] : memref<51200x8x128xf32, #tpu.memory_space<hbm>> -> memref<1x8x128xf32, #tpu.memory_space<hbm>>
        %dma_wait3A_1822 = tpu.memref_squeeze %dma_wait3A_1821 : memref<1x8x128xf32, #tpu.memory_space<hbm>> -> memref<8x128xf32, #tpu.memory_space<hbm>>
        %dma_wait3A_1823 = arith.constant 0 : i32
        %dma_wait3A_1824 = arith.constant 0 : i32
        %dma_wait3A_1825 = tpu.memref_slice %arg7[%dma_wait3A_1806, %dma_wait3A_1823, %dma_wait3A_1824] : memref<4x64x129xf32, #tpu.memory_space<vmem>> -> memref<1x8x128xf32, #tpu.memory_space<vmem>>
        %dma_wait3A_1826 = tpu.memref_squeeze %dma_wait3A_1825 : memref<1x8x128xf32, #tpu.memory_space<vmem>> -> memref<8x128xf32, #tpu.memory_space<vmem>>
        tpu.wait_dma2 semaphore(%dma_wait3A_1818 : memref<!tpu.dma_semaphore, #tpu.memory_space<semaphore_mem>>) src(%dma_wait3A_1826 : memref<8x128xf32, #tpu.memory_space<vmem>>) dst(%dma_wait3A_1822 : memref<8x128xf32, #tpu.memory_space<hbm>>)
        %dma_wait3A_1827 = arith.constant 2 : i32
        %dma_wait3A_1828 = arith.constant 0 : i32
        %dma_wait3A_1829 = arith.constant 2 : i32
        %dma_wait3A_1830 = arith.constant 0 : i32
        %dma_wait3A_1831 = arith.constant 0 : i32
        %dma_wait3A_1832 = tpu.memref_slice %arg7[%dma_wait3A_1827, %dma_wait3A_1830, %dma_wait3A_1831] : memref<4x64x129xf32, #tpu.memory_space<vmem>> -> memref<1x8x128xf32, #tpu.memory_space<vmem>>
        %dma_wait3A_1833 = tpu.memref_squeeze %dma_wait3A_1832 : memref<1x8x128xf32, #tpu.memory_space<vmem>> -> memref<8x128xf32, #tpu.memory_space<vmem>>
        %dma_wait3A_1834 = arith.constant 0 : i32
        %dma_wait3A_1835 = arith.constant 0 : i32
        %dma_wait3A_1836 = tpu.memref_slice %arg4[%dma_wait3A_1828, %dma_wait3A_1834, %dma_wait3A_1835] : memref<51200x8x128xf32, #tpu.memory_space<hbm>> -> memref<1x8x128xf32, #tpu.memory_space<hbm>>
        %dma_wait3A_1837 = tpu.memref_squeeze %dma_wait3A_1836 : memref<1x8x128xf32, #tpu.memory_space<hbm>> -> memref<8x128xf32, #tpu.memory_space<hbm>>
        %dma_wait3A_1838 = tpu.memref_slice %arg9[%dma_wait3A_1829] : memref<4x!tpu.dma_semaphore, #tpu.memory_space<semaphore_mem>> -> memref<1x!tpu.dma_semaphore, #tpu.memory_space<semaphore_mem>>
        %dma_wait3A_1839 = tpu.memref_squeeze %dma_wait3A_1838 : memref<1x!tpu.dma_semaphore, #tpu.memory_space<semaphore_mem>> -> memref<!tpu.dma_semaphore, #tpu.memory_space<semaphore_mem>>
        %dma_wait3A_1840 = arith.constant 0 : i32
        %dma_wait3A_1841 = arith.constant 0 : i32
        %dma_wait3A_1842 = tpu.memref_slice %arg4[%dma_wait3A_1828, %dma_wait3A_1840, %dma_wait3A_1841] : memref<51200x8x128xf32, #tpu.memory_space<hbm>> -> memref<1x8x128xf32, #tpu.memory_space<hbm>>
        %dma_wait3A_1843 = tpu.memref_squeeze %dma_wait3A_1842 : memref<1x8x128xf32, #tpu.memory_space<hbm>> -> memref<8x128xf32, #tpu.memory_space<hbm>>
        %dma_wait3A_1844 = arith.constant 0 : i32
        %dma_wait3A_1845 = arith.constant 0 : i32
        %dma_wait3A_1846 = tpu.memref_slice %arg7[%dma_wait3A_1827, %dma_wait3A_1844, %dma_wait3A_1845] : memref<4x64x129xf32, #tpu.memory_space<vmem>> -> memref<1x8x128xf32, #tpu.memory_space<vmem>>
        %dma_wait3A_1847 = tpu.memref_squeeze %dma_wait3A_1846 : memref<1x8x128xf32, #tpu.memory_space<vmem>> -> memref<8x128xf32, #tpu.memory_space<vmem>>
        tpu.wait_dma2 semaphore(%dma_wait3A_1839 : memref<!tpu.dma_semaphore, #tpu.memory_space<semaphore_mem>>) src(%dma_wait3A_1847 : memref<8x128xf32, #tpu.memory_space<vmem>>) dst(%dma_wait3A_1843 : memref<8x128xf32, #tpu.memory_space<hbm>>)
        %dma_wait3A_1848 = arith.constant 2 : i32
        %dma_wait3A_1849 = arith.constant 0 : i32
        %dma_wait3A_1850 = arith.constant 2 : i32
        %dma_wait3A_1851 = arith.constant 0 : i32
        %dma_wait3A_1852 = arith.constant 0 : i32
        %dma_wait3A_1853 = tpu.memref_slice %arg7[%dma_wait3A_1848, %dma_wait3A_1851, %dma_wait3A_1852] : memref<4x64x129xf32, #tpu.memory_space<vmem>> -> memref<1x8x128xf32, #tpu.memory_space<vmem>>
        %dma_wait3A_1854 = tpu.memref_squeeze %dma_wait3A_1853 : memref<1x8x128xf32, #tpu.memory_space<vmem>> -> memref<8x128xf32, #tpu.memory_space<vmem>>
        %dma_wait3A_1855 = arith.constant 0 : i32
        %dma_wait3A_1856 = arith.constant 0 : i32
        %dma_wait3A_1857 = tpu.memref_slice %arg4[%dma_wait3A_1849, %dma_wait3A_1855, %dma_wait3A_1856] : memref<51200x8x128xf32, #tpu.memory_space<hbm>> -> memref<1x8x128xf32, #tpu.memory_space<hbm>>
        %dma_wait3A_1858 = tpu.memref_squeeze %dma_wait3A_1857 : memref<1x8x128xf32, #tpu.memory_space<hbm>> -> memref<8x128xf32, #tpu.memory_space<hbm>>
        %dma_wait3A_1859 = tpu.memref_slice %arg9[%dma_wait3A_1850] : memref<4x!tpu.dma_semaphore, #tpu.memory_space<semaphore_mem>> -> memref<1x!tpu.dma_semaphore, #tpu.memory_space<semaphore_mem>>
        %dma_wait3A_1860 = tpu.memref_squeeze %dma_wait3A_1859 : memref<1x!tpu.dma_semaphore, #tpu.memory_space<semaphore_mem>> -> memref<!tpu.dma_semaphore, #tpu.memory_space<semaphore_mem>>
        %dma_wait3A_1861 = arith.constant 0 : i32
        %dma_wait3A_1862 = arith.constant 0 : i32
        %dma_wait3A_1863 = tpu.memref_slice %arg4[%dma_wait3A_1849, %dma_wait3A_1861, %dma_wait3A_1862] : memref<51200x8x128xf32, #tpu.memory_space<hbm>> -> memref<1x8x128xf32, #tpu.memory_space<hbm>>
        %dma_wait3A_1864 = tpu.memref_squeeze %dma_wait3A_1863 : memref<1x8x128xf32, #tpu.memory_space<hbm>> -> memref<8x128xf32, #tpu.memory_space<hbm>>
        %dma_wait3A_1865 = arith.constant 0 : i32
        %dma_wait3A_1866 = arith.constant 0 : i32
        %dma_wait3A_1867 = tpu.memref_slice %arg7[%dma_wait3A_1848, %dma_wait3A_1865, %dma_wait3A_1866] : memref<4x64x129xf32, #tpu.memory_space<vmem>> -> memref<1x8x128xf32, #tpu.memory_space<vmem>>
        %dma_wait3A_1868 = tpu.memref_squeeze %dma_wait3A_1867 : memref<1x8x128xf32, #tpu.memory_space<vmem>> -> memref<8x128xf32, #tpu.memory_space<vmem>>
        tpu.wait_dma2 semaphore(%dma_wait3A_1860 : memref<!tpu.dma_semaphore, #tpu.memory_space<semaphore_mem>>) src(%dma_wait3A_1868 : memref<8x128xf32, #tpu.memory_space<vmem>>) dst(%dma_wait3A_1864 : memref<8x128xf32, #tpu.memory_space<hbm>>)
      } else {
      }
      %parallel_loop3A_1270 = arith.constant 0 : i32
      %parallel_loop3A_1271 = arith.constant 128 : i32
      %parallel_loop3A_1272 = arith.constant 1 : i32
      scf.for %parallel_loop3A_1701 = %parallel_loop3A_1270 to %parallel_loop3A_1271 step %parallel_loop3A_1272  : i32 {
        %parallel_loop3A_1702 = arith.constant 0 : i32
        %parallel_loop3A_1703 = vector.broadcast %parallel_loop3A_1702 : i32 to vector<16xi32>
        %parallel_loop3A_1704 = arith.muli %iota3A, %parallel_loop3A_1703 : vector<16xi32>
        %parallel_loop3A_1705 = vector.broadcast %parallel_loop3A_1701 : i32 to vector<16xi32>
        %parallel_loop3A_1706 = arith.addi %parallel_loop3A_1704, %parallel_loop3A_1705 : vector<16xi32>
        %parallel_loop3A_1707 = arith.constant 2 : i32
        %parallel_loop3A_1708 = arith.index_cast %parallel_loop3A_1707 : i32 to index
        %parallel_loop3A_1709 = arith.index_cast %parallel_loop3A_1701 : i32 to index
        %parallel_loop3A_1710 = arith.constant 0 : index
        %parallel_loop3A_1711 = tpu.vector_load %arg6[%parallel_loop3A_1708, %parallel_loop3A_1709, %parallel_loop3A_1710] {strides = array<i32>} : memref<4x128x128xf32, #tpu.memory_space<vmem>>, vector<16xf32>,
        %parallel_loop3A_1712 = arith.constant 2 : i32
        %parallel_loop3A_1713 = arith.constant 0 : i32
        %parallel_loop3A_1714 = arith.constant 0 : i32
        %parallel_loop3A_1715 = tpu.memref_slice %arg7[%parallel_loop3A_1712, %parallel_loop3A_1713, %parallel_loop3A_1714] : memref<4x64x129xf32, #tpu.memory_space<vmem>> -> memref<1x64x129xf32, #tpu.memory_space<vmem>>
        %parallel_loop3A_1716 = tpu.memref_squeeze %parallel_loop3A_1715 : memref<1x64x129xf32, #tpu.memory_space<vmem>> -> memref<64x129xf32, #tpu.memory_space<vmem>>
        tpu.vector_store_idx %parallel_loop3A_1716[%add3A_5, %parallel_loop3A_1706], %parallel_loop3A_1711 : memref<64x129xf32, #tpu.memory_space<vmem>>[vector<16xi32>, vector<16xi32>], vector<16xf32>,
        %parallel_loop3A_1717 = arith.constant 2 : i32
        %parallel_loop3A_1718 = arith.index_cast %parallel_loop3A_1717 : i32 to index
        %parallel_loop3A_1719 = arith.index_cast %parallel_loop3A_1701 : i32 to index
        %parallel_loop3A_1720 = arith.constant 16 : index
        %parallel_loop3A_1721 = tpu.vector_load %arg6[%parallel_loop3A_1718, %parallel_loop3A_1719, %parallel_loop3A_1720] {strides = array<i32>} : memref<4x128x128xf32, #tpu.memory_space<vmem>>, vector<16xf32>,
        %parallel_loop3A_1722 = arith.constant 2 : i32
        %parallel_loop3A_1723 = arith.constant 0 : i32
        %parallel_loop3A_1724 = arith.constant 0 : i32
        %parallel_loop3A_1725 = tpu.memref_slice %arg7[%parallel_loop3A_1722, %parallel_loop3A_1723, %parallel_loop3A_1724] : memref<4x64x129xf32, #tpu.memory_space<vmem>> -> memref<1x64x129xf32, #tpu.memory_space<vmem>>
        %parallel_loop3A_1726 = tpu.memref_squeeze %parallel_loop3A_1725 : memref<1x64x129xf32, #tpu.memory_space<vmem>> -> memref<64x129xf32, #tpu.memory_space<vmem>>
        tpu.vector_store_idx %parallel_loop3A_1726[%add3A_8, %parallel_loop3A_1706], %parallel_loop3A_1721 : memref<64x129xf32, #tpu.memory_space<vmem>>[vector<16xi32>, vector<16xi32>], vector<16xf32>,
        %parallel_loop3A_1727 = arith.constant 2 : i32
        %parallel_loop3A_1728 = arith.index_cast %parallel_loop3A_1727 : i32 to index
        %parallel_loop3A_1729 = arith.index_cast %parallel_loop3A_1701 : i32 to index
        %parallel_loop3A_1730 = arith.constant 32 : index
        %parallel_loop3A_1731 = tpu.vector_load %arg6[%parallel_loop3A_1728, %parallel_loop3A_1729, %parallel_loop3A_1730] {strides = array<i32>} : memref<4x128x128xf32, #tpu.memory_space<vmem>>, vector<16xf32>,
        %parallel_loop3A_1732 = arith.constant 2 : i32
        %parallel_loop3A_1733 = arith.constant 0 : i32
        %parallel_loop3A_1734 = arith.constant 0 : i32
        %parallel_loop3A_1735 = tpu.memref_slice %arg7[%parallel_loop3A_1732, %parallel_loop3A_1733, %parallel_loop3A_1734] : memref<4x64x129xf32, #tpu.memory_space<vmem>> -> memref<1x64x129xf32, #tpu.memory_space<vmem>>
        %parallel_loop3A_1736 = tpu.memref_squeeze %parallel_loop3A_1735 : memref<1x64x129xf32, #tpu.memory_space<vmem>> -> memref<64x129xf32, #tpu.memory_space<vmem>>
        tpu.vector_store_idx %parallel_loop3A_1736[%add3A_11, %parallel_loop3A_1706], %parallel_loop3A_1731 : memref<64x129xf32, #tpu.memory_space<vmem>>[vector<16xi32>, vector<16xi32>], vector<16xf32>,
        %parallel_loop3A_1737 = arith.constant 2 : i32
        %parallel_loop3A_1738 = arith.index_cast %parallel_loop3A_1737 : i32 to index
        %parallel_loop3A_1739 = arith.index_cast %parallel_loop3A_1701 : i32 to index
        %parallel_loop3A_1740 = arith.constant 48 : index
        %parallel_loop3A_1741 = tpu.vector_load %arg6[%parallel_loop3A_1738, %parallel_loop3A_1739, %parallel_loop3A_1740] {strides = array<i32>} : memref<4x128x128xf32, #tpu.memory_space<vmem>>, vector<16xf32>,
        %parallel_loop3A_1742 = arith.constant 2 : i32
        %parallel_loop3A_1743 = arith.constant 0 : i32
        %parallel_loop3A_1744 = arith.constant 0 : i32
        %parallel_loop3A_1745 = tpu.memref_slice %arg7[%parallel_loop3A_1742, %parallel_loop3A_1743, %parallel_loop3A_1744] : memref<4x64x129xf32, #tpu.memory_space<vmem>> -> memref<1x64x129xf32, #tpu.memory_space<vmem>>
        %parallel_loop3A_1746 = tpu.memref_squeeze %parallel_loop3A_1745 : memref<1x64x129xf32, #tpu.memory_space<vmem>> -> memref<64x129xf32, #tpu.memory_space<vmem>>
        tpu.vector_store_idx %parallel_loop3A_1746[%add3A_14, %parallel_loop3A_1706], %parallel_loop3A_1741 : memref<64x129xf32, #tpu.memory_space<vmem>>[vector<16xi32>, vector<16xi32>], vector<16xf32>,
      } {sc.loop_unroll_factor = 2 : i64, sc.parallel_access}
      %mul3A_1273 = arith.constant 8 : i32
      %mul3A_1274 = arith.muli %select_n3A_1247, %mul3A_1273 : i32
      %mul3A_1275 = arith.constant 128 : i32
      %mul3A_1276 = arith.muli %mul3A_1274, %mul3A_1275 : i32
      %add3A_1277 = arith.addi %mul3A_1276, %rem3A_1249 : i32
      %add3A_1278 = arith.constant 0 : i32
      %add3A_1279 = arith.addi %add3A_1277, %add3A_1278 : i32
      %dma_start3A_1280 = arith.constant 2 : i32
      %dma_start3A_1281 = arith.constant 2 : i32
      %dma_start3A_1282 = arith.constant 0 : i32
      %dma_start3A_1283 = arith.constant 0 : i32
      %dma_start3A_1284 = tpu.memref_slice %arg7[%dma_start3A_1280, %dma_start3A_1282, %dma_start3A_1283] : memref<4x64x129xf32, #tpu.memory_space<vmem>> -> memref<1x8x128xf32, #tpu.memory_space<vmem>>
      %dma_start3A_1285 = tpu.memref_squeeze %dma_start3A_1284 : memref<1x8x128xf32, #tpu.memory_space<vmem>> -> memref<8x128xf32, #tpu.memory_space<vmem>>
      %dma_start3A_1286 = arith.constant 0 : i32
      %dma_start3A_1287 = arith.constant 0 : i32
      %dma_start3A_1288 = tpu.memref_slice %arg4[%add3A_1279, %dma_start3A_1286, %dma_start3A_1287] : memref<51200x8x128xf32, #tpu.memory_space<hbm>> -> memref<1x8x128xf32, #tpu.memory_space<hbm>>
      %dma_start3A_1289 = tpu.memref_squeeze %dma_start3A_1288 : memref<1x8x128xf32, #tpu.memory_space<hbm>> -> memref<8x128xf32, #tpu.memory_space<hbm>>
      %dma_start3A_1290 = tpu.memref_slice %arg9[%dma_start3A_1281] : memref<4x!tpu.dma_semaphore, #tpu.memory_space<semaphore_mem>> -> memref<1x!tpu.dma_semaphore, #tpu.memory_space<semaphore_mem>>
      %dma_start3A_1291 = tpu.memref_squeeze %dma_start3A_1290 : memref<1x!tpu.dma_semaphore, #tpu.memory_space<semaphore_mem>> -> memref<!tpu.dma_semaphore, #tpu.memory_space<semaphore_mem>>
      %dma_start3A_1292 = arith.constant 0 : i32
      %dma_start3A_1293 = arith.constant 0 : i32
      %dma_start3A_1294 = tpu.memref_slice %arg4[%add3A_1279, %dma_start3A_1292, %dma_start3A_1293] : memref<51200x8x128xf32, #tpu.memory_space<hbm>> -> memref<1x8x128xf32, #tpu.memory_space<hbm>>
      %dma_start3A_1295 = tpu.memref_squeeze %dma_start3A_1294 : memref<1x8x128xf32, #tpu.memory_space<hbm>> -> memref<8x128xf32, #tpu.memory_space<hbm>>
      %dma_start3A_1296 = arith.constant 0 : i32
      %dma_start3A_1297 = arith.constant 0 : i32
      %dma_start3A_1298 = tpu.memref_slice %arg7[%dma_start3A_1280, %dma_start3A_1296, %dma_start3A_1297] : memref<4x64x129xf32, #tpu.memory_space<vmem>> -> memref<1x8x128xf32, #tpu.memory_space<vmem>>
      %dma_start3A_1299 = tpu.memref_squeeze %dma_start3A_1298 : memref<1x8x128xf32, #tpu.memory_space<vmem>> -> memref<8x128xf32, #tpu.memory_space<vmem>>
      tpu.enqueue_dma source(%dma_start3A_1299 : memref<8x128xf32, #tpu.memory_space<vmem>>) target(%dma_start3A_1295 : memref<8x128xf32, #tpu.memory_space<hbm>>) target_semaphore(%dma_start3A_1291 : memref<!tpu.dma_semaphore, #tpu.memory_space<semaphore_mem>>)
      %add3A_1300 = arith.constant 128 : i32
      %add3A_1301 = arith.addi %add3A_1277, %add3A_1300 : i32
      %dma_start3A_1302 = arith.constant 2 : i32
      %dma_start3A_1303 = arith.constant 2 : i32
      %dma_start3A_1304 = arith.constant 8 : i32
      %dma_start3A_1305 = arith.constant 0 : i32
      %dma_start3A_1306 = tpu.memref_slice %arg7[%dma_start3A_1302, %dma_start3A_1304, %dma_start3A_1305] : memref<4x64x129xf32, #tpu.memory_space<vmem>> -> memref<1x8x128xf32, #tpu.memory_space<vmem>>
      %dma_start3A_1307 = tpu.memref_squeeze %dma_start3A_1306 : memref<1x8x128xf32, #tpu.memory_space<vmem>> -> memref<8x128xf32, #tpu.memory_space<vmem>>
      %dma_start3A_1308 = arith.constant 0 : i32
      %dma_start3A_1309 = arith.constant 0 : i32
      %dma_start3A_1310 = tpu.memref_slice %arg4[%add3A_1301, %dma_start3A_1308, %dma_start3A_1309] : memref<51200x8x128xf32, #tpu.memory_space<hbm>> -> memref<1x8x128xf32, #tpu.memory_space<hbm>>
      %dma_start3A_1311 = tpu.memref_squeeze %dma_start3A_1310 : memref<1x8x128xf32, #tpu.memory_space<hbm>> -> memref<8x128xf32, #tpu.memory_space<hbm>>
      %dma_start3A_1312 = tpu.memref_slice %arg9[%dma_start3A_1303] : memref<4x!tpu.dma_semaphore, #tpu.memory_space<semaphore_mem>> -> memref<1x!tpu.dma_semaphore, #tpu.memory_space<semaphore_mem>>
      %dma_start3A_1313 = tpu.memref_squeeze %dma_start3A_1312 : memref<1x!tpu.dma_semaphore, #tpu.memory_space<semaphore_mem>> -> memref<!tpu.dma_semaphore, #tpu.memory_space<semaphore_mem>>
      %dma_start3A_1314 = arith.constant 0 : i32
      %dma_start3A_1315 = arith.constant 0 : i32
      %dma_start3A_1316 = tpu.memref_slice %arg4[%add3A_1301, %dma_start3A_1314, %dma_start3A_1315] : memref<51200x8x128xf32, #tpu.memory_space<hbm>> -> memref<1x8x128xf32, #tpu.memory_space<hbm>>
      %dma_start3A_1317 = tpu.memref_squeeze %dma_start3A_1316 : memref<1x8x128xf32, #tpu.memory_space<hbm>> -> memref<8x128xf32, #tpu.memory_space<hbm>>
      %dma_start3A_1318 = arith.constant 8 : i32
      %dma_start3A_1319 = arith.constant 0 : i32
      %dma_start3A_1320 = tpu.memref_slice %arg7[%dma_start3A_1302, %dma_start3A_1318, %dma_start3A_1319] : memref<4x64x129xf32, #tpu.memory_space<vmem>> -> memref<1x8x128xf32, #tpu.memory_space<vmem>>
      %dma_start3A_1321 = tpu.memref_squeeze %dma_start3A_1320 : memref<1x8x128xf32, #tpu.memory_space<vmem>> -> memref<8x128xf32, #tpu.memory_space<vmem>>
      tpu.enqueue_dma source(%dma_start3A_1321 : memref<8x128xf32, #tpu.memory_space<vmem>>) target(%dma_start3A_1317 : memref<8x128xf32, #tpu.memory_space<hbm>>) target_semaphore(%dma_start3A_1313 : memref<!tpu.dma_semaphore, #tpu.memory_space<semaphore_mem>>)
      %add3A_1322 = arith.constant 256 : i32
      %add3A_1323 = arith.addi %add3A_1277, %add3A_1322 : i32
      %dma_start3A_1324 = arith.constant 2 : i32
      %dma_start3A_1325 = arith.constant 2 : i32
      %dma_start3A_1326 = arith.constant 16 : i32
      %dma_start3A_1327 = arith.constant 0 : i32
      %dma_start3A_1328 = tpu.memref_slice %arg7[%dma_start3A_1324, %dma_start3A_1326, %dma_start3A_1327] : memref<4x64x129xf32, #tpu.memory_space<vmem>> -> memref<1x8x128xf32, #tpu.memory_space<vmem>>
      %dma_start3A_1329 = tpu.memref_squeeze %dma_start3A_1328 : memref<1x8x128xf32, #tpu.memory_space<vmem>> -> memref<8x128xf32, #tpu.memory_space<vmem>>
      %dma_start3A_1330 = arith.constant 0 : i32
      %dma_start3A_1331 = arith.constant 0 : i32
      %dma_start3A_1332 = tpu.memref_slice %arg4[%add3A_1323, %dma_start3A_1330, %dma_start3A_1331] : memref<51200x8x128xf32, #tpu.memory_space<hbm>> -> memref<1x8x128xf32, #tpu.memory_space<hbm>>
      %dma_start3A_1333 = tpu.memref_squeeze %dma_start3A_1332 : memref<1x8x128xf32, #tpu.memory_space<hbm>> -> memref<8x128xf32, #tpu.memory_space<hbm>>
      %dma_start3A_1334 = tpu.memref_slice %arg9[%dma_start3A_1325] : memref<4x!tpu.dma_semaphore, #tpu.memory_space<semaphore_mem>> -> memref<1x!tpu.dma_semaphore, #tpu.memory_space<semaphore_mem>>
      %dma_start3A_1335 = tpu.memref_squeeze %dma_start3A_1334 : memref<1x!tpu.dma_semaphore, #tpu.memory_space<semaphore_mem>> -> memref<!tpu.dma_semaphore, #tpu.memory_space<semaphore_mem>>
      %dma_start3A_1336 = arith.constant 0 : i32
      %dma_start3A_1337 = arith.constant 0 : i32
      %dma_start3A_1338 = tpu.memref_slice %arg4[%add3A_1323, %dma_start3A_1336, %dma_start3A_1337] : memref<51200x8x128xf32, #tpu.memory_space<hbm>> -> memref<1x8x128xf32, #tpu.memory_space<hbm>>
      %dma_start3A_1339 = tpu.memref_squeeze %dma_start3A_1338 : memref<1x8x128xf32, #tpu.memory_space<hbm>> -> memref<8x128xf32, #tpu.memory_space<hbm>>
      %dma_start3A_1340 = arith.constant 16 : i32
      %dma_start3A_1341 = arith.constant 0 : i32
      %dma_start3A_1342 = tpu.memref_slice %arg7[%dma_start3A_1324, %dma_start3A_1340, %dma_start3A_1341] : memref<4x64x129xf32, #tpu.memory_space<vmem>> -> memref<1x8x128xf32, #tpu.memory_space<vmem>>
      %dma_start3A_1343 = tpu.memref_squeeze %dma_start3A_1342 : memref<1x8x128xf32, #tpu.memory_space<vmem>> -> memref<8x128xf32, #tpu.memory_space<vmem>>
      tpu.enqueue_dma source(%dma_start3A_1343 : memref<8x128xf32, #tpu.memory_space<vmem>>) target(%dma_start3A_1339 : memref<8x128xf32, #tpu.memory_space<hbm>>) target_semaphore(%dma_start3A_1335 : memref<!tpu.dma_semaphore, #tpu.memory_space<semaphore_mem>>)
      %add3A_1344 = arith.constant 384 : i32
      %add3A_1345 = arith.addi %add3A_1277, %add3A_1344 : i32
      %dma_start3A_1346 = arith.constant 2 : i32
      %dma_start3A_1347 = arith.constant 2 : i32
      %dma_start3A_1348 = arith.constant 24 : i32
      %dma_start3A_1349 = arith.constant 0 : i32
      %dma_start3A_1350 = tpu.memref_slice %arg7[%dma_start3A_1346, %dma_start3A_1348, %dma_start3A_1349] : memref<4x64x129xf32, #tpu.memory_space<vmem>> -> memref<1x8x128xf32, #tpu.memory_space<vmem>>
      %dma_start3A_1351 = tpu.memref_squeeze %dma_start3A_1350 : memref<1x8x128xf32, #tpu.memory_space<vmem>> -> memref<8x128xf32, #tpu.memory_space<vmem>>
      %dma_start3A_1352 = arith.constant 0 : i32
      %dma_start3A_1353 = arith.constant 0 : i32
      %dma_start3A_1354 = tpu.memref_slice %arg4[%add3A_1345, %dma_start3A_1352, %dma_start3A_1353] : memref<51200x8x128xf32, #tpu.memory_space<hbm>> -> memref<1x8x128xf32, #tpu.memory_space<hbm>>
      %dma_start3A_1355 = tpu.memref_squeeze %dma_start3A_1354 : memref<1x8x128xf32, #tpu.memory_space<hbm>> -> memref<8x128xf32, #tpu.memory_space<hbm>>
      %dma_start3A_1356 = tpu.memref_slice %arg9[%dma_start3A_1347] : memref<4x!tpu.dma_semaphore, #tpu.memory_space<semaphore_mem>> -> memref<1x!tpu.dma_semaphore, #tpu.memory_space<semaphore_mem>>
      %dma_start3A_1357 = tpu.memref_squeeze %dma_start3A_1356 : memref<1x!tpu.dma_semaphore, #tpu.memory_space<semaphore_mem>> -> memref<!tpu.dma_semaphore, #tpu.memory_space<semaphore_mem>>
      %dma_start3A_1358 = arith.constant 0 : i32
      %dma_start3A_1359 = arith.constant 0 : i32
      %dma_start3A_1360 = tpu.memref_slice %arg4[%add3A_1345, %dma_start3A_1358, %dma_start3A_1359] : memref<51200x8x128xf32, #tpu.memory_space<hbm>> -> memref<1x8x128xf32, #tpu.memory_space<hbm>>
      %dma_start3A_1361 = tpu.memref_squeeze %dma_start3A_1360 : memref<1x8x128xf32, #tpu.memory_space<hbm>> -> memref<8x128xf32, #tpu.memory_space<hbm>>
      %dma_start3A_1362 = arith.constant 24 : i32
      %dma_start3A_1363 = arith.constant 0 : i32
      %dma_start3A_1364 = tpu.memref_slice %arg7[%dma_start3A_1346, %dma_start3A_1362, %dma_start3A_1363] : memref<4x64x129xf32, #tpu.memory_space<vmem>> -> memref<1x8x128xf32, #tpu.memory_space<vmem>>
      %dma_start3A_1365 = tpu.memref_squeeze %dma_start3A_1364 : memref<1x8x128xf32, #tpu.memory_space<vmem>> -> memref<8x128xf32, #tpu.memory_space<vmem>>
      tpu.enqueue_dma source(%dma_start3A_1365 : memref<8x128xf32, #tpu.memory_space<vmem>>) target(%dma_start3A_1361 : memref<8x128xf32, #tpu.memory_space<hbm>>) target_semaphore(%dma_start3A_1357 : memref<!tpu.dma_semaphore, #tpu.memory_space<semaphore_mem>>)
      %add3A_1366 = arith.constant 512 : i32
      %add3A_1367 = arith.addi %add3A_1277, %add3A_1366 : i32
      %dma_start3A_1368 = arith.constant 2 : i32
      %dma_start3A_1369 = arith.constant 2 : i32
      %dma_start3A_1370 = arith.constant 32 : i32
      %dma_start3A_1371 = arith.constant 0 : i32
      %dma_start3A_1372 = tpu.memref_slice %arg7[%dma_start3A_1368, %dma_start3A_1370, %dma_start3A_1371] : memref<4x64x129xf32, #tpu.memory_space<vmem>> -> memref<1x8x128xf32, #tpu.memory_space<vmem>>
      %dma_start3A_1373 = tpu.memref_squeeze %dma_start3A_1372 : memref<1x8x128xf32, #tpu.memory_space<vmem>> -> memref<8x128xf32, #tpu.memory_space<vmem>>
      %dma_start3A_1374 = arith.constant 0 : i32
      %dma_start3A_1375 = arith.constant 0 : i32
      %dma_start3A_1376 = tpu.memref_slice %arg4[%add3A_1367, %dma_start3A_1374, %dma_start3A_1375] : memref<51200x8x128xf32, #tpu.memory_space<hbm>> -> memref<1x8x128xf32, #tpu.memory_space<hbm>>
      %dma_start3A_1377 = tpu.memref_squeeze %dma_start3A_1376 : memref<1x8x128xf32, #tpu.memory_space<hbm>> -> memref<8x128xf32, #tpu.memory_space<hbm>>
      %dma_start3A_1378 = tpu.memref_slice %arg9[%dma_start3A_1369] : memref<4x!tpu.dma_semaphore, #tpu.memory_space<semaphore_mem>> -> memref<1x!tpu.dma_semaphore, #tpu.memory_space<semaphore_mem>>
      %dma_start3A_1379 = tpu.memref_squeeze %dma_start3A_1378 : memref<1x!tpu.dma_semaphore, #tpu.memory_space<semaphore_mem>> -> memref<!tpu.dma_semaphore, #tpu.memory_space<semaphore_mem>>
      %dma_start3A_1380 = arith.constant 0 : i32
      %dma_start3A_1381 = arith.constant 0 : i32
      %dma_start3A_1382 = tpu.memref_slice %arg4[%add3A_1367, %dma_start3A_1380, %dma_start3A_1381] : memref<51200x8x128xf32, #tpu.memory_space<hbm>> -> memref<1x8x128xf32, #tpu.memory_space<hbm>>
      %dma_start3A_1383 = tpu.memref_squeeze %dma_start3A_1382 : memref<1x8x128xf32, #tpu.memory_space<hbm>> -> memref<8x128xf32, #tpu.memory_space<hbm>>
      %dma_start3A_1384 = arith.constant 32 : i32
      %dma_start3A_1385 = arith.constant 0 : i32
      %dma_start3A_1386 = tpu.memref_slice %arg7[%dma_start3A_1368, %dma_start3A_1384, %dma_start3A_1385] : memref<4x64x129xf32, #tpu.memory_space<vmem>> -> memref<1x8x128xf32, #tpu.memory_space<vmem>>
      %dma_start3A_1387 = tpu.memref_squeeze %dma_start3A_1386 : memref<1x8x128xf32, #tpu.memory_space<vmem>> -> memref<8x128xf32, #tpu.memory_space<vmem>>
      tpu.enqueue_dma source(%dma_start3A_1387 : memref<8x128xf32, #tpu.memory_space<vmem>>) target(%dma_start3A_1383 : memref<8x128xf32, #tpu.memory_space<hbm>>) target_semaphore(%dma_start3A_1379 : memref<!tpu.dma_semaphore, #tpu.memory_space<semaphore_mem>>)
      %add3A_1388 = arith.constant 640 : i32
      %add3A_1389 = arith.addi %add3A_1277, %add3A_1388 : i32
      %dma_start3A_1390 = arith.constant 2 : i32
      %dma_start3A_1391 = arith.constant 2 : i32
      %dma_start3A_1392 = arith.constant 40 : i32
      %dma_start3A_1393 = arith.constant 0 : i32
      %dma_start3A_1394 = tpu.memref_slice %arg7[%dma_start3A_1390, %dma_start3A_1392, %dma_start3A_1393] : memref<4x64x129xf32, #tpu.memory_space<vmem>> -> memref<1x8x128xf32, #tpu.memory_space<vmem>>
      %dma_start3A_1395 = tpu.memref_squeeze %dma_start3A_1394 : memref<1x8x128xf32, #tpu.memory_space<vmem>> -> memref<8x128xf32, #tpu.memory_space<vmem>>
      %dma_start3A_1396 = arith.constant 0 : i32
      %dma_start3A_1397 = arith.constant 0 : i32
      %dma_start3A_1398 = tpu.memref_slice %arg4[%add3A_1389, %dma_start3A_1396, %dma_start3A_1397] : memref<51200x8x128xf32, #tpu.memory_space<hbm>> -> memref<1x8x128xf32, #tpu.memory_space<hbm>>
      %dma_start3A_1399 = tpu.memref_squeeze %dma_start3A_1398 : memref<1x8x128xf32, #tpu.memory_space<hbm>> -> memref<8x128xf32, #tpu.memory_space<hbm>>
      %dma_start3A_1400 = tpu.memref_slice %arg9[%dma_start3A_1391] : memref<4x!tpu.dma_semaphore, #tpu.memory_space<semaphore_mem>> -> memref<1x!tpu.dma_semaphore, #tpu.memory_space<semaphore_mem>>
      %dma_start3A_1401 = tpu.memref_squeeze %dma_start3A_1400 : memref<1x!tpu.dma_semaphore, #tpu.memory_space<semaphore_mem>> -> memref<!tpu.dma_semaphore, #tpu.memory_space<semaphore_mem>>
      %dma_start3A_1402 = arith.constant 0 : i32
      %dma_start3A_1403 = arith.constant 0 : i32
      %dma_start3A_1404 = tpu.memref_slice %arg4[%add3A_1389, %dma_start3A_1402, %dma_start3A_1403] : memref<51200x8x128xf32, #tpu.memory_space<hbm>> -> memref<1x8x128xf32, #tpu.memory_space<hbm>>
      %dma_start3A_1405 = tpu.memref_squeeze %dma_start3A_1404 : memref<1x8x128xf32, #tpu.memory_space<hbm>> -> memref<8x128xf32, #tpu.memory_space<hbm>>
      %dma_start3A_1406 = arith.constant 40 : i32
      %dma_start3A_1407 = arith.constant 0 : i32
      %dma_start3A_1408 = tpu.memref_slice %arg7[%dma_start3A_1390, %dma_start3A_1406, %dma_start3A_1407] : memref<4x64x129xf32, #tpu.memory_space<vmem>> -> memref<1x8x128xf32, #tpu.memory_space<vmem>>
      %dma_start3A_1409 = tpu.memref_squeeze %dma_start3A_1408 : memref<1x8x128xf32, #tpu.memory_space<vmem>> -> memref<8x128xf32, #tpu.memory_space<vmem>>
      tpu.enqueue_dma source(%dma_start3A_1409 : memref<8x128xf32, #tpu.memory_space<vmem>>) target(%dma_start3A_1405 : memref<8x128xf32, #tpu.memory_space<hbm>>) target_semaphore(%dma_start3A_1401 : memref<!tpu.dma_semaphore, #tpu.memory_space<semaphore_mem>>)
      %add3A_1410 = arith.constant 768 : i32
      %add3A_1411 = arith.addi %add3A_1277, %add3A_1410 : i32
      %dma_start3A_1412 = arith.constant 2 : i32
      %dma_start3A_1413 = arith.constant 2 : i32
      %dma_start3A_1414 = arith.constant 48 : i32
      %dma_start3A_1415 = arith.constant 0 : i32
      %dma_start3A_1416 = tpu.memref_slice %arg7[%dma_start3A_1412, %dma_start3A_1414, %dma_start3A_1415] : memref<4x64x129xf32, #tpu.memory_space<vmem>> -> memref<1x8x128xf32, #tpu.memory_space<vmem>>
      %dma_start3A_1417 = tpu.memref_squeeze %dma_start3A_1416 : memref<1x8x128xf32, #tpu.memory_space<vmem>> -> memref<8x128xf32, #tpu.memory_space<vmem>>
      %dma_start3A_1418 = arith.constant 0 : i32
      %dma_start3A_1419 = arith.constant 0 : i32
      %dma_start3A_1420 = tpu.memref_slice %arg4[%add3A_1411, %dma_start3A_1418, %dma_start3A_1419] : memref<51200x8x128xf32, #tpu.memory_space<hbm>> -> memref<1x8x128xf32, #tpu.memory_space<hbm>>
      %dma_start3A_1421 = tpu.memref_squeeze %dma_start3A_1420 : memref<1x8x128xf32, #tpu.memory_space<hbm>> -> memref<8x128xf32, #tpu.memory_space<hbm>>
      %dma_start3A_1422 = tpu.memref_slice %arg9[%dma_start3A_1413] : memref<4x!tpu.dma_semaphore, #tpu.memory_space<semaphore_mem>> -> memref<1x!tpu.dma_semaphore, #tpu.memory_space<semaphore_mem>>
      %dma_start3A_1423 = tpu.memref_squeeze %dma_start3A_1422 : memref<1x!tpu.dma_semaphore, #tpu.memory_space<semaphore_mem>> -> memref<!tpu.dma_semaphore, #tpu.memory_space<semaphore_mem>>
      %dma_start3A_1424 = arith.constant 0 : i32
      %dma_start3A_1425 = arith.constant 0 : i32
      %dma_start3A_1426 = tpu.memref_slice %arg4[%add3A_1411, %dma_start3A_1424, %dma_start3A_1425] : memref<51200x8x128xf32, #tpu.memory_space<hbm>> -> memref<1x8x128xf32, #tpu.memory_space<hbm>>
      %dma_start3A_1427 = tpu.memref_squeeze %dma_start3A_1426 : memref<1x8x128xf32, #tpu.memory_space<hbm>> -> memref<8x128xf32, #tpu.memory_space<hbm>>
      %dma_start3A_1428 = arith.constant 48 : i32
      %dma_start3A_1429 = arith.constant 0 : i32
      %dma_start3A_1430 = tpu.memref_slice %arg7[%dma_start3A_1412, %dma_start3A_1428, %dma_start3A_1429] : memref<4x64x129xf32, #tpu.memory_space<vmem>> -> memref<1x8x128xf32, #tpu.memory_space<vmem>>
      %dma_start3A_1431 = tpu.memref_squeeze %dma_start3A_1430 : memref<1x8x128xf32, #tpu.memory_space<vmem>> -> memref<8x128xf32, #tpu.memory_space<vmem>>
      tpu.enqueue_dma source(%dma_start3A_1431 : memref<8x128xf32, #tpu.memory_space<vmem>>) target(%dma_start3A_1427 : memref<8x128xf32, #tpu.memory_space<hbm>>) target_semaphore(%dma_start3A_1423 : memref<!tpu.dma_semaphore, #tpu.memory_space<semaphore_mem>>)
      %add3A_1432 = arith.constant 896 : i32
      %add3A_1433 = arith.addi %add3A_1277, %add3A_1432 : i32
      %dma_start3A_1434 = arith.constant 2 : i32
      %dma_start3A_1435 = arith.constant 2 : i32
      %dma_start3A_1436 = arith.constant 56 : i32
      %dma_start3A_1437 = arith.constant 0 : i32
      %dma_start3A_1438 = tpu.memref_slice %arg7[%dma_start3A_1434, %dma_start3A_1436, %dma_start3A_1437] : memref<4x64x129xf32, #tpu.memory_space<vmem>> -> memref<1x8x128xf32, #tpu.memory_space<vmem>>
      %dma_start3A_1439 = tpu.memref_squeeze %dma_start3A_1438 : memref<1x8x128xf32, #tpu.memory_space<vmem>> -> memref<8x128xf32, #tpu.memory_space<vmem>>
      %dma_start3A_1440 = arith.constant 0 : i32
      %dma_start3A_1441 = arith.constant 0 : i32
      %dma_start3A_1442 = tpu.memref_slice %arg4[%add3A_1433, %dma_start3A_1440, %dma_start3A_1441] : memref<51200x8x128xf32, #tpu.memory_space<hbm>> -> memref<1x8x128xf32, #tpu.memory_space<hbm>>
      %dma_start3A_1443 = tpu.memref_squeeze %dma_start3A_1442 : memref<1x8x128xf32, #tpu.memory_space<hbm>> -> memref<8x128xf32, #tpu.memory_space<hbm>>
      %dma_start3A_1444 = tpu.memref_slice %arg9[%dma_start3A_1435] : memref<4x!tpu.dma_semaphore, #tpu.memory_space<semaphore_mem>> -> memref<1x!tpu.dma_semaphore, #tpu.memory_space<semaphore_mem>>
      %dma_start3A_1445 = tpu.memref_squeeze %dma_start3A_1444 : memref<1x!tpu.dma_semaphore, #tpu.memory_space<semaphore_mem>> -> memref<!tpu.dma_semaphore, #tpu.memory_space<semaphore_mem>>
      %dma_start3A_1446 = arith.constant 0 : i32
      %dma_start3A_1447 = arith.constant 0 : i32
      %dma_start3A_1448 = tpu.memref_slice %arg4[%add3A_1433, %dma_start3A_1446, %dma_start3A_1447] : memref<51200x8x128xf32, #tpu.memory_space<hbm>> -> memref<1x8x128xf32, #tpu.memory_space<hbm>>
      %dma_start3A_1449 = tpu.memref_squeeze %dma_start3A_1448 : memref<1x8x128xf32, #tpu.memory_space<hbm>> -> memref<8x128xf32, #tpu.memory_space<hbm>>
      %dma_start3A_1450 = arith.constant 56 : i32
      %dma_start3A_1451 = arith.constant 0 : i32
      %dma_start3A_1452 = tpu.memref_slice %arg7[%dma_start3A_1434, %dma_start3A_1450, %dma_start3A_1451] : memref<4x64x129xf32, #tpu.memory_space<vmem>> -> memref<1x8x128xf32, #tpu.memory_space<vmem>>
      %dma_start3A_1453 = tpu.memref_squeeze %dma_start3A_1452 : memref<1x8x128xf32, #tpu.memory_space<vmem>> -> memref<8x128xf32, #tpu.memory_space<vmem>>
      tpu.enqueue_dma source(%dma_start3A_1453 : memref<8x128xf32, #tpu.memory_space<vmem>>) target(%dma_start3A_1449 : memref<8x128xf32, #tpu.memory_space<hbm>>) target_semaphore(%dma_start3A_1445 : memref<!tpu.dma_semaphore, #tpu.memory_space<semaphore_mem>>)
      %add3A_1454 = arith.constant 4 : i32
      %add3A_1455 = arith.addi %add3A_1222, %add3A_1454 : i32
      %lt3A_1456 = arith.constant 200 : i32
      %lt3A_1457 = arith.cmpi slt, %add3A_1455, %lt3A_1456 : i32
      %convert_element_type3A_1458 = arith.extui %lt3A_1457 : i1 to i32
      %cond3A_1459 = arith.constant 0 : i32
      %cond3A_1460 = arith.cmpi ne, %convert_element_type3A_1458, %cond3A_1459 : i32
      scf.if %cond3A_1460 {
        %dma_start3A_1701 = arith.constant 2 : i32
        %dma_start3A_1702 = arith.constant 2 : i32
        %dma_start3A_1703 = arith.constant 0 : i32
        %dma_start3A_1704 = arith.constant 0 : i32
        %dma_start3A_1705 = tpu.memref_slice %arg6[%dma_start3A_1701, %dma_start3A_1703, %dma_start3A_1704] : memref<4x128x128xf32, #tpu.memory_space<vmem>> -> memref<1x128x128xf32, #tpu.memory_space<vmem>>
        %dma_start3A_1706 = tpu.memref_squeeze %dma_start3A_1705 : memref<1x128x128xf32, #tpu.memory_space<vmem>> -> memref<128x128xf32, #tpu.memory_space<vmem>>
        %dma_start3A_1707 = arith.constant 0 : i32
        %dma_start3A_1708 = tpu.memref_slice %arg5[%add3A_1455, %dma_start3A_1707] : memref<200x128xi32, #tpu.memory_space<vmem>> -> memref<1x128xi32, #tpu.memory_space<vmem>>
        %dma_start3A_1709 = tpu.memref_squeeze %dma_start3A_1708 : memref<1x128xi32, #tpu.memory_space<vmem>> -> memref<128xi32, #tpu.memory_space<vmem>>
        %dma_start3A_1710 = arith.constant 0 : i32
        %dma_start3A_1711 = arith.constant 0 : i32
        %dma_start3A_1712 = tpu.memref_slice %arg3[%dma_start3A_1710, %dma_start3A_1711] : memref<1000000x128xf32, #tpu.memory_space<hbm>> -> memref<1000000x128xf32, #tpu.memory_space<hbm>>
        %dma_start3A_1713 = tpu.memref_slice %arg8[%dma_start3A_1702] : memref<4x!tpu.dma_semaphore, #tpu.memory_space<semaphore_mem>> -> memref<1x!tpu.dma_semaphore, #tpu.memory_space<semaphore_mem>>
        %dma_start3A_1714 = tpu.memref_squeeze %dma_start3A_1713 : memref<1x!tpu.dma_semaphore, #tpu.memory_space<semaphore_mem>> -> memref<!tpu.dma_semaphore, #tpu.memory_space<semaphore_mem>>
        tpu.enqueue_indirect_dma source(%dma_start3A_1712 : memref<1000000x128xf32, #tpu.memory_space<hbm>>) target(%dma_start3A_1706 : memref<128x128xf32, #tpu.memory_space<vmem>>) offsets(%dma_start3A_1709 : memref<128xi32, #tpu.memory_space<vmem>>) semaphore(%dma_start3A_1714 : memref<!tpu.dma_semaphore, #tpu.memory_space<semaphore_mem>>)
      } else {
      }
      %add3A_1461 = arith.constant 3 : i32
      %add3A_1462 = arith.addi %add3A_753, %add3A_1461 : i32
      %add3A_1463 = arith.addi %mul3A_2, %add3A_1462 : i32
      %jit3A_1464 = arith.constant 128 : i32
      %div3A_1465 = arith.divsi %add3A_1463, %jit3A_1464 : i32
      %sign3A_1466 = arith.constant 0 : i32
      %sign3A_1467 = arith.cmpi sgt, %add3A_1463, %sign3A_1466 : i32
      %sign3A_1468 = arith.extui %sign3A_1467 : i1 to i32
      %sign3A_1469 = arith.constant 0 : i32
      %sign3A_1470 = arith.cmpi slt, %add3A_1463, %sign3A_1469 : i32
      %sign3A_1471 = arith.extui %sign3A_1470 : i1 to i32
      %sign3A_1472 = arith.subi %sign3A_1468, %sign3A_1471 : i32
      %sign3A_1473 = arith.constant 0 : i32
      %sign3A_1474 = arith.cmpi sgt, %jit3A_1464, %sign3A_1473 : i32
      %sign3A_1475 = arith.extui %sign3A_1474 : i1 to i32
      %sign3A_1476 = arith.constant 0 : i32
      %sign3A_1477 = arith.cmpi slt, %jit3A_1464, %sign3A_1476 : i32
      %sign3A_1478 = arith.extui %sign3A_1477 : i1 to i32
      %sign3A_1479 = arith.subi %sign3A_1475, %sign3A_1478 : i32
      %ne3A_1480 = arith.cmpi ne, %sign3A_1472, %sign3A_1479 : i32
      %rem3A_1481 = arith.remsi %add3A_1463, %jit3A_1464 : i32
      %ne3A_1482 = arith.constant 0 : i32
      %ne3A_1483 = arith.cmpi ne, %rem3A_1481, %ne3A_1482 : i32
      %and3A_1484 = arith.andi %ne3A_1480, %ne3A_1483 : i1
      %sub3A_1485 = arith.constant 1 : i32
      %sub3A_1486 = arith.subi %div3A_1465, %sub3A_1485 : i32
      %select_n3A_1487 = arith.select %and3A_1484, %sub3A_1486, %div3A_1465 : i32
      %rem3A_1488 = arith.constant 128 : i32
      %rem3A_1489 = arith.remsi %add3A_1463, %rem3A_1488 : i32
      %dma_wait3A_1490 = arith.constant 0 : i32
      %dma_wait3A_1491 = arith.constant 3 : i32
      %dma_wait3A_1492 = arith.constant 3 : i32
      %dma_wait3A_1493 = arith.constant 0 : i32
      %dma_wait3A_1494 = arith.constant 0 : i32
      %dma_wait3A_1495 = tpu.memref_slice %arg6[%dma_wait3A_1491, %dma_wait3A_1493, %dma_wait3A_1494] : memref<4x128x128xf32, #tpu.memory_space<vmem>> -> memref<1x128x128xf32, #tpu.memory_space<vmem>>
      %dma_wait3A_1496 = tpu.memref_squeeze %dma_wait3A_1495 : memref<1x128x128xf32, #tpu.memory_space<vmem>> -> memref<128x128xf32, #tpu.memory_space<vmem>>
      %dma_wait3A_1497 = arith.constant 0 : i32
      %dma_wait3A_1498 = tpu.memref_slice %arg5[%dma_wait3A_1490, %dma_wait3A_1497] : memref<200x128xi32, #tpu.memory_space<vmem>> -> memref<1x128xi32, #tpu.memory_space<vmem>>
      %dma_wait3A_1499 = tpu.memref_squeeze %dma_wait3A_1498 : memref<1x128xi32, #tpu.memory_space<vmem>> -> memref<128xi32, #tpu.memory_space<vmem>>
      %dma_wait3A_1500 = arith.constant 0 : i32
      %dma_wait3A_1501 = arith.constant 0 : i32
      %dma_wait3A_1502 = tpu.memref_slice %arg3[%dma_wait3A_1500, %dma_wait3A_1501] : memref<1000000x128xf32, #tpu.memory_space<hbm>> -> memref<1000000x128xf32, #tpu.memory_space<hbm>>
      %dma_wait3A_1503 = tpu.memref_slice %arg8[%dma_wait3A_1492] : memref<4x!tpu.dma_semaphore, #tpu.memory_space<semaphore_mem>> -> memref<1x!tpu.dma_semaphore, #tpu.memory_space<semaphore_mem>>
      %dma_wait3A_1504 = tpu.memref_squeeze %dma_wait3A_1503 : memref<1x!tpu.dma_semaphore, #tpu.memory_space<semaphore_mem>> -> memref<!tpu.dma_semaphore, #tpu.memory_space<semaphore_mem>>
      tpu.wait_indirect_dma semaphore(%dma_wait3A_1504 : memref<!tpu.dma_semaphore, #tpu.memory_space<semaphore_mem>>) src(%dma_wait3A_1502 : memref<1000000x128xf32, #tpu.memory_space<hbm>>) dst(%dma_wait3A_1496 : memref<128x128xf32, #tpu.memory_space<vmem>>)
      %gt3A_1505 = arith.constant 0 : i32
      %gt3A_1506 = arith.cmpi sgt, %add3A_753, %gt3A_1505 : i32
      %convert_element_type3A_1507 = arith.extui %gt3A_1506 : i1 to i32
      %cond3A_1508 = arith.constant 0 : i32
      %cond3A_1509 = arith.cmpi ne, %convert_element_type3A_1507, %cond3A_1508 : i32
      scf.if %cond3A_1509 {
        %dma_wait3A_1701 = arith.constant 3 : i32
        %dma_wait3A_1702 = arith.constant 0 : i32
        %dma_wait3A_1703 = arith.constant 3 : i32
        %dma_wait3A_1704 = arith.constant 0 : i32
        %dma_wait3A_1705 = arith.constant 0 : i32
        %dma_wait3A_1706 = tpu.memref_slice %arg7[%dma_wait3A_1701, %dma_wait3A_1704, %dma_wait3A_1705] : memref<4x64x129xf32, #tpu.memory_space<vmem>> -> memref<1x8x128xf32, #tpu.memory_space<vmem>>
        %dma_wait3A_1707 = tpu.memref_squeeze %dma_wait3A_1706 : memref<1x8x128xf32, #tpu.memory_space<vmem>> -> memref<8x128xf32, #tpu.memory_space<vmem>>
        %dma_wait3A_1708 = arith.constant 0 : i32
        %dma_wait3A_1709 = arith.constant 0 : i32
        %dma_wait3A_1710 = tpu.memref_slice %arg4[%dma_wait3A_1702, %dma_wait3A_1708, %dma_wait3A_1709] : memref<51200x8x128xf32, #tpu.memory_space<hbm>> -> memref<1x8x128xf32, #tpu.memory_space<hbm>>
        %dma_wait3A_1711 = tpu.memref_squeeze %dma_wait3A_1710 : memref<1x8x128xf32, #tpu.memory_space<hbm>> -> memref<8x128xf32, #tpu.memory_space<hbm>>
        %dma_wait3A_1712 = tpu.memref_slice %arg9[%dma_wait3A_1703] : memref<4x!tpu.dma_semaphore, #tpu.memory_space<semaphore_mem>> -> memref<1x!tpu.dma_semaphore, #tpu.memory_space<semaphore_mem>>
        %dma_wait3A_1713 = tpu.memref_squeeze %dma_wait3A_1712 : memref<1x!tpu.dma_semaphore, #tpu.memory_space<semaphore_mem>> -> memref<!tpu.dma_semaphore, #tpu.memory_space<semaphore_mem>>
        %dma_wait3A_1714 = arith.constant 0 : i32
        %dma_wait3A_1715 = arith.constant 0 : i32
        %dma_wait3A_1716 = tpu.memref_slice %arg4[%dma_wait3A_1702, %dma_wait3A_1714, %dma_wait3A_1715] : memref<51200x8x128xf32, #tpu.memory_space<hbm>> -> memref<1x8x128xf32, #tpu.memory_space<hbm>>
        %dma_wait3A_1717 = tpu.memref_squeeze %dma_wait3A_1716 : memref<1x8x128xf32, #tpu.memory_space<hbm>> -> memref<8x128xf32, #tpu.memory_space<hbm>>
        %dma_wait3A_1718 = arith.constant 0 : i32
        %dma_wait3A_1719 = arith.constant 0 : i32
        %dma_wait3A_1720 = tpu.memref_slice %arg7[%dma_wait3A_1701, %dma_wait3A_1718, %dma_wait3A_1719] : memref<4x64x129xf32, #tpu.memory_space<vmem>> -> memref<1x8x128xf32, #tpu.memory_space<vmem>>
        %dma_wait3A_1721 = tpu.memref_squeeze %dma_wait3A_1720 : memref<1x8x128xf32, #tpu.memory_space<vmem>> -> memref<8x128xf32, #tpu.memory_space<vmem>>
        tpu.wait_dma2 semaphore(%dma_wait3A_1713 : memref<!tpu.dma_semaphore, #tpu.memory_space<semaphore_mem>>) src(%dma_wait3A_1721 : memref<8x128xf32, #tpu.memory_space<vmem>>) dst(%dma_wait3A_1717 : memref<8x128xf32, #tpu.memory_space<hbm>>)
        %dma_wait3A_1722 = arith.constant 3 : i32
        %dma_wait3A_1723 = arith.constant 0 : i32
        %dma_wait3A_1724 = arith.constant 3 : i32
        %dma_wait3A_1725 = arith.constant 0 : i32
        %dma_wait3A_1726 = arith.constant 0 : i32
        %dma_wait3A_1727 = tpu.memref_slice %arg7[%dma_wait3A_1722, %dma_wait3A_1725, %dma_wait3A_1726] : memref<4x64x129xf32, #tpu.memory_space<vmem>> -> memref<1x8x128xf32, #tpu.memory_space<vmem>>
        %dma_wait3A_1728 = tpu.memref_squeeze %dma_wait3A_1727 : memref<1x8x128xf32, #tpu.memory_space<vmem>> -> memref<8x128xf32, #tpu.memory_space<vmem>>
        %dma_wait3A_1729 = arith.constant 0 : i32
        %dma_wait3A_1730 = arith.constant 0 : i32
        %dma_wait3A_1731 = tpu.memref_slice %arg4[%dma_wait3A_1723, %dma_wait3A_1729, %dma_wait3A_1730] : memref<51200x8x128xf32, #tpu.memory_space<hbm>> -> memref<1x8x128xf32, #tpu.memory_space<hbm>>
        %dma_wait3A_1732 = tpu.memref_squeeze %dma_wait3A_1731 : memref<1x8x128xf32, #tpu.memory_space<hbm>> -> memref<8x128xf32, #tpu.memory_space<hbm>>
        %dma_wait3A_1733 = tpu.memref_slice %arg9[%dma_wait3A_1724] : memref<4x!tpu.dma_semaphore, #tpu.memory_space<semaphore_mem>> -> memref<1x!tpu.dma_semaphore, #tpu.memory_space<semaphore_mem>>
        %dma_wait3A_1734 = tpu.memref_squeeze %dma_wait3A_1733 : memref<1x!tpu.dma_semaphore, #tpu.memory_space<semaphore_mem>> -> memref<!tpu.dma_semaphore, #tpu.memory_space<semaphore_mem>>
        %dma_wait3A_1735 = arith.constant 0 : i32
        %dma_wait3A_1736 = arith.constant 0 : i32
        %dma_wait3A_1737 = tpu.memref_slice %arg4[%dma_wait3A_1723, %dma_wait3A_1735, %dma_wait3A_1736] : memref<51200x8x128xf32, #tpu.memory_space<hbm>> -> memref<1x8x128xf32, #tpu.memory_space<hbm>>
        %dma_wait3A_1738 = tpu.memref_squeeze %dma_wait3A_1737 : memref<1x8x128xf32, #tpu.memory_space<hbm>> -> memref<8x128xf32, #tpu.memory_space<hbm>>
        %dma_wait3A_1739 = arith.constant 0 : i32
        %dma_wait3A_1740 = arith.constant 0 : i32
        %dma_wait3A_1741 = tpu.memref_slice %arg7[%dma_wait3A_1722, %dma_wait3A_1739, %dma_wait3A_1740] : memref<4x64x129xf32, #tpu.memory_space<vmem>> -> memref<1x8x128xf32, #tpu.memory_space<vmem>>
        %dma_wait3A_1742 = tpu.memref_squeeze %dma_wait3A_1741 : memref<1x8x128xf32, #tpu.memory_space<vmem>> -> memref<8x128xf32, #tpu.memory_space<vmem>>
        tpu.wait_dma2 semaphore(%dma_wait3A_1734 : memref<!tpu.dma_semaphore, #tpu.memory_space<semaphore_mem>>) src(%dma_wait3A_1742 : memref<8x128xf32, #tpu.memory_space<vmem>>) dst(%dma_wait3A_1738 : memref<8x128xf32, #tpu.memory_space<hbm>>)
        %dma_wait3A_1743 = arith.constant 3 : i32
        %dma_wait3A_1744 = arith.constant 0 : i32
        %dma_wait3A_1745 = arith.constant 3 : i32
        %dma_wait3A_1746 = arith.constant 0 : i32
        %dma_wait3A_1747 = arith.constant 0 : i32
        %dma_wait3A_1748 = tpu.memref_slice %arg7[%dma_wait3A_1743, %dma_wait3A_1746, %dma_wait3A_1747] : memref<4x64x129xf32, #tpu.memory_space<vmem>> -> memref<1x8x128xf32, #tpu.memory_space<vmem>>
        %dma_wait3A_1749 = tpu.memref_squeeze %dma_wait3A_1748 : memref<1x8x128xf32, #tpu.memory_space<vmem>> -> memref<8x128xf32, #tpu.memory_space<vmem>>
        %dma_wait3A_1750 = arith.constant 0 : i32
        %dma_wait3A_1751 = arith.constant 0 : i32
        %dma_wait3A_1752 = tpu.memref_slice %arg4[%dma_wait3A_1744, %dma_wait3A_1750, %dma_wait3A_1751] : memref<51200x8x128xf32, #tpu.memory_space<hbm>> -> memref<1x8x128xf32, #tpu.memory_space<hbm>>
        %dma_wait3A_1753 = tpu.memref_squeeze %dma_wait3A_1752 : memref<1x8x128xf32, #tpu.memory_space<hbm>> -> memref<8x128xf32, #tpu.memory_space<hbm>>
        %dma_wait3A_1754 = tpu.memref_slice %arg9[%dma_wait3A_1745] : memref<4x!tpu.dma_semaphore, #tpu.memory_space<semaphore_mem>> -> memref<1x!tpu.dma_semaphore, #tpu.memory_space<semaphore_mem>>
        %dma_wait3A_1755 = tpu.memref_squeeze %dma_wait3A_1754 : memref<1x!tpu.dma_semaphore, #tpu.memory_space<semaphore_mem>> -> memref<!tpu.dma_semaphore, #tpu.memory_space<semaphore_mem>>
        %dma_wait3A_1756 = arith.constant 0 : i32
        %dma_wait3A_1757 = arith.constant 0 : i32
        %dma_wait3A_1758 = tpu.memref_slice %arg4[%dma_wait3A_1744, %dma_wait3A_1756, %dma_wait3A_1757] : memref<51200x8x128xf32, #tpu.memory_space<hbm>> -> memref<1x8x128xf32, #tpu.memory_space<hbm>>
        %dma_wait3A_1759 = tpu.memref_squeeze %dma_wait3A_1758 : memref<1x8x128xf32, #tpu.memory_space<hbm>> -> memref<8x128xf32, #tpu.memory_space<hbm>>
        %dma_wait3A_1760 = arith.constant 0 : i32
        %dma_wait3A_1761 = arith.constant 0 : i32
        %dma_wait3A_1762 = tpu.memref_slice %arg7[%dma_wait3A_1743, %dma_wait3A_1760, %dma_wait3A_1761] : memref<4x64x129xf32, #tpu.memory_space<vmem>> -> memref<1x8x128xf32, #tpu.memory_space<vmem>>
        %dma_wait3A_1763 = tpu.memref_squeeze %dma_wait3A_1762 : memref<1x8x128xf32, #tpu.memory_space<vmem>> -> memref<8x128xf32, #tpu.memory_space<vmem>>
        tpu.wait_dma2 semaphore(%dma_wait3A_1755 : memref<!tpu.dma_semaphore, #tpu.memory_space<semaphore_mem>>) src(%dma_wait3A_1763 : memref<8x128xf32, #tpu.memory_space<vmem>>) dst(%dma_wait3A_1759 : memref<8x128xf32, #tpu.memory_space<hbm>>)
        %dma_wait3A_1764 = arith.constant 3 : i32
        %dma_wait3A_1765 = arith.constant 0 : i32
        %dma_wait3A_1766 = arith.constant 3 : i32
        %dma_wait3A_1767 = arith.constant 0 : i32
        %dma_wait3A_1768 = arith.constant 0 : i32
        %dma_wait3A_1769 = tpu.memref_slice %arg7[%dma_wait3A_1764, %dma_wait3A_1767, %dma_wait3A_1768] : memref<4x64x129xf32, #tpu.memory_space<vmem>> -> memref<1x8x128xf32, #tpu.memory_space<vmem>>
        %dma_wait3A_1770 = tpu.memref_squeeze %dma_wait3A_1769 : memref<1x8x128xf32, #tpu.memory_space<vmem>> -> memref<8x128xf32, #tpu.memory_space<vmem>>
        %dma_wait3A_1771 = arith.constant 0 : i32
        %dma_wait3A_1772 = arith.constant 0 : i32
        %dma_wait3A_1773 = tpu.memref_slice %arg4[%dma_wait3A_1765, %dma_wait3A_1771, %dma_wait3A_1772] : memref<51200x8x128xf32, #tpu.memory_space<hbm>> -> memref<1x8x128xf32, #tpu.memory_space<hbm>>
        %dma_wait3A_1774 = tpu.memref_squeeze %dma_wait3A_1773 : memref<1x8x128xf32, #tpu.memory_space<hbm>> -> memref<8x128xf32, #tpu.memory_space<hbm>>
        %dma_wait3A_1775 = tpu.memref_slice %arg9[%dma_wait3A_1766] : memref<4x!tpu.dma_semaphore, #tpu.memory_space<semaphore_mem>> -> memref<1x!tpu.dma_semaphore, #tpu.memory_space<semaphore_mem>>
        %dma_wait3A_1776 = tpu.memref_squeeze %dma_wait3A_1775 : memref<1x!tpu.dma_semaphore, #tpu.memory_space<semaphore_mem>> -> memref<!tpu.dma_semaphore, #tpu.memory_space<semaphore_mem>>
        %dma_wait3A_1777 = arith.constant 0 : i32
        %dma_wait3A_1778 = arith.constant 0 : i32
        %dma_wait3A_1779 = tpu.memref_slice %arg4[%dma_wait3A_1765, %dma_wait3A_1777, %dma_wait3A_1778] : memref<51200x8x128xf32, #tpu.memory_space<hbm>> -> memref<1x8x128xf32, #tpu.memory_space<hbm>>
        %dma_wait3A_1780 = tpu.memref_squeeze %dma_wait3A_1779 : memref<1x8x128xf32, #tpu.memory_space<hbm>> -> memref<8x128xf32, #tpu.memory_space<hbm>>
        %dma_wait3A_1781 = arith.constant 0 : i32
        %dma_wait3A_1782 = arith.constant 0 : i32
        %dma_wait3A_1783 = tpu.memref_slice %arg7[%dma_wait3A_1764, %dma_wait3A_1781, %dma_wait3A_1782] : memref<4x64x129xf32, #tpu.memory_space<vmem>> -> memref<1x8x128xf32, #tpu.memory_space<vmem>>
        %dma_wait3A_1784 = tpu.memref_squeeze %dma_wait3A_1783 : memref<1x8x128xf32, #tpu.memory_space<vmem>> -> memref<8x128xf32, #tpu.memory_space<vmem>>
        tpu.wait_dma2 semaphore(%dma_wait3A_1776 : memref<!tpu.dma_semaphore, #tpu.memory_space<semaphore_mem>>) src(%dma_wait3A_1784 : memref<8x128xf32, #tpu.memory_space<vmem>>) dst(%dma_wait3A_1780 : memref<8x128xf32, #tpu.memory_space<hbm>>)
        %dma_wait3A_1785 = arith.constant 3 : i32
        %dma_wait3A_1786 = arith.constant 0 : i32
        %dma_wait3A_1787 = arith.constant 3 : i32
        %dma_wait3A_1788 = arith.constant 0 : i32
        %dma_wait3A_1789 = arith.constant 0 : i32
        %dma_wait3A_1790 = tpu.memref_slice %arg7[%dma_wait3A_1785, %dma_wait3A_1788, %dma_wait3A_1789] : memref<4x64x129xf32, #tpu.memory_space<vmem>> -> memref<1x8x128xf32, #tpu.memory_space<vmem>>
        %dma_wait3A_1791 = tpu.memref_squeeze %dma_wait3A_1790 : memref<1x8x128xf32, #tpu.memory_space<vmem>> -> memref<8x128xf32, #tpu.memory_space<vmem>>
        %dma_wait3A_1792 = arith.constant 0 : i32
        %dma_wait3A_1793 = arith.constant 0 : i32
        %dma_wait3A_1794 = tpu.memref_slice %arg4[%dma_wait3A_1786, %dma_wait3A_1792, %dma_wait3A_1793] : memref<51200x8x128xf32, #tpu.memory_space<hbm>> -> memref<1x8x128xf32, #tpu.memory_space<hbm>>
        %dma_wait3A_1795 = tpu.memref_squeeze %dma_wait3A_1794 : memref<1x8x128xf32, #tpu.memory_space<hbm>> -> memref<8x128xf32, #tpu.memory_space<hbm>>
        %dma_wait3A_1796 = tpu.memref_slice %arg9[%dma_wait3A_1787] : memref<4x!tpu.dma_semaphore, #tpu.memory_space<semaphore_mem>> -> memref<1x!tpu.dma_semaphore, #tpu.memory_space<semaphore_mem>>
        %dma_wait3A_1797 = tpu.memref_squeeze %dma_wait3A_1796 : memref<1x!tpu.dma_semaphore, #tpu.memory_space<semaphore_mem>> -> memref<!tpu.dma_semaphore, #tpu.memory_space<semaphore_mem>>
        %dma_wait3A_1798 = arith.constant 0 : i32
        %dma_wait3A_1799 = arith.constant 0 : i32
        %dma_wait3A_1800 = tpu.memref_slice %arg4[%dma_wait3A_1786, %dma_wait3A_1798, %dma_wait3A_1799] : memref<51200x8x128xf32, #tpu.memory_space<hbm>> -> memref<1x8x128xf32, #tpu.memory_space<hbm>>
        %dma_wait3A_1801 = tpu.memref_squeeze %dma_wait3A_1800 : memref<1x8x128xf32, #tpu.memory_space<hbm>> -> memref<8x128xf32, #tpu.memory_space<hbm>>
        %dma_wait3A_1802 = arith.constant 0 : i32
        %dma_wait3A_1803 = arith.constant 0 : i32
        %dma_wait3A_1804 = tpu.memref_slice %arg7[%dma_wait3A_1785, %dma_wait3A_1802, %dma_wait3A_1803] : memref<4x64x129xf32, #tpu.memory_space<vmem>> -> memref<1x8x128xf32, #tpu.memory_space<vmem>>
        %dma_wait3A_1805 = tpu.memref_squeeze %dma_wait3A_1804 : memref<1x8x128xf32, #tpu.memory_space<vmem>> -> memref<8x128xf32, #tpu.memory_space<vmem>>
        tpu.wait_dma2 semaphore(%dma_wait3A_1797 : memref<!tpu.dma_semaphore, #tpu.memory_space<semaphore_mem>>) src(%dma_wait3A_1805 : memref<8x128xf32, #tpu.memory_space<vmem>>) dst(%dma_wait3A_1801 : memref<8x128xf32, #tpu.memory_space<hbm>>)
        %dma_wait3A_1806 = arith.constant 3 : i32
        %dma_wait3A_1807 = arith.constant 0 : i32
        %dma_wait3A_1808 = arith.constant 3 : i32
        %dma_wait3A_1809 = arith.constant 0 : i32
        %dma_wait3A_1810 = arith.constant 0 : i32
        %dma_wait3A_1811 = tpu.memref_slice %arg7[%dma_wait3A_1806, %dma_wait3A_1809, %dma_wait3A_1810] : memref<4x64x129xf32, #tpu.memory_space<vmem>> -> memref<1x8x128xf32, #tpu.memory_space<vmem>>
        %dma_wait3A_1812 = tpu.memref_squeeze %dma_wait3A_1811 : memref<1x8x128xf32, #tpu.memory_space<vmem>> -> memref<8x128xf32, #tpu.memory_space<vmem>>
        %dma_wait3A_1813 = arith.constant 0 : i32
        %dma_wait3A_1814 = arith.constant 0 : i32
        %dma_wait3A_1815 = tpu.memref_slice %arg4[%dma_wait3A_1807, %dma_wait3A_1813, %dma_wait3A_1814] : memref<51200x8x128xf32, #tpu.memory_space<hbm>> -> memref<1x8x128xf32, #tpu.memory_space<hbm>>
        %dma_wait3A_1816 = tpu.memref_squeeze %dma_wait3A_1815 : memref<1x8x128xf32, #tpu.memory_space<hbm>> -> memref<8x128xf32, #tpu.memory_space<hbm>>
        %dma_wait3A_1817 = tpu.memref_slice %arg9[%dma_wait3A_1808] : memref<4x!tpu.dma_semaphore, #tpu.memory_space<semaphore_mem>> -> memref<1x!tpu.dma_semaphore, #tpu.memory_space<semaphore_mem>>
        %dma_wait3A_1818 = tpu.memref_squeeze %dma_wait3A_1817 : memref<1x!tpu.dma_semaphore, #tpu.memory_space<semaphore_mem>> -> memref<!tpu.dma_semaphore, #tpu.memory_space<semaphore_mem>>
        %dma_wait3A_1819 = arith.constant 0 : i32
        %dma_wait3A_1820 = arith.constant 0 : i32
        %dma_wait3A_1821 = tpu.memref_slice %arg4[%dma_wait3A_1807, %dma_wait3A_1819, %dma_wait3A_1820] : memref<51200x8x128xf32, #tpu.memory_space<hbm>> -> memref<1x8x128xf32, #tpu.memory_space<hbm>>
        %dma_wait3A_1822 = tpu.memref_squeeze %dma_wait3A_1821 : memref<1x8x128xf32, #tpu.memory_space<hbm>> -> memref<8x128xf32, #tpu.memory_space<hbm>>
        %dma_wait3A_1823 = arith.constant 0 : i32
        %dma_wait3A_1824 = arith.constant 0 : i32
        %dma_wait3A_1825 = tpu.memref_slice %arg7[%dma_wait3A_1806, %dma_wait3A_1823, %dma_wait3A_1824] : memref<4x64x129xf32, #tpu.memory_space<vmem>> -> memref<1x8x128xf32, #tpu.memory_space<vmem>>
        %dma_wait3A_1826 = tpu.memref_squeeze %dma_wait3A_1825 : memref<1x8x128xf32, #tpu.memory_space<vmem>> -> memref<8x128xf32, #tpu.memory_space<vmem>>
        tpu.wait_dma2 semaphore(%dma_wait3A_1818 : memref<!tpu.dma_semaphore, #tpu.memory_space<semaphore_mem>>) src(%dma_wait3A_1826 : memref<8x128xf32, #tpu.memory_space<vmem>>) dst(%dma_wait3A_1822 : memref<8x128xf32, #tpu.memory_space<hbm>>)
        %dma_wait3A_1827 = arith.constant 3 : i32
        %dma_wait3A_1828 = arith.constant 0 : i32
        %dma_wait3A_1829 = arith.constant 3 : i32
        %dma_wait3A_1830 = arith.constant 0 : i32
        %dma_wait3A_1831 = arith.constant 0 : i32
        %dma_wait3A_1832 = tpu.memref_slice %arg7[%dma_wait3A_1827, %dma_wait3A_1830, %dma_wait3A_1831] : memref<4x64x129xf32, #tpu.memory_space<vmem>> -> memref<1x8x128xf32, #tpu.memory_space<vmem>>
        %dma_wait3A_1833 = tpu.memref_squeeze %dma_wait3A_1832 : memref<1x8x128xf32, #tpu.memory_space<vmem>> -> memref<8x128xf32, #tpu.memory_space<vmem>>
        %dma_wait3A_1834 = arith.constant 0 : i32
        %dma_wait3A_1835 = arith.constant 0 : i32
        %dma_wait3A_1836 = tpu.memref_slice %arg4[%dma_wait3A_1828, %dma_wait3A_1834, %dma_wait3A_1835] : memref<51200x8x128xf32, #tpu.memory_space<hbm>> -> memref<1x8x128xf32, #tpu.memory_space<hbm>>
        %dma_wait3A_1837 = tpu.memref_squeeze %dma_wait3A_1836 : memref<1x8x128xf32, #tpu.memory_space<hbm>> -> memref<8x128xf32, #tpu.memory_space<hbm>>
        %dma_wait3A_1838 = tpu.memref_slice %arg9[%dma_wait3A_1829] : memref<4x!tpu.dma_semaphore, #tpu.memory_space<semaphore_mem>> -> memref<1x!tpu.dma_semaphore, #tpu.memory_space<semaphore_mem>>
        %dma_wait3A_1839 = tpu.memref_squeeze %dma_wait3A_1838 : memref<1x!tpu.dma_semaphore, #tpu.memory_space<semaphore_mem>> -> memref<!tpu.dma_semaphore, #tpu.memory_space<semaphore_mem>>
        %dma_wait3A_1840 = arith.constant 0 : i32
        %dma_wait3A_1841 = arith.constant 0 : i32
        %dma_wait3A_1842 = tpu.memref_slice %arg4[%dma_wait3A_1828, %dma_wait3A_1840, %dma_wait3A_1841] : memref<51200x8x128xf32, #tpu.memory_space<hbm>> -> memref<1x8x128xf32, #tpu.memory_space<hbm>>
        %dma_wait3A_1843 = tpu.memref_squeeze %dma_wait3A_1842 : memref<1x8x128xf32, #tpu.memory_space<hbm>> -> memref<8x128xf32, #tpu.memory_space<hbm>>
        %dma_wait3A_1844 = arith.constant 0 : i32
        %dma_wait3A_1845 = arith.constant 0 : i32
        %dma_wait3A_1846 = tpu.memref_slice %arg7[%dma_wait3A_1827, %dma_wait3A_1844, %dma_wait3A_1845] : memref<4x64x129xf32, #tpu.memory_space<vmem>> -> memref<1x8x128xf32, #tpu.memory_space<vmem>>
        %dma_wait3A_1847 = tpu.memref_squeeze %dma_wait3A_1846 : memref<1x8x128xf32, #tpu.memory_space<vmem>> -> memref<8x128xf32, #tpu.memory_space<vmem>>
        tpu.wait_dma2 semaphore(%dma_wait3A_1839 : memref<!tpu.dma_semaphore, #tpu.memory_space<semaphore_mem>>) src(%dma_wait3A_1847 : memref<8x128xf32, #tpu.memory_space<vmem>>) dst(%dma_wait3A_1843 : memref<8x128xf32, #tpu.memory_space<hbm>>)
        %dma_wait3A_1848 = arith.constant 3 : i32
        %dma_wait3A_1849 = arith.constant 0 : i32
        %dma_wait3A_1850 = arith.constant 3 : i32
        %dma_wait3A_1851 = arith.constant 0 : i32
        %dma_wait3A_1852 = arith.constant 0 : i32
        %dma_wait3A_1853 = tpu.memref_slice %arg7[%dma_wait3A_1848, %dma_wait3A_1851, %dma_wait3A_1852] : memref<4x64x129xf32, #tpu.memory_space<vmem>> -> memref<1x8x128xf32, #tpu.memory_space<vmem>>
        %dma_wait3A_1854 = tpu.memref_squeeze %dma_wait3A_1853 : memref<1x8x128xf32, #tpu.memory_space<vmem>> -> memref<8x128xf32, #tpu.memory_space<vmem>>
        %dma_wait3A_1855 = arith.constant 0 : i32
        %dma_wait3A_1856 = arith.constant 0 : i32
        %dma_wait3A_1857 = tpu.memref_slice %arg4[%dma_wait3A_1849, %dma_wait3A_1855, %dma_wait3A_1856] : memref<51200x8x128xf32, #tpu.memory_space<hbm>> -> memref<1x8x128xf32, #tpu.memory_space<hbm>>
        %dma_wait3A_1858 = tpu.memref_squeeze %dma_wait3A_1857 : memref<1x8x128xf32, #tpu.memory_space<hbm>> -> memref<8x128xf32, #tpu.memory_space<hbm>>
        %dma_wait3A_1859 = tpu.memref_slice %arg9[%dma_wait3A_1850] : memref<4x!tpu.dma_semaphore, #tpu.memory_space<semaphore_mem>> -> memref<1x!tpu.dma_semaphore, #tpu.memory_space<semaphore_mem>>
        %dma_wait3A_1860 = tpu.memref_squeeze %dma_wait3A_1859 : memref<1x!tpu.dma_semaphore, #tpu.memory_space<semaphore_mem>> -> memref<!tpu.dma_semaphore, #tpu.memory_space<semaphore_mem>>
        %dma_wait3A_1861 = arith.constant 0 : i32
        %dma_wait3A_1862 = arith.constant 0 : i32
        %dma_wait3A_1863 = tpu.memref_slice %arg4[%dma_wait3A_1849, %dma_wait3A_1861, %dma_wait3A_1862] : memref<51200x8x128xf32, #tpu.memory_space<hbm>> -> memref<1x8x128xf32, #tpu.memory_space<hbm>>
        %dma_wait3A_1864 = tpu.memref_squeeze %dma_wait3A_1863 : memref<1x8x128xf32, #tpu.memory_space<hbm>> -> memref<8x128xf32, #tpu.memory_space<hbm>>
        %dma_wait3A_1865 = arith.constant 0 : i32
        %dma_wait3A_1866 = arith.constant 0 : i32
        %dma_wait3A_1867 = tpu.memref_slice %arg7[%dma_wait3A_1848, %dma_wait3A_1865, %dma_wait3A_1866] : memref<4x64x129xf32, #tpu.memory_space<vmem>> -> memref<1x8x128xf32, #tpu.memory_space<vmem>>
        %dma_wait3A_1868 = tpu.memref_squeeze %dma_wait3A_1867 : memref<1x8x128xf32, #tpu.memory_space<vmem>> -> memref<8x128xf32, #tpu.memory_space<vmem>>
        tpu.wait_dma2 semaphore(%dma_wait3A_1860 : memref<!tpu.dma_semaphore, #tpu.memory_space<semaphore_mem>>) src(%dma_wait3A_1868 : memref<8x128xf32, #tpu.memory_space<vmem>>) dst(%dma_wait3A_1864 : memref<8x128xf32, #tpu.memory_space<hbm>>)
      } else {
      }
      %parallel_loop3A_1510 = arith.constant 0 : i32
      %parallel_loop3A_1511 = arith.constant 128 : i32
      %parallel_loop3A_1512 = arith.constant 1 : i32
      scf.for %parallel_loop3A_1701 = %parallel_loop3A_1510 to %parallel_loop3A_1511 step %parallel_loop3A_1512  : i32 {
        %parallel_loop3A_1702 = arith.constant 0 : i32
        %parallel_loop3A_1703 = vector.broadcast %parallel_loop3A_1702 : i32 to vector<16xi32>
        %parallel_loop3A_1704 = arith.muli %iota3A, %parallel_loop3A_1703 : vector<16xi32>
        %parallel_loop3A_1705 = vector.broadcast %parallel_loop3A_1701 : i32 to vector<16xi32>
        %parallel_loop3A_1706 = arith.addi %parallel_loop3A_1704, %parallel_loop3A_1705 : vector<16xi32>
        %parallel_loop3A_1707 = arith.constant 3 : i32
        %parallel_loop3A_1708 = arith.index_cast %parallel_loop3A_1707 : i32 to index
        %parallel_loop3A_1709 = arith.index_cast %parallel_loop3A_1701 : i32 to index
        %parallel_loop3A_1710 = arith.constant 0 : index
        %parallel_loop3A_1711 = tpu.vector_load %arg6[%parallel_loop3A_1708, %parallel_loop3A_1709, %parallel_loop3A_1710] {strides = array<i32>} : memref<4x128x128xf32, #tpu.memory_space<vmem>>, vector<16xf32>,
        %parallel_loop3A_1712 = arith.constant 3 : i32
        %parallel_loop3A_1713 = arith.constant 0 : i32
        %parallel_loop3A_1714 = arith.constant 0 : i32
        %parallel_loop3A_1715 = tpu.memref_slice %arg7[%parallel_loop3A_1712, %parallel_loop3A_1713, %parallel_loop3A_1714] : memref<4x64x129xf32, #tpu.memory_space<vmem>> -> memref<1x64x129xf32, #tpu.memory_space<vmem>>
        %parallel_loop3A_1716 = tpu.memref_squeeze %parallel_loop3A_1715 : memref<1x64x129xf32, #tpu.memory_space<vmem>> -> memref<64x129xf32, #tpu.memory_space<vmem>>
        tpu.vector_store_idx %parallel_loop3A_1716[%add3A_5, %parallel_loop3A_1706], %parallel_loop3A_1711 : memref<64x129xf32, #tpu.memory_space<vmem>>[vector<16xi32>, vector<16xi32>], vector<16xf32>,
        %parallel_loop3A_1717 = arith.constant 3 : i32
        %parallel_loop3A_1718 = arith.index_cast %parallel_loop3A_1717 : i32 to index
        %parallel_loop3A_1719 = arith.index_cast %parallel_loop3A_1701 : i32 to index
        %parallel_loop3A_1720 = arith.constant 16 : index
        %parallel_loop3A_1721 = tpu.vector_load %arg6[%parallel_loop3A_1718, %parallel_loop3A_1719, %parallel_loop3A_1720] {strides = array<i32>} : memref<4x128x128xf32, #tpu.memory_space<vmem>>, vector<16xf32>,
        %parallel_loop3A_1722 = arith.constant 3 : i32
        %parallel_loop3A_1723 = arith.constant 0 : i32
        %parallel_loop3A_1724 = arith.constant 0 : i32
        %parallel_loop3A_1725 = tpu.memref_slice %arg7[%parallel_loop3A_1722, %parallel_loop3A_1723, %parallel_loop3A_1724] : memref<4x64x129xf32, #tpu.memory_space<vmem>> -> memref<1x64x129xf32, #tpu.memory_space<vmem>>
        %parallel_loop3A_1726 = tpu.memref_squeeze %parallel_loop3A_1725 : memref<1x64x129xf32, #tpu.memory_space<vmem>> -> memref<64x129xf32, #tpu.memory_space<vmem>>
        tpu.vector_store_idx %parallel_loop3A_1726[%add3A_8, %parallel_loop3A_1706], %parallel_loop3A_1721 : memref<64x129xf32, #tpu.memory_space<vmem>>[vector<16xi32>, vector<16xi32>], vector<16xf32>,
        %parallel_loop3A_1727 = arith.constant 3 : i32
        %parallel_loop3A_1728 = arith.index_cast %parallel_loop3A_1727 : i32 to index
        %parallel_loop3A_1729 = arith.index_cast %parallel_loop3A_1701 : i32 to index
        %parallel_loop3A_1730 = arith.constant 32 : index
        %parallel_loop3A_1731 = tpu.vector_load %arg6[%parallel_loop3A_1728, %parallel_loop3A_1729, %parallel_loop3A_1730] {strides = array<i32>} : memref<4x128x128xf32, #tpu.memory_space<vmem>>, vector<16xf32>,
        %parallel_loop3A_1732 = arith.constant 3 : i32
        %parallel_loop3A_1733 = arith.constant 0 : i32
        %parallel_loop3A_1734 = arith.constant 0 : i32
        %parallel_loop3A_1735 = tpu.memref_slice %arg7[%parallel_loop3A_1732, %parallel_loop3A_1733, %parallel_loop3A_1734] : memref<4x64x129xf32, #tpu.memory_space<vmem>> -> memref<1x64x129xf32, #tpu.memory_space<vmem>>
        %parallel_loop3A_1736 = tpu.memref_squeeze %parallel_loop3A_1735 : memref<1x64x129xf32, #tpu.memory_space<vmem>> -> memref<64x129xf32, #tpu.memory_space<vmem>>
        tpu.vector_store_idx %parallel_loop3A_1736[%add3A_11, %parallel_loop3A_1706], %parallel_loop3A_1731 : memref<64x129xf32, #tpu.memory_space<vmem>>[vector<16xi32>, vector<16xi32>], vector<16xf32>,
        %parallel_loop3A_1737 = arith.constant 3 : i32
        %parallel_loop3A_1738 = arith.index_cast %parallel_loop3A_1737 : i32 to index
        %parallel_loop3A_1739 = arith.index_cast %parallel_loop3A_1701 : i32 to index
        %parallel_loop3A_1740 = arith.constant 48 : index
        %parallel_loop3A_1741 = tpu.vector_load %arg6[%parallel_loop3A_1738, %parallel_loop3A_1739, %parallel_loop3A_1740] {strides = array<i32>} : memref<4x128x128xf32, #tpu.memory_space<vmem>>, vector<16xf32>,
        %parallel_loop3A_1742 = arith.constant 3 : i32
        %parallel_loop3A_1743 = arith.constant 0 : i32
        %parallel_loop3A_1744 = arith.constant 0 : i32
        %parallel_loop3A_1745 = tpu.memref_slice %arg7[%parallel_loop3A_1742, %parallel_loop3A_1743, %parallel_loop3A_1744] : memref<4x64x129xf32, #tpu.memory_space<vmem>> -> memref<1x64x129xf32, #tpu.memory_space<vmem>>
        %parallel_loop3A_1746 = tpu.memref_squeeze %parallel_loop3A_1745 : memref<1x64x129xf32, #tpu.memory_space<vmem>> -> memref<64x129xf32, #tpu.memory_space<vmem>>
        tpu.vector_store_idx %parallel_loop3A_1746[%add3A_14, %parallel_loop3A_1706], %parallel_loop3A_1741 : memref<64x129xf32, #tpu.memory_space<vmem>>[vector<16xi32>, vector<16xi32>], vector<16xf32>,
      } {sc.loop_unroll_factor = 2 : i64, sc.parallel_access}
      %mul3A_1513 = arith.constant 8 : i32
      %mul3A_1514 = arith.muli %select_n3A_1487, %mul3A_1513 : i32
      %mul3A_1515 = arith.constant 128 : i32
      %mul3A_1516 = arith.muli %mul3A_1514, %mul3A_1515 : i32
      %add3A_1517 = arith.addi %mul3A_1516, %rem3A_1489 : i32
      %add3A_1518 = arith.constant 0 : i32
      %add3A_1519 = arith.addi %add3A_1517, %add3A_1518 : i32
      %dma_start3A_1520 = arith.constant 3 : i32
      %dma_start3A_1521 = arith.constant 3 : i32
      %dma_start3A_1522 = arith.constant 0 : i32
      %dma_start3A_1523 = arith.constant 0 : i32
      %dma_start3A_1524 = tpu.memref_slice %arg7[%dma_start3A_1520, %dma_start3A_1522, %dma_start3A_1523] : memref<4x64x129xf32, #tpu.memory_space<vmem>> -> memref<1x8x128xf32, #tpu.memory_space<vmem>>
      %dma_start3A_1525 = tpu.memref_squeeze %dma_start3A_1524 : memref<1x8x128xf32, #tpu.memory_space<vmem>> -> memref<8x128xf32, #tpu.memory_space<vmem>>
      %dma_start3A_1526 = arith.constant 0 : i32
      %dma_start3A_1527 = arith.constant 0 : i32
      %dma_start3A_1528 = tpu.memref_slice %arg4[%add3A_1519, %dma_start3A_1526, %dma_start3A_1527] : memref<51200x8x128xf32, #tpu.memory_space<hbm>> -> memref<1x8x128xf32, #tpu.memory_space<hbm>>
      %dma_start3A_1529 = tpu.memref_squeeze %dma_start3A_1528 : memref<1x8x128xf32, #tpu.memory_space<hbm>> -> memref<8x128xf32, #tpu.memory_space<hbm>>
      %dma_start3A_1530 = tpu.memref_slice %arg9[%dma_start3A_1521] : memref<4x!tpu.dma_semaphore, #tpu.memory_space<semaphore_mem>> -> memref<1x!tpu.dma_semaphore, #tpu.memory_space<semaphore_mem>>
      %dma_start3A_1531 = tpu.memref_squeeze %dma_start3A_1530 : memref<1x!tpu.dma_semaphore, #tpu.memory_space<semaphore_mem>> -> memref<!tpu.dma_semaphore, #tpu.memory_space<semaphore_mem>>
      %dma_start3A_1532 = arith.constant 0 : i32
      %dma_start3A_1533 = arith.constant 0 : i32
      %dma_start3A_1534 = tpu.memref_slice %arg4[%add3A_1519, %dma_start3A_1532, %dma_start3A_1533] : memref<51200x8x128xf32, #tpu.memory_space<hbm>> -> memref<1x8x128xf32, #tpu.memory_space<hbm>>
      %dma_start3A_1535 = tpu.memref_squeeze %dma_start3A_1534 : memref<1x8x128xf32, #tpu.memory_space<hbm>> -> memref<8x128xf32, #tpu.memory_space<hbm>>
      %dma_start3A_1536 = arith.constant 0 : i32
      %dma_start3A_1537 = arith.constant 0 : i32
      %dma_start3A_1538 = tpu.memref_slice %arg7[%dma_start3A_1520, %dma_start3A_1536, %dma_start3A_1537] : memref<4x64x129xf32, #tpu.memory_space<vmem>> -> memref<1x8x128xf32, #tpu.memory_space<vmem>>
      %dma_start3A_1539 = tpu.memref_squeeze %dma_start3A_1538 : memref<1x8x128xf32, #tpu.memory_space<vmem>> -> memref<8x128xf32, #tpu.memory_space<vmem>>
      tpu.enqueue_dma source(%dma_start3A_1539 : memref<8x128xf32, #tpu.memory_space<vmem>>) target(%dma_start3A_1535 : memref<8x128xf32, #tpu.memory_space<hbm>>) target_semaphore(%dma_start3A_1531 : memref<!tpu.dma_semaphore, #tpu.memory_space<semaphore_mem>>)
      %add3A_1540 = arith.constant 128 : i32
      %add3A_1541 = arith.addi %add3A_1517, %add3A_1540 : i32
      %dma_start3A_1542 = arith.constant 3 : i32
      %dma_start3A_1543 = arith.constant 3 : i32
      %dma_start3A_1544 = arith.constant 8 : i32
      %dma_start3A_1545 = arith.constant 0 : i32
      %dma_start3A_1546 = tpu.memref_slice %arg7[%dma_start3A_1542, %dma_start3A_1544, %dma_start3A_1545] : memref<4x64x129xf32, #tpu.memory_space<vmem>> -> memref<1x8x128xf32, #tpu.memory_space<vmem>>
      %dma_start3A_1547 = tpu.memref_squeeze %dma_start3A_1546 : memref<1x8x128xf32, #tpu.memory_space<vmem>> -> memref<8x128xf32, #tpu.memory_space<vmem>>
      %dma_start3A_1548 = arith.constant 0 : i32
      %dma_start3A_1549 = arith.constant 0 : i32
      %dma_start3A_1550 = tpu.memref_slice %arg4[%add3A_1541, %dma_start3A_1548, %dma_start3A_1549] : memref<51200x8x128xf32, #tpu.memory_space<hbm>> -> memref<1x8x128xf32, #tpu.memory_space<hbm>>
      %dma_start3A_1551 = tpu.memref_squeeze %dma_start3A_1550 : memref<1x8x128xf32, #tpu.memory_space<hbm>> -> memref<8x128xf32, #tpu.memory_space<hbm>>
      %dma_start3A_1552 = tpu.memref_slice %arg9[%dma_start3A_1543] : memref<4x!tpu.dma_semaphore, #tpu.memory_space<semaphore_mem>> -> memref<1x!tpu.dma_semaphore, #tpu.memory_space<semaphore_mem>>
      %dma_start3A_1553 = tpu.memref_squeeze %dma_start3A_1552 : memref<1x!tpu.dma_semaphore, #tpu.memory_space<semaphore_mem>> -> memref<!tpu.dma_semaphore, #tpu.memory_space<semaphore_mem>>
      %dma_start3A_1554 = arith.constant 0 : i32
      %dma_start3A_1555 = arith.constant 0 : i32
      %dma_start3A_1556 = tpu.memref_slice %arg4[%add3A_1541, %dma_start3A_1554, %dma_start3A_1555] : memref<51200x8x128xf32, #tpu.memory_space<hbm>> -> memref<1x8x128xf32, #tpu.memory_space<hbm>>
      %dma_start3A_1557 = tpu.memref_squeeze %dma_start3A_1556 : memref<1x8x128xf32, #tpu.memory_space<hbm>> -> memref<8x128xf32, #tpu.memory_space<hbm>>
      %dma_start3A_1558 = arith.constant 8 : i32
      %dma_start3A_1559 = arith.constant 0 : i32
      %dma_start3A_1560 = tpu.memref_slice %arg7[%dma_start3A_1542, %dma_start3A_1558, %dma_start3A_1559] : memref<4x64x129xf32, #tpu.memory_space<vmem>> -> memref<1x8x128xf32, #tpu.memory_space<vmem>>
      %dma_start3A_1561 = tpu.memref_squeeze %dma_start3A_1560 : memref<1x8x128xf32, #tpu.memory_space<vmem>> -> memref<8x128xf32, #tpu.memory_space<vmem>>
      tpu.enqueue_dma source(%dma_start3A_1561 : memref<8x128xf32, #tpu.memory_space<vmem>>) target(%dma_start3A_1557 : memref<8x128xf32, #tpu.memory_space<hbm>>) target_semaphore(%dma_start3A_1553 : memref<!tpu.dma_semaphore, #tpu.memory_space<semaphore_mem>>)
      %add3A_1562 = arith.constant 256 : i32
      %add3A_1563 = arith.addi %add3A_1517, %add3A_1562 : i32
      %dma_start3A_1564 = arith.constant 3 : i32
      %dma_start3A_1565 = arith.constant 3 : i32
      %dma_start3A_1566 = arith.constant 16 : i32
      %dma_start3A_1567 = arith.constant 0 : i32
      %dma_start3A_1568 = tpu.memref_slice %arg7[%dma_start3A_1564, %dma_start3A_1566, %dma_start3A_1567] : memref<4x64x129xf32, #tpu.memory_space<vmem>> -> memref<1x8x128xf32, #tpu.memory_space<vmem>>
      %dma_start3A_1569 = tpu.memref_squeeze %dma_start3A_1568 : memref<1x8x128xf32, #tpu.memory_space<vmem>> -> memref<8x128xf32, #tpu.memory_space<vmem>>
      %dma_start3A_1570 = arith.constant 0 : i32
      %dma_start3A_1571 = arith.constant 0 : i32
      %dma_start3A_1572 = tpu.memref_slice %arg4[%add3A_1563, %dma_start3A_1570, %dma_start3A_1571] : memref<51200x8x128xf32, #tpu.memory_space<hbm>> -> memref<1x8x128xf32, #tpu.memory_space<hbm>>
      %dma_start3A_1573 = tpu.memref_squeeze %dma_start3A_1572 : memref<1x8x128xf32, #tpu.memory_space<hbm>> -> memref<8x128xf32, #tpu.memory_space<hbm>>
      %dma_start3A_1574 = tpu.memref_slice %arg9[%dma_start3A_1565] : memref<4x!tpu.dma_semaphore, #tpu.memory_space<semaphore_mem>> -> memref<1x!tpu.dma_semaphore, #tpu.memory_space<semaphore_mem>>
      %dma_start3A_1575 = tpu.memref_squeeze %dma_start3A_1574 : memref<1x!tpu.dma_semaphore, #tpu.memory_space<semaphore_mem>> -> memref<!tpu.dma_semaphore, #tpu.memory_space<semaphore_mem>>
      %dma_start3A_1576 = arith.constant 0 : i32
      %dma_start3A_1577 = arith.constant 0 : i32
      %dma_start3A_1578 = tpu.memref_slice %arg4[%add3A_1563, %dma_start3A_1576, %dma_start3A_1577] : memref<51200x8x128xf32, #tpu.memory_space<hbm>> -> memref<1x8x128xf32, #tpu.memory_space<hbm>>
      %dma_start3A_1579 = tpu.memref_squeeze %dma_start3A_1578 : memref<1x8x128xf32, #tpu.memory_space<hbm>> -> memref<8x128xf32, #tpu.memory_space<hbm>>
      %dma_start3A_1580 = arith.constant 16 : i32
      %dma_start3A_1581 = arith.constant 0 : i32
      %dma_start3A_1582 = tpu.memref_slice %arg7[%dma_start3A_1564, %dma_start3A_1580, %dma_start3A_1581] : memref<4x64x129xf32, #tpu.memory_space<vmem>> -> memref<1x8x128xf32, #tpu.memory_space<vmem>>
      %dma_start3A_1583 = tpu.memref_squeeze %dma_start3A_1582 : memref<1x8x128xf32, #tpu.memory_space<vmem>> -> memref<8x128xf32, #tpu.memory_space<vmem>>
      tpu.enqueue_dma source(%dma_start3A_1583 : memref<8x128xf32, #tpu.memory_space<vmem>>) target(%dma_start3A_1579 : memref<8x128xf32, #tpu.memory_space<hbm>>) target_semaphore(%dma_start3A_1575 : memref<!tpu.dma_semaphore, #tpu.memory_space<semaphore_mem>>)
      %add3A_1584 = arith.constant 384 : i32
      %add3A_1585 = arith.addi %add3A_1517, %add3A_1584 : i32
      %dma_start3A_1586 = arith.constant 3 : i32
      %dma_start3A_1587 = arith.constant 3 : i32
      %dma_start3A_1588 = arith.constant 24 : i32
      %dma_start3A_1589 = arith.constant 0 : i32
      %dma_start3A_1590 = tpu.memref_slice %arg7[%dma_start3A_1586, %dma_start3A_1588, %dma_start3A_1589] : memref<4x64x129xf32, #tpu.memory_space<vmem>> -> memref<1x8x128xf32, #tpu.memory_space<vmem>>
      %dma_start3A_1591 = tpu.memref_squeeze %dma_start3A_1590 : memref<1x8x128xf32, #tpu.memory_space<vmem>> -> memref<8x128xf32, #tpu.memory_space<vmem>>
      %dma_start3A_1592 = arith.constant 0 : i32
      %dma_start3A_1593 = arith.constant 0 : i32
      %dma_start3A_1594 = tpu.memref_slice %arg4[%add3A_1585, %dma_start3A_1592, %dma_start3A_1593] : memref<51200x8x128xf32, #tpu.memory_space<hbm>> -> memref<1x8x128xf32, #tpu.memory_space<hbm>>
      %dma_start3A_1595 = tpu.memref_squeeze %dma_start3A_1594 : memref<1x8x128xf32, #tpu.memory_space<hbm>> -> memref<8x128xf32, #tpu.memory_space<hbm>>
      %dma_start3A_1596 = tpu.memref_slice %arg9[%dma_start3A_1587] : memref<4x!tpu.dma_semaphore, #tpu.memory_space<semaphore_mem>> -> memref<1x!tpu.dma_semaphore, #tpu.memory_space<semaphore_mem>>
      %dma_start3A_1597 = tpu.memref_squeeze %dma_start3A_1596 : memref<1x!tpu.dma_semaphore, #tpu.memory_space<semaphore_mem>> -> memref<!tpu.dma_semaphore, #tpu.memory_space<semaphore_mem>>
      %dma_start3A_1598 = arith.constant 0 : i32
      %dma_start3A_1599 = arith.constant 0 : i32
      %dma_start3A_1600 = tpu.memref_slice %arg4[%add3A_1585, %dma_start3A_1598, %dma_start3A_1599] : memref<51200x8x128xf32, #tpu.memory_space<hbm>> -> memref<1x8x128xf32, #tpu.memory_space<hbm>>
      %dma_start3A_1601 = tpu.memref_squeeze %dma_start3A_1600 : memref<1x8x128xf32, #tpu.memory_space<hbm>> -> memref<8x128xf32, #tpu.memory_space<hbm>>
      %dma_start3A_1602 = arith.constant 24 : i32
      %dma_start3A_1603 = arith.constant 0 : i32
      %dma_start3A_1604 = tpu.memref_slice %arg7[%dma_start3A_1586, %dma_start3A_1602, %dma_start3A_1603] : memref<4x64x129xf32, #tpu.memory_space<vmem>> -> memref<1x8x128xf32, #tpu.memory_space<vmem>>
      %dma_start3A_1605 = tpu.memref_squeeze %dma_start3A_1604 : memref<1x8x128xf32, #tpu.memory_space<vmem>> -> memref<8x128xf32, #tpu.memory_space<vmem>>
      tpu.enqueue_dma source(%dma_start3A_1605 : memref<8x128xf32, #tpu.memory_space<vmem>>) target(%dma_start3A_1601 : memref<8x128xf32, #tpu.memory_space<hbm>>) target_semaphore(%dma_start3A_1597 : memref<!tpu.dma_semaphore, #tpu.memory_space<semaphore_mem>>)
      %add3A_1606 = arith.constant 512 : i32
      %add3A_1607 = arith.addi %add3A_1517, %add3A_1606 : i32
      %dma_start3A_1608 = arith.constant 3 : i32
      %dma_start3A_1609 = arith.constant 3 : i32
      %dma_start3A_1610 = arith.constant 32 : i32
      %dma_start3A_1611 = arith.constant 0 : i32
      %dma_start3A_1612 = tpu.memref_slice %arg7[%dma_start3A_1608, %dma_start3A_1610, %dma_start3A_1611] : memref<4x64x129xf32, #tpu.memory_space<vmem>> -> memref<1x8x128xf32, #tpu.memory_space<vmem>>
      %dma_start3A_1613 = tpu.memref_squeeze %dma_start3A_1612 : memref<1x8x128xf32, #tpu.memory_space<vmem>> -> memref<8x128xf32, #tpu.memory_space<vmem>>
      %dma_start3A_1614 = arith.constant 0 : i32
      %dma_start3A_1615 = arith.constant 0 : i32
      %dma_start3A_1616 = tpu.memref_slice %arg4[%add3A_1607, %dma_start3A_1614, %dma_start3A_1615] : memref<51200x8x128xf32, #tpu.memory_space<hbm>> -> memref<1x8x128xf32, #tpu.memory_space<hbm>>
      %dma_start3A_1617 = tpu.memref_squeeze %dma_start3A_1616 : memref<1x8x128xf32, #tpu.memory_space<hbm>> -> memref<8x128xf32, #tpu.memory_space<hbm>>
      %dma_start3A_1618 = tpu.memref_slice %arg9[%dma_start3A_1609] : memref<4x!tpu.dma_semaphore, #tpu.memory_space<semaphore_mem>> -> memref<1x!tpu.dma_semaphore, #tpu.memory_space<semaphore_mem>>
      %dma_start3A_1619 = tpu.memref_squeeze %dma_start3A_1618 : memref<1x!tpu.dma_semaphore, #tpu.memory_space<semaphore_mem>> -> memref<!tpu.dma_semaphore, #tpu.memory_space<semaphore_mem>>
      %dma_start3A_1620 = arith.constant 0 : i32
      %dma_start3A_1621 = arith.constant 0 : i32
      %dma_start3A_1622 = tpu.memref_slice %arg4[%add3A_1607, %dma_start3A_1620, %dma_start3A_1621] : memref<51200x8x128xf32, #tpu.memory_space<hbm>> -> memref<1x8x128xf32, #tpu.memory_space<hbm>>
      %dma_start3A_1623 = tpu.memref_squeeze %dma_start3A_1622 : memref<1x8x128xf32, #tpu.memory_space<hbm>> -> memref<8x128xf32, #tpu.memory_space<hbm>>
      %dma_start3A_1624 = arith.constant 32 : i32
      %dma_start3A_1625 = arith.constant 0 : i32
      %dma_start3A_1626 = tpu.memref_slice %arg7[%dma_start3A_1608, %dma_start3A_1624, %dma_start3A_1625] : memref<4x64x129xf32, #tpu.memory_space<vmem>> -> memref<1x8x128xf32, #tpu.memory_space<vmem>>
      %dma_start3A_1627 = tpu.memref_squeeze %dma_start3A_1626 : memref<1x8x128xf32, #tpu.memory_space<vmem>> -> memref<8x128xf32, #tpu.memory_space<vmem>>
      tpu.enqueue_dma source(%dma_start3A_1627 : memref<8x128xf32, #tpu.memory_space<vmem>>) target(%dma_start3A_1623 : memref<8x128xf32, #tpu.memory_space<hbm>>) target_semaphore(%dma_start3A_1619 : memref<!tpu.dma_semaphore, #tpu.memory_space<semaphore_mem>>)
      %add3A_1628 = arith.constant 640 : i32
      %add3A_1629 = arith.addi %add3A_1517, %add3A_1628 : i32
      %dma_start3A_1630 = arith.constant 3 : i32
      %dma_start3A_1631 = arith.constant 3 : i32
      %dma_start3A_1632 = arith.constant 40 : i32
      %dma_start3A_1633 = arith.constant 0 : i32
      %dma_start3A_1634 = tpu.memref_slice %arg7[%dma_start3A_1630, %dma_start3A_1632, %dma_start3A_1633] : memref<4x64x129xf32, #tpu.memory_space<vmem>> -> memref<1x8x128xf32, #tpu.memory_space<vmem>>
      %dma_start3A_1635 = tpu.memref_squeeze %dma_start3A_1634 : memref<1x8x128xf32, #tpu.memory_space<vmem>> -> memref<8x128xf32, #tpu.memory_space<vmem>>
      %dma_start3A_1636 = arith.constant 0 : i32
      %dma_start3A_1637 = arith.constant 0 : i32
      %dma_start3A_1638 = tpu.memref_slice %arg4[%add3A_1629, %dma_start3A_1636, %dma_start3A_1637] : memref<51200x8x128xf32, #tpu.memory_space<hbm>> -> memref<1x8x128xf32, #tpu.memory_space<hbm>>
      %dma_start3A_1639 = tpu.memref_squeeze %dma_start3A_1638 : memref<1x8x128xf32, #tpu.memory_space<hbm>> -> memref<8x128xf32, #tpu.memory_space<hbm>>
      %dma_start3A_1640 = tpu.memref_slice %arg9[%dma_start3A_1631] : memref<4x!tpu.dma_semaphore, #tpu.memory_space<semaphore_mem>> -> memref<1x!tpu.dma_semaphore, #tpu.memory_space<semaphore_mem>>
      %dma_start3A_1641 = tpu.memref_squeeze %dma_start3A_1640 : memref<1x!tpu.dma_semaphore, #tpu.memory_space<semaphore_mem>> -> memref<!tpu.dma_semaphore, #tpu.memory_space<semaphore_mem>>
      %dma_start3A_1642 = arith.constant 0 : i32
      %dma_start3A_1643 = arith.constant 0 : i32
      %dma_start3A_1644 = tpu.memref_slice %arg4[%add3A_1629, %dma_start3A_1642, %dma_start3A_1643] : memref<51200x8x128xf32, #tpu.memory_space<hbm>> -> memref<1x8x128xf32, #tpu.memory_space<hbm>>
      %dma_start3A_1645 = tpu.memref_squeeze %dma_start3A_1644 : memref<1x8x128xf32, #tpu.memory_space<hbm>> -> memref<8x128xf32, #tpu.memory_space<hbm>>
      %dma_start3A_1646 = arith.constant 40 : i32
      %dma_start3A_1647 = arith.constant 0 : i32
      %dma_start3A_1648 = tpu.memref_slice %arg7[%dma_start3A_1630, %dma_start3A_1646, %dma_start3A_1647] : memref<4x64x129xf32, #tpu.memory_space<vmem>> -> memref<1x8x128xf32, #tpu.memory_space<vmem>>
      %dma_start3A_1649 = tpu.memref_squeeze %dma_start3A_1648 : memref<1x8x128xf32, #tpu.memory_space<vmem>> -> memref<8x128xf32, #tpu.memory_space<vmem>>
      tpu.enqueue_dma source(%dma_start3A_1649 : memref<8x128xf32, #tpu.memory_space<vmem>>) target(%dma_start3A_1645 : memref<8x128xf32, #tpu.memory_space<hbm>>) target_semaphore(%dma_start3A_1641 : memref<!tpu.dma_semaphore, #tpu.memory_space<semaphore_mem>>)
      %add3A_1650 = arith.constant 768 : i32
      %add3A_1651 = arith.addi %add3A_1517, %add3A_1650 : i32
      %dma_start3A_1652 = arith.constant 3 : i32
      %dma_start3A_1653 = arith.constant 3 : i32
      %dma_start3A_1654 = arith.constant 48 : i32
      %dma_start3A_1655 = arith.constant 0 : i32
      %dma_start3A_1656 = tpu.memref_slice %arg7[%dma_start3A_1652, %dma_start3A_1654, %dma_start3A_1655] : memref<4x64x129xf32, #tpu.memory_space<vmem>> -> memref<1x8x128xf32, #tpu.memory_space<vmem>>
      %dma_start3A_1657 = tpu.memref_squeeze %dma_start3A_1656 : memref<1x8x128xf32, #tpu.memory_space<vmem>> -> memref<8x128xf32, #tpu.memory_space<vmem>>
      %dma_start3A_1658 = arith.constant 0 : i32
      %dma_start3A_1659 = arith.constant 0 : i32
      %dma_start3A_1660 = tpu.memref_slice %arg4[%add3A_1651, %dma_start3A_1658, %dma_start3A_1659] : memref<51200x8x128xf32, #tpu.memory_space<hbm>> -> memref<1x8x128xf32, #tpu.memory_space<hbm>>
      %dma_start3A_1661 = tpu.memref_squeeze %dma_start3A_1660 : memref<1x8x128xf32, #tpu.memory_space<hbm>> -> memref<8x128xf32, #tpu.memory_space<hbm>>
      %dma_start3A_1662 = tpu.memref_slice %arg9[%dma_start3A_1653] : memref<4x!tpu.dma_semaphore, #tpu.memory_space<semaphore_mem>> -> memref<1x!tpu.dma_semaphore, #tpu.memory_space<semaphore_mem>>
      %dma_start3A_1663 = tpu.memref_squeeze %dma_start3A_1662 : memref<1x!tpu.dma_semaphore, #tpu.memory_space<semaphore_mem>> -> memref<!tpu.dma_semaphore, #tpu.memory_space<semaphore_mem>>
      %dma_start3A_1664 = arith.constant 0 : i32
      %dma_start3A_1665 = arith.constant 0 : i32
      %dma_start3A_1666 = tpu.memref_slice %arg4[%add3A_1651, %dma_start3A_1664, %dma_start3A_1665] : memref<51200x8x128xf32, #tpu.memory_space<hbm>> -> memref<1x8x128xf32, #tpu.memory_space<hbm>>
      %dma_start3A_1667 = tpu.memref_squeeze %dma_start3A_1666 : memref<1x8x128xf32, #tpu.memory_space<hbm>> -> memref<8x128xf32, #tpu.memory_space<hbm>>
      %dma_start3A_1668 = arith.constant 48 : i32
      %dma_start3A_1669 = arith.constant 0 : i32
      %dma_start3A_1670 = tpu.memref_slice %arg7[%dma_start3A_1652, %dma_start3A_1668, %dma_start3A_1669] : memref<4x64x129xf32, #tpu.memory_space<vmem>> -> memref<1x8x128xf32, #tpu.memory_space<vmem>>
      %dma_start3A_1671 = tpu.memref_squeeze %dma_start3A_1670 : memref<1x8x128xf32, #tpu.memory_space<vmem>> -> memref<8x128xf32, #tpu.memory_space<vmem>>
      tpu.enqueue_dma source(%dma_start3A_1671 : memref<8x128xf32, #tpu.memory_space<vmem>>) target(%dma_start3A_1667 : memref<8x128xf32, #tpu.memory_space<hbm>>) target_semaphore(%dma_start3A_1663 : memref<!tpu.dma_semaphore, #tpu.memory_space<semaphore_mem>>)
      %add3A_1672 = arith.constant 896 : i32
      %add3A_1673 = arith.addi %add3A_1517, %add3A_1672 : i32
      %dma_start3A_1674 = arith.constant 3 : i32
      %dma_start3A_1675 = arith.constant 3 : i32
      %dma_start3A_1676 = arith.constant 56 : i32
      %dma_start3A_1677 = arith.constant 0 : i32
      %dma_start3A_1678 = tpu.memref_slice %arg7[%dma_start3A_1674, %dma_start3A_1676, %dma_start3A_1677] : memref<4x64x129xf32, #tpu.memory_space<vmem>> -> memref<1x8x128xf32, #tpu.memory_space<vmem>>
      %dma_start3A_1679 = tpu.memref_squeeze %dma_start3A_1678 : memref<1x8x128xf32, #tpu.memory_space<vmem>> -> memref<8x128xf32, #tpu.memory_space<vmem>>
      %dma_start3A_1680 = arith.constant 0 : i32
      %dma_start3A_1681 = arith.constant 0 : i32
      %dma_start3A_1682 = tpu.memref_slice %arg4[%add3A_1673, %dma_start3A_1680, %dma_start3A_1681] : memref<51200x8x128xf32, #tpu.memory_space<hbm>> -> memref<1x8x128xf32, #tpu.memory_space<hbm>>
      %dma_start3A_1683 = tpu.memref_squeeze %dma_start3A_1682 : memref<1x8x128xf32, #tpu.memory_space<hbm>> -> memref<8x128xf32, #tpu.memory_space<hbm>>
      %dma_start3A_1684 = tpu.memref_slice %arg9[%dma_start3A_1675] : memref<4x!tpu.dma_semaphore, #tpu.memory_space<semaphore_mem>> -> memref<1x!tpu.dma_semaphore, #tpu.memory_space<semaphore_mem>>
      %dma_start3A_1685 = tpu.memref_squeeze %dma_start3A_1684 : memref<1x!tpu.dma_semaphore, #tpu.memory_space<semaphore_mem>> -> memref<!tpu.dma_semaphore, #tpu.memory_space<semaphore_mem>>
      %dma_start3A_1686 = arith.constant 0 : i32
      %dma_start3A_1687 = arith.constant 0 : i32
      %dma_start3A_1688 = tpu.memref_slice %arg4[%add3A_1673, %dma_start3A_1686, %dma_start3A_1687] : memref<51200x8x128xf32, #tpu.memory_space<hbm>> -> memref<1x8x128xf32, #tpu.memory_space<hbm>>
      %dma_start3A_1689 = tpu.memref_squeeze %dma_start3A_1688 : memref<1x8x128xf32, #tpu.memory_space<hbm>> -> memref<8x128xf32, #tpu.memory_space<hbm>>
      %dma_start3A_1690 = arith.constant 56 : i32
      %dma_start3A_1691 = arith.constant 0 : i32
      %dma_start3A_1692 = tpu.memref_slice %arg7[%dma_start3A_1674, %dma_start3A_1690, %dma_start3A_1691] : memref<4x64x129xf32, #tpu.memory_space<vmem>> -> memref<1x8x128xf32, #tpu.memory_space<vmem>>
      %dma_start3A_1693 = tpu.memref_squeeze %dma_start3A_1692 : memref<1x8x128xf32, #tpu.memory_space<vmem>> -> memref<8x128xf32, #tpu.memory_space<vmem>>
      tpu.enqueue_dma source(%dma_start3A_1693 : memref<8x128xf32, #tpu.memory_space<vmem>>) target(%dma_start3A_1689 : memref<8x128xf32, #tpu.memory_space<hbm>>) target_semaphore(%dma_start3A_1685 : memref<!tpu.dma_semaphore, #tpu.memory_space<semaphore_mem>>)
      %add3A_1694 = arith.constant 4 : i32
      %add3A_1695 = arith.addi %add3A_1462, %add3A_1694 : i32
      %lt3A_1696 = arith.constant 200 : i32
      %lt3A_1697 = arith.cmpi slt, %add3A_1695, %lt3A_1696 : i32
      %convert_element_type3A_1698 = arith.extui %lt3A_1697 : i1 to i32
      %cond3A_1699 = arith.constant 0 : i32
      %cond3A_1700 = arith.cmpi ne, %convert_element_type3A_1698, %cond3A_1699 : i32
      scf.if %cond3A_1700 {
        %dma_start3A_1701 = arith.constant 3 : i32
        %dma_start3A_1702 = arith.constant 3 : i32
        %dma_start3A_1703 = arith.constant 0 : i32
        %dma_start3A_1704 = arith.constant 0 : i32
        %dma_start3A_1705 = tpu.memref_slice %arg6[%dma_start3A_1701, %dma_start3A_1703, %dma_start3A_1704] : memref<4x128x128xf32, #tpu.memory_space<vmem>> -> memref<1x128x128xf32, #tpu.memory_space<vmem>>
        %dma_start3A_1706 = tpu.memref_squeeze %dma_start3A_1705 : memref<1x128x128xf32, #tpu.memory_space<vmem>> -> memref<128x128xf32, #tpu.memory_space<vmem>>
        %dma_start3A_1707 = arith.constant 0 : i32
        %dma_start3A_1708 = tpu.memref_slice %arg5[%add3A_1695, %dma_start3A_1707] : memref<200x128xi32, #tpu.memory_space<vmem>> -> memref<1x128xi32, #tpu.memory_space<vmem>>
        %dma_start3A_1709 = tpu.memref_squeeze %dma_start3A_1708 : memref<1x128xi32, #tpu.memory_space<vmem>> -> memref<128xi32, #tpu.memory_space<vmem>>
        %dma_start3A_1710 = arith.constant 0 : i32
        %dma_start3A_1711 = arith.constant 0 : i32
        %dma_start3A_1712 = tpu.memref_slice %arg3[%dma_start3A_1710, %dma_start3A_1711] : memref<1000000x128xf32, #tpu.memory_space<hbm>> -> memref<1000000x128xf32, #tpu.memory_space<hbm>>
        %dma_start3A_1713 = tpu.memref_slice %arg8[%dma_start3A_1702] : memref<4x!tpu.dma_semaphore, #tpu.memory_space<semaphore_mem>> -> memref<1x!tpu.dma_semaphore, #tpu.memory_space<semaphore_mem>>
        %dma_start3A_1714 = tpu.memref_squeeze %dma_start3A_1713 : memref<1x!tpu.dma_semaphore, #tpu.memory_space<semaphore_mem>> -> memref<!tpu.dma_semaphore, #tpu.memory_space<semaphore_mem>>
        tpu.enqueue_indirect_dma source(%dma_start3A_1712 : memref<1000000x128xf32, #tpu.memory_space<hbm>>) target(%dma_start3A_1706 : memref<128x128xf32, #tpu.memory_space<vmem>>) offsets(%dma_start3A_1709 : memref<128xi32, #tpu.memory_space<vmem>>) semaphore(%dma_start3A_1714 : memref<!tpu.dma_semaphore, #tpu.memory_space<semaphore_mem>>)
      } else {
      }
    }
    %scan3A_77 = arith.constant 50 : i32
    %dma_wait3A = arith.constant 0 : i32
    %dma_wait3A_78 = arith.constant 0 : i32
    %dma_wait3A_79 = arith.constant 0 : i32
    %dma_wait3A_80 = arith.constant 0 : i32
    %dma_wait3A_81 = arith.constant 0 : i32
    %dma_wait3A_82 = tpu.memref_slice %arg7[%dma_wait3A, %dma_wait3A_80, %dma_wait3A_81] : memref<4x64x129xf32, #tpu.memory_space<vmem>> -> memref<1x8x128xf32, #tpu.memory_space<vmem>>
    %dma_wait3A_83 = tpu.memref_squeeze %dma_wait3A_82 : memref<1x8x128xf32, #tpu.memory_space<vmem>> -> memref<8x128xf32, #tpu.memory_space<vmem>>
    %dma_wait3A_84 = arith.constant 0 : i32
    %dma_wait3A_85 = arith.constant 0 : i32
    %dma_wait3A_86 = tpu.memref_slice %arg4[%dma_wait3A_78, %dma_wait3A_84, %dma_wait3A_85] : memref<51200x8x128xf32, #tpu.memory_space<hbm>> -> memref<1x8x128xf32, #tpu.memory_space<hbm>>
    %dma_wait3A_87 = tpu.memref_squeeze %dma_wait3A_86 : memref<1x8x128xf32, #tpu.memory_space<hbm>> -> memref<8x128xf32, #tpu.memory_space<hbm>>
    %dma_wait3A_88 = tpu.memref_slice %arg9[%dma_wait3A_79] : memref<4x!tpu.dma_semaphore, #tpu.memory_space<semaphore_mem>> -> memref<1x!tpu.dma_semaphore, #tpu.memory_space<semaphore_mem>>
    %dma_wait3A_89 = tpu.memref_squeeze %dma_wait3A_88 : memref<1x!tpu.dma_semaphore, #tpu.memory_space<semaphore_mem>> -> memref<!tpu.dma_semaphore, #tpu.memory_space<semaphore_mem>>
    %dma_wait3A_90 = arith.constant 0 : i32
    %dma_wait3A_91 = arith.constant 0 : i32
    %dma_wait3A_92 = tpu.memref_slice %arg4[%dma_wait3A_78, %dma_wait3A_90, %dma_wait3A_91] : memref<51200x8x128xf32, #tpu.memory_space<hbm>> -> memref<1x8x128xf32, #tpu.memory_space<hbm>>
    %dma_wait3A_93 = tpu.memref_squeeze %dma_wait3A_92 : memref<1x8x128xf32, #tpu.memory_space<hbm>> -> memref<8x128xf32, #tpu.memory_space<hbm>>
    %dma_wait3A_94 = arith.constant 0 : i32
    %dma_wait3A_95 = arith.constant 0 : i32
    %dma_wait3A_96 = tpu.memref_slice %arg7[%dma_wait3A, %dma_wait3A_94, %dma_wait3A_95] : memref<4x64x129xf32, #tpu.memory_space<vmem>> -> memref<1x8x128xf32, #tpu.memory_space<vmem>>
    %dma_wait3A_97 = tpu.memref_squeeze %dma_wait3A_96 : memref<1x8x128xf32, #tpu.memory_space<vmem>> -> memref<8x128xf32, #tpu.memory_space<vmem>>
    tpu.wait_dma2 semaphore(%dma_wait3A_89 : memref<!tpu.dma_semaphore, #tpu.memory_space<semaphore_mem>>) src(%dma_wait3A_97 : memref<8x128xf32, #tpu.memory_space<vmem>>) dst(%dma_wait3A_93 : memref<8x128xf32, #tpu.memory_space<hbm>>)
    %dma_wait3A_98 = arith.constant 0 : i32
    %dma_wait3A_99 = arith.constant 0 : i32
    %dma_wait3A_100 = arith.constant 0 : i32
    %dma_wait3A_101 = arith.constant 0 : i32
    %dma_wait3A_102 = arith.constant 0 : i32
    %dma_wait3A_103 = tpu.memref_slice %arg7[%dma_wait3A_98, %dma_wait3A_101, %dma_wait3A_102] : memref<4x64x129xf32, #tpu.memory_space<vmem>> -> memref<1x8x128xf32, #tpu.memory_space<vmem>>
    %dma_wait3A_104 = tpu.memref_squeeze %dma_wait3A_103 : memref<1x8x128xf32, #tpu.memory_space<vmem>> -> memref<8x128xf32, #tpu.memory_space<vmem>>
    %dma_wait3A_105 = arith.constant 0 : i32
    %dma_wait3A_106 = arith.constant 0 : i32
    %dma_wait3A_107 = tpu.memref_slice %arg4[%dma_wait3A_99, %dma_wait3A_105, %dma_wait3A_106] : memref<51200x8x128xf32, #tpu.memory_space<hbm>> -> memref<1x8x128xf32, #tpu.memory_space<hbm>>
    %dma_wait3A_108 = tpu.memref_squeeze %dma_wait3A_107 : memref<1x8x128xf32, #tpu.memory_space<hbm>> -> memref<8x128xf32, #tpu.memory_space<hbm>>
    %dma_wait3A_109 = tpu.memref_slice %arg9[%dma_wait3A_100] : memref<4x!tpu.dma_semaphore, #tpu.memory_space<semaphore_mem>> -> memref<1x!tpu.dma_semaphore, #tpu.memory_space<semaphore_mem>>
    %dma_wait3A_110 = tpu.memref_squeeze %dma_wait3A_109 : memref<1x!tpu.dma_semaphore, #tpu.memory_space<semaphore_mem>> -> memref<!tpu.dma_semaphore, #tpu.memory_space<semaphore_mem>>
    %dma_wait3A_111 = arith.constant 0 : i32
    %dma_wait3A_112 = arith.constant 0 : i32
    %dma_wait3A_113 = tpu.memref_slice %arg4[%dma_wait3A_99, %dma_wait3A_111, %dma_wait3A_112] : memref<51200x8x128xf32, #tpu.memory_space<hbm>> -> memref<1x8x128xf32, #tpu.memory_space<hbm>>
    %dma_wait3A_114 = tpu.memref_squeeze %dma_wait3A_113 : memref<1x8x128xf32, #tpu.memory_space<hbm>> -> memref<8x128xf32, #tpu.memory_space<hbm>>
    %dma_wait3A_115 = arith.constant 0 : i32
    %dma_wait3A_116 = arith.constant 0 : i32
    %dma_wait3A_117 = tpu.memref_slice %arg7[%dma_wait3A_98, %dma_wait3A_115, %dma_wait3A_116] : memref<4x64x129xf32, #tpu.memory_space<vmem>> -> memref<1x8x128xf32, #tpu.memory_space<vmem>>
    %dma_wait3A_118 = tpu.memref_squeeze %dma_wait3A_117 : memref<1x8x128xf32, #tpu.memory_space<vmem>> -> memref<8x128xf32, #tpu.memory_space<vmem>>
    tpu.wait_dma2 semaphore(%dma_wait3A_110 : memref<!tpu.dma_semaphore, #tpu.memory_space<semaphore_mem>>) src(%dma_wait3A_118 : memref<8x128xf32, #tpu.memory_space<vmem>>) dst(%dma_wait3A_114 : memref<8x128xf32, #tpu.memory_space<hbm>>)
    %dma_wait3A_119 = arith.constant 0 : i32
    %dma_wait3A_120 = arith.constant 0 : i32
    %dma_wait3A_121 = arith.constant 0 : i32
    %dma_wait3A_122 = arith.constant 0 : i32
    %dma_wait3A_123 = arith.constant 0 : i32
    %dma_wait3A_124 = tpu.memref_slice %arg7[%dma_wait3A_119, %dma_wait3A_122, %dma_wait3A_123] : memref<4x64x129xf32, #tpu.memory_space<vmem>> -> memref<1x8x128xf32, #tpu.memory_space<vmem>>
    %dma_wait3A_125 = tpu.memref_squeeze %dma_wait3A_124 : memref<1x8x128xf32, #tpu.memory_space<vmem>> -> memref<8x128xf32, #tpu.memory_space<vmem>>
    %dma_wait3A_126 = arith.constant 0 : i32
    %dma_wait3A_127 = arith.constant 0 : i32
    %dma_wait3A_128 = tpu.memref_slice %arg4[%dma_wait3A_120, %dma_wait3A_126, %dma_wait3A_127] : memref<51200x8x128xf32, #tpu.memory_space<hbm>> -> memref<1x8x128xf32, #tpu.memory_space<hbm>>
    %dma_wait3A_129 = tpu.memref_squeeze %dma_wait3A_128 : memref<1x8x128xf32, #tpu.memory_space<hbm>> -> memref<8x128xf32, #tpu.memory_space<hbm>>
    %dma_wait3A_130 = tpu.memref_slice %arg9[%dma_wait3A_121] : memref<4x!tpu.dma_semaphore, #tpu.memory_space<semaphore_mem>> -> memref<1x!tpu.dma_semaphore, #tpu.memory_space<semaphore_mem>>
    %dma_wait3A_131 = tpu.memref_squeeze %dma_wait3A_130 : memref<1x!tpu.dma_semaphore, #tpu.memory_space<semaphore_mem>> -> memref<!tpu.dma_semaphore, #tpu.memory_space<semaphore_mem>>
    %dma_wait3A_132 = arith.constant 0 : i32
    %dma_wait3A_133 = arith.constant 0 : i32
    %dma_wait3A_134 = tpu.memref_slice %arg4[%dma_wait3A_120, %dma_wait3A_132, %dma_wait3A_133] : memref<51200x8x128xf32, #tpu.memory_space<hbm>> -> memref<1x8x128xf32, #tpu.memory_space<hbm>>
    %dma_wait3A_135 = tpu.memref_squeeze %dma_wait3A_134 : memref<1x8x128xf32, #tpu.memory_space<hbm>> -> memref<8x128xf32, #tpu.memory_space<hbm>>
    %dma_wait3A_136 = arith.constant 0 : i32
    %dma_wait3A_137 = arith.constant 0 : i32
    %dma_wait3A_138 = tpu.memref_slice %arg7[%dma_wait3A_119, %dma_wait3A_136, %dma_wait3A_137] : memref<4x64x129xf32, #tpu.memory_space<vmem>> -> memref<1x8x128xf32, #tpu.memory_space<vmem>>
    %dma_wait3A_139 = tpu.memref_squeeze %dma_wait3A_138 : memref<1x8x128xf32, #tpu.memory_space<vmem>> -> memref<8x128xf32, #tpu.memory_space<vmem>>
    tpu.wait_dma2 semaphore(%dma_wait3A_131 : memref<!tpu.dma_semaphore, #tpu.memory_space<semaphore_mem>>) src(%dma_wait3A_139 : memref<8x128xf32, #tpu.memory_space<vmem>>) dst(%dma_wait3A_135 : memref<8x128xf32, #tpu.memory_space<hbm>>)
    %dma_wait3A_140 = arith.constant 0 : i32
    %dma_wait3A_141 = arith.constant 0 : i32
    %dma_wait3A_142 = arith.constant 0 : i32
    %dma_wait3A_143 = arith.constant 0 : i32
    %dma_wait3A_144 = arith.constant 0 : i32
    %dma_wait3A_145 = tpu.memref_slice %arg7[%dma_wait3A_140, %dma_wait3A_143, %dma_wait3A_144] : memref<4x64x129xf32, #tpu.memory_space<vmem>> -> memref<1x8x128xf32, #tpu.memory_space<vmem>>
    %dma_wait3A_146 = tpu.memref_squeeze %dma_wait3A_145 : memref<1x8x128xf32, #tpu.memory_space<vmem>> -> memref<8x128xf32, #tpu.memory_space<vmem>>
    %dma_wait3A_147 = arith.constant 0 : i32
    %dma_wait3A_148 = arith.constant 0 : i32
    %dma_wait3A_149 = tpu.memref_slice %arg4[%dma_wait3A_141, %dma_wait3A_147, %dma_wait3A_148] : memref<51200x8x128xf32, #tpu.memory_space<hbm>> -> memref<1x8x128xf32, #tpu.memory_space<hbm>>
    %dma_wait3A_150 = tpu.memref_squeeze %dma_wait3A_149 : memref<1x8x128xf32, #tpu.memory_space<hbm>> -> memref<8x128xf32, #tpu.memory_space<hbm>>
    %dma_wait3A_151 = tpu.memref_slice %arg9[%dma_wait3A_142] : memref<4x!tpu.dma_semaphore, #tpu.memory_space<semaphore_mem>> -> memref<1x!tpu.dma_semaphore, #tpu.memory_space<semaphore_mem>>
    %dma_wait3A_152 = tpu.memref_squeeze %dma_wait3A_151 : memref<1x!tpu.dma_semaphore, #tpu.memory_space<semaphore_mem>> -> memref<!tpu.dma_semaphore, #tpu.memory_space<semaphore_mem>>
    %dma_wait3A_153 = arith.constant 0 : i32
    %dma_wait3A_154 = arith.constant 0 : i32
    %dma_wait3A_155 = tpu.memref_slice %arg4[%dma_wait3A_141, %dma_wait3A_153, %dma_wait3A_154] : memref<51200x8x128xf32, #tpu.memory_space<hbm>> -> memref<1x8x128xf32, #tpu.memory_space<hbm>>
    %dma_wait3A_156 = tpu.memref_squeeze %dma_wait3A_155 : memref<1x8x128xf32, #tpu.memory_space<hbm>> -> memref<8x128xf32, #tpu.memory_space<hbm>>
    %dma_wait3A_157 = arith.constant 0 : i32
    %dma_wait3A_158 = arith.constant 0 : i32
    %dma_wait3A_159 = tpu.memref_slice %arg7[%dma_wait3A_140, %dma_wait3A_157, %dma_wait3A_158] : memref<4x64x129xf32, #tpu.memory_space<vmem>> -> memref<1x8x128xf32, #tpu.memory_space<vmem>>
    %dma_wait3A_160 = tpu.memref_squeeze %dma_wait3A_159 : memref<1x8x128xf32, #tpu.memory_space<vmem>> -> memref<8x128xf32, #tpu.memory_space<vmem>>
    tpu.wait_dma2 semaphore(%dma_wait3A_152 : memref<!tpu.dma_semaphore, #tpu.memory_space<semaphore_mem>>) src(%dma_wait3A_160 : memref<8x128xf32, #tpu.memory_space<vmem>>) dst(%dma_wait3A_156 : memref<8x128xf32, #tpu.memory_space<hbm>>)
    %dma_wait3A_161 = arith.constant 0 : i32
    %dma_wait3A_162 = arith.constant 0 : i32
    %dma_wait3A_163 = arith.constant 0 : i32
    %dma_wait3A_164 = arith.constant 0 : i32
    %dma_wait3A_165 = arith.constant 0 : i32
    %dma_wait3A_166 = tpu.memref_slice %arg7[%dma_wait3A_161, %dma_wait3A_164, %dma_wait3A_165] : memref<4x64x129xf32, #tpu.memory_space<vmem>> -> memref<1x8x128xf32, #tpu.memory_space<vmem>>
    %dma_wait3A_167 = tpu.memref_squeeze %dma_wait3A_166 : memref<1x8x128xf32, #tpu.memory_space<vmem>> -> memref<8x128xf32, #tpu.memory_space<vmem>>
    %dma_wait3A_168 = arith.constant 0 : i32
    %dma_wait3A_169 = arith.constant 0 : i32
    %dma_wait3A_170 = tpu.memref_slice %arg4[%dma_wait3A_162, %dma_wait3A_168, %dma_wait3A_169] : memref<51200x8x128xf32, #tpu.memory_space<hbm>> -> memref<1x8x128xf32, #tpu.memory_space<hbm>>
    %dma_wait3A_171 = tpu.memref_squeeze %dma_wait3A_170 : memref<1x8x128xf32, #tpu.memory_space<hbm>> -> memref<8x128xf32, #tpu.memory_space<hbm>>
    %dma_wait3A_172 = tpu.memref_slice %arg9[%dma_wait3A_163] : memref<4x!tpu.dma_semaphore, #tpu.memory_space<semaphore_mem>> -> memref<1x!tpu.dma_semaphore, #tpu.memory_space<semaphore_mem>>
    %dma_wait3A_173 = tpu.memref_squeeze %dma_wait3A_172 : memref<1x!tpu.dma_semaphore, #tpu.memory_space<semaphore_mem>> -> memref<!tpu.dma_semaphore, #tpu.memory_space<semaphore_mem>>
    %dma_wait3A_174 = arith.constant 0 : i32
    %dma_wait3A_175 = arith.constant 0 : i32
    %dma_wait3A_176 = tpu.memref_slice %arg4[%dma_wait3A_162, %dma_wait3A_174, %dma_wait3A_175] : memref<51200x8x128xf32, #tpu.memory_space<hbm>> -> memref<1x8x128xf32, #tpu.memory_space<hbm>>
    %dma_wait3A_177 = tpu.memref_squeeze %dma_wait3A_176 : memref<1x8x128xf32, #tpu.memory_space<hbm>> -> memref<8x128xf32, #tpu.memory_space<hbm>>
    %dma_wait3A_178 = arith.constant 0 : i32
    %dma_wait3A_179 = arith.constant 0 : i32
    %dma_wait3A_180 = tpu.memref_slice %arg7[%dma_wait3A_161, %dma_wait3A_178, %dma_wait3A_179] : memref<4x64x129xf32, #tpu.memory_space<vmem>> -> memref<1x8x128xf32, #tpu.memory_space<vmem>>
    %dma_wait3A_181 = tpu.memref_squeeze %dma_wait3A_180 : memref<1x8x128xf32, #tpu.memory_space<vmem>> -> memref<8x128xf32, #tpu.memory_space<vmem>>
    tpu.wait_dma2 semaphore(%dma_wait3A_173 : memref<!tpu.dma_semaphore, #tpu.memory_space<semaphore_mem>>) src(%dma_wait3A_181 : memref<8x128xf32, #tpu.memory_space<vmem>>) dst(%dma_wait3A_177 : memref<8x128xf32, #tpu.memory_space<hbm>>)
    %dma_wait3A_182 = arith.constant 0 : i32
    %dma_wait3A_183 = arith.constant 0 : i32
    %dma_wait3A_184 = arith.constant 0 : i32
    %dma_wait3A_185 = arith.constant 0 : i32
    %dma_wait3A_186 = arith.constant 0 : i32
    %dma_wait3A_187 = tpu.memref_slice %arg7[%dma_wait3A_182, %dma_wait3A_185, %dma_wait3A_186] : memref<4x64x129xf32, #tpu.memory_space<vmem>> -> memref<1x8x128xf32, #tpu.memory_space<vmem>>
    %dma_wait3A_188 = tpu.memref_squeeze %dma_wait3A_187 : memref<1x8x128xf32, #tpu.memory_space<vmem>> -> memref<8x128xf32, #tpu.memory_space<vmem>>
    %dma_wait3A_189 = arith.constant 0 : i32
    %dma_wait3A_190 = arith.constant 0 : i32
    %dma_wait3A_191 = tpu.memref_slice %arg4[%dma_wait3A_183, %dma_wait3A_189, %dma_wait3A_190] : memref<51200x8x128xf32, #tpu.memory_space<hbm>> -> memref<1x8x128xf32, #tpu.memory_space<hbm>>
    %dma_wait3A_192 = tpu.memref_squeeze %dma_wait3A_191 : memref<1x8x128xf32, #tpu.memory_space<hbm>> -> memref<8x128xf32, #tpu.memory_space<hbm>>
    %dma_wait3A_193 = tpu.memref_slice %arg9[%dma_wait3A_184] : memref<4x!tpu.dma_semaphore, #tpu.memory_space<semaphore_mem>> -> memref<1x!tpu.dma_semaphore, #tpu.memory_space<semaphore_mem>>
    %dma_wait3A_194 = tpu.memref_squeeze %dma_wait3A_193 : memref<1x!tpu.dma_semaphore, #tpu.memory_space<semaphore_mem>> -> memref<!tpu.dma_semaphore, #tpu.memory_space<semaphore_mem>>
    %dma_wait3A_195 = arith.constant 0 : i32
    %dma_wait3A_196 = arith.constant 0 : i32
    %dma_wait3A_197 = tpu.memref_slice %arg4[%dma_wait3A_183, %dma_wait3A_195, %dma_wait3A_196] : memref<51200x8x128xf32, #tpu.memory_space<hbm>> -> memref<1x8x128xf32, #tpu.memory_space<hbm>>
    %dma_wait3A_198 = tpu.memref_squeeze %dma_wait3A_197 : memref<1x8x128xf32, #tpu.memory_space<hbm>> -> memref<8x128xf32, #tpu.memory_space<hbm>>
    %dma_wait3A_199 = arith.constant 0 : i32
    %dma_wait3A_200 = arith.constant 0 : i32
    %dma_wait3A_201 = tpu.memref_slice %arg7[%dma_wait3A_182, %dma_wait3A_199, %dma_wait3A_200] : memref<4x64x129xf32, #tpu.memory_space<vmem>> -> memref<1x8x128xf32, #tpu.memory_space<vmem>>
    %dma_wait3A_202 = tpu.memref_squeeze %dma_wait3A_201 : memref<1x8x128xf32, #tpu.memory_space<vmem>> -> memref<8x128xf32, #tpu.memory_space<vmem>>
    tpu.wait_dma2 semaphore(%dma_wait3A_194 : memref<!tpu.dma_semaphore, #tpu.memory_space<semaphore_mem>>) src(%dma_wait3A_202 : memref<8x128xf32, #tpu.memory_space<vmem>>) dst(%dma_wait3A_198 : memref<8x128xf32, #tpu.memory_space<hbm>>)
    %dma_wait3A_203 = arith.constant 0 : i32
    %dma_wait3A_204 = arith.constant 0 : i32
    %dma_wait3A_205 = arith.constant 0 : i32
    %dma_wait3A_206 = arith.constant 0 : i32
    %dma_wait3A_207 = arith.constant 0 : i32
    %dma_wait3A_208 = tpu.memref_slice %arg7[%dma_wait3A_203, %dma_wait3A_206, %dma_wait3A_207] : memref<4x64x129xf32, #tpu.memory_space<vmem>> -> memref<1x8x128xf32, #tpu.memory_space<vmem>>
    %dma_wait3A_209 = tpu.memref_squeeze %dma_wait3A_208 : memref<1x8x128xf32, #tpu.memory_space<vmem>> -> memref<8x128xf32, #tpu.memory_space<vmem>>
    %dma_wait3A_210 = arith.constant 0 : i32
    %dma_wait3A_211 = arith.constant 0 : i32
    %dma_wait3A_212 = tpu.memref_slice %arg4[%dma_wait3A_204, %dma_wait3A_210, %dma_wait3A_211] : memref<51200x8x128xf32, #tpu.memory_space<hbm>> -> memref<1x8x128xf32, #tpu.memory_space<hbm>>
    %dma_wait3A_213 = tpu.memref_squeeze %dma_wait3A_212 : memref<1x8x128xf32, #tpu.memory_space<hbm>> -> memref<8x128xf32, #tpu.memory_space<hbm>>
    %dma_wait3A_214 = tpu.memref_slice %arg9[%dma_wait3A_205] : memref<4x!tpu.dma_semaphore, #tpu.memory_space<semaphore_mem>> -> memref<1x!tpu.dma_semaphore, #tpu.memory_space<semaphore_mem>>
    %dma_wait3A_215 = tpu.memref_squeeze %dma_wait3A_214 : memref<1x!tpu.dma_semaphore, #tpu.memory_space<semaphore_mem>> -> memref<!tpu.dma_semaphore, #tpu.memory_space<semaphore_mem>>
    %dma_wait3A_216 = arith.constant 0 : i32
    %dma_wait3A_217 = arith.constant 0 : i32
    %dma_wait3A_218 = tpu.memref_slice %arg4[%dma_wait3A_204, %dma_wait3A_216, %dma_wait3A_217] : memref<51200x8x128xf32, #tpu.memory_space<hbm>> -> memref<1x8x128xf32, #tpu.memory_space<hbm>>
    %dma_wait3A_219 = tpu.memref_squeeze %dma_wait3A_218 : memref<1x8x128xf32, #tpu.memory_space<hbm>> -> memref<8x128xf32, #tpu.memory_space<hbm>>
    %dma_wait3A_220 = arith.constant 0 : i32
    %dma_wait3A_221 = arith.constant 0 : i32
    %dma_wait3A_222 = tpu.memref_slice %arg7[%dma_wait3A_203, %dma_wait3A_220, %dma_wait3A_221] : memref<4x64x129xf32, #tpu.memory_space<vmem>> -> memref<1x8x128xf32, #tpu.memory_space<vmem>>
    %dma_wait3A_223 = tpu.memref_squeeze %dma_wait3A_222 : memref<1x8x128xf32, #tpu.memory_space<vmem>> -> memref<8x128xf32, #tpu.memory_space<vmem>>
    tpu.wait_dma2 semaphore(%dma_wait3A_215 : memref<!tpu.dma_semaphore, #tpu.memory_space<semaphore_mem>>) src(%dma_wait3A_223 : memref<8x128xf32, #tpu.memory_space<vmem>>) dst(%dma_wait3A_219 : memref<8x128xf32, #tpu.memory_space<hbm>>)
    %dma_wait3A_224 = arith.constant 0 : i32
    %dma_wait3A_225 = arith.constant 0 : i32
    %dma_wait3A_226 = arith.constant 0 : i32
    %dma_wait3A_227 = arith.constant 0 : i32
    %dma_wait3A_228 = arith.constant 0 : i32
    %dma_wait3A_229 = tpu.memref_slice %arg7[%dma_wait3A_224, %dma_wait3A_227, %dma_wait3A_228] : memref<4x64x129xf32, #tpu.memory_space<vmem>> -> memref<1x8x128xf32, #tpu.memory_space<vmem>>
    %dma_wait3A_230 = tpu.memref_squeeze %dma_wait3A_229 : memref<1x8x128xf32, #tpu.memory_space<vmem>> -> memref<8x128xf32, #tpu.memory_space<vmem>>
    %dma_wait3A_231 = arith.constant 0 : i32
    %dma_wait3A_232 = arith.constant 0 : i32
    %dma_wait3A_233 = tpu.memref_slice %arg4[%dma_wait3A_225, %dma_wait3A_231, %dma_wait3A_232] : memref<51200x8x128xf32, #tpu.memory_space<hbm>> -> memref<1x8x128xf32, #tpu.memory_space<hbm>>
    %dma_wait3A_234 = tpu.memref_squeeze %dma_wait3A_233 : memref<1x8x128xf32, #tpu.memory_space<hbm>> -> memref<8x128xf32, #tpu.memory_space<hbm>>
    %dma_wait3A_235 = tpu.memref_slice %arg9[%dma_wait3A_226] : memref<4x!tpu.dma_semaphore, #tpu.memory_space<semaphore_mem>> -> memref<1x!tpu.dma_semaphore, #tpu.memory_space<semaphore_mem>>
    %dma_wait3A_236 = tpu.memref_squeeze %dma_wait3A_235 : memref<1x!tpu.dma_semaphore, #tpu.memory_space<semaphore_mem>> -> memref<!tpu.dma_semaphore, #tpu.memory_space<semaphore_mem>>
    %dma_wait3A_237 = arith.constant 0 : i32
    %dma_wait3A_238 = arith.constant 0 : i32
    %dma_wait3A_239 = tpu.memref_slice %arg4[%dma_wait3A_225, %dma_wait3A_237, %dma_wait3A_238] : memref<51200x8x128xf32, #tpu.memory_space<hbm>> -> memref<1x8x128xf32, #tpu.memory_space<hbm>>
    %dma_wait3A_240 = tpu.memref_squeeze %dma_wait3A_239 : memref<1x8x128xf32, #tpu.memory_space<hbm>> -> memref<8x128xf32, #tpu.memory_space<hbm>>
    %dma_wait3A_241 = arith.constant 0 : i32
    %dma_wait3A_242 = arith.constant 0 : i32
    %dma_wait3A_243 = tpu.memref_slice %arg7[%dma_wait3A_224, %dma_wait3A_241, %dma_wait3A_242] : memref<4x64x129xf32, #tpu.memory_space<vmem>> -> memref<1x8x128xf32, #tpu.memory_space<vmem>>
    %dma_wait3A_244 = tpu.memref_squeeze %dma_wait3A_243 : memref<1x8x128xf32, #tpu.memory_space<vmem>> -> memref<8x128xf32, #tpu.memory_space<vmem>>
    tpu.wait_dma2 semaphore(%dma_wait3A_236 : memref<!tpu.dma_semaphore, #tpu.memory_space<semaphore_mem>>) src(%dma_wait3A_244 : memref<8x128xf32, #tpu.memory_space<vmem>>) dst(%dma_wait3A_240 : memref<8x128xf32, #tpu.memory_space<hbm>>)
    %dma_wait3A_245 = arith.constant 1 : i32
    %dma_wait3A_246 = arith.constant 0 : i32
    %dma_wait3A_247 = arith.constant 1 : i32
    %dma_wait3A_248 = arith.constant 0 : i32
    %dma_wait3A_249 = arith.constant 0 : i32
    %dma_wait3A_250 = tpu.memref_slice %arg7[%dma_wait3A_245, %dma_wait3A_248, %dma_wait3A_249] : memref<4x64x129xf32, #tpu.memory_space<vmem>> -> memref<1x8x128xf32, #tpu.memory_space<vmem>>
    %dma_wait3A_251 = tpu.memref_squeeze %dma_wait3A_250 : memref<1x8x128xf32, #tpu.memory_space<vmem>> -> memref<8x128xf32, #tpu.memory_space<vmem>>
    %dma_wait3A_252 = arith.constant 0 : i32
    %dma_wait3A_253 = arith.constant 0 : i32
    %dma_wait3A_254 = tpu.memref_slice %arg4[%dma_wait3A_246, %dma_wait3A_252, %dma_wait3A_253] : memref<51200x8x128xf32, #tpu.memory_space<hbm>> -> memref<1x8x128xf32, #tpu.memory_space<hbm>>
    %dma_wait3A_255 = tpu.memref_squeeze %dma_wait3A_254 : memref<1x8x128xf32, #tpu.memory_space<hbm>> -> memref<8x128xf32, #tpu.memory_space<hbm>>
    %dma_wait3A_256 = tpu.memref_slice %arg9[%dma_wait3A_247] : memref<4x!tpu.dma_semaphore, #tpu.memory_space<semaphore_mem>> -> memref<1x!tpu.dma_semaphore, #tpu.memory_space<semaphore_mem>>
    %dma_wait3A_257 = tpu.memref_squeeze %dma_wait3A_256 : memref<1x!tpu.dma_semaphore, #tpu.memory_space<semaphore_mem>> -> memref<!tpu.dma_semaphore, #tpu.memory_space<semaphore_mem>>
    %dma_wait3A_258 = arith.constant 0 : i32
    %dma_wait3A_259 = arith.constant 0 : i32
    %dma_wait3A_260 = tpu.memref_slice %arg4[%dma_wait3A_246, %dma_wait3A_258, %dma_wait3A_259] : memref<51200x8x128xf32, #tpu.memory_space<hbm>> -> memref<1x8x128xf32, #tpu.memory_space<hbm>>
    %dma_wait3A_261 = tpu.memref_squeeze %dma_wait3A_260 : memref<1x8x128xf32, #tpu.memory_space<hbm>> -> memref<8x128xf32, #tpu.memory_space<hbm>>
    %dma_wait3A_262 = arith.constant 0 : i32
    %dma_wait3A_263 = arith.constant 0 : i32
    %dma_wait3A_264 = tpu.memref_slice %arg7[%dma_wait3A_245, %dma_wait3A_262, %dma_wait3A_263] : memref<4x64x129xf32, #tpu.memory_space<vmem>> -> memref<1x8x128xf32, #tpu.memory_space<vmem>>
    %dma_wait3A_265 = tpu.memref_squeeze %dma_wait3A_264 : memref<1x8x128xf32, #tpu.memory_space<vmem>> -> memref<8x128xf32, #tpu.memory_space<vmem>>
    tpu.wait_dma2 semaphore(%dma_wait3A_257 : memref<!tpu.dma_semaphore, #tpu.memory_space<semaphore_mem>>) src(%dma_wait3A_265 : memref<8x128xf32, #tpu.memory_space<vmem>>) dst(%dma_wait3A_261 : memref<8x128xf32, #tpu.memory_space<hbm>>)
    %dma_wait3A_266 = arith.constant 1 : i32
    %dma_wait3A_267 = arith.constant 0 : i32
    %dma_wait3A_268 = arith.constant 1 : i32
    %dma_wait3A_269 = arith.constant 0 : i32
    %dma_wait3A_270 = arith.constant 0 : i32
    %dma_wait3A_271 = tpu.memref_slice %arg7[%dma_wait3A_266, %dma_wait3A_269, %dma_wait3A_270] : memref<4x64x129xf32, #tpu.memory_space<vmem>> -> memref<1x8x128xf32, #tpu.memory_space<vmem>>
    %dma_wait3A_272 = tpu.memref_squeeze %dma_wait3A_271 : memref<1x8x128xf32, #tpu.memory_space<vmem>> -> memref<8x128xf32, #tpu.memory_space<vmem>>
    %dma_wait3A_273 = arith.constant 0 : i32
    %dma_wait3A_274 = arith.constant 0 : i32
    %dma_wait3A_275 = tpu.memref_slice %arg4[%dma_wait3A_267, %dma_wait3A_273, %dma_wait3A_274] : memref<51200x8x128xf32, #tpu.memory_space<hbm>> -> memref<1x8x128xf32, #tpu.memory_space<hbm>>
    %dma_wait3A_276 = tpu.memref_squeeze %dma_wait3A_275 : memref<1x8x128xf32, #tpu.memory_space<hbm>> -> memref<8x128xf32, #tpu.memory_space<hbm>>
    %dma_wait3A_277 = tpu.memref_slice %arg9[%dma_wait3A_268] : memref<4x!tpu.dma_semaphore, #tpu.memory_space<semaphore_mem>> -> memref<1x!tpu.dma_semaphore, #tpu.memory_space<semaphore_mem>>
    %dma_wait3A_278 = tpu.memref_squeeze %dma_wait3A_277 : memref<1x!tpu.dma_semaphore, #tpu.memory_space<semaphore_mem>> -> memref<!tpu.dma_semaphore, #tpu.memory_space<semaphore_mem>>
    %dma_wait3A_279 = arith.constant 0 : i32
    %dma_wait3A_280 = arith.constant 0 : i32
    %dma_wait3A_281 = tpu.memref_slice %arg4[%dma_wait3A_267, %dma_wait3A_279, %dma_wait3A_280] : memref<51200x8x128xf32, #tpu.memory_space<hbm>> -> memref<1x8x128xf32, #tpu.memory_space<hbm>>
    %dma_wait3A_282 = tpu.memref_squeeze %dma_wait3A_281 : memref<1x8x128xf32, #tpu.memory_space<hbm>> -> memref<8x128xf32, #tpu.memory_space<hbm>>
    %dma_wait3A_283 = arith.constant 0 : i32
    %dma_wait3A_284 = arith.constant 0 : i32
    %dma_wait3A_285 = tpu.memref_slice %arg7[%dma_wait3A_266, %dma_wait3A_283, %dma_wait3A_284] : memref<4x64x129xf32, #tpu.memory_space<vmem>> -> memref<1x8x128xf32, #tpu.memory_space<vmem>>
    %dma_wait3A_286 = tpu.memref_squeeze %dma_wait3A_285 : memref<1x8x128xf32, #tpu.memory_space<vmem>> -> memref<8x128xf32, #tpu.memory_space<vmem>>
    tpu.wait_dma2 semaphore(%dma_wait3A_278 : memref<!tpu.dma_semaphore, #tpu.memory_space<semaphore_mem>>) src(%dma_wait3A_286 : memref<8x128xf32, #tpu.memory_space<vmem>>) dst(%dma_wait3A_282 : memref<8x128xf32, #tpu.memory_space<hbm>>)
    %dma_wait3A_287 = arith.constant 1 : i32
    %dma_wait3A_288 = arith.constant 0 : i32
    %dma_wait3A_289 = arith.constant 1 : i32
    %dma_wait3A_290 = arith.constant 0 : i32
    %dma_wait3A_291 = arith.constant 0 : i32
    %dma_wait3A_292 = tpu.memref_slice %arg7[%dma_wait3A_287, %dma_wait3A_290, %dma_wait3A_291] : memref<4x64x129xf32, #tpu.memory_space<vmem>> -> memref<1x8x128xf32, #tpu.memory_space<vmem>>
    %dma_wait3A_293 = tpu.memref_squeeze %dma_wait3A_292 : memref<1x8x128xf32, #tpu.memory_space<vmem>> -> memref<8x128xf32, #tpu.memory_space<vmem>>
    %dma_wait3A_294 = arith.constant 0 : i32
    %dma_wait3A_295 = arith.constant 0 : i32
    %dma_wait3A_296 = tpu.memref_slice %arg4[%dma_wait3A_288, %dma_wait3A_294, %dma_wait3A_295] : memref<51200x8x128xf32, #tpu.memory_space<hbm>> -> memref<1x8x128xf32, #tpu.memory_space<hbm>>
    %dma_wait3A_297 = tpu.memref_squeeze %dma_wait3A_296 : memref<1x8x128xf32, #tpu.memory_space<hbm>> -> memref<8x128xf32, #tpu.memory_space<hbm>>
    %dma_wait3A_298 = tpu.memref_slice %arg9[%dma_wait3A_289] : memref<4x!tpu.dma_semaphore, #tpu.memory_space<semaphore_mem>> -> memref<1x!tpu.dma_semaphore, #tpu.memory_space<semaphore_mem>>
    %dma_wait3A_299 = tpu.memref_squeeze %dma_wait3A_298 : memref<1x!tpu.dma_semaphore, #tpu.memory_space<semaphore_mem>> -> memref<!tpu.dma_semaphore, #tpu.memory_space<semaphore_mem>>
    %dma_wait3A_300 = arith.constant 0 : i32
    %dma_wait3A_301 = arith.constant 0 : i32
    %dma_wait3A_302 = tpu.memref_slice %arg4[%dma_wait3A_288, %dma_wait3A_300, %dma_wait3A_301] : memref<51200x8x128xf32, #tpu.memory_space<hbm>> -> memref<1x8x128xf32, #tpu.memory_space<hbm>>
    %dma_wait3A_303 = tpu.memref_squeeze %dma_wait3A_302 : memref<1x8x128xf32, #tpu.memory_space<hbm>> -> memref<8x128xf32, #tpu.memory_space<hbm>>
    %dma_wait3A_304 = arith.constant 0 : i32
    %dma_wait3A_305 = arith.constant 0 : i32
    %dma_wait3A_306 = tpu.memref_slice %arg7[%dma_wait3A_287, %dma_wait3A_304, %dma_wait3A_305] : memref<4x64x129xf32, #tpu.memory_space<vmem>> -> memref<1x8x128xf32, #tpu.memory_space<vmem>>
    %dma_wait3A_307 = tpu.memref_squeeze %dma_wait3A_306 : memref<1x8x128xf32, #tpu.memory_space<vmem>> -> memref<8x128xf32, #tpu.memory_space<vmem>>
    tpu.wait_dma2 semaphore(%dma_wait3A_299 : memref<!tpu.dma_semaphore, #tpu.memory_space<semaphore_mem>>) src(%dma_wait3A_307 : memref<8x128xf32, #tpu.memory_space<vmem>>) dst(%dma_wait3A_303 : memref<8x128xf32, #tpu.memory_space<hbm>>)
    %dma_wait3A_308 = arith.constant 1 : i32
    %dma_wait3A_309 = arith.constant 0 : i32
    %dma_wait3A_310 = arith.constant 1 : i32
    %dma_wait3A_311 = arith.constant 0 : i32
    %dma_wait3A_312 = arith.constant 0 : i32
    %dma_wait3A_313 = tpu.memref_slice %arg7[%dma_wait3A_308, %dma_wait3A_311, %dma_wait3A_312] : memref<4x64x129xf32, #tpu.memory_space<vmem>> -> memref<1x8x128xf32, #tpu.memory_space<vmem>>
    %dma_wait3A_314 = tpu.memref_squeeze %dma_wait3A_313 : memref<1x8x128xf32, #tpu.memory_space<vmem>> -> memref<8x128xf32, #tpu.memory_space<vmem>>
    %dma_wait3A_315 = arith.constant 0 : i32
    %dma_wait3A_316 = arith.constant 0 : i32
    %dma_wait3A_317 = tpu.memref_slice %arg4[%dma_wait3A_309, %dma_wait3A_315, %dma_wait3A_316] : memref<51200x8x128xf32, #tpu.memory_space<hbm>> -> memref<1x8x128xf32, #tpu.memory_space<hbm>>
    %dma_wait3A_318 = tpu.memref_squeeze %dma_wait3A_317 : memref<1x8x128xf32, #tpu.memory_space<hbm>> -> memref<8x128xf32, #tpu.memory_space<hbm>>
    %dma_wait3A_319 = tpu.memref_slice %arg9[%dma_wait3A_310] : memref<4x!tpu.dma_semaphore, #tpu.memory_space<semaphore_mem>> -> memref<1x!tpu.dma_semaphore, #tpu.memory_space<semaphore_mem>>
    %dma_wait3A_320 = tpu.memref_squeeze %dma_wait3A_319 : memref<1x!tpu.dma_semaphore, #tpu.memory_space<semaphore_mem>> -> memref<!tpu.dma_semaphore, #tpu.memory_space<semaphore_mem>>
    %dma_wait3A_321 = arith.constant 0 : i32
    %dma_wait3A_322 = arith.constant 0 : i32
    %dma_wait3A_323 = tpu.memref_slice %arg4[%dma_wait3A_309, %dma_wait3A_321, %dma_wait3A_322] : memref<51200x8x128xf32, #tpu.memory_space<hbm>> -> memref<1x8x128xf32, #tpu.memory_space<hbm>>
    %dma_wait3A_324 = tpu.memref_squeeze %dma_wait3A_323 : memref<1x8x128xf32, #tpu.memory_space<hbm>> -> memref<8x128xf32, #tpu.memory_space<hbm>>
    %dma_wait3A_325 = arith.constant 0 : i32
    %dma_wait3A_326 = arith.constant 0 : i32
    %dma_wait3A_327 = tpu.memref_slice %arg7[%dma_wait3A_308, %dma_wait3A_325, %dma_wait3A_326] : memref<4x64x129xf32, #tpu.memory_space<vmem>> -> memref<1x8x128xf32, #tpu.memory_space<vmem>>
    %dma_wait3A_328 = tpu.memref_squeeze %dma_wait3A_327 : memref<1x8x128xf32, #tpu.memory_space<vmem>> -> memref<8x128xf32, #tpu.memory_space<vmem>>
    tpu.wait_dma2 semaphore(%dma_wait3A_320 : memref<!tpu.dma_semaphore, #tpu.memory_space<semaphore_mem>>) src(%dma_wait3A_328 : memref<8x128xf32, #tpu.memory_space<vmem>>) dst(%dma_wait3A_324 : memref<8x128xf32, #tpu.memory_space<hbm>>)
    %dma_wait3A_329 = arith.constant 1 : i32
    %dma_wait3A_330 = arith.constant 0 : i32
    %dma_wait3A_331 = arith.constant 1 : i32
    %dma_wait3A_332 = arith.constant 0 : i32
    %dma_wait3A_333 = arith.constant 0 : i32
    %dma_wait3A_334 = tpu.memref_slice %arg7[%dma_wait3A_329, %dma_wait3A_332, %dma_wait3A_333] : memref<4x64x129xf32, #tpu.memory_space<vmem>> -> memref<1x8x128xf32, #tpu.memory_space<vmem>>
    %dma_wait3A_335 = tpu.memref_squeeze %dma_wait3A_334 : memref<1x8x128xf32, #tpu.memory_space<vmem>> -> memref<8x128xf32, #tpu.memory_space<vmem>>
    %dma_wait3A_336 = arith.constant 0 : i32
    %dma_wait3A_337 = arith.constant 0 : i32
    %dma_wait3A_338 = tpu.memref_slice %arg4[%dma_wait3A_330, %dma_wait3A_336, %dma_wait3A_337] : memref<51200x8x128xf32, #tpu.memory_space<hbm>> -> memref<1x8x128xf32, #tpu.memory_space<hbm>>
    %dma_wait3A_339 = tpu.memref_squeeze %dma_wait3A_338 : memref<1x8x128xf32, #tpu.memory_space<hbm>> -> memref<8x128xf32, #tpu.memory_space<hbm>>
    %dma_wait3A_340 = tpu.memref_slice %arg9[%dma_wait3A_331] : memref<4x!tpu.dma_semaphore, #tpu.memory_space<semaphore_mem>> -> memref<1x!tpu.dma_semaphore, #tpu.memory_space<semaphore_mem>>
    %dma_wait3A_341 = tpu.memref_squeeze %dma_wait3A_340 : memref<1x!tpu.dma_semaphore, #tpu.memory_space<semaphore_mem>> -> memref<!tpu.dma_semaphore, #tpu.memory_space<semaphore_mem>>
    %dma_wait3A_342 = arith.constant 0 : i32
    %dma_wait3A_343 = arith.constant 0 : i32
    %dma_wait3A_344 = tpu.memref_slice %arg4[%dma_wait3A_330, %dma_wait3A_342, %dma_wait3A_343] : memref<51200x8x128xf32, #tpu.memory_space<hbm>> -> memref<1x8x128xf32, #tpu.memory_space<hbm>>
    %dma_wait3A_345 = tpu.memref_squeeze %dma_wait3A_344 : memref<1x8x128xf32, #tpu.memory_space<hbm>> -> memref<8x128xf32, #tpu.memory_space<hbm>>
    %dma_wait3A_346 = arith.constant 0 : i32
    %dma_wait3A_347 = arith.constant 0 : i32
    %dma_wait3A_348 = tpu.memref_slice %arg7[%dma_wait3A_329, %dma_wait3A_346, %dma_wait3A_347] : memref<4x64x129xf32, #tpu.memory_space<vmem>> -> memref<1x8x128xf32, #tpu.memory_space<vmem>>
    %dma_wait3A_349 = tpu.memref_squeeze %dma_wait3A_348 : memref<1x8x128xf32, #tpu.memory_space<vmem>> -> memref<8x128xf32, #tpu.memory_space<vmem>>
    tpu.wait_dma2 semaphore(%dma_wait3A_341 : memref<!tpu.dma_semaphore, #tpu.memory_space<semaphore_mem>>) src(%dma_wait3A_349 : memref<8x128xf32, #tpu.memory_space<vmem>>) dst(%dma_wait3A_345 : memref<8x128xf32, #tpu.memory_space<hbm>>)
    %dma_wait3A_350 = arith.constant 1 : i32
    %dma_wait3A_351 = arith.constant 0 : i32
    %dma_wait3A_352 = arith.constant 1 : i32
    %dma_wait3A_353 = arith.constant 0 : i32
    %dma_wait3A_354 = arith.constant 0 : i32
    %dma_wait3A_355 = tpu.memref_slice %arg7[%dma_wait3A_350, %dma_wait3A_353, %dma_wait3A_354] : memref<4x64x129xf32, #tpu.memory_space<vmem>> -> memref<1x8x128xf32, #tpu.memory_space<vmem>>
    %dma_wait3A_356 = tpu.memref_squeeze %dma_wait3A_355 : memref<1x8x128xf32, #tpu.memory_space<vmem>> -> memref<8x128xf32, #tpu.memory_space<vmem>>
    %dma_wait3A_357 = arith.constant 0 : i32
    %dma_wait3A_358 = arith.constant 0 : i32
    %dma_wait3A_359 = tpu.memref_slice %arg4[%dma_wait3A_351, %dma_wait3A_357, %dma_wait3A_358] : memref<51200x8x128xf32, #tpu.memory_space<hbm>> -> memref<1x8x128xf32, #tpu.memory_space<hbm>>
    %dma_wait3A_360 = tpu.memref_squeeze %dma_wait3A_359 : memref<1x8x128xf32, #tpu.memory_space<hbm>> -> memref<8x128xf32, #tpu.memory_space<hbm>>
    %dma_wait3A_361 = tpu.memref_slice %arg9[%dma_wait3A_352] : memref<4x!tpu.dma_semaphore, #tpu.memory_space<semaphore_mem>> -> memref<1x!tpu.dma_semaphore, #tpu.memory_space<semaphore_mem>>
    %dma_wait3A_362 = tpu.memref_squeeze %dma_wait3A_361 : memref<1x!tpu.dma_semaphore, #tpu.memory_space<semaphore_mem>> -> memref<!tpu.dma_semaphore, #tpu.memory_space<semaphore_mem>>
    %dma_wait3A_363 = arith.constant 0 : i32
    %dma_wait3A_364 = arith.constant 0 : i32
    %dma_wait3A_365 = tpu.memref_slice %arg4[%dma_wait3A_351, %dma_wait3A_363, %dma_wait3A_364] : memref<51200x8x128xf32, #tpu.memory_space<hbm>> -> memref<1x8x128xf32, #tpu.memory_space<hbm>>
    %dma_wait3A_366 = tpu.memref_squeeze %dma_wait3A_365 : memref<1x8x128xf32, #tpu.memory_space<hbm>> -> memref<8x128xf32, #tpu.memory_space<hbm>>
    %dma_wait3A_367 = arith.constant 0 : i32
    %dma_wait3A_368 = arith.constant 0 : i32
    %dma_wait3A_369 = tpu.memref_slice %arg7[%dma_wait3A_350, %dma_wait3A_367, %dma_wait3A_368] : memref<4x64x129xf32, #tpu.memory_space<vmem>> -> memref<1x8x128xf32, #tpu.memory_space<vmem>>
    %dma_wait3A_370 = tpu.memref_squeeze %dma_wait3A_369 : memref<1x8x128xf32, #tpu.memory_space<vmem>> -> memref<8x128xf32, #tpu.memory_space<vmem>>
    tpu.wait_dma2 semaphore(%dma_wait3A_362 : memref<!tpu.dma_semaphore, #tpu.memory_space<semaphore_mem>>) src(%dma_wait3A_370 : memref<8x128xf32, #tpu.memory_space<vmem>>) dst(%dma_wait3A_366 : memref<8x128xf32, #tpu.memory_space<hbm>>)
    %dma_wait3A_371 = arith.constant 1 : i32
    %dma_wait3A_372 = arith.constant 0 : i32
    %dma_wait3A_373 = arith.constant 1 : i32
    %dma_wait3A_374 = arith.constant 0 : i32
    %dma_wait3A_375 = arith.constant 0 : i32
    %dma_wait3A_376 = tpu.memref_slice %arg7[%dma_wait3A_371, %dma_wait3A_374, %dma_wait3A_375] : memref<4x64x129xf32, #tpu.memory_space<vmem>> -> memref<1x8x128xf32, #tpu.memory_space<vmem>>
    %dma_wait3A_377 = tpu.memref_squeeze %dma_wait3A_376 : memref<1x8x128xf32, #tpu.memory_space<vmem>> -> memref<8x128xf32, #tpu.memory_space<vmem>>
    %dma_wait3A_378 = arith.constant 0 : i32
    %dma_wait3A_379 = arith.constant 0 : i32
    %dma_wait3A_380 = tpu.memref_slice %arg4[%dma_wait3A_372, %dma_wait3A_378, %dma_wait3A_379] : memref<51200x8x128xf32, #tpu.memory_space<hbm>> -> memref<1x8x128xf32, #tpu.memory_space<hbm>>
    %dma_wait3A_381 = tpu.memref_squeeze %dma_wait3A_380 : memref<1x8x128xf32, #tpu.memory_space<hbm>> -> memref<8x128xf32, #tpu.memory_space<hbm>>
    %dma_wait3A_382 = tpu.memref_slice %arg9[%dma_wait3A_373] : memref<4x!tpu.dma_semaphore, #tpu.memory_space<semaphore_mem>> -> memref<1x!tpu.dma_semaphore, #tpu.memory_space<semaphore_mem>>
    %dma_wait3A_383 = tpu.memref_squeeze %dma_wait3A_382 : memref<1x!tpu.dma_semaphore, #tpu.memory_space<semaphore_mem>> -> memref<!tpu.dma_semaphore, #tpu.memory_space<semaphore_mem>>
    %dma_wait3A_384 = arith.constant 0 : i32
    %dma_wait3A_385 = arith.constant 0 : i32
    %dma_wait3A_386 = tpu.memref_slice %arg4[%dma_wait3A_372, %dma_wait3A_384, %dma_wait3A_385] : memref<51200x8x128xf32, #tpu.memory_space<hbm>> -> memref<1x8x128xf32, #tpu.memory_space<hbm>>
    %dma_wait3A_387 = tpu.memref_squeeze %dma_wait3A_386 : memref<1x8x128xf32, #tpu.memory_space<hbm>> -> memref<8x128xf32, #tpu.memory_space<hbm>>
    %dma_wait3A_388 = arith.constant 0 : i32
    %dma_wait3A_389 = arith.constant 0 : i32
    %dma_wait3A_390 = tpu.memref_slice %arg7[%dma_wait3A_371, %dma_wait3A_388, %dma_wait3A_389] : memref<4x64x129xf32, #tpu.memory_space<vmem>> -> memref<1x8x128xf32, #tpu.memory_space<vmem>>
    %dma_wait3A_391 = tpu.memref_squeeze %dma_wait3A_390 : memref<1x8x128xf32, #tpu.memory_space<vmem>> -> memref<8x128xf32, #tpu.memory_space<vmem>>
    tpu.wait_dma2 semaphore(%dma_wait3A_383 : memref<!tpu.dma_semaphore, #tpu.memory_space<semaphore_mem>>) src(%dma_wait3A_391 : memref<8x128xf32, #tpu.memory_space<vmem>>) dst(%dma_wait3A_387 : memref<8x128xf32, #tpu.memory_space<hbm>>)
    %dma_wait3A_392 = arith.constant 1 : i32
    %dma_wait3A_393 = arith.constant 0 : i32
    %dma_wait3A_394 = arith.constant 1 : i32
    %dma_wait3A_395 = arith.constant 0 : i32
    %dma_wait3A_396 = arith.constant 0 : i32
    %dma_wait3A_397 = tpu.memref_slice %arg7[%dma_wait3A_392, %dma_wait3A_395, %dma_wait3A_396] : memref<4x64x129xf32, #tpu.memory_space<vmem>> -> memref<1x8x128xf32, #tpu.memory_space<vmem>>
    %dma_wait3A_398 = tpu.memref_squeeze %dma_wait3A_397 : memref<1x8x128xf32, #tpu.memory_space<vmem>> -> memref<8x128xf32, #tpu.memory_space<vmem>>
    %dma_wait3A_399 = arith.constant 0 : i32
    %dma_wait3A_400 = arith.constant 0 : i32
    %dma_wait3A_401 = tpu.memref_slice %arg4[%dma_wait3A_393, %dma_wait3A_399, %dma_wait3A_400] : memref<51200x8x128xf32, #tpu.memory_space<hbm>> -> memref<1x8x128xf32, #tpu.memory_space<hbm>>
    %dma_wait3A_402 = tpu.memref_squeeze %dma_wait3A_401 : memref<1x8x128xf32, #tpu.memory_space<hbm>> -> memref<8x128xf32, #tpu.memory_space<hbm>>
    %dma_wait3A_403 = tpu.memref_slice %arg9[%dma_wait3A_394] : memref<4x!tpu.dma_semaphore, #tpu.memory_space<semaphore_mem>> -> memref<1x!tpu.dma_semaphore, #tpu.memory_space<semaphore_mem>>
    %dma_wait3A_404 = tpu.memref_squeeze %dma_wait3A_403 : memref<1x!tpu.dma_semaphore, #tpu.memory_space<semaphore_mem>> -> memref<!tpu.dma_semaphore, #tpu.memory_space<semaphore_mem>>
    %dma_wait3A_405 = arith.constant 0 : i32
    %dma_wait3A_406 = arith.constant 0 : i32
    %dma_wait3A_407 = tpu.memref_slice %arg4[%dma_wait3A_393, %dma_wait3A_405, %dma_wait3A_406] : memref<51200x8x128xf32, #tpu.memory_space<hbm>> -> memref<1x8x128xf32, #tpu.memory_space<hbm>>
    %dma_wait3A_408 = tpu.memref_squeeze %dma_wait3A_407 : memref<1x8x128xf32, #tpu.memory_space<hbm>> -> memref<8x128xf32, #tpu.memory_space<hbm>>
    %dma_wait3A_409 = arith.constant 0 : i32
    %dma_wait3A_410 = arith.constant 0 : i32
    %dma_wait3A_411 = tpu.memref_slice %arg7[%dma_wait3A_392, %dma_wait3A_409, %dma_wait3A_410] : memref<4x64x129xf32, #tpu.memory_space<vmem>> -> memref<1x8x128xf32, #tpu.memory_space<vmem>>
    %dma_wait3A_412 = tpu.memref_squeeze %dma_wait3A_411 : memref<1x8x128xf32, #tpu.memory_space<vmem>> -> memref<8x128xf32, #tpu.memory_space<vmem>>
    tpu.wait_dma2 semaphore(%dma_wait3A_404 : memref<!tpu.dma_semaphore, #tpu.memory_space<semaphore_mem>>) src(%dma_wait3A_412 : memref<8x128xf32, #tpu.memory_space<vmem>>) dst(%dma_wait3A_408 : memref<8x128xf32, #tpu.memory_space<hbm>>)
    %dma_wait3A_413 = arith.constant 2 : i32
    %dma_wait3A_414 = arith.constant 0 : i32
    %dma_wait3A_415 = arith.constant 2 : i32
    %dma_wait3A_416 = arith.constant 0 : i32
    %dma_wait3A_417 = arith.constant 0 : i32
    %dma_wait3A_418 = tpu.memref_slice %arg7[%dma_wait3A_413, %dma_wait3A_416, %dma_wait3A_417] : memref<4x64x129xf32, #tpu.memory_space<vmem>> -> memref<1x8x128xf32, #tpu.memory_space<vmem>>
    %dma_wait3A_419 = tpu.memref_squeeze %dma_wait3A_418 : memref<1x8x128xf32, #tpu.memory_space<vmem>> -> memref<8x128xf32, #tpu.memory_space<vmem>>
    %dma_wait3A_420 = arith.constant 0 : i32
    %dma_wait3A_421 = arith.constant 0 : i32
    %dma_wait3A_422 = tpu.memref_slice %arg4[%dma_wait3A_414, %dma_wait3A_420, %dma_wait3A_421] : memref<51200x8x128xf32, #tpu.memory_space<hbm>> -> memref<1x8x128xf32, #tpu.memory_space<hbm>>
    %dma_wait3A_423 = tpu.memref_squeeze %dma_wait3A_422 : memref<1x8x128xf32, #tpu.memory_space<hbm>> -> memref<8x128xf32, #tpu.memory_space<hbm>>
    %dma_wait3A_424 = tpu.memref_slice %arg9[%dma_wait3A_415] : memref<4x!tpu.dma_semaphore, #tpu.memory_space<semaphore_mem>> -> memref<1x!tpu.dma_semaphore, #tpu.memory_space<semaphore_mem>>
    %dma_wait3A_425 = tpu.memref_squeeze %dma_wait3A_424 : memref<1x!tpu.dma_semaphore, #tpu.memory_space<semaphore_mem>> -> memref<!tpu.dma_semaphore, #tpu.memory_space<semaphore_mem>>
    %dma_wait3A_426 = arith.constant 0 : i32
    %dma_wait3A_427 = arith.constant 0 : i32
    %dma_wait3A_428 = tpu.memref_slice %arg4[%dma_wait3A_414, %dma_wait3A_426, %dma_wait3A_427] : memref<51200x8x128xf32, #tpu.memory_space<hbm>> -> memref<1x8x128xf32, #tpu.memory_space<hbm>>
    %dma_wait3A_429 = tpu.memref_squeeze %dma_wait3A_428 : memref<1x8x128xf32, #tpu.memory_space<hbm>> -> memref<8x128xf32, #tpu.memory_space<hbm>>
    %dma_wait3A_430 = arith.constant 0 : i32
    %dma_wait3A_431 = arith.constant 0 : i32
    %dma_wait3A_432 = tpu.memref_slice %arg7[%dma_wait3A_413, %dma_wait3A_430, %dma_wait3A_431] : memref<4x64x129xf32, #tpu.memory_space<vmem>> -> memref<1x8x128xf32, #tpu.memory_space<vmem>>
    %dma_wait3A_433 = tpu.memref_squeeze %dma_wait3A_432 : memref<1x8x128xf32, #tpu.memory_space<vmem>> -> memref<8x128xf32, #tpu.memory_space<vmem>>
    tpu.wait_dma2 semaphore(%dma_wait3A_425 : memref<!tpu.dma_semaphore, #tpu.memory_space<semaphore_mem>>) src(%dma_wait3A_433 : memref<8x128xf32, #tpu.memory_space<vmem>>) dst(%dma_wait3A_429 : memref<8x128xf32, #tpu.memory_space<hbm>>)
    %dma_wait3A_434 = arith.constant 2 : i32
    %dma_wait3A_435 = arith.constant 0 : i32
    %dma_wait3A_436 = arith.constant 2 : i32
    %dma_wait3A_437 = arith.constant 0 : i32
    %dma_wait3A_438 = arith.constant 0 : i32
    %dma_wait3A_439 = tpu.memref_slice %arg7[%dma_wait3A_434, %dma_wait3A_437, %dma_wait3A_438] : memref<4x64x129xf32, #tpu.memory_space<vmem>> -> memref<1x8x128xf32, #tpu.memory_space<vmem>>
    %dma_wait3A_440 = tpu.memref_squeeze %dma_wait3A_439 : memref<1x8x128xf32, #tpu.memory_space<vmem>> -> memref<8x128xf32, #tpu.memory_space<vmem>>
    %dma_wait3A_441 = arith.constant 0 : i32
    %dma_wait3A_442 = arith.constant 0 : i32
    %dma_wait3A_443 = tpu.memref_slice %arg4[%dma_wait3A_435, %dma_wait3A_441, %dma_wait3A_442] : memref<51200x8x128xf32, #tpu.memory_space<hbm>> -> memref<1x8x128xf32, #tpu.memory_space<hbm>>
    %dma_wait3A_444 = tpu.memref_squeeze %dma_wait3A_443 : memref<1x8x128xf32, #tpu.memory_space<hbm>> -> memref<8x128xf32, #tpu.memory_space<hbm>>
    %dma_wait3A_445 = tpu.memref_slice %arg9[%dma_wait3A_436] : memref<4x!tpu.dma_semaphore, #tpu.memory_space<semaphore_mem>> -> memref<1x!tpu.dma_semaphore, #tpu.memory_space<semaphore_mem>>
    %dma_wait3A_446 = tpu.memref_squeeze %dma_wait3A_445 : memref<1x!tpu.dma_semaphore, #tpu.memory_space<semaphore_mem>> -> memref<!tpu.dma_semaphore, #tpu.memory_space<semaphore_mem>>
    %dma_wait3A_447 = arith.constant 0 : i32
    %dma_wait3A_448 = arith.constant 0 : i32
    %dma_wait3A_449 = tpu.memref_slice %arg4[%dma_wait3A_435, %dma_wait3A_447, %dma_wait3A_448] : memref<51200x8x128xf32, #tpu.memory_space<hbm>> -> memref<1x8x128xf32, #tpu.memory_space<hbm>>
    %dma_wait3A_450 = tpu.memref_squeeze %dma_wait3A_449 : memref<1x8x128xf32, #tpu.memory_space<hbm>> -> memref<8x128xf32, #tpu.memory_space<hbm>>
    %dma_wait3A_451 = arith.constant 0 : i32
    %dma_wait3A_452 = arith.constant 0 : i32
    %dma_wait3A_453 = tpu.memref_slice %arg7[%dma_wait3A_434, %dma_wait3A_451, %dma_wait3A_452] : memref<4x64x129xf32, #tpu.memory_space<vmem>> -> memref<1x8x128xf32, #tpu.memory_space<vmem>>
    %dma_wait3A_454 = tpu.memref_squeeze %dma_wait3A_453 : memref<1x8x128xf32, #tpu.memory_space<vmem>> -> memref<8x128xf32, #tpu.memory_space<vmem>>
    tpu.wait_dma2 semaphore(%dma_wait3A_446 : memref<!tpu.dma_semaphore, #tpu.memory_space<semaphore_mem>>) src(%dma_wait3A_454 : memref<8x128xf32, #tpu.memory_space<vmem>>) dst(%dma_wait3A_450 : memref<8x128xf32, #tpu.memory_space<hbm>>)
    %dma_wait3A_455 = arith.constant 2 : i32
    %dma_wait3A_456 = arith.constant 0 : i32
    %dma_wait3A_457 = arith.constant 2 : i32
    %dma_wait3A_458 = arith.constant 0 : i32
    %dma_wait3A_459 = arith.constant 0 : i32
    %dma_wait3A_460 = tpu.memref_slice %arg7[%dma_wait3A_455, %dma_wait3A_458, %dma_wait3A_459] : memref<4x64x129xf32, #tpu.memory_space<vmem>> -> memref<1x8x128xf32, #tpu.memory_space<vmem>>
    %dma_wait3A_461 = tpu.memref_squeeze %dma_wait3A_460 : memref<1x8x128xf32, #tpu.memory_space<vmem>> -> memref<8x128xf32, #tpu.memory_space<vmem>>
    %dma_wait3A_462 = arith.constant 0 : i32
    %dma_wait3A_463 = arith.constant 0 : i32
    %dma_wait3A_464 = tpu.memref_slice %arg4[%dma_wait3A_456, %dma_wait3A_462, %dma_wait3A_463] : memref<51200x8x128xf32, #tpu.memory_space<hbm>> -> memref<1x8x128xf32, #tpu.memory_space<hbm>>
    %dma_wait3A_465 = tpu.memref_squeeze %dma_wait3A_464 : memref<1x8x128xf32, #tpu.memory_space<hbm>> -> memref<8x128xf32, #tpu.memory_space<hbm>>
    %dma_wait3A_466 = tpu.memref_slice %arg9[%dma_wait3A_457] : memref<4x!tpu.dma_semaphore, #tpu.memory_space<semaphore_mem>> -> memref<1x!tpu.dma_semaphore, #tpu.memory_space<semaphore_mem>>
    %dma_wait3A_467 = tpu.memref_squeeze %dma_wait3A_466 : memref<1x!tpu.dma_semaphore, #tpu.memory_space<semaphore_mem>> -> memref<!tpu.dma_semaphore, #tpu.memory_space<semaphore_mem>>
    %dma_wait3A_468 = arith.constant 0 : i32
    %dma_wait3A_469 = arith.constant 0 : i32
    %dma_wait3A_470 = tpu.memref_slice %arg4[%dma_wait3A_456, %dma_wait3A_468, %dma_wait3A_469] : memref<51200x8x128xf32, #tpu.memory_space<hbm>> -> memref<1x8x128xf32, #tpu.memory_space<hbm>>
    %dma_wait3A_471 = tpu.memref_squeeze %dma_wait3A_470 : memref<1x8x128xf32, #tpu.memory_space<hbm>> -> memref<8x128xf32, #tpu.memory_space<hbm>>
    %dma_wait3A_472 = arith.constant 0 : i32
    %dma_wait3A_473 = arith.constant 0 : i32
    %dma_wait3A_474 = tpu.memref_slice %arg7[%dma_wait3A_455, %dma_wait3A_472, %dma_wait3A_473] : memref<4x64x129xf32, #tpu.memory_space<vmem>> -> memref<1x8x128xf32, #tpu.memory_space<vmem>>
    %dma_wait3A_475 = tpu.memref_squeeze %dma_wait3A_474 : memref<1x8x128xf32, #tpu.memory_space<vmem>> -> memref<8x128xf32, #tpu.memory_space<vmem>>
    tpu.wait_dma2 semaphore(%dma_wait3A_467 : memref<!tpu.dma_semaphore, #tpu.memory_space<semaphore_mem>>) src(%dma_wait3A_475 : memref<8x128xf32, #tpu.memory_space<vmem>>) dst(%dma_wait3A_471 : memref<8x128xf32, #tpu.memory_space<hbm>>)
    %dma_wait3A_476 = arith.constant 2 : i32
    %dma_wait3A_477 = arith.constant 0 : i32
    %dma_wait3A_478 = arith.constant 2 : i32
    %dma_wait3A_479 = arith.constant 0 : i32
    %dma_wait3A_480 = arith.constant 0 : i32
    %dma_wait3A_481 = tpu.memref_slice %arg7[%dma_wait3A_476, %dma_wait3A_479, %dma_wait3A_480] : memref<4x64x129xf32, #tpu.memory_space<vmem>> -> memref<1x8x128xf32, #tpu.memory_space<vmem>>
    %dma_wait3A_482 = tpu.memref_squeeze %dma_wait3A_481 : memref<1x8x128xf32, #tpu.memory_space<vmem>> -> memref<8x128xf32, #tpu.memory_space<vmem>>
    %dma_wait3A_483 = arith.constant 0 : i32
    %dma_wait3A_484 = arith.constant 0 : i32
    %dma_wait3A_485 = tpu.memref_slice %arg4[%dma_wait3A_477, %dma_wait3A_483, %dma_wait3A_484] : memref<51200x8x128xf32, #tpu.memory_space<hbm>> -> memref<1x8x128xf32, #tpu.memory_space<hbm>>
    %dma_wait3A_486 = tpu.memref_squeeze %dma_wait3A_485 : memref<1x8x128xf32, #tpu.memory_space<hbm>> -> memref<8x128xf32, #tpu.memory_space<hbm>>
    %dma_wait3A_487 = tpu.memref_slice %arg9[%dma_wait3A_478] : memref<4x!tpu.dma_semaphore, #tpu.memory_space<semaphore_mem>> -> memref<1x!tpu.dma_semaphore, #tpu.memory_space<semaphore_mem>>
    %dma_wait3A_488 = tpu.memref_squeeze %dma_wait3A_487 : memref<1x!tpu.dma_semaphore, #tpu.memory_space<semaphore_mem>> -> memref<!tpu.dma_semaphore, #tpu.memory_space<semaphore_mem>>
    %dma_wait3A_489 = arith.constant 0 : i32
    %dma_wait3A_490 = arith.constant 0 : i32
    %dma_wait3A_491 = tpu.memref_slice %arg4[%dma_wait3A_477, %dma_wait3A_489, %dma_wait3A_490] : memref<51200x8x128xf32, #tpu.memory_space<hbm>> -> memref<1x8x128xf32, #tpu.memory_space<hbm>>
    %dma_wait3A_492 = tpu.memref_squeeze %dma_wait3A_491 : memref<1x8x128xf32, #tpu.memory_space<hbm>> -> memref<8x128xf32, #tpu.memory_space<hbm>>
    %dma_wait3A_493 = arith.constant 0 : i32
    %dma_wait3A_494 = arith.constant 0 : i32
    %dma_wait3A_495 = tpu.memref_slice %arg7[%dma_wait3A_476, %dma_wait3A_493, %dma_wait3A_494] : memref<4x64x129xf32, #tpu.memory_space<vmem>> -> memref<1x8x128xf32, #tpu.memory_space<vmem>>
    %dma_wait3A_496 = tpu.memref_squeeze %dma_wait3A_495 : memref<1x8x128xf32, #tpu.memory_space<vmem>> -> memref<8x128xf32, #tpu.memory_space<vmem>>
    tpu.wait_dma2 semaphore(%dma_wait3A_488 : memref<!tpu.dma_semaphore, #tpu.memory_space<semaphore_mem>>) src(%dma_wait3A_496 : memref<8x128xf32, #tpu.memory_space<vmem>>) dst(%dma_wait3A_492 : memref<8x128xf32, #tpu.memory_space<hbm>>)
    %dma_wait3A_497 = arith.constant 2 : i32
    %dma_wait3A_498 = arith.constant 0 : i32
    %dma_wait3A_499 = arith.constant 2 : i32
    %dma_wait3A_500 = arith.constant 0 : i32
    %dma_wait3A_501 = arith.constant 0 : i32
    %dma_wait3A_502 = tpu.memref_slice %arg7[%dma_wait3A_497, %dma_wait3A_500, %dma_wait3A_501] : memref<4x64x129xf32, #tpu.memory_space<vmem>> -> memref<1x8x128xf32, #tpu.memory_space<vmem>>
    %dma_wait3A_503 = tpu.memref_squeeze %dma_wait3A_502 : memref<1x8x128xf32, #tpu.memory_space<vmem>> -> memref<8x128xf32, #tpu.memory_space<vmem>>
    %dma_wait3A_504 = arith.constant 0 : i32
    %dma_wait3A_505 = arith.constant 0 : i32
    %dma_wait3A_506 = tpu.memref_slice %arg4[%dma_wait3A_498, %dma_wait3A_504, %dma_wait3A_505] : memref<51200x8x128xf32, #tpu.memory_space<hbm>> -> memref<1x8x128xf32, #tpu.memory_space<hbm>>
    %dma_wait3A_507 = tpu.memref_squeeze %dma_wait3A_506 : memref<1x8x128xf32, #tpu.memory_space<hbm>> -> memref<8x128xf32, #tpu.memory_space<hbm>>
    %dma_wait3A_508 = tpu.memref_slice %arg9[%dma_wait3A_499] : memref<4x!tpu.dma_semaphore, #tpu.memory_space<semaphore_mem>> -> memref<1x!tpu.dma_semaphore, #tpu.memory_space<semaphore_mem>>
    %dma_wait3A_509 = tpu.memref_squeeze %dma_wait3A_508 : memref<1x!tpu.dma_semaphore, #tpu.memory_space<semaphore_mem>> -> memref<!tpu.dma_semaphore, #tpu.memory_space<semaphore_mem>>
    %dma_wait3A_510 = arith.constant 0 : i32
    %dma_wait3A_511 = arith.constant 0 : i32
    %dma_wait3A_512 = tpu.memref_slice %arg4[%dma_wait3A_498, %dma_wait3A_510, %dma_wait3A_511] : memref<51200x8x128xf32, #tpu.memory_space<hbm>> -> memref<1x8x128xf32, #tpu.memory_space<hbm>>
    %dma_wait3A_513 = tpu.memref_squeeze %dma_wait3A_512 : memref<1x8x128xf32, #tpu.memory_space<hbm>> -> memref<8x128xf32, #tpu.memory_space<hbm>>
    %dma_wait3A_514 = arith.constant 0 : i32
    %dma_wait3A_515 = arith.constant 0 : i32
    %dma_wait3A_516 = tpu.memref_slice %arg7[%dma_wait3A_497, %dma_wait3A_514, %dma_wait3A_515] : memref<4x64x129xf32, #tpu.memory_space<vmem>> -> memref<1x8x128xf32, #tpu.memory_space<vmem>>
    %dma_wait3A_517 = tpu.memref_squeeze %dma_wait3A_516 : memref<1x8x128xf32, #tpu.memory_space<vmem>> -> memref<8x128xf32, #tpu.memory_space<vmem>>
    tpu.wait_dma2 semaphore(%dma_wait3A_509 : memref<!tpu.dma_semaphore, #tpu.memory_space<semaphore_mem>>) src(%dma_wait3A_517 : memref<8x128xf32, #tpu.memory_space<vmem>>) dst(%dma_wait3A_513 : memref<8x128xf32, #tpu.memory_space<hbm>>)
    %dma_wait3A_518 = arith.constant 2 : i32
    %dma_wait3A_519 = arith.constant 0 : i32
    %dma_wait3A_520 = arith.constant 2 : i32
    %dma_wait3A_521 = arith.constant 0 : i32
    %dma_wait3A_522 = arith.constant 0 : i32
    %dma_wait3A_523 = tpu.memref_slice %arg7[%dma_wait3A_518, %dma_wait3A_521, %dma_wait3A_522] : memref<4x64x129xf32, #tpu.memory_space<vmem>> -> memref<1x8x128xf32, #tpu.memory_space<vmem>>
    %dma_wait3A_524 = tpu.memref_squeeze %dma_wait3A_523 : memref<1x8x128xf32, #tpu.memory_space<vmem>> -> memref<8x128xf32, #tpu.memory_space<vmem>>
    %dma_wait3A_525 = arith.constant 0 : i32
    %dma_wait3A_526 = arith.constant 0 : i32
    %dma_wait3A_527 = tpu.memref_slice %arg4[%dma_wait3A_519, %dma_wait3A_525, %dma_wait3A_526] : memref<51200x8x128xf32, #tpu.memory_space<hbm>> -> memref<1x8x128xf32, #tpu.memory_space<hbm>>
    %dma_wait3A_528 = tpu.memref_squeeze %dma_wait3A_527 : memref<1x8x128xf32, #tpu.memory_space<hbm>> -> memref<8x128xf32, #tpu.memory_space<hbm>>
    %dma_wait3A_529 = tpu.memref_slice %arg9[%dma_wait3A_520] : memref<4x!tpu.dma_semaphore, #tpu.memory_space<semaphore_mem>> -> memref<1x!tpu.dma_semaphore, #tpu.memory_space<semaphore_mem>>
    %dma_wait3A_530 = tpu.memref_squeeze %dma_wait3A_529 : memref<1x!tpu.dma_semaphore, #tpu.memory_space<semaphore_mem>> -> memref<!tpu.dma_semaphore, #tpu.memory_space<semaphore_mem>>
    %dma_wait3A_531 = arith.constant 0 : i32
    %dma_wait3A_532 = arith.constant 0 : i32
    %dma_wait3A_533 = tpu.memref_slice %arg4[%dma_wait3A_519, %dma_wait3A_531, %dma_wait3A_532] : memref<51200x8x128xf32, #tpu.memory_space<hbm>> -> memref<1x8x128xf32, #tpu.memory_space<hbm>>
    %dma_wait3A_534 = tpu.memref_squeeze %dma_wait3A_533 : memref<1x8x128xf32, #tpu.memory_space<hbm>> -> memref<8x128xf32, #tpu.memory_space<hbm>>
    %dma_wait3A_535 = arith.constant 0 : i32
    %dma_wait3A_536 = arith.constant 0 : i32
    %dma_wait3A_537 = tpu.memref_slice %arg7[%dma_wait3A_518, %dma_wait3A_535, %dma_wait3A_536] : memref<4x64x129xf32, #tpu.memory_space<vmem>> -> memref<1x8x128xf32, #tpu.memory_space<vmem>>
    %dma_wait3A_538 = tpu.memref_squeeze %dma_wait3A_537 : memref<1x8x128xf32, #tpu.memory_space<vmem>> -> memref<8x128xf32, #tpu.memory_space<vmem>>
    tpu.wait_dma2 semaphore(%dma_wait3A_530 : memref<!tpu.dma_semaphore, #tpu.memory_space<semaphore_mem>>) src(%dma_wait3A_538 : memref<8x128xf32, #tpu.memory_space<vmem>>) dst(%dma_wait3A_534 : memref<8x128xf32, #tpu.memory_space<hbm>>)
    %dma_wait3A_539 = arith.constant 2 : i32
    %dma_wait3A_540 = arith.constant 0 : i32
    %dma_wait3A_541 = arith.constant 2 : i32
    %dma_wait3A_542 = arith.constant 0 : i32
    %dma_wait3A_543 = arith.constant 0 : i32
    %dma_wait3A_544 = tpu.memref_slice %arg7[%dma_wait3A_539, %dma_wait3A_542, %dma_wait3A_543] : memref<4x64x129xf32, #tpu.memory_space<vmem>> -> memref<1x8x128xf32, #tpu.memory_space<vmem>>
    %dma_wait3A_545 = tpu.memref_squeeze %dma_wait3A_544 : memref<1x8x128xf32, #tpu.memory_space<vmem>> -> memref<8x128xf32, #tpu.memory_space<vmem>>
    %dma_wait3A_546 = arith.constant 0 : i32
    %dma_wait3A_547 = arith.constant 0 : i32
    %dma_wait3A_548 = tpu.memref_slice %arg4[%dma_wait3A_540, %dma_wait3A_546, %dma_wait3A_547] : memref<51200x8x128xf32, #tpu.memory_space<hbm>> -> memref<1x8x128xf32, #tpu.memory_space<hbm>>
    %dma_wait3A_549 = tpu.memref_squeeze %dma_wait3A_548 : memref<1x8x128xf32, #tpu.memory_space<hbm>> -> memref<8x128xf32, #tpu.memory_space<hbm>>
    %dma_wait3A_550 = tpu.memref_slice %arg9[%dma_wait3A_541] : memref<4x!tpu.dma_semaphore, #tpu.memory_space<semaphore_mem>> -> memref<1x!tpu.dma_semaphore, #tpu.memory_space<semaphore_mem>>
    %dma_wait3A_551 = tpu.memref_squeeze %dma_wait3A_550 : memref<1x!tpu.dma_semaphore, #tpu.memory_space<semaphore_mem>> -> memref<!tpu.dma_semaphore, #tpu.memory_space<semaphore_mem>>
    %dma_wait3A_552 = arith.constant 0 : i32
    %dma_wait3A_553 = arith.constant 0 : i32
    %dma_wait3A_554 = tpu.memref_slice %arg4[%dma_wait3A_540, %dma_wait3A_552, %dma_wait3A_553] : memref<51200x8x128xf32, #tpu.memory_space<hbm>> -> memref<1x8x128xf32, #tpu.memory_space<hbm>>
    %dma_wait3A_555 = tpu.memref_squeeze %dma_wait3A_554 : memref<1x8x128xf32, #tpu.memory_space<hbm>> -> memref<8x128xf32, #tpu.memory_space<hbm>>
    %dma_wait3A_556 = arith.constant 0 : i32
    %dma_wait3A_557 = arith.constant 0 : i32
    %dma_wait3A_558 = tpu.memref_slice %arg7[%dma_wait3A_539, %dma_wait3A_556, %dma_wait3A_557] : memref<4x64x129xf32, #tpu.memory_space<vmem>> -> memref<1x8x128xf32, #tpu.memory_space<vmem>>
    %dma_wait3A_559 = tpu.memref_squeeze %dma_wait3A_558 : memref<1x8x128xf32, #tpu.memory_space<vmem>> -> memref<8x128xf32, #tpu.memory_space<vmem>>
    tpu.wait_dma2 semaphore(%dma_wait3A_551 : memref<!tpu.dma_semaphore, #tpu.memory_space<semaphore_mem>>) src(%dma_wait3A_559 : memref<8x128xf32, #tpu.memory_space<vmem>>) dst(%dma_wait3A_555 : memref<8x128xf32, #tpu.memory_space<hbm>>)
    %dma_wait3A_560 = arith.constant 2 : i32
    %dma_wait3A_561 = arith.constant 0 : i32
    %dma_wait3A_562 = arith.constant 2 : i32
    %dma_wait3A_563 = arith.constant 0 : i32
    %dma_wait3A_564 = arith.constant 0 : i32
    %dma_wait3A_565 = tpu.memref_slice %arg7[%dma_wait3A_560, %dma_wait3A_563, %dma_wait3A_564] : memref<4x64x129xf32, #tpu.memory_space<vmem>> -> memref<1x8x128xf32, #tpu.memory_space<vmem>>
    %dma_wait3A_566 = tpu.memref_squeeze %dma_wait3A_565 : memref<1x8x128xf32, #tpu.memory_space<vmem>> -> memref<8x128xf32, #tpu.memory_space<vmem>>
    %dma_wait3A_567 = arith.constant 0 : i32
    %dma_wait3A_568 = arith.constant 0 : i32
    %dma_wait3A_569 = tpu.memref_slice %arg4[%dma_wait3A_561, %dma_wait3A_567, %dma_wait3A_568] : memref<51200x8x128xf32, #tpu.memory_space<hbm>> -> memref<1x8x128xf32, #tpu.memory_space<hbm>>
    %dma_wait3A_570 = tpu.memref_squeeze %dma_wait3A_569 : memref<1x8x128xf32, #tpu.memory_space<hbm>> -> memref<8x128xf32, #tpu.memory_space<hbm>>
    %dma_wait3A_571 = tpu.memref_slice %arg9[%dma_wait3A_562] : memref<4x!tpu.dma_semaphore, #tpu.memory_space<semaphore_mem>> -> memref<1x!tpu.dma_semaphore, #tpu.memory_space<semaphore_mem>>
    %dma_wait3A_572 = tpu.memref_squeeze %dma_wait3A_571 : memref<1x!tpu.dma_semaphore, #tpu.memory_space<semaphore_mem>> -> memref<!tpu.dma_semaphore, #tpu.memory_space<semaphore_mem>>
    %dma_wait3A_573 = arith.constant 0 : i32
    %dma_wait3A_574 = arith.constant 0 : i32
    %dma_wait3A_575 = tpu.memref_slice %arg4[%dma_wait3A_561, %dma_wait3A_573, %dma_wait3A_574] : memref<51200x8x128xf32, #tpu.memory_space<hbm>> -> memref<1x8x128xf32, #tpu.memory_space<hbm>>
    %dma_wait3A_576 = tpu.memref_squeeze %dma_wait3A_575 : memref<1x8x128xf32, #tpu.memory_space<hbm>> -> memref<8x128xf32, #tpu.memory_space<hbm>>
    %dma_wait3A_577 = arith.constant 0 : i32
    %dma_wait3A_578 = arith.constant 0 : i32
    %dma_wait3A_579 = tpu.memref_slice %arg7[%dma_wait3A_560, %dma_wait3A_577, %dma_wait3A_578] : memref<4x64x129xf32, #tpu.memory_space<vmem>> -> memref<1x8x128xf32, #tpu.memory_space<vmem>>
    %dma_wait3A_580 = tpu.memref_squeeze %dma_wait3A_579 : memref<1x8x128xf32, #tpu.memory_space<vmem>> -> memref<8x128xf32, #tpu.memory_space<vmem>>
    tpu.wait_dma2 semaphore(%dma_wait3A_572 : memref<!tpu.dma_semaphore, #tpu.memory_space<semaphore_mem>>) src(%dma_wait3A_580 : memref<8x128xf32, #tpu.memory_space<vmem>>) dst(%dma_wait3A_576 : memref<8x128xf32, #tpu.memory_space<hbm>>)
    %dma_wait3A_581 = arith.constant 3 : i32
    %dma_wait3A_582 = arith.constant 0 : i32
    %dma_wait3A_583 = arith.constant 3 : i32
    %dma_wait3A_584 = arith.constant 0 : i32
    %dma_wait3A_585 = arith.constant 0 : i32
    %dma_wait3A_586 = tpu.memref_slice %arg7[%dma_wait3A_581, %dma_wait3A_584, %dma_wait3A_585] : memref<4x64x129xf32, #tpu.memory_space<vmem>> -> memref<1x8x128xf32, #tpu.memory_space<vmem>>
    %dma_wait3A_587 = tpu.memref_squeeze %dma_wait3A_586 : memref<1x8x128xf32, #tpu.memory_space<vmem>> -> memref<8x128xf32, #tpu.memory_space<vmem>>
    %dma_wait3A_588 = arith.constant 0 : i32
    %dma_wait3A_589 = arith.constant 0 : i32
    %dma_wait3A_590 = tpu.memref_slice %arg4[%dma_wait3A_582, %dma_wait3A_588, %dma_wait3A_589] : memref<51200x8x128xf32, #tpu.memory_space<hbm>> -> memref<1x8x128xf32, #tpu.memory_space<hbm>>
    %dma_wait3A_591 = tpu.memref_squeeze %dma_wait3A_590 : memref<1x8x128xf32, #tpu.memory_space<hbm>> -> memref<8x128xf32, #tpu.memory_space<hbm>>
    %dma_wait3A_592 = tpu.memref_slice %arg9[%dma_wait3A_583] : memref<4x!tpu.dma_semaphore, #tpu.memory_space<semaphore_mem>> -> memref<1x!tpu.dma_semaphore, #tpu.memory_space<semaphore_mem>>
    %dma_wait3A_593 = tpu.memref_squeeze %dma_wait3A_592 : memref<1x!tpu.dma_semaphore, #tpu.memory_space<semaphore_mem>> -> memref<!tpu.dma_semaphore, #tpu.memory_space<semaphore_mem>>
    %dma_wait3A_594 = arith.constant 0 : i32
    %dma_wait3A_595 = arith.constant 0 : i32
    %dma_wait3A_596 = tpu.memref_slice %arg4[%dma_wait3A_582, %dma_wait3A_594, %dma_wait3A_595] : memref<51200x8x128xf32, #tpu.memory_space<hbm>> -> memref<1x8x128xf32, #tpu.memory_space<hbm>>
    %dma_wait3A_597 = tpu.memref_squeeze %dma_wait3A_596 : memref<1x8x128xf32, #tpu.memory_space<hbm>> -> memref<8x128xf32, #tpu.memory_space<hbm>>
    %dma_wait3A_598 = arith.constant 0 : i32
    %dma_wait3A_599 = arith.constant 0 : i32
    %dma_wait3A_600 = tpu.memref_slice %arg7[%dma_wait3A_581, %dma_wait3A_598, %dma_wait3A_599] : memref<4x64x129xf32, #tpu.memory_space<vmem>> -> memref<1x8x128xf32, #tpu.memory_space<vmem>>
    %dma_wait3A_601 = tpu.memref_squeeze %dma_wait3A_600 : memref<1x8x128xf32, #tpu.memory_space<vmem>> -> memref<8x128xf32, #tpu.memory_space<vmem>>
    tpu.wait_dma2 semaphore(%dma_wait3A_593 : memref<!tpu.dma_semaphore, #tpu.memory_space<semaphore_mem>>) src(%dma_wait3A_601 : memref<8x128xf32, #tpu.memory_space<vmem>>) dst(%dma_wait3A_597 : memref<8x128xf32, #tpu.memory_space<hbm>>)
    %dma_wait3A_602 = arith.constant 3 : i32
    %dma_wait3A_603 = arith.constant 0 : i32
    %dma_wait3A_604 = arith.constant 3 : i32
    %dma_wait3A_605 = arith.constant 0 : i32
    %dma_wait3A_606 = arith.constant 0 : i32
    %dma_wait3A_607 = tpu.memref_slice %arg7[%dma_wait3A_602, %dma_wait3A_605, %dma_wait3A_606] : memref<4x64x129xf32, #tpu.memory_space<vmem>> -> memref<1x8x128xf32, #tpu.memory_space<vmem>>
    %dma_wait3A_608 = tpu.memref_squeeze %dma_wait3A_607 : memref<1x8x128xf32, #tpu.memory_space<vmem>> -> memref<8x128xf32, #tpu.memory_space<vmem>>
    %dma_wait3A_609 = arith.constant 0 : i32
    %dma_wait3A_610 = arith.constant 0 : i32
    %dma_wait3A_611 = tpu.memref_slice %arg4[%dma_wait3A_603, %dma_wait3A_609, %dma_wait3A_610] : memref<51200x8x128xf32, #tpu.memory_space<hbm>> -> memref<1x8x128xf32, #tpu.memory_space<hbm>>
    %dma_wait3A_612 = tpu.memref_squeeze %dma_wait3A_611 : memref<1x8x128xf32, #tpu.memory_space<hbm>> -> memref<8x128xf32, #tpu.memory_space<hbm>>
    %dma_wait3A_613 = tpu.memref_slice %arg9[%dma_wait3A_604] : memref<4x!tpu.dma_semaphore, #tpu.memory_space<semaphore_mem>> -> memref<1x!tpu.dma_semaphore, #tpu.memory_space<semaphore_mem>>
    %dma_wait3A_614 = tpu.memref_squeeze %dma_wait3A_613 : memref<1x!tpu.dma_semaphore, #tpu.memory_space<semaphore_mem>> -> memref<!tpu.dma_semaphore, #tpu.memory_space<semaphore_mem>>
    %dma_wait3A_615 = arith.constant 0 : i32
    %dma_wait3A_616 = arith.constant 0 : i32
    %dma_wait3A_617 = tpu.memref_slice %arg4[%dma_wait3A_603, %dma_wait3A_615, %dma_wait3A_616] : memref<51200x8x128xf32, #tpu.memory_space<hbm>> -> memref<1x8x128xf32, #tpu.memory_space<hbm>>
    %dma_wait3A_618 = tpu.memref_squeeze %dma_wait3A_617 : memref<1x8x128xf32, #tpu.memory_space<hbm>> -> memref<8x128xf32, #tpu.memory_space<hbm>>
    %dma_wait3A_619 = arith.constant 0 : i32
    %dma_wait3A_620 = arith.constant 0 : i32
    %dma_wait3A_621 = tpu.memref_slice %arg7[%dma_wait3A_602, %dma_wait3A_619, %dma_wait3A_620] : memref<4x64x129xf32, #tpu.memory_space<vmem>> -> memref<1x8x128xf32, #tpu.memory_space<vmem>>
    %dma_wait3A_622 = tpu.memref_squeeze %dma_wait3A_621 : memref<1x8x128xf32, #tpu.memory_space<vmem>> -> memref<8x128xf32, #tpu.memory_space<vmem>>
    tpu.wait_dma2 semaphore(%dma_wait3A_614 : memref<!tpu.dma_semaphore, #tpu.memory_space<semaphore_mem>>) src(%dma_wait3A_622 : memref<8x128xf32, #tpu.memory_space<vmem>>) dst(%dma_wait3A_618 : memref<8x128xf32, #tpu.memory_space<hbm>>)
    %dma_wait3A_623 = arith.constant 3 : i32
    %dma_wait3A_624 = arith.constant 0 : i32
    %dma_wait3A_625 = arith.constant 3 : i32
    %dma_wait3A_626 = arith.constant 0 : i32
    %dma_wait3A_627 = arith.constant 0 : i32
    %dma_wait3A_628 = tpu.memref_slice %arg7[%dma_wait3A_623, %dma_wait3A_626, %dma_wait3A_627] : memref<4x64x129xf32, #tpu.memory_space<vmem>> -> memref<1x8x128xf32, #tpu.memory_space<vmem>>
    %dma_wait3A_629 = tpu.memref_squeeze %dma_wait3A_628 : memref<1x8x128xf32, #tpu.memory_space<vmem>> -> memref<8x128xf32, #tpu.memory_space<vmem>>
    %dma_wait3A_630 = arith.constant 0 : i32
    %dma_wait3A_631 = arith.constant 0 : i32
    %dma_wait3A_632 = tpu.memref_slice %arg4[%dma_wait3A_624, %dma_wait3A_630, %dma_wait3A_631] : memref<51200x8x128xf32, #tpu.memory_space<hbm>> -> memref<1x8x128xf32, #tpu.memory_space<hbm>>
    %dma_wait3A_633 = tpu.memref_squeeze %dma_wait3A_632 : memref<1x8x128xf32, #tpu.memory_space<hbm>> -> memref<8x128xf32, #tpu.memory_space<hbm>>
    %dma_wait3A_634 = tpu.memref_slice %arg9[%dma_wait3A_625] : memref<4x!tpu.dma_semaphore, #tpu.memory_space<semaphore_mem>> -> memref<1x!tpu.dma_semaphore, #tpu.memory_space<semaphore_mem>>
    %dma_wait3A_635 = tpu.memref_squeeze %dma_wait3A_634 : memref<1x!tpu.dma_semaphore, #tpu.memory_space<semaphore_mem>> -> memref<!tpu.dma_semaphore, #tpu.memory_space<semaphore_mem>>
    %dma_wait3A_636 = arith.constant 0 : i32
    %dma_wait3A_637 = arith.constant 0 : i32
    %dma_wait3A_638 = tpu.memref_slice %arg4[%dma_wait3A_624, %dma_wait3A_636, %dma_wait3A_637] : memref<51200x8x128xf32, #tpu.memory_space<hbm>> -> memref<1x8x128xf32, #tpu.memory_space<hbm>>
    %dma_wait3A_639 = tpu.memref_squeeze %dma_wait3A_638 : memref<1x8x128xf32, #tpu.memory_space<hbm>> -> memref<8x128xf32, #tpu.memory_space<hbm>>
    %dma_wait3A_640 = arith.constant 0 : i32
    %dma_wait3A_641 = arith.constant 0 : i32
    %dma_wait3A_642 = tpu.memref_slice %arg7[%dma_wait3A_623, %dma_wait3A_640, %dma_wait3A_641] : memref<4x64x129xf32, #tpu.memory_space<vmem>> -> memref<1x8x128xf32, #tpu.memory_space<vmem>>
    %dma_wait3A_643 = tpu.memref_squeeze %dma_wait3A_642 : memref<1x8x128xf32, #tpu.memory_space<vmem>> -> memref<8x128xf32, #tpu.memory_space<vmem>>
    tpu.wait_dma2 semaphore(%dma_wait3A_635 : memref<!tpu.dma_semaphore, #tpu.memory_space<semaphore_mem>>) src(%dma_wait3A_643 : memref<8x128xf32, #tpu.memory_space<vmem>>) dst(%dma_wait3A_639 : memref<8x128xf32, #tpu.memory_space<hbm>>)
    %dma_wait3A_644 = arith.constant 3 : i32
    %dma_wait3A_645 = arith.constant 0 : i32
    %dma_wait3A_646 = arith.constant 3 : i32
    %dma_wait3A_647 = arith.constant 0 : i32
    %dma_wait3A_648 = arith.constant 0 : i32
    %dma_wait3A_649 = tpu.memref_slice %arg7[%dma_wait3A_644, %dma_wait3A_647, %dma_wait3A_648] : memref<4x64x129xf32, #tpu.memory_space<vmem>> -> memref<1x8x128xf32, #tpu.memory_space<vmem>>
    %dma_wait3A_650 = tpu.memref_squeeze %dma_wait3A_649 : memref<1x8x128xf32, #tpu.memory_space<vmem>> -> memref<8x128xf32, #tpu.memory_space<vmem>>
    %dma_wait3A_651 = arith.constant 0 : i32
    %dma_wait3A_652 = arith.constant 0 : i32
    %dma_wait3A_653 = tpu.memref_slice %arg4[%dma_wait3A_645, %dma_wait3A_651, %dma_wait3A_652] : memref<51200x8x128xf32, #tpu.memory_space<hbm>> -> memref<1x8x128xf32, #tpu.memory_space<hbm>>
    %dma_wait3A_654 = tpu.memref_squeeze %dma_wait3A_653 : memref<1x8x128xf32, #tpu.memory_space<hbm>> -> memref<8x128xf32, #tpu.memory_space<hbm>>
    %dma_wait3A_655 = tpu.memref_slice %arg9[%dma_wait3A_646] : memref<4x!tpu.dma_semaphore, #tpu.memory_space<semaphore_mem>> -> memref<1x!tpu.dma_semaphore, #tpu.memory_space<semaphore_mem>>
    %dma_wait3A_656 = tpu.memref_squeeze %dma_wait3A_655 : memref<1x!tpu.dma_semaphore, #tpu.memory_space<semaphore_mem>> -> memref<!tpu.dma_semaphore, #tpu.memory_space<semaphore_mem>>
    %dma_wait3A_657 = arith.constant 0 : i32
    %dma_wait3A_658 = arith.constant 0 : i32
    %dma_wait3A_659 = tpu.memref_slice %arg4[%dma_wait3A_645, %dma_wait3A_657, %dma_wait3A_658] : memref<51200x8x128xf32, #tpu.memory_space<hbm>> -> memref<1x8x128xf32, #tpu.memory_space<hbm>>
    %dma_wait3A_660 = tpu.memref_squeeze %dma_wait3A_659 : memref<1x8x128xf32, #tpu.memory_space<hbm>> -> memref<8x128xf32, #tpu.memory_space<hbm>>
    %dma_wait3A_661 = arith.constant 0 : i32
    %dma_wait3A_662 = arith.constant 0 : i32
    %dma_wait3A_663 = tpu.memref_slice %arg7[%dma_wait3A_644, %dma_wait3A_661, %dma_wait3A_662] : memref<4x64x129xf32, #tpu.memory_space<vmem>> -> memref<1x8x128xf32, #tpu.memory_space<vmem>>
    %dma_wait3A_664 = tpu.memref_squeeze %dma_wait3A_663 : memref<1x8x128xf32, #tpu.memory_space<vmem>> -> memref<8x128xf32, #tpu.memory_space<vmem>>
    tpu.wait_dma2 semaphore(%dma_wait3A_656 : memref<!tpu.dma_semaphore, #tpu.memory_space<semaphore_mem>>) src(%dma_wait3A_664 : memref<8x128xf32, #tpu.memory_space<vmem>>) dst(%dma_wait3A_660 : memref<8x128xf32, #tpu.memory_space<hbm>>)
    %dma_wait3A_665 = arith.constant 3 : i32
    %dma_wait3A_666 = arith.constant 0 : i32
    %dma_wait3A_667 = arith.constant 3 : i32
    %dma_wait3A_668 = arith.constant 0 : i32
    %dma_wait3A_669 = arith.constant 0 : i32
    %dma_wait3A_670 = tpu.memref_slice %arg7[%dma_wait3A_665, %dma_wait3A_668, %dma_wait3A_669] : memref<4x64x129xf32, #tpu.memory_space<vmem>> -> memref<1x8x128xf32, #tpu.memory_space<vmem>>
    %dma_wait3A_671 = tpu.memref_squeeze %dma_wait3A_670 : memref<1x8x128xf32, #tpu.memory_space<vmem>> -> memref<8x128xf32, #tpu.memory_space<vmem>>
    %dma_wait3A_672 = arith.constant 0 : i32
    %dma_wait3A_673 = arith.constant 0 : i32
    %dma_wait3A_674 = tpu.memref_slice %arg4[%dma_wait3A_666, %dma_wait3A_672, %dma_wait3A_673] : memref<51200x8x128xf32, #tpu.memory_space<hbm>> -> memref<1x8x128xf32, #tpu.memory_space<hbm>>
    %dma_wait3A_675 = tpu.memref_squeeze %dma_wait3A_674 : memref<1x8x128xf32, #tpu.memory_space<hbm>> -> memref<8x128xf32, #tpu.memory_space<hbm>>
    %dma_wait3A_676 = tpu.memref_slice %arg9[%dma_wait3A_667] : memref<4x!tpu.dma_semaphore, #tpu.memory_space<semaphore_mem>> -> memref<1x!tpu.dma_semaphore, #tpu.memory_space<semaphore_mem>>
    %dma_wait3A_677 = tpu.memref_squeeze %dma_wait3A_676 : memref<1x!tpu.dma_semaphore, #tpu.memory_space<semaphore_mem>> -> memref<!tpu.dma_semaphore, #tpu.memory_space<semaphore_mem>>
    %dma_wait3A_678 = arith.constant 0 : i32
    %dma_wait3A_679 = arith.constant 0 : i32
    %dma_wait3A_680 = tpu.memref_slice %arg4[%dma_wait3A_666, %dma_wait3A_678, %dma_wait3A_679] : memref<51200x8x128xf32, #tpu.memory_space<hbm>> -> memref<1x8x128xf32, #tpu.memory_space<hbm>>
    %dma_wait3A_681 = tpu.memref_squeeze %dma_wait3A_680 : memref<1x8x128xf32, #tpu.memory_space<hbm>> -> memref<8x128xf32, #tpu.memory_space<hbm>>
    %dma_wait3A_682 = arith.constant 0 : i32
    %dma_wait3A_683 = arith.constant 0 : i32
    %dma_wait3A_684 = tpu.memref_slice %arg7[%dma_wait3A_665, %dma_wait3A_682, %dma_wait3A_683] : memref<4x64x129xf32, #tpu.memory_space<vmem>> -> memref<1x8x128xf32, #tpu.memory_space<vmem>>
    %dma_wait3A_685 = tpu.memref_squeeze %dma_wait3A_684 : memref<1x8x128xf32, #tpu.memory_space<vmem>> -> memref<8x128xf32, #tpu.memory_space<vmem>>
    tpu.wait_dma2 semaphore(%dma_wait3A_677 : memref<!tpu.dma_semaphore, #tpu.memory_space<semaphore_mem>>) src(%dma_wait3A_685 : memref<8x128xf32, #tpu.memory_space<vmem>>) dst(%dma_wait3A_681 : memref<8x128xf32, #tpu.memory_space<hbm>>)
    %dma_wait3A_686 = arith.constant 3 : i32
    %dma_wait3A_687 = arith.constant 0 : i32
    %dma_wait3A_688 = arith.constant 3 : i32
    %dma_wait3A_689 = arith.constant 0 : i32
    %dma_wait3A_690 = arith.constant 0 : i32
    %dma_wait3A_691 = tpu.memref_slice %arg7[%dma_wait3A_686, %dma_wait3A_689, %dma_wait3A_690] : memref<4x64x129xf32, #tpu.memory_space<vmem>> -> memref<1x8x128xf32, #tpu.memory_space<vmem>>
    %dma_wait3A_692 = tpu.memref_squeeze %dma_wait3A_691 : memref<1x8x128xf32, #tpu.memory_space<vmem>> -> memref<8x128xf32, #tpu.memory_space<vmem>>
    %dma_wait3A_693 = arith.constant 0 : i32
    %dma_wait3A_694 = arith.constant 0 : i32
    %dma_wait3A_695 = tpu.memref_slice %arg4[%dma_wait3A_687, %dma_wait3A_693, %dma_wait3A_694] : memref<51200x8x128xf32, #tpu.memory_space<hbm>> -> memref<1x8x128xf32, #tpu.memory_space<hbm>>
    %dma_wait3A_696 = tpu.memref_squeeze %dma_wait3A_695 : memref<1x8x128xf32, #tpu.memory_space<hbm>> -> memref<8x128xf32, #tpu.memory_space<hbm>>
    %dma_wait3A_697 = tpu.memref_slice %arg9[%dma_wait3A_688] : memref<4x!tpu.dma_semaphore, #tpu.memory_space<semaphore_mem>> -> memref<1x!tpu.dma_semaphore, #tpu.memory_space<semaphore_mem>>
    %dma_wait3A_698 = tpu.memref_squeeze %dma_wait3A_697 : memref<1x!tpu.dma_semaphore, #tpu.memory_space<semaphore_mem>> -> memref<!tpu.dma_semaphore, #tpu.memory_space<semaphore_mem>>
    %dma_wait3A_699 = arith.constant 0 : i32
    %dma_wait3A_700 = arith.constant 0 : i32
    %dma_wait3A_701 = tpu.memref_slice %arg4[%dma_wait3A_687, %dma_wait3A_699, %dma_wait3A_700] : memref<51200x8x128xf32, #tpu.memory_space<hbm>> -> memref<1x8x128xf32, #tpu.memory_space<hbm>>
    %dma_wait3A_702 = tpu.memref_squeeze %dma_wait3A_701 : memref<1x8x128xf32, #tpu.memory_space<hbm>> -> memref<8x128xf32, #tpu.memory_space<hbm>>
    %dma_wait3A_703 = arith.constant 0 : i32
    %dma_wait3A_704 = arith.constant 0 : i32
    %dma_wait3A_705 = tpu.memref_slice %arg7[%dma_wait3A_686, %dma_wait3A_703, %dma_wait3A_704] : memref<4x64x129xf32, #tpu.memory_space<vmem>> -> memref<1x8x128xf32, #tpu.memory_space<vmem>>
    %dma_wait3A_706 = tpu.memref_squeeze %dma_wait3A_705 : memref<1x8x128xf32, #tpu.memory_space<vmem>> -> memref<8x128xf32, #tpu.memory_space<vmem>>
    tpu.wait_dma2 semaphore(%dma_wait3A_698 : memref<!tpu.dma_semaphore, #tpu.memory_space<semaphore_mem>>) src(%dma_wait3A_706 : memref<8x128xf32, #tpu.memory_space<vmem>>) dst(%dma_wait3A_702 : memref<8x128xf32, #tpu.memory_space<hbm>>)
    %dma_wait3A_707 = arith.constant 3 : i32
    %dma_wait3A_708 = arith.constant 0 : i32
    %dma_wait3A_709 = arith.constant 3 : i32
    %dma_wait3A_710 = arith.constant 0 : i32
    %dma_wait3A_711 = arith.constant 0 : i32
    %dma_wait3A_712 = tpu.memref_slice %arg7[%dma_wait3A_707, %dma_wait3A_710, %dma_wait3A_711] : memref<4x64x129xf32, #tpu.memory_space<vmem>> -> memref<1x8x128xf32, #tpu.memory_space<vmem>>
    %dma_wait3A_713 = tpu.memref_squeeze %dma_wait3A_712 : memref<1x8x128xf32, #tpu.memory_space<vmem>> -> memref<8x128xf32, #tpu.memory_space<vmem>>
    %dma_wait3A_714 = arith.constant 0 : i32
    %dma_wait3A_715 = arith.constant 0 : i32
    %dma_wait3A_716 = tpu.memref_slice %arg4[%dma_wait3A_708, %dma_wait3A_714, %dma_wait3A_715] : memref<51200x8x128xf32, #tpu.memory_space<hbm>> -> memref<1x8x128xf32, #tpu.memory_space<hbm>>
    %dma_wait3A_717 = tpu.memref_squeeze %dma_wait3A_716 : memref<1x8x128xf32, #tpu.memory_space<hbm>> -> memref<8x128xf32, #tpu.memory_space<hbm>>
    %dma_wait3A_718 = tpu.memref_slice %arg9[%dma_wait3A_709] : memref<4x!tpu.dma_semaphore, #tpu.memory_space<semaphore_mem>> -> memref<1x!tpu.dma_semaphore, #tpu.memory_space<semaphore_mem>>
    %dma_wait3A_719 = tpu.memref_squeeze %dma_wait3A_718 : memref<1x!tpu.dma_semaphore, #tpu.memory_space<semaphore_mem>> -> memref<!tpu.dma_semaphore, #tpu.memory_space<semaphore_mem>>
    %dma_wait3A_720 = arith.constant 0 : i32
    %dma_wait3A_721 = arith.constant 0 : i32
    %dma_wait3A_722 = tpu.memref_slice %arg4[%dma_wait3A_708, %dma_wait3A_720, %dma_wait3A_721] : memref<51200x8x128xf32, #tpu.memory_space<hbm>> -> memref<1x8x128xf32, #tpu.memory_space<hbm>>
    %dma_wait3A_723 = tpu.memref_squeeze %dma_wait3A_722 : memref<1x8x128xf32, #tpu.memory_space<hbm>> -> memref<8x128xf32, #tpu.memory_space<hbm>>
    %dma_wait3A_724 = arith.constant 0 : i32
    %dma_wait3A_725 = arith.constant 0 : i32
    %dma_wait3A_726 = tpu.memref_slice %arg7[%dma_wait3A_707, %dma_wait3A_724, %dma_wait3A_725] : memref<4x64x129xf32, #tpu.memory_space<vmem>> -> memref<1x8x128xf32, #tpu.memory_space<vmem>>
    %dma_wait3A_727 = tpu.memref_squeeze %dma_wait3A_726 : memref<1x8x128xf32, #tpu.memory_space<vmem>> -> memref<8x128xf32, #tpu.memory_space<vmem>>
    tpu.wait_dma2 semaphore(%dma_wait3A_719 : memref<!tpu.dma_semaphore, #tpu.memory_space<semaphore_mem>>) src(%dma_wait3A_727 : memref<8x128xf32, #tpu.memory_space<vmem>>) dst(%dma_wait3A_723 : memref<8x128xf32, #tpu.memory_space<hbm>>)
    %dma_wait3A_728 = arith.constant 3 : i32
    %dma_wait3A_729 = arith.constant 0 : i32
    %dma_wait3A_730 = arith.constant 3 : i32
    %dma_wait3A_731 = arith.constant 0 : i32
    %dma_wait3A_732 = arith.constant 0 : i32
    %dma_wait3A_733 = tpu.memref_slice %arg7[%dma_wait3A_728, %dma_wait3A_731, %dma_wait3A_732] : memref<4x64x129xf32, #tpu.memory_space<vmem>> -> memref<1x8x128xf32, #tpu.memory_space<vmem>>
    %dma_wait3A_734 = tpu.memref_squeeze %dma_wait3A_733 : memref<1x8x128xf32, #tpu.memory_space<vmem>> -> memref<8x128xf32, #tpu.memory_space<vmem>>
    %dma_wait3A_735 = arith.constant 0 : i32
    %dma_wait3A_736 = arith.constant 0 : i32
    %dma_wait3A_737 = tpu.memref_slice %arg4[%dma_wait3A_729, %dma_wait3A_735, %dma_wait3A_736] : memref<51200x8x128xf32, #tpu.memory_space<hbm>> -> memref<1x8x128xf32, #tpu.memory_space<hbm>>
    %dma_wait3A_738 = tpu.memref_squeeze %dma_wait3A_737 : memref<1x8x128xf32, #tpu.memory_space<hbm>> -> memref<8x128xf32, #tpu.memory_space<hbm>>
    %dma_wait3A_739 = tpu.memref_slice %arg9[%dma_wait3A_730] : memref<4x!tpu.dma_semaphore, #tpu.memory_space<semaphore_mem>> -> memref<1x!tpu.dma_semaphore, #tpu.memory_space<semaphore_mem>>
    %dma_wait3A_740 = tpu.memref_squeeze %dma_wait3A_739 : memref<1x!tpu.dma_semaphore, #tpu.memory_space<semaphore_mem>> -> memref<!tpu.dma_semaphore, #tpu.memory_space<semaphore_mem>>
    %dma_wait3A_741 = arith.constant 0 : i32
    %dma_wait3A_742 = arith.constant 0 : i32
    %dma_wait3A_743 = tpu.memref_slice %arg4[%dma_wait3A_729, %dma_wait3A_741, %dma_wait3A_742] : memref<51200x8x128xf32, #tpu.memory_space<hbm>> -> memref<1x8x128xf32, #tpu.memory_space<hbm>>
    %dma_wait3A_744 = tpu.memref_squeeze %dma_wait3A_743 : memref<1x8x128xf32, #tpu.memory_space<hbm>> -> memref<8x128xf32, #tpu.memory_space<hbm>>
    %dma_wait3A_745 = arith.constant 0 : i32
    %dma_wait3A_746 = arith.constant 0 : i32
    %dma_wait3A_747 = tpu.memref_slice %arg7[%dma_wait3A_728, %dma_wait3A_745, %dma_wait3A_746] : memref<4x64x129xf32, #tpu.memory_space<vmem>> -> memref<1x8x128xf32, #tpu.memory_space<vmem>>
    %dma_wait3A_748 = tpu.memref_squeeze %dma_wait3A_747 : memref<1x8x128xf32, #tpu.memory_space<vmem>> -> memref<8x128xf32, #tpu.memory_space<vmem>>
    tpu.wait_dma2 semaphore(%dma_wait3A_740 : memref<!tpu.dma_semaphore, #tpu.memory_space<semaphore_mem>>) src(%dma_wait3A_748 : memref<8x128xf32, #tpu.memory_space<vmem>>) dst(%dma_wait3A_744 : memref<8x128xf32, #tpu.memory_space<hbm>>)
    return
  }
}

module attributes {stable_mosaic.version = 14 : i64} {
  func.func @body(%arg0: i32, %arg1: memref<64x2048xf32, #tpu.memory_space<vmem>>, %arg2: memref<2048x128xf32, #tpu.memory_space<vmem>>) attributes {dimension_semantics = [#tpu.dimension_semantics<arbitrary>], iteration_bounds = array<i64: 489>, scalar_prefetch = 0 : i64, scratch_operands = 0 : i64, tpu.core_type = #tpu.core_type<tc>, window_params = [{transform_indices = @transform_0, window_bounds = array<i64: 64, 2048>}, {transform_indices = @transform_1, window_bounds = array<i64: 2048, 128>}]} {
    %iota3A = tpu.iota {dimensions = array<i32: 0>} : vector<64x128xi32>
    %iota3A_0 = tpu.iota {dimensions = array<i32: 1>} : vector<64x128xi32>
    %rem3A = arith.constant 64 : i32
    %rem3A_1 = vector.broadcast %rem3A : i32 to vector<64x128xi32>
    %rem3A_2 = arith.remsi %iota3A_0, %rem3A_1 : vector<64x128xi32>
    %eq3A = arith.cmpi eq, %rem3A_2, %iota3A : vector<64x128xi32>
    %jit3A = arith.constant 8.000000e+00 : f32
    %jit3A_3 = arith.constant 0.000000e+00 : f32
    %broadcast_in_dim3A = vector.broadcast %jit3A : f32 to vector<64x128xf32>
    %broadcast_in_dim3A_4 = vector.broadcast %jit3A_3 : f32 to vector<64x128xf32>
    %select_n3A = arith.select %eq3A, %broadcast_in_dim3A, %broadcast_in_dim3A_4 : vector<64x128xi1>, vector<64x128xf32>
    %get3A = arith.constant 0 : index
    %get3A_5 = arith.constant 0 : index
    %get3A_6 = vector.load %arg1[%get3A, %get3A_5] : memref<64x2048xf32, #tpu.memory_space<vmem>>, vector<64x2048xf32>
    %dot_general3A = arith.constant dense<0.000000e+00> : vector<2048x128xf32>
    %dot_general3A_7 = tpu.matmul %get3A_6, %select_n3A, %dot_general3A {dimension_numbers = #tpu.dot_dimension_numbers<[0], [0], [1], [1], [0, 1, 1, 1], [], []>, transpose_lhs_hint = false} : vector<64x2048xf32>, vector<64x128xf32>, vector<2048x128xf32> -> vector<2048x128xf32>
    %swap3A = arith.constant 0 : index
    %swap3A_8 = arith.constant 0 : index
    %swap3A_9 = vector.load %arg2[%swap3A, %swap3A_8] : memref<2048x128xf32, #tpu.memory_space<vmem>>, vector<2048x128xf32>
    tpu.vector_store %arg2[%swap3A, %swap3A_8], %dot_general3A_7 {strides = array<i32>} : memref<2048x128xf32, #tpu.memory_space<vmem>>, vector<2048x128xf32>,
    return
  }
  func.func @transform_0(%arg0: i32) -> (i32, i32) {
    %c0_i32 = arith.constant 0 : i32
    %c0_i32_0 = arith.constant 0 : i32
    return %c0_i32, %arg0 : i32, i32
  }
  func.func @transform_1(%arg0: i32) -> (i32, i32) {
    %c0_i32 = arith.constant 0 : i32
    %c0_i32_0 = arith.constant 0 : i32
    return %arg0, %c0_i32 : i32, i32
  }
}

</mosaic_0001>

<sc_bundles>
// kernel: kernel.4.cloned.1.call-start
scs
__scs_entry_jumppad:
0x0: {  	(pc) =	sbr.rel $0x88, $3  }
0x1: {  	(tag) =	ssettag $0x0;
	lr =	simm.s32 $0x1  }
0x2: {  	[smem:$0x3F9F] =	sst lr;
	_ =	strace $0xD0000000  }
0x3: {  	_ = 	snop  }
0x4: {  	_ = 	snop  }
0x5: {  	_ = 	snop  }
0x6: {  	_ = 	snop  }
0x7: {  	_ = 	snop  }
__scs_overlays_trampoline_lowered:
0x8: {  	[smem:$0x3FAE] =	sst s0  }
0x9: {  	[smem:$0x3FAF] =	sst s1  }
0xa: {  	[smem:$0x3FB0] =	sst s2  }
0xb: {  	[smem:$0x3FB1] =	sst s3  }
0xc: {  	[smem:$0x3FB2] =	sst s4  }
0xd: {  	[smem:$0x3FB3] =	sst s5  }
0xe: {  	[smem:$0x3FB4] =	sst s6  }
0xf: {  	[smem:$0x3FB5] =	sst s7  }
0x10: {  	[smem:$0x3FB6] =	sst s8  }
0x11: {  	[smem:$0x3FB7] =	sst s9;
	s0 =	simm.s32 @!p0 $0x0  }
0x12: {  	s1 =	sld [smem:$0x3F9D];
	s0 =	simm.s32 @p0 $0x1  }
0x13: {  	[smem:$0x3FB8] =	sst s0;
	s0 =	simm.s32 @!p1 $0x0  }
0x14: {  	s2 =	sld [smem:$0x3F9C];
	s0 =	simm.s32 @p1 $0x1  }
0x15: {  	[smem:$0x3FB9] =	sst s0;
	s0 =	simm.s32 @!p2 $0x0  }
0x16: {  	s3 =	sld [smem:$0x3FDB];
	s0 =	simm.s32 @p2 $0x1  }
0x17: {  	s4 =	simm.s32 $0x1BF5;
	[smem:$0x3FBB] =	sst s0  }
0x18: {  	s0 =	sld [smem:$0x3F9E];
	_ =	swait.ge [sflag:s4], $0x0  }
0x19: {  	s7 =	sld [smem:$0x3F9F]  }
0x1a: {  	s8 =	sadd.s32 $0xFFFFE003, lr  }
0x1b: {  	s9 =	sadd.s32 $0xFFFFFEF7, lr;
	s5 =	simm.s32 $0xFFFFFFFF;
	p2 =	slt.u32 s8, $0xFFFFF086  }
0x1c: {  	p1 =	slt.u32 s9, $0xF7A;
	s5 =	simm.s32 @!p2 $0x0  }
0x1d: {  	s5 =	simm.s32 @p1 $0x1;
	p0 =	seq.s32 s7, s2  }
0x1e: {  	s7 =	smul.u32 @!p0 $0xF7A, s2;
	p2 =	seq.s32 @!p0 s5, $0x0  }
0x1f: {  	s9 =	smul.u32 $0xF7A, s1;
	s8 =	simm.s32 @!p0 $0x1BF5;
	p2 =	por !p2, p0  }
0x20: {  	[sflag:s8] =	ssyncset.s32 @!p0 $0xFFFFF086;
	s6 =	sadd.s32 @!p0 s3, s7;
	s7 =	simm.s32 @!p0 $0x108  }
0x21: {  	s3 =	sadd.s32 s3, s9;
	s6 =	sadd.s32 @!p0 $0x88, s6;
	s7 =	simm.s32 @p2 $0x1082  }
0x22: {  	[simem:s7], [sflag:s8] =	dma.local @!p0 [hbm:s6], $0xF7A  }
0x23: {  	s9 =	sor.u32 $0xD0000000, s2;
	s6 =	simm.s32 $0x108;
	_ =	swait.ge @!p0 [sflag:s8], $0x0  }
0x24: {  	s3 =	sadd.s32 $0x88, s3;
	s6 =	simm.s32 @!p1 $0x1082;
	[sflag:s4] =	ssyncset.s32 $0xFFFFF086  }
0x25: {  	[simem:s6], [sflag:s4] =	dma.local [hbm:s3], $0xF7A  }
0x26: {  	[smem:$0x3F9F] =	sst s1;
	(tag) =	ssettag s2;
	_ =	strace s9  }
0x27: {  	s1 =	sld [smem:$0x3FAF]  }
0x28: {  	s2 =	sld [smem:$0x3FB0]  }
0x29: {  	s4 =	sld [smem:$0x3FB2]  }
0x2a: {  	p0 =	seq.s32 s5, $0x0;
	s5 =	sld [smem:$0x3FB3]  }
0x2b: {  	s6 =	sld [smem:$0x3FB4]  }
0x2c: {  	s7 =	sld [smem:$0x3FB5]  }
0x2d: {  	s3 =	simm.s32 $0x108;
	s8 =	sld [smem:$0x3FB6]  }
0x2e: {  	s3 =	simm.s32 @!p0 $0x1082;
	s9 =	sld [smem:$0x3FB7]  }
0x2f: {  	lr =	sadd.s32 s0, s3;
	s0 =	sld [smem:$0x3FAE]  }
0x30: {  	s3 =	sld [smem:$0x3FB1]  }
0x31: {  	[smem:$0x3FBA] =	sst s10  }
0x32: {  	s10 =	sld [smem:$0x3FB8];
	_ =	sdelay $0x3  }
0x33: {  	p0 =	seq.s32 s10, $0x1;
	s10 =	sld [smem:$0x3FBA];
	_ =	sdelay $0x3  }
0x34: {  	[smem:$0x3FBA] =	sst s10  }
0x35: {  	s10 =	sld [smem:$0x3FB9];
	_ =	sdelay $0x3  }
0x36: {  	p1 =	seq.s32 s10, $0x1;
	s10 =	sld [smem:$0x3FBA];
	_ =	sdelay $0x3  }
0x37: {  	[smem:$0x3FBA] =	sst s10  }
0x38: {  	s10 =	sld [smem:$0x3FBB]  }
0x39: {  	_ = 	snop;
	(pc) =	sbr.ind lr, $3  }
0x3a: {  	_ = 	snop  }
0x3b: {  	_ = 	snop  }
0x3c: {  	p2 =	seq.s32 s10, $0x1;
	s10 =	sld [smem:$0x3FBA]  }
0x3d: {  	_ =	shalt  }
0x3e: {  	_ =	shalt  }
0x3f: {  	_ =	shalt  }
0x40: {  	_ =	shalt  }
0x41: {  	_ =	shalt  }
0x42: {  	_ =	shalt  }
0x43: {  	_ =	shalt  }
0x44: {  	_ =	shalt  }
0x45: {  	_ =	shalt  }
0x46: {  	_ =	shalt  }
0x47: {  	_ =	shalt  }
0x48: {  	_ =	shalt  }
0x49: {  	_ =	shalt  }
0x4a: {  	_ =	shalt  }
0x4b: {  	_ =	shalt  }
0x4c: {  	_ =	shalt  }
0x4d: {  	_ =	shalt  }
0x4e: {  	_ =	shalt  }
0x4f: {  	_ =	shalt  }
0x50: {  	_ =	shalt  }
0x51: {  	_ =	shalt  }
0x52: {  	_ =	shalt  }
0x53: {  	_ =	shalt  }
0x54: {  	_ =	shalt  }
0x55: {  	_ =	shalt  }
0x56: {  	_ =	shalt  }
0x57: {  	_ =	shalt  }
0x58: {  	_ =	shalt  }
0x59: {  	_ =	shalt  }
0x5a: {  	_ =	shalt  }
0x5b: {  	_ =	shalt  }
0x5c: {  	_ =	shalt  }
0x5d: {  	_ =	shalt  }
0x5e: {  	_ =	shalt  }
0x5f: {  	_ =	shalt  }
0x60: {  	_ =	shalt  }
0x61: {  	_ =	shalt  }
0x62: {  	_ =	shalt  }
0x63: {  	_ =	shalt  }
0x64: {  	_ =	shalt  }
0x65: {  	_ =	shalt  }
0x66: {  	_ =	shalt  }
0x67: {  	_ =	shalt  }
0x68: {  	_ =	shalt  }
0x69: {  	_ =	shalt  }
0x6a: {  	_ =	shalt  }
0x6b: {  	_ =	shalt  }
0x6c: {  	_ =	shalt  }
0x6d: {  	_ =	shalt  }
0x6e: {  	_ =	shalt  }
0x6f: {  	_ =	shalt  }
0x70: {  	_ =	shalt  }
0x71: {  	_ =	shalt  }
0x72: {  	_ =	shalt  }
0x73: {  	_ =	shalt  }
0x74: {  	_ =	shalt  }
0x75: {  	_ =	shalt  }
0x76: {  	_ =	shalt  }
0x77: {  	_ =	shalt  }
0x78: {  	_ =	shalt  }
0x79: {  	_ =	shalt  }
0x7a: {  	_ =	shalt  }
0x7b: {  	_ =	shalt  }
0x7c: {  	_ =	shalt  }
0x7d: {  	_ =	shalt  }
0x7e: {  	_ =	shalt  }
0x7f: {  	_ =	shalt  }
0x80: {  	_ =	shalt  }
0x81: {  	_ =	shalt  }
0x82: {  	_ =	shalt  }
0x83: {  	_ =	shalt  }
0x84: {  	_ =	shalt  }
0x85: {  	_ =	shalt  }
0x86: {  	_ =	shalt  }
0x87: {  	_ =	shalt  }
.Lfunc_end0:
.L_simem_size_0:
called_computation_lowered:
.L_overlay_start_0:
0x88: {  	s2 =	sld [smem:$0x3FD9]  }
0x89: {  	s3 =	sld [smem:$0x3FFE];
	_ =	sdelay $0x1  }
0x8a: {  	s1 =	srdreg.scid  }
0x8b: {  	s0 =	sand.u32 $0x1, s1  }
0x8c: {  	s17 =	sshll.u32 s0, $0xA;
	s2 =	sadd.s32 s3, s2  }
0x8d: {  	s2 =	sadd.s32 s2, s17  }
0x8e: {  	[smem:$0x3FC6] =	sst s2  }
0x8f: {  	_ = 	snop  }
0x90: {  	s2 =	sld [smem:$0x3FD0];
	(tm) =	ssettm $0x1  }
0x91: {  	s18 =	sld [smem:$0x3FFB];
	_ =	sdelay $0x3  }
0x92: {  	_ =	strace s18  }
0x93: {  	s3 =	sld [smem:$0x3FFC];
	_ =	sdelay $0x3  }
0x94: {  	_ =	strace s3  }
0x95: {  	s3 =	sld [smem:$0x3FFD];
	_ =	sdelay $0x3  }
0x96: {  	_ =	strace s3  }
0x97: {  	_ =	strace $0x8FFFFFFF  }
0x98: {  	s19 =	sld [smem:$0x3FDB];
	_ =	sdelay $0x1  }
0x99: {  	s4 =	simm.s32 $_scs_section_size  }
0x9a: {  	s5 =	simm.s32 $_size__tile_overlayer_lowered;
	s6 =	simm.s32 $_tile_overlayer_lowered  }
0x9b: {  	s22 =	simm.s32 $0x1BFF;
	s21 =	sshll.u32 s6, $0x1;
	s3 =	sadd.s32 s4, s19  }
0x9c: {  	s7 =	simm.s32 $0x0;
	s20 =	sshll.u32 s5, $0x1;
	s5 =	sadd.s32 s21, s3  }
0x9d: {  	[timem:s7], [sflag:s22] =	dma.local [hbm:s5], s20  }
0x9e: {  	_ =	swait.ge [sflag:s22], s20  }
0x9f: {  	s4 =	ssub.s32 $0x0, s20;
	[sflag:s22] =	ssyncset.done $0x0  }
0xa0: {  	[sflag:s22] =	ssyncadd.s32 s4;
	_ =	sdelay $0x1  }
0xa1: {  	s23 =	simm.s32 $0x1B8B  }
0xa2: {  	_ =	swait.ge [sflag:s23], $0x1  }
0xa3: {  	[sflag:s23] =	ssyncset.done $0x0  }
0xa4: {  	s25 =	simm.s32 $0x1B8E;
	s24 =	sld [smem:$0x3FFE];
	[sflag:s23] =	ssyncadd.s32 $0xFFFFFFFF  }
0xa5: {  	s26 =	simm.s32 $execute0_lowered;
	[smem:$0x3FD2] =	sst s25  }
0xa6: {  	s5 =	sshll.u32 s26, $0x1;
	_ =	strace $0x80000046;
	[dreg:$0x1] =	wrdreg $0xFFFFFFFF  }
0xa7: {  	s28 =	simm.s32 $_size_execute0_lowered;
	s3 =	sadd.s32 s3, s5;
	[dreg:$0x0] =	wrdreg $0x0  }
0xa8: {  	s5 =	sshll.u32 s28, $0x1;
	[dreg:$0x2] =	wrdreg s3  }
0xa9: {  	[dreg:$0x3] =	wrdreg s5  }
0xaa: {  	[dreg:$0x4] =	wrdreg $0xC0  }
0xab: {  	_ =	task [dreg:s7], $0x5FFFF  }
0xac: {  	[dreg:$0x1] =	wrdreg $0xFFFFFFFF  }
0xad: {  	[dreg:$0x0] =	wrdreg $0x60  }
0xae: {  	[dreg:$0x2] =	wrdreg s24  }
0xaf: {  	[dreg:$0x3] =	wrdreg s2  }
0xb0: {  	[dreg:$0x4] =	wrdreg $0x9  }
0xb1: {  	_ =	task.clear_ibuf [dreg:s7], $0x5FFFF;
	_ =	strace $0x90000046  }
0xb2: {  	s29 =	simm.s32 $0x9;
	_ =	strace $0x80000048  }
0xb3: {  	_ =	swait.ge [sflag:s29], $0x1  }
0xb4: {  	[sflag:s29] =	ssyncadd.s32 $0xFFFFFFFF  }
0xb5: {  	_ =	strace $0x90000048  }
0xb6: {  	_ =	sfence  }
0xb7: {  	s30 =	sld [smem:$0x0];
	_ =	sdelay $0x2  }
0xb8: {  	s31 =	sshll.u32 s1, $0xD;
	s1 =	sshrl.u32 s1, $0x2  }
0xb9: {  	s3 =	sand.u32 $0x4000, s31;
	s1 =	sadd.s32 s1, s30  }
0xba: {  	s0 =	sor.u32 s3, s0;
	s1 =	sshll.u32 s1, $0x11  }
0xbb: {  	s0 =	sor.u32 s1, s0  }
0xbc: {  	s0 =	sadd.s32 $0x8F2B, s0  }
0xbd: {  	[sflag:s0] =	ssyncadd.remote.s32 $0x1  }
0xbe: {  	_ =	sfence.sel $0xFFFF  }
0xbf: {  	[dreg:$0x0] =	wrdreg $0xFFFFFFFF;
	(pc) =	sbr.abs _section_cstart, $3  }
0xc0: {  	[dreg:$0x1] =	wrdreg $0xFFFFFFFF  }
0xc1: {  	_ =	task.clear_ibuf [dreg:s7], $0x2FFFF;
	_ =	strace $0x9FFFFFFF  }
0xc2: {  	(tm) =	ssettm $0x7FFFFFFF  }
0xc3: {  	_ =	shalt  }
tec
execute0_lowered:
.L_overlay_start_1:
0x0: {  	(tag) =	ssettag $0x1  }
0x1: {  	s0 =	srdreg.scid  }
0x2: {  	s2 =	stileid.u32;
	s1 =	rddreg [dreg:$0x0]  }
0x3: {  	s23 =	simm.s32 $0x1;
	s24 =	simm.s32 $0x16400;
	s21 =	simm.s32 $0x2  }
0x4: {  	s25 =	simm.s32 $0x3;
	s26 =	simm.s32 $0x1A800;
	s19 =	simm.s32 $0x4  }
0x5: {  	s20 =	simm.s32 $0x1CA00;
	s14 =	simm.s32 $0x0;
	s22 =	simm.s32 $0x80  }
0x6: {  	s0 =	sand.u32 $0x1, s0;
	s3 =	sshll.u32 s2, $0x1;
	s2 =	rddreg [dreg:$0x1]  }
0x7: {  	s5 =	sor.u32 s0, s3;
	s3 =	simm.s32 $0x0;
	s0 =	ssub.s32 $0x2, s0  }
0x8: {  	s8 =	sadd.s32 $0x8000, s2;
	s9 =	sadd.s32 $0xC000, s2;
	s10 =	sadd.s32 $0x10000, s2  }
0x9: {  	s11 =	sadd.s32 $0x14000, s2;
	s12 =	sadd.s32 $0x18000, s2;
	s4 =	smul.u32 $0xC80, s5  }
.Ltmp0:
0xa: {  	s13 =	sadd.s32 $0x1C000, s2;
	s7 =	sshrl.u32 s0, $0x1;
	(pc) =	sbr.rel .LBB2_1-.Ltmp0, $4  }
0xb: {  	v0 =	vlaneseq.u32;
	[smem:$0x7FF] =	sst s3;
	s5 =	smul.u32 $0xC8, s5;
	s0 =	ssub.s32 s0, s7  }
0xc: {  	v0 =	vmul.u32 $0x88, v0;
	_ =	strace $0x80000047;
	s6 =	sadd.s32 s4, s1;
	s0 =	smax.u32 s0, $0x1  }
0xd: {  	s7 =	sadd.s32 $0x4000, s2;
	s31 =	sadd.s32 $0x400, s6;
	[dreg:$0x4] =	wrdreg s0  }
0xe: {  	v1 =	vadd.s32 $0x880, v0;
	v2 =	vadd.s32 $0x1100, v0;
	v3 =	vadd.s32 $0x1980, v0;
	s4 =	sadd.s32 $0x19400, s1;
	s6 =	simm.s32 $0x18600;
	[dreg:$0x3] =	wrdreg s31  }
.LBB2_12:
0xf: {  	s0 =	simm.s32 $0x5  }
0x10: {  	_ =	swait.ge [sflag:s0], $0x400  }
0x11: {  	[sflag:s0] =	ssyncset.done $0x0  }
0x12: {  	[sflag:s0] =	ssyncadd.s32 $0xFFFFFC00  }
0x13: {  	_ =	swait.ge [sflag:s0], $0x400  }
0x14: {  	[sflag:s0] =	ssyncset.done $0x0  }
0x15: {  	[sflag:s0] =	ssyncadd.s32 $0xFFFFFC00  }
0x16: {  	_ =	swait.ge [sflag:s0], $0x400  }
0x17: {  	[sflag:s0] =	ssyncset.done $0x0  }
0x18: {  	[sflag:s0] =	ssyncadd.s32 $0xFFFFFC00  }
0x19: {  	_ =	swait.ge [sflag:s0], $0x400  }
0x1a: {  	[sflag:s0] =	ssyncset.done $0x0  }
0x1b: {  	[sflag:s0] =	ssyncadd.s32 $0xFFFFFC00  }
0x1c: {  	_ =	swait.ge [sflag:s0], $0x400  }
0x1d: {  	[sflag:s0] =	ssyncset.done $0x0  }
0x1e: {  	[sflag:s0] =	ssyncadd.s32 $0xFFFFFC00  }
0x1f: {  	_ =	swait.ge [sflag:s0], $0x400  }
0x20: {  	[sflag:s0] =	ssyncset.done $0x0  }
0x21: {  	[sflag:s0] =	ssyncadd.s32 $0xFFFFFC00  }
0x22: {  	_ =	swait.ge [sflag:s0], $0x400  }
0x23: {  	[sflag:s0] =	ssyncset.done $0x0  }
0x24: {  	[sflag:s0] =	ssyncadd.s32 $0xFFFFFC00  }
0x25: {  	_ =	swait.ge [sflag:s0], $0x400  }
0x26: {  	[sflag:s0] =	ssyncset.done $0x0  }
0x27: {  	s29 =	simm.s32 $0x6;
	[sflag:s0] =	ssyncadd.s32 $0xFFFFFC00  }
0x28: {  	_ =	swait.ge [sflag:s29], $0x400  }
0x29: {  	[sflag:s29] =	ssyncset.done $0x0  }
0x2a: {  	[sflag:s29] =	ssyncadd.s32 $0xFFFFFC00  }
0x2b: {  	_ =	swait.ge [sflag:s29], $0x400  }
0x2c: {  	[sflag:s29] =	ssyncset.done $0x0  }
0x2d: {  	[sflag:s29] =	ssyncadd.s32 $0xFFFFFC00  }
0x2e: {  	_ =	swait.ge [sflag:s29], $0x400  }
0x2f: {  	[sflag:s29] =	ssyncset.done $0x0  }
0x30: {  	[sflag:s29] =	ssyncadd.s32 $0xFFFFFC00  }
0x31: {  	_ =	swait.ge [sflag:s29], $0x400  }
0x32: {  	[sflag:s29] =	ssyncset.done $0x0  }
0x33: {  	[sflag:s29] =	ssyncadd.s32 $0xFFFFFC00  }
0x34: {  	_ =	swait.ge [sflag:s29], $0x400  }
0x35: {  	[sflag:s29] =	ssyncset.done $0x0  }
0x36: {  	[sflag:s29] =	ssyncadd.s32 $0xFFFFFC00  }
0x37: {  	_ =	swait.ge [sflag:s29], $0x400  }
0x38: {  	[sflag:s29] =	ssyncset.done $0x0  }
0x39: {  	[sflag:s29] =	ssyncadd.s32 $0xFFFFFC00  }
0x3a: {  	_ =	swait.ge [sflag:s29], $0x400  }
0x3b: {  	[sflag:s29] =	ssyncset.done $0x0  }
0x3c: {  	[sflag:s29] =	ssyncadd.s32 $0xFFFFFC00  }
0x3d: {  	_ =	swait.ge [sflag:s29], $0x400  }
0x3e: {  	[sflag:s29] =	ssyncset.done $0x0  }
0x3f: {  	s30 =	simm.s32 $0x7;
	[sflag:s29] =	ssyncadd.s32 $0xFFFFFC00  }
0x40: {  	_ =	swait.ge [sflag:s30], $0x400  }
0x41: {  	[sflag:s30] =	ssyncset.done $0x0  }
0x42: {  	[sflag:s30] =	ssyncadd.s32 $0xFFFFFC00  }
0x43: {  	_ =	swait.ge [sflag:s30], $0x400  }
0x44: {  	[sflag:s30] =	ssyncset.done $0x0  }
0x45: {  	[sflag:s30] =	ssyncadd.s32 $0xFFFFFC00  }
0x46: {  	_ =	swait.ge [sflag:s30], $0x400  }
0x47: {  	[sflag:s30] =	ssyncset.done $0x0  }
0x48: {  	[sflag:s30] =	ssyncadd.s32 $0xFFFFFC00  }
0x49: {  	_ =	swait.ge [sflag:s30], $0x400  }
0x4a: {  	[sflag:s30] =	ssyncset.done $0x0  }
0x4b: {  	[sflag:s30] =	ssyncadd.s32 $0xFFFFFC00  }
0x4c: {  	_ =	swait.ge [sflag:s30], $0x400  }
0x4d: {  	[sflag:s30] =	ssyncset.done $0x0  }
0x4e: {  	[sflag:s30] =	ssyncadd.s32 $0xFFFFFC00  }
0x4f: {  	_ =	swait.ge [sflag:s30], $0x400  }
0x50: {  	[sflag:s30] =	ssyncset.done $0x0  }
0x51: {  	[sflag:s30] =	ssyncadd.s32 $0xFFFFFC00  }
0x52: {  	_ =	swait.ge [sflag:s30], $0x400  }
0x53: {  	[sflag:s30] =	ssyncset.done $0x0  }
0x54: {  	[sflag:s30] =	ssyncadd.s32 $0xFFFFFC00  }
0x55: {  	_ =	swait.ge [sflag:s30], $0x400  }
0x56: {  	[sflag:s30] =	ssyncset.done $0x0  }
0x57: {  	s1 =	simm.s32 $0x8;
	[sflag:s30] =	ssyncadd.s32 $0xFFFFFC00  }
0x58: {  	_ =	swait.ge [sflag:s1], $0x400  }
0x59: {  	[sflag:s1] =	ssyncset.done $0x0  }
0x5a: {  	[sflag:s1] =	ssyncadd.s32 $0xFFFFFC00  }
0x5b: {  	_ =	swait.ge [sflag:s1], $0x400  }
0x5c: {  	[sflag:s1] =	ssyncset.done $0x0  }
0x5d: {  	[sflag:s1] =	ssyncadd.s32 $0xFFFFFC00  }
0x5e: {  	_ =	swait.ge [sflag:s1], $0x400  }
0x5f: {  	[sflag:s1] =	ssyncset.done $0x0  }
0x60: {  	[sflag:s1] =	ssyncadd.s32 $0xFFFFFC00  }
0x61: {  	_ =	swait.ge [sflag:s1], $0x400  }
0x62: {  	[sflag:s1] =	ssyncset.done $0x0  }
0x63: {  	[sflag:s1] =	ssyncadd.s32 $0xFFFFFC00  }
0x64: {  	_ =	swait.ge [sflag:s1], $0x400  }
0x65: {  	[sflag:s1] =	ssyncset.done $0x0  }
0x66: {  	[sflag:s1] =	ssyncadd.s32 $0xFFFFFC00  }
0x67: {  	_ =	swait.ge [sflag:s1], $0x400  }
0x68: {  	[sflag:s1] =	ssyncset.done $0x0  }
0x69: {  	[sflag:s1] =	ssyncadd.s32 $0xFFFFFC00  }
0x6a: {  	_ =	swait.ge [sflag:s1], $0x400  }
0x6b: {  	[sflag:s1] =	ssyncset.done $0x0  }
0x6c: {  	[sflag:s1] =	ssyncadd.s32 $0xFFFFFC00  }
0x6d: {  	_ =	swait.ge [sflag:s1], $0x400  }
0x6e: {  	s14 =	rddreg [dreg:$0x5]  }
0x6f: {  	s31 =	rddreg [dreg:$0x4];
	s14 =	sadd.s32 $0x1, s14  }
0x70: {  	p0 =	sne.s32 s14, s31  }
.Ltmp1:
0x71: {  	_ = 	snop;
	(pc) =	sbr.rel @!p0 .LBB2_13-.Ltmp1, $3  }
0x72: {  	_ =	sdelay $0x1  }
0x73: {  	[sflag:s1] =	ssyncset.done $0x0  }
0x74: {  	[sflag:s1] =	ssyncadd.s32 $0xFFFFFC00  }
.LBB2_1:
0x75: {  	[dreg:$0x5] =	wrdreg s14  }
0x76: {  	s0 =	rddreg [dreg:$0x3];
	s15 =	simm.s32 $0x9  }
0x77: {  	[tilespmem:s3], [sflag:$0x9] =	stream.linear.gather [hbm4b:s0+s3], $0x6400, $0x38;
	[tilespmem:$0x1EC00] =	vst v63  }
0x78: {  	_ =	swait.ge [sflag:s15], $0x6400  }
0x79: {  	[sflag:s15] =	ssyncset.done $0x0  }
0x7a: {  	s16 =	simm.s32 $0x80;
	s1 =	simm.s32 $0x6400;
	[sflag:s15] =	ssyncadd.s32 $0xFFFF9C00  }
0x7b: {  	[tilespmem:s1], [sflag:$0x1] =	stream.indirect.gather [hbm4b:s4+s16], $0x80, s3, s16, $0xb8;
	[tilespmem:$0x1EC00] =	vst v63  }
0x7c: {  	s17 =	simm.s32 $0xA400  }
0x7d: {  	[tilespmem:s17], [sflag:$0x2] =	stream.indirect.gather [hbm4b:s4+s16], $0x80, s16, s16, $0xb8;
	[tilespmem:$0x1EC00] =	vst v63  }
0x7e: {  	s18 =	simm.s32 $0x100;
	s29 =	simm.s32 $0xE400  }
0x7f: {  	[tilespmem:s29], [sflag:$0x3] =	stream.indirect.gather [hbm4b:s4+s16], $0x80, s18, s16, $0xb8;
	[tilespmem:$0x1EC00] =	vst v63  }
0x80: {  	s30 =	simm.s32 $0x180;
	s31 =	simm.s32 $0x12400;
	s28 =	simm.s32 $0x0  }
0x81: {  	[tilespmem:s31], [sflag:$0x4] =	stream.indirect.gather [hbm4b:s4+s16], $0x80, s30, s16, $0xb8;
	[tilespmem:$0x1EC00] =	vst v63  }
.LBB2_2:
0x82: {  	_ =	swait.ge [sflag:s23], $0x4000  }
0x83: {  	p0 =	seq.s32 s28, $0x0;
	[sflag:s23] =	ssyncset.done $0x0  }
0x84: {  	s0 =	simm.s32 @!p0 $0x5;
	[sflag:s23] =	ssyncadd.s32 $0xFFFFC000  }
0x85: {  	_ =	swait.ge @!p0 [sflag:s0], $0x400  }
0x86: {  	[sflag:s0] =	ssyncset.done @!p0 $0x0  }
0x87: {  	[sflag:s0] =	ssyncadd.s32 @!p0 $0xFFFFFC00  }
0x88: {  	_ =	swait.ge @!p0 [sflag:s0], $0x400  }
0x89: {  	[sflag:s0] =	ssyncset.done @!p0 $0x0  }
0x8a: {  	[sflag:s0] =	ssyncadd.s32 @!p0 $0xFFFFFC00  }
0x8b: {  	_ =	swait.ge @!p0 [sflag:s0], $0x400  }
0x8c: {  	[sflag:s0] =	ssyncset.done @!p0 $0x0  }
0x8d: {  	[sflag:s0] =	ssyncadd.s32 @!p0 $0xFFFFFC00  }
0x8e: {  	_ =	swait.ge @!p0 [sflag:s0], $0x400  }
0x8f: {  	[sflag:s0] =	ssyncset.done @!p0 $0x0  }
0x90: {  	[sflag:s0] =	ssyncadd.s32 @!p0 $0xFFFFFC00  }
0x91: {  	_ =	swait.ge @!p0 [sflag:s0], $0x400  }
0x92: {  	[sflag:s0] =	ssyncset.done @!p0 $0x0  }
0x93: {  	[sflag:s0] =	ssyncadd.s32 @!p0 $0xFFFFFC00  }
0x94: {  	_ =	swait.ge @!p0 [sflag:s0], $0x400  }
0x95: {  	[sflag:s0] =	ssyncset.done @!p0 $0x0  }
0x96: {  	[sflag:s0] =	ssyncadd.s32 @!p0 $0xFFFFFC00  }
0x97: {  	_ =	swait.ge @!p0 [sflag:s0], $0x400  }
0x98: {  	[sflag:s0] =	ssyncset.done @!p0 $0x0  }
0x99: {  	[sflag:s0] =	ssyncadd.s32 @!p0 $0xFFFFFC00  }
0x9a: {  	s1 =	simm.s32 $0x1;
	_ =	swait.ge @!p0 [sflag:s0], $0x400  }
0x9b: {  	s14 =	simm.s32 $0x0;
	v4 =	vmov s1;
	[sflag:s0] =	ssyncset.done @!p0 $0x0  }
0x9c: {  	s1 =	simm.s32 $0x6480;
	v5 =	vmov s14;
	v9 =	vand.u32 $0x7F, v4;
	[sflag:s0] =	ssyncadd.s32 @!p0 $0xFFFFFC00  }
0x9d: {  	v11 =	vand.u32 $0x7E, v5;
	v5 =	vadd.s32 v0, v9;
	v4 =	vld [tilespmem:s1+$0x0]  }
0x9e: {  	v7 =	vadd.s32 v0, v11;
	v6 =	vld [tilespmem:s1+$0xFFFFFF80];
	_ =	sdelay $0x3  }
0x9f: {  	s15 =	simm.s32 $0x3;
	[tilespmem:v5+s24+$0x0] =	vst.idx.msk $0xffff, v4  }
0xa0: {  	s16 =	simm.s32 $0x2;
	v4 =	vmov s15;
	[tilespmem:v7+s24+$0x0] =	vst.idx.msk $0xffff, v6;
	v7 =	vadd.s32 v1, v9;
	v6 =	vld [tilespmem:s1+$0x10]  }
0xa1: {  	v10 =	vadd.s32 v1, v11;
	v5 =	vmov s16;
	s16 =	simm.s32 $0x6580;
	v4 =	vand.u32 $0x7F, v4;
	v8 =	vld [tilespmem:s1+$0xFFFFFF90]  }
0xa2: {  	v5 =	vand.u32 $0x7E, v5;
	v12 =	vld [tilespmem:s16+$0x0];
	v13 =	vadd.s32 v0, v4  }
0xa3: {  	v14 =	vld [tilespmem:s16+$0xFFFFFF80];
	v15 =	vadd.s32 v0, v5;
	_ =	sdelay $0x1  }
0xa4: {  	[tilespmem:v7+s24+$0x0] =	vst.idx.msk $0xffff, v6  }
0xa5: {  	[tilespmem:v10+s24+$0x0] =	vst.idx.msk $0xffff, v8;
	v8 =	vadd.s32 v2, v9;
	v7 =	vld [tilespmem:s1+$0x20]  }
0xa6: {  	[tilespmem:v13+s24+$0x0] =	vst.idx.msk $0xffff, v12;
	v10 =	vld [tilespmem:s1+$0xFFFFFFA0];
	v12 =	vadd.s32 v2, v11  }
0xa7: {  	s17 =	simm.s32 $0x5;
	[tilespmem:v15+s24+$0x0] =	vst.idx.msk $0xffff, v14;
	v15 =	vadd.s32 v1, v4;
	v13 =	vld [tilespmem:s16+$0x10]  }
0xa8: {  	s18 =	simm.s32 $0x4;
	v6 =	vmov s17  }
0xa9: {  	v17 =	vmov s18;
	s0 =	simm.s32 $0x6680;
	v18 =	vadd.s32 v1, v5;
	v6 =	vand.u32 $0x7F, v6;
	v16 =	vld [tilespmem:s16+$0xFFFFFF90]  }
0xaa: {  	v19 =	vld [tilespmem:s0+$0x0];
	v20 =	vadd.s32 v0, v6;
	[tilespmem:v8+s24+$0x0] =	vst.idx.msk $0xffff, v7;
	v7 =	vand.u32 $0x7E, v17  }
0xab: {  	v14 =	vld [tilespmem:s0+$0xFFFFFF80];
	[tilespmem:v12+s24+$0x0] =	vst.idx.msk $0xffff, v10;
	v17 =	vadd.s32 v0, v7  }
0xac: {  	v8 =	vld [tilespmem:s1+$0x30];
	[tilespmem:v15+s24+$0x0] =	vst.idx.msk $0xffff, v13;
	v15 =	vadd.s32 v3, v9  }
0xad: {  	s29 =	sshll.u32 s28, $0x2;
	v12 =	vadd.s32 v3, v11;
	v10 =	vld [tilespmem:s1+$0xFFFFFFB0]  }
0xae: {  	s30 =	sadd.s32 s5, s29;
	s14 =	simm.s32 $0x7;
	s18 =	simm.s32 $0x8;
	v11 =	vadd.s32 v2, v4;
	[tilespmem:v18+s24+$0x0] =	vst.idx.msk $0xffff, v16;
	v9 =	vld [tilespmem:s16+$0x20]  }
0xaf: {  	s31 =	sand.u32 $0x7C, s30;
	s17 =	simm.s32 $0x6;
	[tilespmem:v20+s24+$0x0] =	vst.idx.msk $0xffff, v19;
	v16 =	vadd.s32 v2, v5;
	s1 =	simm.s32 $0x6680;
	v13 =	vld [tilespmem:s16+$0xFFFFFFA0]  }
.LBB2_3:
0xb0: {  	p1 =	slt.u32 s18, $0x7E;
	v18 =	vmov s14;
	[tilespmem:v17+s24+$0x0] =	vst.idx.msk $0xffff, v14;
	v19 =	vld [tilespmem:s0+$0x10];
	v20 =	vadd.s32 v1, v6  }
0xb1: {  	v14 =	vmov s17;
	v22 =	vadd.s32 v1, v7;
	s0 =	sadd.s32 $0x100, s0;
	s17 =	smov.u32 s18;
	v18 =	vand.u32 $0x7F, v18;
	v21 =	vld [tilespmem:s1+$0xFFFFFF90];
	[tilespmem:v15+s24+$0x0] =	vst.idx.msk $0xffff, v8  }
0xb2: {  	v23 =	vand.u32 $0x7E, v14;
	v24 =	vld [tilespmem:s0+$0x0];
	v25 =	vadd.s32 v0, v18;
	[tilespmem:v12+s24+$0x0] =	vst.idx.msk $0xffff, v10  }
.Ltmp2:
0xb3: {  	v17 =	vadd.s32 v0, v23;
	v14 =	vld [tilespmem:s0+$0xFFFFFF80];
	[tilespmem:v11+s24+$0x0] =	vst.idx.msk $0xffff, v9;
	(pc) =	sbr.rel @p1 .LBB2_3-.Ltmp2, $4  }
0xb4: {  	v15 =	vadd.s32 v3, v4;
	v4 =	vmov v6;
	v6 =	vmov v18;
	[tilespmem:v16+s24+$0x0] =	vst.idx.msk $0xffff, v13;
	v8 =	vld [tilespmem:s16+$0x30]  }
0xb5: {  	v12 =	vadd.s32 v3, v5;
	v5 =	vmov v7;
	v7 =	vmov v23;
	[tilespmem:v20+s24+$0x0] =	vst.idx.msk $0xffff, v19;
	v10 =	vld [tilespmem:s16+$0xFFFFFFB0];
	s16 =	smov.u32 s1;
	s1 =	smov.u32 s0  }
0xb6: {  	v11 =	vadd.s32 v2, v4;
	[tilespmem:v22+s24+$0x0] =	vst.idx.msk $0xffff, v21;
	v9 =	vld [tilespmem:s16+$0x20]  }
0xb7: {  	s18 =	sadd.s32 $0x2, s18;
	s14 =	sadd.s32 $0x1, s17;
	v16 =	vadd.s32 v2, v5;
	[tilespmem:v25+s24+$0x0] =	vst.idx.msk $0xffff, v24;
	v13 =	vld [tilespmem:s16+$0xFFFFFFA0]  }
0xb8: {  	v18 =	vmov s14  }
0xb9: {  	v19 =	vmov s17;
	s18 =	sadd.s32 $0x100, s0;
	v18 =	vand.u32 $0x7F, v18  }
0xba: {  	v19 =	vand.u32 $0x7E, v19;
	v20 =	vld [tilespmem:s18+$0x0];
	v21 =	vadd.s32 v0, v18  }
0xbb: {  	v22 =	vld [tilespmem:s18+$0xFFFFFF80];
	v23 =	vadd.s32 v0, v19;
	_ =	sdelay $0x2  }
0xbc: {  	[tilespmem:v17+s24+$0x0] =	vst.idx.msk $0xffff, v14;
	v14 =	vld [tilespmem:s0+$0x10];
	v17 =	vadd.s32 v1, v6  }
0xbd: {  	v60 =	vadd.s32 v1, v7;
	v59 =	vld [tilespmem:s1+$0xFFFFFF90];
	[tilespmem:v21+s24+$0x0] =	vst.idx.msk $0xffff, v20  }
0xbe: {  	v62 =	vadd.s32 v1, v18;
	[tilespmem:v23+s24+$0x0] =	vst.idx.msk $0xffff, v22;
	v61 =	vld [tilespmem:s18+$0x10]  }
0xbf: {  	[tilespmem:v15+s24+$0x0] =	vst.idx.msk $0xffff, v8;
	v15 =	vadd.s32 v1, v19;
	v8 =	vld [tilespmem:s18+$0xFFFFFF90]  }
0xc0: {  	[tilespmem:v12+s24+$0x0] =	vst.idx.msk $0xffff, v10  }
0xc1: {  	[tilespmem:v17+s24+$0x0] =	vst.idx.msk $0xffff, v14  }
0xc2: {  	v12 =	vadd.s32 v2, v6;
	[tilespmem:v60+s24+$0x0] =	vst.idx.msk $0xffff, v59;
	v10 =	vld [tilespmem:s1+$0x20]  }
0xc3: {  	v17 =	vadd.s32 v2, v7;
	v14 =	vld [tilespmem:s1+$0xFFFFFFA0];
	[tilespmem:v62+s24+$0x0] =	vst.idx.msk $0xffff, v61  }
0xc4: {  	[tilespmem:v15+s24+$0x0] =	vst.idx.msk $0xffff, v8;
	v15 =	vadd.s32 v2, v18;
	v8 =	vld [tilespmem:s18+$0x20]  }
0xc5: {  	[tilespmem:v11+s24+$0x0] =	vst.idx.msk $0xffff, v9;
	v11 =	vadd.s32 v2, v19;
	v9 =	vld [tilespmem:s18+$0xFFFFFFA0]  }
0xc6: {  	v4 =	vadd.s32 v3, v4;
	[tilespmem:v16+s24+$0x0] =	vst.idx.msk $0xffff, v13;
	v13 =	vld [tilespmem:s16+$0x30]  }
0xc7: {  	v5 =	vadd.s32 v3, v5;
	v16 =	vld [tilespmem:s16+$0xFFFFFFB0];
	[tilespmem:v12+s24+$0x0] =	vst.idx.msk $0xffff, v10  }
0xc8: {  	v6 =	vadd.s32 v3, v6;
	[tilespmem:v17+s24+$0x0] =	vst.idx.msk $0xffff, v14;
	v10 =	vld [tilespmem:s1+$0x30]  }
0xc9: {  	v7 =	vadd.s32 v3, v7;
	v12 =	vld [tilespmem:s1+$0xFFFFFFB0];
	[tilespmem:v15+s24+$0x0] =	vst.idx.msk $0xffff, v8  }
0xca: {  	[tilespmem:v11+s24+$0x0] =	vst.idx.msk $0xffff, v9;
	v9 =	vadd.s32 v3, v18;
	v8 =	vld [tilespmem:s18+$0x30]  }
0xcb: {  	[tilespmem:v4+s24+$0x0] =	vst.idx.msk $0xffff, v13;
	v11 =	vadd.s32 v3, v19;
	v4 =	vld [tilespmem:s18+$0xFFFFFFB0]  }
0xcc: {  	s15 =	sshll.u32 s30, $0x3;
	[tilespmem:v5+s24+$0x0] =	vst.idx.msk $0xffff, v16  }
0xcd: {  	s0 =	sand.u32 $0x3FFC00, s15;
	[tilespmem:v6+s24+$0x0] =	vst.idx.msk $0xffff, v10  }
0xce: {  	s0 =	sor.u32 s31, s0;
	[tilespmem:v7+s24+$0x0] =	vst.idx.msk $0xffff, v12  }
0xcf: {  	s1 =	sshll.u32 s0, $0x7;
	[tilespmem:v9+s24+$0x0] =	vst.idx.msk $0xffff, v8  }
0xd0: {  	s0 =	sadd.s32 s2, s1;
	[tilespmem:v11+s24+$0x0] =	vst.idx.msk $0xffff, v4  }
0xd1: {  	[hbm4b:s0+s3] =	stream.linear.scatter [tilespmem:s24], [sflag:$0x5], $0x80, $0x38;
	[tilespmem:$0x1EC00] =	vst v63  }
0xd2: {  	s15 =	simm.s32 $0x16488;
	s16 =	sadd.s32 $0x10, s0  }
0xd3: {  	[hbm4b:s16+s3] =	stream.linear.scatter [tilespmem:s15], [sflag:$0x5], $0x80, $0x38;
	[tilespmem:$0x1EC00] =	vst v63  }
0xd4: {  	s17 =	sadd.s32 $0x20, s0;
	s18 =	simm.s32 $0x16510  }
0xd5: {  	[hbm4b:s17+s3] =	stream.linear.scatter [tilespmem:s18], [sflag:$0x5], $0x80, $0x38;
	[tilespmem:$0x1EC00] =	vst v63  }
0xd6: {  	s15 =	sadd.s32 $0x30, s0;
	s16 =	simm.s32 $0x16598  }
0xd7: {  	[hbm4b:s15+s3] =	stream.linear.scatter [tilespmem:s16], [sflag:$0x5], $0x80, $0x38;
	[tilespmem:$0x1EC00] =	vst v63  }
0xd8: {  	s17 =	sadd.s32 $0x40, s0;
	s18 =	simm.s32 $0x16620  }
0xd9: {  	[hbm4b:s17+s3] =	stream.linear.scatter [tilespmem:s18], [sflag:$0x5], $0x80, $0x38;
	[tilespmem:$0x1EC00] =	vst v63  }
0xda: {  	s15 =	sadd.s32 $0x50, s0;
	s16 =	simm.s32 $0x166A8  }
0xdb: {  	[hbm4b:s15+s3] =	stream.linear.scatter [tilespmem:s16], [sflag:$0x5], $0x80, $0x38;
	[tilespmem:$0x1EC00] =	vst v63  }
0xdc: {  	s17 =	sadd.s32 $0x60, s0;
	s18 =	simm.s32 $0x16730  }
0xdd: {  	[hbm4b:s17+s3] =	stream.linear.scatter [tilespmem:s18], [sflag:$0x5], $0x80, $0x38;
	[tilespmem:$0x1EC00] =	vst v63  }
0xde: {  	s0 =	sadd.s32 $0x70, s0;
	s15 =	simm.s32 $0x167B8  }
0xdf: {  	[hbm4b:s0+s3] =	stream.linear.scatter [tilespmem:s15], [sflag:$0x5], $0x80, $0x38;
	[tilespmem:$0x1EC00] =	vst v63  }
0xe0: {  	s16 =	simm.s32 $0x16840;
	s0 =	sadd.s32 s1, s7  }
0xe1: {  	[hbm4b:s0+s3] =	stream.linear.scatter [tilespmem:s16], [sflag:$0x5], $0x80, $0x38;
	[tilespmem:$0x1EC00] =	vst v63  }
0xe2: {  	s18 =	simm.s32 $0x168C8;
	s17 =	sadd.s32 $0x10, s0  }
0xe3: {  	[hbm4b:s17+s3] =	stream.linear.scatter [tilespmem:s18], [sflag:$0x5], $0x80, $0x38;
	[tilespmem:$0x1EC00] =	vst v63  }
0xe4: {  	s15 =	sadd.s32 $0x20, s0;
	s16 =	simm.s32 $0x16950  }
0xe5: {  	[hbm4b:s15+s3] =	stream.linear.scatter [tilespmem:s16], [sflag:$0x5], $0x80, $0x38;
	[tilespmem:$0x1EC00] =	vst v63  }
0xe6: {  	s17 =	sadd.s32 $0x30, s0;
	s18 =	simm.s32 $0x169D8  }
0xe7: {  	[hbm4b:s17+s3] =	stream.linear.scatter [tilespmem:s18], [sflag:$0x5], $0x80, $0x38;
	[tilespmem:$0x1EC00] =	vst v63  }
0xe8: {  	s15 =	sadd.s32 $0x40, s0;
	s16 =	simm.s32 $0x16A60  }
0xe9: {  	[hbm4b:s15+s3] =	stream.linear.scatter [tilespmem:s16], [sflag:$0x5], $0x80, $0x38;
	[tilespmem:$0x1EC00] =	vst v63  }
0xea: {  	s17 =	sadd.s32 $0x50, s0;
	s18 =	simm.s32 $0x16AE8  }
0xeb: {  	[hbm4b:s17+s3] =	stream.linear.scatter [tilespmem:s18], [sflag:$0x5], $0x80, $0x38;
	[tilespmem:$0x1EC00] =	vst v63  }
0xec: {  	s15 =	sadd.s32 $0x60, s0;
	s16 =	simm.s32 $0x16B70  }
0xed: {  	[hbm4b:s15+s3] =	stream.linear.scatter [tilespmem:s16], [sflag:$0x5], $0x80, $0x38;
	[tilespmem:$0x1EC00] =	vst v63  }
0xee: {  	s0 =	sadd.s32 $0x70, s0;
	s17 =	simm.s32 $0x16BF8  }
0xef: {  	[hbm4b:s0+s3] =	stream.linear.scatter [tilespmem:s17], [sflag:$0x5], $0x80, $0x38;
	[tilespmem:$0x1EC00] =	vst v63  }
0xf0: {  	s18 =	simm.s32 $0x16C80;
	s0 =	sadd.s32 s1, s8  }
0xf1: {  	[hbm4b:s0+s3] =	stream.linear.scatter [tilespmem:s18], [sflag:$0x5], $0x80, $0x38;
	[tilespmem:$0x1EC00] =	vst v63  }
0xf2: {  	s16 =	simm.s32 $0x16D08;
	s15 =	sadd.s32 $0x10, s0  }
0xf3: {  	[hbm4b:s15+s3] =	stream.linear.scatter [tilespmem:s16], [sflag:$0x5], $0x80, $0x38;
	[tilespmem:$0x1EC00] =	vst v63  }
0xf4: {  	s17 =	sadd.s32 $0x20, s0;
	s18 =	simm.s32 $0x16D90  }
0xf5: {  	[hbm4b:s17+s3] =	stream.linear.scatter [tilespmem:s18], [sflag:$0x5], $0x80, $0x38;
	[tilespmem:$0x1EC00] =	vst v63  }
0xf6: {  	s15 =	sadd.s32 $0x30, s0;
	s16 =	simm.s32 $0x16E18  }
0xf7: {  	[hbm4b:s15+s3] =	stream.linear.scatter [tilespmem:s16], [sflag:$0x5], $0x80, $0x38;
	[tilespmem:$0x1EC00] =	vst v63  }
0xf8: {  	s17 =	sadd.s32 $0x40, s0;
	s18 =	simm.s32 $0x16EA0  }
0xf9: {  	[hbm4b:s17+s3] =	stream.linear.scatter [tilespmem:s18], [sflag:$0x5], $0x80, $0x38;
	[tilespmem:$0x1EC00] =	vst v63  }
0xfa: {  	s15 =	sadd.s32 $0x50, s0;
	s16 =	simm.s32 $0x16F28  }
0xfb: {  	[hbm4b:s15+s3] =	stream.linear.scatter [tilespmem:s16], [sflag:$0x5], $0x80, $0x38;
	[tilespmem:$0x1EC00] =	vst v63  }
0xfc: {  	s17 =	sadd.s32 $0x60, s0;
	s18 =	simm.s32 $0x16FB0  }
0xfd: {  	[hbm4b:s17+s3] =	stream.linear.scatter [tilespmem:s18], [sflag:$0x5], $0x80, $0x38;
	[tilespmem:$0x1EC00] =	vst v63  }
0xfe: {  	s0 =	sadd.s32 $0x70, s0;
	s15 =	simm.s32 $0x17038  }
0xff: {  	[hbm4b:s0+s3] =	stream.linear.scatter [tilespmem:s15], [sflag:$0x5], $0x80, $0x38;
	[tilespmem:$0x1EC00] =	vst v63  }
0x100: {  	s16 =	simm.s32 $0x170C0;
	s0 =	sadd.s32 s1, s9  }
0x101: {  	[hbm4b:s0+s3] =	stream.linear.scatter [tilespmem:s16], [sflag:$0x5], $0x80, $0x38;
	[tilespmem:$0x1EC00] =	vst v63  }
0x102: {  	s18 =	simm.s32 $0x17148;
	s17 =	sadd.s32 $0x10, s0  }
0x103: {  	[hbm4b:s17+s3] =	stream.linear.scatter [tilespmem:s18], [sflag:$0x5], $0x80, $0x38;
	[tilespmem:$0x1EC00] =	vst v63  }
0x104: {  	s15 =	sadd.s32 $0x20, s0;
	s16 =	simm.s32 $0x171D0  }
0x105: {  	[hbm4b:s15+s3] =	stream.linear.scatter [tilespmem:s16], [sflag:$0x5], $0x80, $0x38;
	[tilespmem:$0x1EC00] =	vst v63  }
0x106: {  	s17 =	sadd.s32 $0x30, s0;
	s18 =	simm.s32 $0x17258  }
0x107: {  	[hbm4b:s17+s3] =	stream.linear.scatter [tilespmem:s18], [sflag:$0x5], $0x80, $0x38;
	[tilespmem:$0x1EC00] =	vst v63  }
0x108: {  	s15 =	sadd.s32 $0x40, s0;
	s16 =	simm.s32 $0x172E0  }
0x109: {  	[hbm4b:s15+s3] =	stream.linear.scatter [tilespmem:s16], [sflag:$0x5], $0x80, $0x38;
	[tilespmem:$0x1EC00] =	vst v63  }
0x10a: {  	s17 =	sadd.s32 $0x50, s0;
	s18 =	simm.s32 $0x17368  }
0x10b: {  	[hbm4b:s17+s3] =	stream.linear.scatter [tilespmem:s18], [sflag:$0x5], $0x80, $0x38;
	[tilespmem:$0x1EC00] =	vst v63  }
0x10c: {  	s15 =	sadd.s32 $0x60, s0;
	s16 =	simm.s32 $0x173F0  }
0x10d: {  	[hbm4b:s15+s3] =	stream.linear.scatter [tilespmem:s16], [sflag:$0x5], $0x80, $0x38;
	[tilespmem:$0x1EC00] =	vst v63  }
0x10e: {  	s0 =	sadd.s32 $0x70, s0;
	s17 =	simm.s32 $0x17478  }
0x10f: {  	[hbm4b:s0+s3] =	stream.linear.scatter [tilespmem:s17], [sflag:$0x5], $0x80, $0x38;
	[tilespmem:$0x1EC00] =	vst v63  }
0x110: {  	s18 =	simm.s32 $0x17500;
	s0 =	sadd.s32 s1, s10  }
0x111: {  	[hbm4b:s0+s3] =	stream.linear.scatter [tilespmem:s18], [sflag:$0x5], $0x80, $0x38;
	[tilespmem:$0x1EC00] =	vst v63  }
0x112: {  	s16 =	simm.s32 $0x17588;
	s15 =	sadd.s32 $0x10, s0  }
0x113: {  	[hbm4b:s15+s3] =	stream.linear.scatter [tilespmem:s16], [sflag:$0x5], $0x80, $0x38;
	[tilespmem:$0x1EC00] =	vst v63  }
0x114: {  	s17 =	sadd.s32 $0x20, s0;
	s18 =	simm.s32 $0x17610  }
0x115: {  	[hbm4b:s17+s3] =	stream.linear.scatter [tilespmem:s18], [sflag:$0x5], $0x80, $0x38;
	[tilespmem:$0x1EC00] =	vst v63  }
0x116: {  	s15 =	sadd.s32 $0x30, s0;
	s16 =	simm.s32 $0x17698  }
0x117: {  	[hbm4b:s15+s3] =	stream.linear.scatter [tilespmem:s16], [sflag:$0x5], $0x80, $0x38;
	[tilespmem:$0x1EC00] =	vst v63  }
0x118: {  	s17 =	sadd.s32 $0x40, s0;
	s18 =	simm.s32 $0x17720  }
0x119: {  	[hbm4b:s17+s3] =	stream.linear.scatter [tilespmem:s18], [sflag:$0x5], $0x80, $0x38;
	[tilespmem:$0x1EC00] =	vst v63  }
0x11a: {  	s15 =	sadd.s32 $0x50, s0;
	s16 =	simm.s32 $0x177A8  }
0x11b: {  	[hbm4b:s15+s3] =	stream.linear.scatter [tilespmem:s16], [sflag:$0x5], $0x80, $0x38;
	[tilespmem:$0x1EC00] =	vst v63  }
0x11c: {  	s17 =	sadd.s32 $0x60, s0;
	s18 =	simm.s32 $0x17830  }
0x11d: {  	[hbm4b:s17+s3] =	stream.linear.scatter [tilespmem:s18], [sflag:$0x5], $0x80, $0x38;
	[tilespmem:$0x1EC00] =	vst v63  }
0x11e: {  	s0 =	sadd.s32 $0x70, s0;
	s15 =	simm.s32 $0x178B8  }
0x11f: {  	[hbm4b:s0+s3] =	stream.linear.scatter [tilespmem:s15], [sflag:$0x5], $0x80, $0x38;
	[tilespmem:$0x1EC00] =	vst v63  }
0x120: {  	s16 =	simm.s32 $0x17940;
	s0 =	sadd.s32 s1, s11  }
0x121: {  	[hbm4b:s0+s3] =	stream.linear.scatter [tilespmem:s16], [sflag:$0x5], $0x80, $0x38;
	[tilespmem:$0x1EC00] =	vst v63  }
0x122: {  	s18 =	simm.s32 $0x179C8;
	s17 =	sadd.s32 $0x10, s0  }
0x123: {  	[hbm4b:s17+s3] =	stream.linear.scatter [tilespmem:s18], [sflag:$0x5], $0x80, $0x38;
	[tilespmem:$0x1EC00] =	vst v63  }
0x124: {  	s15 =	sadd.s32 $0x20, s0;
	s16 =	simm.s32 $0x17A50  }
0x125: {  	[hbm4b:s15+s3] =	stream.linear.scatter [tilespmem:s16], [sflag:$0x5], $0x80, $0x38;
	[tilespmem:$0x1EC00] =	vst v63  }
0x126: {  	s17 =	sadd.s32 $0x30, s0;
	s18 =	simm.s32 $0x17AD8  }
0x127: {  	[hbm4b:s17+s3] =	stream.linear.scatter [tilespmem:s18], [sflag:$0x5], $0x80, $0x38;
	[tilespmem:$0x1EC00] =	vst v63  }
0x128: {  	s15 =	sadd.s32 $0x40, s0;
	s16 =	simm.s32 $0x17B60  }
0x129: {  	[hbm4b:s15+s3] =	stream.linear.scatter [tilespmem:s16], [sflag:$0x5], $0x80, $0x38;
	[tilespmem:$0x1EC00] =	vst v63  }
0x12a: {  	s17 =	sadd.s32 $0x50, s0;
	s18 =	simm.s32 $0x17BE8  }
0x12b: {  	[hbm4b:s17+s3] =	stream.linear.scatter [tilespmem:s18], [sflag:$0x5], $0x80, $0x38;
	[tilespmem:$0x1EC00] =	vst v63  }
0x12c: {  	s15 =	sadd.s32 $0x60, s0;
	s16 =	simm.s32 $0x17C70  }
0x12d: {  	[hbm4b:s15+s3] =	stream.linear.scatter [tilespmem:s16], [sflag:$0x5], $0x80, $0x38;
	[tilespmem:$0x1EC00] =	vst v63  }
0x12e: {  	s0 =	sadd.s32 $0x70, s0;
	s17 =	simm.s32 $0x17CF8  }
0x12f: {  	[hbm4b:s0+s3] =	stream.linear.scatter [tilespmem:s17], [sflag:$0x5], $0x80, $0x38;
	[tilespmem:$0x1EC00] =	vst v63  }
0x130: {  	s18 =	simm.s32 $0x17D80;
	s0 =	sadd.s32 s1, s12  }
0x131: {  	[hbm4b:s0+s3] =	stream.linear.scatter [tilespmem:s18], [sflag:$0x5], $0x80, $0x38;
	[tilespmem:$0x1EC00] =	vst v63  }
0x132: {  	s16 =	simm.s32 $0x17E08;
	s15 =	sadd.s32 $0x10, s0  }
0x133: {  	[hbm4b:s15+s3] =	stream.linear.scatter [tilespmem:s16], [sflag:$0x5], $0x80, $0x38;
	[tilespmem:$0x1EC00] =	vst v63  }
0x134: {  	s17 =	sadd.s32 $0x20, s0;
	s18 =	simm.s32 $0x17E90  }
0x135: {  	[hbm4b:s17+s3] =	stream.linear.scatter [tilespmem:s18], [sflag:$0x5], $0x80, $0x38;
	[tilespmem:$0x1EC00] =	vst v63  }
0x136: {  	s15 =	sadd.s32 $0x30, s0;
	s16 =	simm.s32 $0x17F18  }
0x137: {  	[hbm4b:s15+s3] =	stream.linear.scatter [tilespmem:s16], [sflag:$0x5], $0x80, $0x38;
	[tilespmem:$0x1EC00] =	vst v63  }
0x138: {  	s17 =	sadd.s32 $0x40, s0;
	s18 =	simm.s32 $0x17FA0  }
0x139: {  	[hbm4b:s17+s3] =	stream.linear.scatter [tilespmem:s18], [sflag:$0x5], $0x80, $0x38;
	[tilespmem:$0x1EC00] =	vst v63  }
0x13a: {  	s15 =	sadd.s32 $0x50, s0;
	s16 =	simm.s32 $0x18028  }
0x13b: {  	[hbm4b:s15+s3] =	stream.linear.scatter [tilespmem:s16], [sflag:$0x5], $0x80, $0x38;
	[tilespmem:$0x1EC00] =	vst v63  }
0x13c: {  	s17 =	sadd.s32 $0x60, s0;
	s18 =	simm.s32 $0x180B0  }
0x13d: {  	[hbm4b:s17+s3] =	stream.linear.scatter [tilespmem:s18], [sflag:$0x5], $0x80, $0x38;
	[tilespmem:$0x1EC00] =	vst v63  }
0x13e: {  	s0 =	sadd.s32 $0x70, s0;
	s15 =	simm.s32 $0x18138  }
0x13f: {  	[hbm4b:s0+s3] =	stream.linear.scatter [tilespmem:s15], [sflag:$0x5], $0x80, $0x38;
	[tilespmem:$0x1EC00] =	vst v63  }
0x140: {  	s16 =	simm.s32 $0x181C0;
	s0 =	sadd.s32 s1, s13  }
0x141: {  	[hbm4b:s0+s3] =	stream.linear.scatter [tilespmem:s16], [sflag:$0x5], $0x80, $0x38;
	[tilespmem:$0x1EC00] =	vst v63  }
0x142: {  	s18 =	simm.s32 $0x18248;
	s17 =	sadd.s32 $0x10, s0  }
0x143: {  	[hbm4b:s17+s3] =	stream.linear.scatter [tilespmem:s18], [sflag:$0x5], $0x80, $0x38;
	[tilespmem:$0x1EC00] =	vst v63  }
0x144: {  	s15 =	sadd.s32 $0x20, s0;
	s16 =	simm.s32 $0x182D0  }
0x145: {  	[hbm4b:s15+s3] =	stream.linear.scatter [tilespmem:s16], [sflag:$0x5], $0x80, $0x38;
	[tilespmem:$0x1EC00] =	vst v63  }
0x146: {  	s17 =	sadd.s32 $0x30, s0;
	s18 =	simm.s32 $0x18358  }
0x147: {  	[hbm4b:s17+s3] =	stream.linear.scatter [tilespmem:s18], [sflag:$0x5], $0x80, $0x38;
	[tilespmem:$0x1EC00] =	vst v63  }
0x148: {  	s15 =	sadd.s32 $0x40, s0;
	s16 =	simm.s32 $0x183E0  }
0x149: {  	[hbm4b:s15+s3] =	stream.linear.scatter [tilespmem:s16], [sflag:$0x5], $0x80, $0x38;
	[tilespmem:$0x1EC00] =	vst v63  }
0x14a: {  	s17 =	sadd.s32 $0x50, s0;
	s18 =	simm.s32 $0x18468  }
0x14b: {  	[hbm4b:s17+s3] =	stream.linear.scatter [tilespmem:s18], [sflag:$0x5], $0x80, $0x38;
	[tilespmem:$0x1EC00] =	vst v63  }
0x14c: {  	s14 =	sadd.s32 $0x60, s0;
	s15 =	simm.s32 $0x184F0  }
0x14d: {  	[hbm4b:s14+s3] =	stream.linear.scatter [tilespmem:s15], [sflag:$0x5], $0x80, $0x38;
	[tilespmem:$0x1EC00] =	vst v63  }
0x14e: {  	p1 =	seq.s32 s28, $0x31;
	s0 =	sadd.s32 $0x70, s0;
	s16 =	simm.s32 $0x18578  }
0x14f: {  	[hbm4b:s0+s3] =	stream.linear.scatter [tilespmem:s16], [sflag:$0x5], $0x80, $0x38;
	[tilespmem:$0x1EC00] =	vst v63  }
0x150: {  	s0 =	sshll.u32 @!p1 s28, $0x9  }
0x151: {  	s16 =	sand.u32 @!p1 $0x3FFFFE00, s0  }
0x152: {  	s1 =	simm.s32 @!p1 $0x80;
	s14 =	simm.s32 @!p1 $0x6400;
	s0 =	sadd.s32 @!p1 $0x200, s16  }
0x153: {  	[tilespmem:s14], [sflag:$0x1] =	stream.indirect.gather @!p1 [hbm4b:s4+s1], $0x80, s0, s1, $0xb8;
	[tilespmem:$0x1EC00] =	vst v63  }
0x154: {  	_ =	swait.ge [sflag:s21], $0x4000  }
0x155: {  	[sflag:s21] =	ssyncset.done $0x0  }
0x156: {  	s0 =	simm.s32 @!p0 $0x6;
	[sflag:s21] =	ssyncadd.s32 $0xFFFFC000  }
0x157: {  	_ =	swait.ge @!p0 [sflag:s0], $0x400  }
0x158: {  	[sflag:s0] =	ssyncset.done @!p0 $0x0  }
0x159: {  	[sflag:s0] =	ssyncadd.s32 @!p0 $0xFFFFFC00  }
0x15a: {  	_ =	swait.ge @!p0 [sflag:s0], $0x400  }
0x15b: {  	[sflag:s0] =	ssyncset.done @!p0 $0x0  }
0x15c: {  	[sflag:s0] =	ssyncadd.s32 @!p0 $0xFFFFFC00  }
0x15d: {  	_ =	swait.ge @!p0 [sflag:s0], $0x400  }
0x15e: {  	[sflag:s0] =	ssyncset.done @!p0 $0x0  }
0x15f: {  	[sflag:s0] =	ssyncadd.s32 @!p0 $0xFFFFFC00  }
0x160: {  	_ =	swait.ge @!p0 [sflag:s0], $0x400  }
0x161: {  	[sflag:s0] =	ssyncset.done @!p0 $0x0  }
0x162: {  	[sflag:s0] =	ssyncadd.s32 @!p0 $0xFFFFFC00  }
0x163: {  	_ =	swait.ge @!p0 [sflag:s0], $0x400  }
0x164: {  	[sflag:s0] =	ssyncset.done @!p0 $0x0  }
0x165: {  	[sflag:s0] =	ssyncadd.s32 @!p0 $0xFFFFFC00  }
0x166: {  	_ =	swait.ge @!p0 [sflag:s0], $0x400  }
0x167: {  	[sflag:s0] =	ssyncset.done @!p0 $0x0  }
0x168: {  	[sflag:s0] =	ssyncadd.s32 @!p0 $0xFFFFFC00  }
0x169: {  	_ =	swait.ge @!p0 [sflag:s0], $0x400  }
0x16a: {  	[sflag:s0] =	ssyncset.done @!p0 $0x0  }
0x16b: {  	[sflag:s0] =	ssyncadd.s32 @!p0 $0xFFFFFC00  }
0x16c: {  	s17 =	simm.s32 $0x1;
	_ =	swait.ge @!p0 [sflag:s0], $0x400  }
0x16d: {  	s18 =	simm.s32 $0x0;
	v4 =	vmov s17;
	[sflag:s0] =	ssyncset.done @!p0 $0x0  }
0x16e: {  	v5 =	vmov s18;
	v9 =	vand.u32 $0x7F, v4;
	[sflag:s0] =	ssyncadd.s32 @!p0 $0xFFFFFC00;
	s0 =	simm.s32 $0xA4B0  }
0x16f: {  	v11 =	vand.u32 $0x7E, v5;
	v5 =	vadd.s32 v0, v9;
	v4 =	vld [tilespmem:s0+$0xFFFFFFD0]  }
0x170: {  	v7 =	vadd.s32 v0, v11;
	v6 =	vld [tilespmem:s0+$0xFFFFFF50];
	_ =	sdelay $0x3  }
0x171: {  	s14 =	simm.s32 $0x3;
	[tilespmem:v5+s6+$0x0] =	vst.idx.msk $0xffff, v4  }
0x172: {  	s15 =	simm.s32 $0x2;
	v4 =	vmov s14;
	[tilespmem:v7+s6+$0x0] =	vst.idx.msk $0xffff, v6;
	v7 =	vadd.s32 v1, v9;
	v6 =	vld [tilespmem:s0+$0xFFFFFFE0]  }
0x173: {  	s30 =	simm.s32 $0xA5B0;
	v10 =	vadd.s32 v1, v11;
	v5 =	vmov s15;
	v4 =	vand.u32 $0x7F, v4;
	v8 =	vld [tilespmem:s0+$0xFFFFFF60]  }
0x174: {  	v12 =	vld [tilespmem:s30+$0xFFFFFFD0];
	v5 =	vand.u32 $0x7E, v5;
	v13 =	vadd.s32 v0, v4  }
0x175: {  	v14 =	vld [tilespmem:s30+$0xFFFFFF50];
	v15 =	vadd.s32 v0, v5;
	_ =	sdelay $0x1  }
0x176: {  	[tilespmem:v7+s6+$0x0] =	vst.idx.msk $0xffff, v6  }
0x177: {  	[tilespmem:v10+s6+$0x0] =	vst.idx.msk $0xffff, v8;
	v8 =	vadd.s32 v2, v9;
	v7 =	vld [tilespmem:s0+$0xFFFFFFF0]  }
0x178: {  	[tilespmem:v13+s6+$0x0] =	vst.idx.msk $0xffff, v12;
	v10 =	vld [tilespmem:s0+$0xFFFFFF70];
	v12 =	vadd.s32 v2, v11  }
0x179: {  	s17 =	simm.s32 $0x5;
	[tilespmem:v15+s6+$0x0] =	vst.idx.msk $0xffff, v14;
	v15 =	vadd.s32 v1, v4;
	v13 =	vld [tilespmem:s30+$0xFFFFFFE0]  }
0x17a: {  	s18 =	simm.s32 $0x4;
	v6 =	vmov s17  }
0x17b: {  	v17 =	vmov s18;
	v18 =	vadd.s32 v1, v5;
	s17 =	simm.s32 $0xA6B0;
	v6 =	vand.u32 $0x7F, v6;
	v16 =	vld [tilespmem:s30+$0xFFFFFF60]  }
0x17c: {  	v19 =	vld [tilespmem:s17+$0xFFFFFFD0];
	v63 =	vadd.s32 v0, v6;
	[tilespmem:v8+s6+$0x0] =	vst.idx.msk $0xffff, v7;
	v7 =	vand.u32 $0x7E, v17  }
0x17d: {  	v14 =	vld [tilespmem:s17+$0xFFFFFF50];
	[tilespmem:v12+s6+$0x0] =	vst.idx.msk $0xffff, v10;
	v17 =	vadd.s32 v0, v7  }
0x17e: {  	s29 =	sadd.s32 s29, s5;
	v8 =	vld [tilespmem:s0+$0x0];
	[tilespmem:v15+s6+$0x0] =	vst.idx.msk $0xffff, v13;
	v15 =	vadd.s32 v3, v9  }
0x17f: {  	s31 =	sadd.s32 $0x1, s29;
	v12 =	vadd.s32 v3, v11;
	v10 =	vld [tilespmem:s0+$0xFFFFFF80]  }
0x180: {  	s18 =	simm.s32 $0x6;
	s1 =	sand.u32 $0x7D, s31;
	v11 =	vadd.s32 v2, v4;
	[tilespmem:v18+s6+$0x0] =	vst.idx.msk $0xffff, v16;
	v9 =	vld [tilespmem:s30+$0xFFFFFFF0]  }
0x181: {  	s15 =	simm.s32 $0x7;
	s14 =	simm.s32 $0x8;
	[tilespmem:v63+s6+$0x0] =	vst.idx.msk $0xffff, v19;
	v16 =	vadd.s32 v2, v5;
	s0 =	simm.s32 $0xA6B0;
	v13 =	vld [tilespmem:s30+$0xFFFFFF70]  }
.LBB2_5:
0x182: {  	p2 =	slt.u32 s14, $0x7E;
	v18 =	vmov s15;
	[tilespmem:v17+s6+$0x0] =	vst.idx.msk $0xffff, v14;
	v19 =	vld [tilespmem:s17+$0xFFFFFFE0];
	v20 =	vadd.s32 v1, v6  }
0x183: {  	v14 =	vmov s18;
	v22 =	vadd.s32 v1, v7;
	s17 =	sadd.s32 $0x100, s17;
	s18 =	smov.u32 s14;
	v18 =	vand.u32 $0x7F, v18;
	v21 =	vld [tilespmem:s0+$0xFFFFFF60];
	[tilespmem:v15+s6+$0x0] =	vst.idx.msk $0xffff, v8  }
0x184: {  	v23 =	vand.u32 $0x7E, v14;
	v24 =	vld [tilespmem:s17+$0xFFFFFFD0];
	v25 =	vadd.s32 v0, v18;
	[tilespmem:v12+s6+$0x0] =	vst.idx.msk $0xffff, v10  }
.Ltmp3:
0x185: {  	v17 =	vadd.s32 v0, v23;
	v14 =	vld [tilespmem:s17+$0xFFFFFF50];
	[tilespmem:v11+s6+$0x0] =	vst.idx.msk $0xffff, v9;
	(pc) =	sbr.rel @p2 .LBB2_5-.Ltmp3, $4  }
0x186: {  	v15 =	vadd.s32 v3, v4;
	v4 =	vmov v6;
	v6 =	vmov v18;
	[tilespmem:v16+s6+$0x0] =	vst.idx.msk $0xffff, v13;
	v8 =	vld [tilespmem:s30+$0x0]  }
0x187: {  	v12 =	vadd.s32 v3, v5;
	v5 =	vmov v7;
	v7 =	vmov v23;
	[tilespmem:v20+s6+$0x0] =	vst.idx.msk $0xffff, v19;
	v10 =	vld [tilespmem:s30+$0xFFFFFF80];
	s30 =	smov.u32 s0;
	s0 =	smov.u32 s17  }
0x188: {  	v11 =	vadd.s32 v2, v4;
	[tilespmem:v22+s6+$0x0] =	vst.idx.msk $0xffff, v21;
	v9 =	vld [tilespmem:s30+$0xFFFFFFF0]  }
0x189: {  	s14 =	sadd.s32 $0x2, s14;
	s15 =	sadd.s32 $0x1, s18;
	v16 =	vadd.s32 v2, v5;
	[tilespmem:v25+s6+$0x0] =	vst.idx.msk $0xffff, v24;
	v13 =	vld [tilespmem:s30+$0xFFFFFF70]  }
0x18a: {  	v18 =	vmov s15  }
0x18b: {  	v19 =	vmov s18;
	s14 =	sadd.s32 $0x100, s17;
	v18 =	vand.u32 $0x7F, v18  }
0x18c: {  	v19 =	vand.u32 $0x7E, v19;
	v20 =	vld [tilespmem:s14+$0xFFFFFFD0];
	v21 =	vadd.s32 v0, v18  }
0x18d: {  	v22 =	vld [tilespmem:s14+$0xFFFFFF50];
	v23 =	vadd.s32 v0, v19;
	_ =	sdelay $0x2  }
0x18e: {  	[tilespmem:v17+s6+$0x0] =	vst.idx.msk $0xffff, v14;
	v14 =	vld [tilespmem:s17+$0xFFFFFFE0];
	v17 =	vadd.s32 v1, v6  }
0x18f: {  	v60 =	vadd.s32 v1, v7;
	v59 =	vld [tilespmem:s0+$0xFFFFFF60];
	[tilespmem:v21+s6+$0x0] =	vst.idx.msk $0xffff, v20  }
0x190: {  	v62 =	vadd.s32 v1, v18;
	[tilespmem:v23+s6+$0x0] =	vst.idx.msk $0xffff, v22;
	v61 =	vld [tilespmem:s14+$0xFFFFFFE0]  }
0x191: {  	[tilespmem:v15+s6+$0x0] =	vst.idx.msk $0xffff, v8;
	v15 =	vadd.s32 v1, v19;
	v8 =	vld [tilespmem:s14+$0xFFFFFF60]  }
0x192: {  	[tilespmem:v12+s6+$0x0] =	vst.idx.msk $0xffff, v10  }
0x193: {  	[tilespmem:v17+s6+$0x0] =	vst.idx.msk $0xffff, v14  }
0x194: {  	v12 =	vadd.s32 v2, v6;
	[tilespmem:v60+s6+$0x0] =	vst.idx.msk $0xffff, v59;
	v10 =	vld [tilespmem:s0+$0xFFFFFFF0]  }
0x195: {  	v17 =	vadd.s32 v2, v7;
	v14 =	vld [tilespmem:s0+$0xFFFFFF70];
	[tilespmem:v62+s6+$0x0] =	vst.idx.msk $0xffff, v61  }
0x196: {  	[tilespmem:v15+s6+$0x0] =	vst.idx.msk $0xffff, v8;
	v15 =	vadd.s32 v2, v18;
	v8 =	vld [tilespmem:s14+$0xFFFFFFF0]  }
0x197: {  	[tilespmem:v11+s6+$0x0] =	vst.idx.msk $0xffff, v9;
	v11 =	vadd.s32 v2, v19;
	v9 =	vld [tilespmem:s14+$0xFFFFFF70]  }
0x198: {  	v4 =	vadd.s32 v3, v4;
	[tilespmem:v16+s6+$0x0] =	vst.idx.msk $0xffff, v13;
	v13 =	vld [tilespmem:s30+$0x0]  }
0x199: {  	v5 =	vadd.s32 v3, v5;
	v16 =	vld [tilespmem:s30+$0xFFFFFF80];
	[tilespmem:v12+s6+$0x0] =	vst.idx.msk $0xffff, v10  }
0x19a: {  	v6 =	vadd.s32 v3, v6;
	[tilespmem:v17+s6+$0x0] =	vst.idx.msk $0xffff, v14;
	v10 =	vld [tilespmem:s0+$0x0]  }
0x19b: {  	v7 =	vadd.s32 v3, v7;
	v12 =	vld [tilespmem:s0+$0xFFFFFF80];
	[tilespmem:v15+s6+$0x0] =	vst.idx.msk $0xffff, v8  }
0x19c: {  	[tilespmem:v11+s6+$0x0] =	vst.idx.msk $0xffff, v9;
	v9 =	vadd.s32 v3, v18;
	v8 =	vld [tilespmem:s14+$0x0]  }
0x19d: {  	[tilespmem:v4+s6+$0x0] =	vst.idx.msk $0xffff, v13;
	v11 =	vadd.s32 v3, v19;
	v4 =	vld [tilespmem:s14+$0xFFFFFF80]  }
0x19e: {  	s15 =	sshll.u32 s31, $0x3;
	[tilespmem:v5+s6+$0x0] =	vst.idx.msk $0xffff, v16  }
0x19f: {  	s0 =	sand.u32 $0x3FFC00, s15;
	[tilespmem:v6+s6+$0x0] =	vst.idx.msk $0xffff, v10  }
0x1a0: {  	s0 =	sor.u32 s1, s0;
	[tilespmem:v7+s6+$0x0] =	vst.idx.msk $0xffff, v12  }
0x1a1: {  	s1 =	sshll.u32 s0, $0x7;
	[tilespmem:v9+s6+$0x0] =	vst.idx.msk $0xffff, v8  }
0x1a2: {  	s0 =	sadd.s32 s2, s1;
	[tilespmem:v11+s6+$0x0] =	vst.idx.msk $0xffff, v4  }
0x1a3: {  	[hbm4b:s0+s3] =	stream.linear.scatter [tilespmem:s6], [sflag:$0x6], $0x80, $0x38;
	[tilespmem:$0x1EC00] =	vst v63  }
0x1a4: {  	s18 =	simm.s32 $0x18688;
	s17 =	sadd.s32 $0x10, s0  }
0x1a5: {  	[hbm4b:s17+s3] =	stream.linear.scatter [tilespmem:s18], [sflag:$0x6], $0x80, $0x38;
	[tilespmem:$0x1EC00] =	vst v63  }
0x1a6: {  	s17 =	sadd.s32 $0x20, s0;
	s18 =	simm.s32 $0x18710  }
0x1a7: {  	[hbm4b:s17+s3] =	stream.linear.scatter [tilespmem:s18], [sflag:$0x6], $0x80, $0x38;
	[tilespmem:$0x1EC00] =	vst v63  }
0x1a8: {  	s17 =	sadd.s32 $0x30, s0;
	s18 =	simm.s32 $0x18798  }
0x1a9: {  	[hbm4b:s17+s3] =	stream.linear.scatter [tilespmem:s18], [sflag:$0x6], $0x80, $0x38;
	[tilespmem:$0x1EC00] =	vst v63  }
0x1aa: {  	s17 =	sadd.s32 $0x40, s0;
	s18 =	simm.s32 $0x18820  }
0x1ab: {  	[hbm4b:s17+s3] =	stream.linear.scatter [tilespmem:s18], [sflag:$0x6], $0x80, $0x38;
	[tilespmem:$0x1EC00] =	vst v63  }
0x1ac: {  	s17 =	sadd.s32 $0x50, s0;
	s18 =	simm.s32 $0x188A8  }
0x1ad: {  	[hbm4b:s17+s3] =	stream.linear.scatter [tilespmem:s18], [sflag:$0x6], $0x80, $0x38;
	[tilespmem:$0x1EC00] =	vst v63  }
0x1ae: {  	s15 =	sadd.s32 $0x60, s0;
	s17 =	simm.s32 $0x18930  }
0x1af: {  	[hbm4b:s15+s3] =	stream.linear.scatter [tilespmem:s17], [sflag:$0x6], $0x80, $0x38;
	[tilespmem:$0x1EC00] =	vst v63  }
0x1b0: {  	s0 =	sadd.s32 $0x70, s0;
	s18 =	simm.s32 $0x189B8  }
0x1b1: {  	[hbm4b:s0+s3] =	stream.linear.scatter [tilespmem:s18], [sflag:$0x6], $0x80, $0x38;
	[tilespmem:$0x1EC00] =	vst v63  }
0x1b2: {  	s15 =	simm.s32 $0x18A40;
	s0 =	sadd.s32 s1, s7  }
0x1b3: {  	[hbm4b:s0+s3] =	stream.linear.scatter [tilespmem:s15], [sflag:$0x6], $0x80, $0x38;
	[tilespmem:$0x1EC00] =	vst v63  }
0x1b4: {  	s18 =	simm.s32 $0x18AC8;
	s17 =	sadd.s32 $0x10, s0  }
0x1b5: {  	[hbm4b:s17+s3] =	stream.linear.scatter [tilespmem:s18], [sflag:$0x6], $0x80, $0x38;
	[tilespmem:$0x1EC00] =	vst v63  }
0x1b6: {  	s17 =	sadd.s32 $0x20, s0;
	s18 =	simm.s32 $0x18B50  }
0x1b7: {  	[hbm4b:s17+s3] =	stream.linear.scatter [tilespmem:s18], [sflag:$0x6], $0x80, $0x38;
	[tilespmem:$0x1EC00] =	vst v63  }
0x1b8: {  	s17 =	sadd.s32 $0x30, s0;
	s18 =	simm.s32 $0x18BD8  }
0x1b9: {  	[hbm4b:s17+s3] =	stream.linear.scatter [tilespmem:s18], [sflag:$0x6], $0x80, $0x38;
	[tilespmem:$0x1EC00] =	vst v63  }
0x1ba: {  	s17 =	sadd.s32 $0x40, s0;
	s18 =	simm.s32 $0x18C60  }
0x1bb: {  	[hbm4b:s17+s3] =	stream.linear.scatter [tilespmem:s18], [sflag:$0x6], $0x80, $0x38;
	[tilespmem:$0x1EC00] =	vst v63  }
0x1bc: {  	s17 =	sadd.s32 $0x50, s0;
	s18 =	simm.s32 $0x18CE8  }
0x1bd: {  	[hbm4b:s17+s3] =	stream.linear.scatter [tilespmem:s18], [sflag:$0x6], $0x80, $0x38;
	[tilespmem:$0x1EC00] =	vst v63  }
0x1be: {  	s15 =	sadd.s32 $0x60, s0;
	s17 =	simm.s32 $0x18D70  }
0x1bf: {  	[hbm4b:s15+s3] =	stream.linear.scatter [tilespmem:s17], [sflag:$0x6], $0x80, $0x38;
	[tilespmem:$0x1EC00] =	vst v63  }
0x1c0: {  	s0 =	sadd.s32 $0x70, s0;
	s18 =	simm.s32 $0x18DF8  }
0x1c1: {  	[hbm4b:s0+s3] =	stream.linear.scatter [tilespmem:s18], [sflag:$0x6], $0x80, $0x38;
	[tilespmem:$0x1EC00] =	vst v63  }
0x1c2: {  	s15 =	simm.s32 $0x18E80;
	s0 =	sadd.s32 s1, s8  }
0x1c3: {  	[hbm4b:s0+s3] =	stream.linear.scatter [tilespmem:s15], [sflag:$0x6], $0x80, $0x38;
	[tilespmem:$0x1EC00] =	vst v63  }
0x1c4: {  	s18 =	simm.s32 $0x18F08;
	s17 =	sadd.s32 $0x10, s0  }
0x1c5: {  	[hbm4b:s17+s3] =	stream.linear.scatter [tilespmem:s18], [sflag:$0x6], $0x80, $0x38;
	[tilespmem:$0x1EC00] =	vst v63  }
0x1c6: {  	s17 =	sadd.s32 $0x20, s0;
	s18 =	simm.s32 $0x18F90  }
0x1c7: {  	[hbm4b:s17+s3] =	stream.linear.scatter [tilespmem:s18], [sflag:$0x6], $0x80, $0x38;
	[tilespmem:$0x1EC00] =	vst v63  }
0x1c8: {  	s17 =	sadd.s32 $0x30, s0;
	s18 =	simm.s32 $0x19018  }
0x1c9: {  	[hbm4b:s17+s3] =	stream.linear.scatter [tilespmem:s18], [sflag:$0x6], $0x80, $0x38;
	[tilespmem:$0x1EC00] =	vst v63  }
0x1ca: {  	s17 =	sadd.s32 $0x40, s0;
	s18 =	simm.s32 $0x190A0  }
0x1cb: {  	[hbm4b:s17+s3] =	stream.linear.scatter [tilespmem:s18], [sflag:$0x6], $0x80, $0x38;
	[tilespmem:$0x1EC00] =	vst v63  }
0x1cc: {  	s17 =	sadd.s32 $0x50, s0;
	s18 =	simm.s32 $0x19128  }
0x1cd: {  	[hbm4b:s17+s3] =	stream.linear.scatter [tilespmem:s18], [sflag:$0x6], $0x80, $0x38;
	[tilespmem:$0x1EC00] =	vst v63  }
0x1ce: {  	s15 =	sadd.s32 $0x60, s0;
	s17 =	simm.s32 $0x191B0  }
0x1cf: {  	[hbm4b:s15+s3] =	stream.linear.scatter [tilespmem:s17], [sflag:$0x6], $0x80, $0x38;
	[tilespmem:$0x1EC00] =	vst v63  }
0x1d0: {  	s0 =	sadd.s32 $0x70, s0;
	s18 =	simm.s32 $0x19238  }
0x1d1: {  	[hbm4b:s0+s3] =	stream.linear.scatter [tilespmem:s18], [sflag:$0x6], $0x80, $0x38;
	[tilespmem:$0x1EC00] =	vst v63  }
0x1d2: {  	s15 =	simm.s32 $0x192C0;
	s0 =	sadd.s32 s1, s9  }
0x1d3: {  	[hbm4b:s0+s3] =	stream.linear.scatter [tilespmem:s15], [sflag:$0x6], $0x80, $0x38;
	[tilespmem:$0x1EC00] =	vst v63  }
0x1d4: {  	s18 =	simm.s32 $0x19348;
	s17 =	sadd.s32 $0x10, s0  }
0x1d5: {  	[hbm4b:s17+s3] =	stream.linear.scatter [tilespmem:s18], [sflag:$0x6], $0x80, $0x38;
	[tilespmem:$0x1EC00] =	vst v63  }
0x1d6: {  	s17 =	sadd.s32 $0x20, s0;
	s18 =	simm.s32 $0x193D0  }
0x1d7: {  	[hbm4b:s17+s3] =	stream.linear.scatter [tilespmem:s18], [sflag:$0x6], $0x80, $0x38;
	[tilespmem:$0x1EC00] =	vst v63  }
0x1d8: {  	s17 =	sadd.s32 $0x30, s0;
	s18 =	simm.s32 $0x19458  }
0x1d9: {  	[hbm4b:s17+s3] =	stream.linear.scatter [tilespmem:s18], [sflag:$0x6], $0x80, $0x38;
	[tilespmem:$0x1EC00] =	vst v63  }
0x1da: {  	s17 =	sadd.s32 $0x40, s0;
	s18 =	simm.s32 $0x194E0  }
0x1db: {  	[hbm4b:s17+s3] =	stream.linear.scatter [tilespmem:s18], [sflag:$0x6], $0x80, $0x38;
	[tilespmem:$0x1EC00] =	vst v63  }
0x1dc: {  	s17 =	sadd.s32 $0x50, s0;
	s18 =	simm.s32 $0x19568  }
0x1dd: {  	[hbm4b:s17+s3] =	stream.linear.scatter [tilespmem:s18], [sflag:$0x6], $0x80, $0x38;
	[tilespmem:$0x1EC00] =	vst v63  }
0x1de: {  	s15 =	sadd.s32 $0x60, s0;
	s17 =	simm.s32 $0x195F0  }
0x1df: {  	[hbm4b:s15+s3] =	stream.linear.scatter [tilespmem:s17], [sflag:$0x6], $0x80, $0x38;
	[tilespmem:$0x1EC00] =	vst v63  }
0x1e0: {  	s0 =	sadd.s32 $0x70, s0;
	s18 =	simm.s32 $0x19678  }
0x1e1: {  	[hbm4b:s0+s3] =	stream.linear.scatter [tilespmem:s18], [sflag:$0x6], $0x80, $0x38;
	[tilespmem:$0x1EC00] =	vst v63  }
0x1e2: {  	s15 =	simm.s32 $0x19700;
	s0 =	sadd.s32 s1, s10  }
0x1e3: {  	[hbm4b:s0+s3] =	stream.linear.scatter [tilespmem:s15], [sflag:$0x6], $0x80, $0x38;
	[tilespmem:$0x1EC00] =	vst v63  }
0x1e4: {  	s18 =	simm.s32 $0x19788;
	s17 =	sadd.s32 $0x10, s0  }
0x1e5: {  	[hbm4b:s17+s3] =	stream.linear.scatter [tilespmem:s18], [sflag:$0x6], $0x80, $0x38;
	[tilespmem:$0x1EC00] =	vst v63  }
0x1e6: {  	s17 =	sadd.s32 $0x20, s0;
	s18 =	simm.s32 $0x19810  }
0x1e7: {  	[hbm4b:s17+s3] =	stream.linear.scatter [tilespmem:s18], [sflag:$0x6], $0x80, $0x38;
	[tilespmem:$0x1EC00] =	vst v63  }
0x1e8: {  	s17 =	sadd.s32 $0x30, s0;
	s18 =	simm.s32 $0x19898  }
0x1e9: {  	[hbm4b:s17+s3] =	stream.linear.scatter [tilespmem:s18], [sflag:$0x6], $0x80, $0x38;
	[tilespmem:$0x1EC00] =	vst v63  }
0x1ea: {  	s17 =	sadd.s32 $0x40, s0;
	s18 =	simm.s32 $0x19920  }
0x1eb: {  	[hbm4b:s17+s3] =	stream.linear.scatter [tilespmem:s18], [sflag:$0x6], $0x80, $0x38;
	[tilespmem:$0x1EC00] =	vst v63  }
0x1ec: {  	s17 =	sadd.s32 $0x50, s0;
	s18 =	simm.s32 $0x199A8  }
0x1ed: {  	[hbm4b:s17+s3] =	stream.linear.scatter [tilespmem:s18], [sflag:$0x6], $0x80, $0x38;
	[tilespmem:$0x1EC00] =	vst v63  }
0x1ee: {  	s15 =	sadd.s32 $0x60, s0;
	s17 =	simm.s32 $0x19A30  }
0x1ef: {  	[hbm4b:s15+s3] =	stream.linear.scatter [tilespmem:s17], [sflag:$0x6], $0x80, $0x38;
	[tilespmem:$0x1EC00] =	vst v63  }
0x1f0: {  	s0 =	sadd.s32 $0x70, s0;
	s18 =	simm.s32 $0x19AB8  }
0x1f1: {  	[hbm4b:s0+s3] =	stream.linear.scatter [tilespmem:s18], [sflag:$0x6], $0x80, $0x38;
	[tilespmem:$0x1EC00] =	vst v63  }
0x1f2: {  	s15 =	simm.s32 $0x19B40;
	s0 =	sadd.s32 s1, s11  }
0x1f3: {  	[hbm4b:s0+s3] =	stream.linear.scatter [tilespmem:s15], [sflag:$0x6], $0x80, $0x38;
	[tilespmem:$0x1EC00] =	vst v63  }
0x1f4: {  	s18 =	simm.s32 $0x19BC8;
	s17 =	sadd.s32 $0x10, s0  }
0x1f5: {  	[hbm4b:s17+s3] =	stream.linear.scatter [tilespmem:s18], [sflag:$0x6], $0x80, $0x38;
	[tilespmem:$0x1EC00] =	vst v63  }
0x1f6: {  	s17 =	sadd.s32 $0x20, s0;
	s18 =	simm.s32 $0x19C50  }
0x1f7: {  	[hbm4b:s17+s3] =	stream.linear.scatter [tilespmem:s18], [sflag:$0x6], $0x80, $0x38;
	[tilespmem:$0x1EC00] =	vst v63  }
0x1f8: {  	s17 =	sadd.s32 $0x30, s0;
	s18 =	simm.s32 $0x19CD8  }
0x1f9: {  	[hbm4b:s17+s3] =	stream.linear.scatter [tilespmem:s18], [sflag:$0x6], $0x80, $0x38;
	[tilespmem:$0x1EC00] =	vst v63  }
0x1fa: {  	s17 =	sadd.s32 $0x40, s0;
	s18 =	simm.s32 $0x19D60  }
0x1fb: {  	[hbm4b:s17+s3] =	stream.linear.scatter [tilespmem:s18], [sflag:$0x6], $0x80, $0x38;
	[tilespmem:$0x1EC00] =	vst v63  }
0x1fc: {  	s17 =	sadd.s32 $0x50, s0;
	s18 =	simm.s32 $0x19DE8  }
0x1fd: {  	[hbm4b:s17+s3] =	stream.linear.scatter [tilespmem:s18], [sflag:$0x6], $0x80, $0x38;
	[tilespmem:$0x1EC00] =	vst v63  }
0x1fe: {  	s15 =	sadd.s32 $0x60, s0;
	s17 =	simm.s32 $0x19E70  }
0x1ff: {  	[hbm4b:s15+s3] =	stream.linear.scatter [tilespmem:s17], [sflag:$0x6], $0x80, $0x38;
	[tilespmem:$0x1EC00] =	vst v63  }
0x200: {  	s0 =	sadd.s32 $0x70, s0;
	s18 =	simm.s32 $0x19EF8  }
0x201: {  	[hbm4b:s0+s3] =	stream.linear.scatter [tilespmem:s18], [sflag:$0x6], $0x80, $0x38;
	[tilespmem:$0x1EC00] =	vst v63  }
0x202: {  	s15 =	simm.s32 $0x19F80;
	s0 =	sadd.s32 s1, s12  }
0x203: {  	[hbm4b:s0+s3] =	stream.linear.scatter [tilespmem:s15], [sflag:$0x6], $0x80, $0x38;
	[tilespmem:$0x1EC00] =	vst v63  }
0x204: {  	s18 =	simm.s32 $0x1A008;
	s17 =	sadd.s32 $0x10, s0  }
0x205: {  	[hbm4b:s17+s3] =	stream.linear.scatter [tilespmem:s18], [sflag:$0x6], $0x80, $0x38;
	[tilespmem:$0x1EC00] =	vst v63  }
0x206: {  	s17 =	sadd.s32 $0x20, s0;
	s18 =	simm.s32 $0x1A090  }
0x207: {  	[hbm4b:s17+s3] =	stream.linear.scatter [tilespmem:s18], [sflag:$0x6], $0x80, $0x38;
	[tilespmem:$0x1EC00] =	vst v63  }
0x208: {  	s17 =	sadd.s32 $0x30, s0;
	s18 =	simm.s32 $0x1A118  }
0x209: {  	[hbm4b:s17+s3] =	stream.linear.scatter [tilespmem:s18], [sflag:$0x6], $0x80, $0x38;
	[tilespmem:$0x1EC00] =	vst v63  }
0x20a: {  	s17 =	sadd.s32 $0x40, s0;
	s18 =	simm.s32 $0x1A1A0  }
0x20b: {  	[hbm4b:s17+s3] =	stream.linear.scatter [tilespmem:s18], [sflag:$0x6], $0x80, $0x38;
	[tilespmem:$0x1EC00] =	vst v63  }
0x20c: {  	s17 =	sadd.s32 $0x50, s0;
	s18 =	simm.s32 $0x1A228  }
0x20d: {  	[hbm4b:s17+s3] =	stream.linear.scatter [tilespmem:s18], [sflag:$0x6], $0x80, $0x38;
	[tilespmem:$0x1EC00] =	vst v63  }
0x20e: {  	s17 =	sadd.s32 $0x60, s0;
	s18 =	simm.s32 $0x1A2B0  }
0x20f: {  	[hbm4b:s17+s3] =	stream.linear.scatter [tilespmem:s18], [sflag:$0x6], $0x80, $0x38;
	[tilespmem:$0x1EC00] =	vst v63  }
0x210: {  	s0 =	sadd.s32 $0x70, s0;
	s17 =	simm.s32 $0x1A338  }
0x211: {  	[hbm4b:s0+s3] =	stream.linear.scatter [tilespmem:s17], [sflag:$0x6], $0x80, $0x38;
	[tilespmem:$0x1EC00] =	vst v63  }
0x212: {  	s18 =	simm.s32 $0x1A3C0;
	s0 =	sadd.s32 s1, s13  }
0x213: {  	[hbm4b:s0+s3] =	stream.linear.scatter [tilespmem:s18], [sflag:$0x6], $0x80, $0x38;
	[tilespmem:$0x1EC00] =	vst v63  }
0x214: {  	s15 =	simm.s32 $0x1A448;
	s14 =	sadd.s32 $0x10, s0  }
0x215: {  	[hbm4b:s14+s3] =	stream.linear.scatter [tilespmem:s15], [sflag:$0x6], $0x80, $0x38;
	[tilespmem:$0x1EC00] =	vst v63  }
0x216: {  	s17 =	sadd.s32 $0x20, s0;
	s18 =	simm.s32 $0x1A4D0  }
0x217: {  	[hbm4b:s17+s3] =	stream.linear.scatter [tilespmem:s18], [sflag:$0x6], $0x80, $0x38;
	[tilespmem:$0x1EC00] =	vst v63  }
0x218: {  	s14 =	sadd.s32 $0x30, s0;
	s15 =	simm.s32 $0x1A558  }
0x219: {  	[hbm4b:s14+s3] =	stream.linear.scatter [tilespmem:s15], [sflag:$0x6], $0x80, $0x38;
	[tilespmem:$0x1EC00] =	vst v63  }
0x21a: {  	s17 =	sadd.s32 $0x40, s0;
	s18 =	simm.s32 $0x1A5E0  }
0x21b: {  	[hbm4b:s17+s3] =	stream.linear.scatter [tilespmem:s18], [sflag:$0x6], $0x80, $0x38;
	[tilespmem:$0x1EC00] =	vst v63  }
0x21c: {  	s14 =	sadd.s32 $0x50, s0;
	s15 =	simm.s32 $0x1A668  }
0x21d: {  	[hbm4b:s14+s3] =	stream.linear.scatter [tilespmem:s15], [sflag:$0x6], $0x80, $0x38;
	[tilespmem:$0x1EC00] =	vst v63  }
0x21e: {  	s17 =	sadd.s32 $0x60, s0;
	s18 =	simm.s32 $0x1A6F0  }
0x21f: {  	[hbm4b:s17+s3] =	stream.linear.scatter [tilespmem:s18], [sflag:$0x6], $0x80, $0x38;
	[tilespmem:$0x1EC00] =	vst v63  }
0x220: {  	s0 =	sadd.s32 $0x70, s0;
	s15 =	simm.s32 $0x1A778  }
0x221: {  	[hbm4b:s0+s3] =	stream.linear.scatter [tilespmem:s15], [sflag:$0x6], $0x80, $0x38;
	[tilespmem:$0x1EC00] =	vst v63  }
0x222: {  	s1 =	simm.s32 @!p1 $0x80;
	s14 =	simm.s32 @!p1 $0xA400;
	s0 =	sadd.s32 @!p1 $0x280, s16  }
0x223: {  	[tilespmem:s14], [sflag:$0x2] =	stream.indirect.gather @!p1 [hbm4b:s4+s1], $0x80, s0, s1, $0xb8;
	[tilespmem:$0x1EC00] =	vst v63  }
0x224: {  	_ =	swait.ge [sflag:s25], $0x4000  }
0x225: {  	[sflag:s25] =	ssyncset.done $0x0  }
0x226: {  	s0 =	simm.s32 @!p0 $0x7;
	[sflag:s25] =	ssyncadd.s32 $0xFFFFC000  }
0x227: {  	_ =	swait.ge @!p0 [sflag:s0], $0x400  }
0x228: {  	[sflag:s0] =	ssyncset.done @!p0 $0x0  }
0x229: {  	[sflag:s0] =	ssyncadd.s32 @!p0 $0xFFFFFC00  }
0x22a: {  	_ =	swait.ge @!p0 [sflag:s0], $0x400  }
0x22b: {  	[sflag:s0] =	ssyncset.done @!p0 $0x0  }
0x22c: {  	[sflag:s0] =	ssyncadd.s32 @!p0 $0xFFFFFC00  }
0x22d: {  	_ =	swait.ge @!p0 [sflag:s0], $0x400  }
0x22e: {  	[sflag:s0] =	ssyncset.done @!p0 $0x0  }
0x22f: {  	[sflag:s0] =	ssyncadd.s32 @!p0 $0xFFFFFC00  }
0x230: {  	_ =	swait.ge @!p0 [sflag:s0], $0x400  }
0x231: {  	[sflag:s0] =	ssyncset.done @!p0 $0x0  }
0x232: {  	[sflag:s0] =	ssyncadd.s32 @!p0 $0xFFFFFC00  }
0x233: {  	_ =	swait.ge @!p0 [sflag:s0], $0x400  }
0x234: {  	[sflag:s0] =	ssyncset.done @!p0 $0x0  }
0x235: {  	[sflag:s0] =	ssyncadd.s32 @!p0 $0xFFFFFC00  }
0x236: {  	_ =	swait.ge @!p0 [sflag:s0], $0x400  }
0x237: {  	[sflag:s0] =	ssyncset.done @!p0 $0x0  }
0x238: {  	[sflag:s0] =	ssyncadd.s32 @!p0 $0xFFFFFC00  }
0x239: {  	_ =	swait.ge @!p0 [sflag:s0], $0x400  }
0x23a: {  	[sflag:s0] =	ssyncset.done @!p0 $0x0  }
0x23b: {  	[sflag:s0] =	ssyncadd.s32 @!p0 $0xFFFFFC00  }
0x23c: {  	s17 =	simm.s32 $0x1;
	_ =	swait.ge @!p0 [sflag:s0], $0x400  }
0x23d: {  	s18 =	simm.s32 $0x0;
	v4 =	vmov s17;
	[sflag:s0] =	ssyncset.done @!p0 $0x0  }
0x23e: {  	v5 =	vmov s18;
	v9 =	vand.u32 $0x7F, v4;
	[sflag:s0] =	ssyncadd.s32 @!p0 $0xFFFFFC00;
	s0 =	simm.s32 $0xE4B0  }
0x23f: {  	v11 =	vand.u32 $0x7E, v5;
	v5 =	vadd.s32 v0, v9;
	v4 =	vld [tilespmem:s0+$0xFFFFFFD0]  }
0x240: {  	v7 =	vadd.s32 v0, v11;
	v6 =	vld [tilespmem:s0+$0xFFFFFF50];
	_ =	sdelay $0x3  }
0x241: {  	s14 =	simm.s32 $0x3;
	[tilespmem:v5+s26+$0x0] =	vst.idx.msk $0xffff, v4  }
0x242: {  	s15 =	simm.s32 $0x2;
	v4 =	vmov s14;
	[tilespmem:v7+s26+$0x0] =	vst.idx.msk $0xffff, v6;
	v7 =	vadd.s32 v1, v9;
	v6 =	vld [tilespmem:s0+$0xFFFFFFE0]  }
0x243: {  	s30 =	simm.s32 $0xE5B0;
	v10 =	vadd.s32 v1, v11;
	v5 =	vmov s15;
	v4 =	vand.u32 $0x7F, v4;
	v8 =	vld [tilespmem:s0+$0xFFFFFF60]  }
0x244: {  	v12 =	vld [tilespmem:s30+$0xFFFFFFD0];
	v5 =	vand.u32 $0x7E, v5;
	v13 =	vadd.s32 v0, v4  }
0x245: {  	v14 =	vld [tilespmem:s30+$0xFFFFFF50];
	v15 =	vadd.s32 v0, v5;
	_ =	sdelay $0x1  }
0x246: {  	[tilespmem:v7+s26+$0x0] =	vst.idx.msk $0xffff, v6  }
0x247: {  	[tilespmem:v10+s26+$0x0] =	vst.idx.msk $0xffff, v8;
	v8 =	vadd.s32 v2, v9;
	v7 =	vld [tilespmem:s0+$0xFFFFFFF0]  }
0x248: {  	[tilespmem:v13+s26+$0x0] =	vst.idx.msk $0xffff, v12;
	v10 =	vld [tilespmem:s0+$0xFFFFFF70];
	v12 =	vadd.s32 v2, v11  }
0x249: {  	s17 =	simm.s32 $0x5;
	[tilespmem:v15+s26+$0x0] =	vst.idx.msk $0xffff, v14;
	v14 =	vadd.s32 v1, v4;
	v13 =	vld [tilespmem:s30+$0xFFFFFFE0]  }
0x24a: {  	s18 =	simm.s32 $0x4;
	v6 =	vmov s17  }
0x24b: {  	v17 =	vmov s18;
	v18 =	vadd.s32 v1, v5;
	s17 =	simm.s32 $0xE6B0;
	v6 =	vand.u32 $0x7F, v6;
	v15 =	vld [tilespmem:s30+$0xFFFFFF60]  }
0x24c: {  	v19 =	vld [tilespmem:s17+$0xFFFFFFD0];
	v63 =	vadd.s32 v0, v6;
	[tilespmem:v8+s26+$0x0] =	vst.idx.msk $0xffff, v7;
	v7 =	vand.u32 $0x7E, v17  }
0x24d: {  	v16 =	vld [tilespmem:s17+$0xFFFFFF50];
	[tilespmem:v12+s26+$0x0] =	vst.idx.msk $0xffff, v10;
	v17 =	vadd.s32 v0, v7  }
0x24e: {  	v8 =	vld [tilespmem:s0+$0x0];
	[tilespmem:v14+s26+$0x0] =	vst.idx.msk $0xffff, v13;
	v14 =	vadd.s32 v3, v9  }
0x24f: {  	s1 =	sadd.s32 $0x2, s29;
	v12 =	vadd.s32 v3, v11;
	v10 =	vld [tilespmem:s0+$0xFFFFFF80]  }
0x250: {  	s18 =	simm.s32 $0x6;
	s31 =	sand.u32 $0x7E, s1;
	v11 =	vadd.s32 v2, v4;
	[tilespmem:v18+s26+$0x0] =	vst.idx.msk $0xffff, v15;
	v9 =	vld [tilespmem:s30+$0xFFFFFFF0]  }
0x251: {  	s15 =	simm.s32 $0x7;
	s14 =	simm.s32 $0x8;
	[tilespmem:v63+s26+$0x0] =	vst.idx.msk $0xffff, v19;
	v15 =	vadd.s32 v2, v5;
	s0 =	simm.s32 $0xE6B0;
	v13 =	vld [tilespmem:s30+$0xFFFFFF70]  }
.LBB2_7:
0x252: {  	p2 =	slt.u32 s14, $0x7E;
	v18 =	vmov s15;
	[tilespmem:v17+s26+$0x0] =	vst.idx.msk $0xffff, v16;
	v19 =	vld [tilespmem:s17+$0xFFFFFFE0];
	v20 =	vadd.s32 v1, v6  }
0x253: {  	v16 =	vmov s18;
	v22 =	vadd.s32 v1, v7;
	s17 =	sadd.s32 $0x100, s17;
	s18 =	smov.u32 s14;
	v18 =	vand.u32 $0x7F, v18;
	v21 =	vld [tilespmem:s0+$0xFFFFFF60];
	[tilespmem:v14+s26+$0x0] =	vst.idx.msk $0xffff, v8  }
0x254: {  	v23 =	vand.u32 $0x7E, v16;
	v24 =	vld [tilespmem:s17+$0xFFFFFFD0];
	v25 =	vadd.s32 v0, v18;
	[tilespmem:v12+s26+$0x0] =	vst.idx.msk $0xffff, v10  }
.Ltmp4:
0x255: {  	v17 =	vadd.s32 v0, v23;
	v16 =	vld [tilespmem:s17+$0xFFFFFF50];
	[tilespmem:v11+s26+$0x0] =	vst.idx.msk $0xffff, v9;
	(pc) =	sbr.rel @p2 .LBB2_7-.Ltmp4, $4  }
0x256: {  	v14 =	vadd.s32 v3, v4;
	v4 =	vmov v6;
	v6 =	vmov v18;
	[tilespmem:v15+s26+$0x0] =	vst.idx.msk $0xffff, v13;
	v8 =	vld [tilespmem:s30+$0x0]  }
0x257: {  	v12 =	vadd.s32 v3, v5;
	v5 =	vmov v7;
	v7 =	vmov v23;
	[tilespmem:v20+s26+$0x0] =	vst.idx.msk $0xffff, v19;
	v10 =	vld [tilespmem:s30+$0xFFFFFF80];
	s30 =	smov.u32 s0;
	s0 =	smov.u32 s17  }
0x258: {  	v11 =	vadd.s32 v2, v4;
	[tilespmem:v22+s26+$0x0] =	vst.idx.msk $0xffff, v21;
	v9 =	vld [tilespmem:s30+$0xFFFFFFF0]  }
0x259: {  	s14 =	sadd.s32 $0x2, s14;
	s15 =	sadd.s32 $0x1, s18;
	v15 =	vadd.s32 v2, v5;
	[tilespmem:v25+s26+$0x0] =	vst.idx.msk $0xffff, v24;
	v13 =	vld [tilespmem:s30+$0xFFFFFF70]  }
0x25a: {  	v18 =	vmov s15  }
0x25b: {  	v19 =	vmov s18;
	s14 =	sadd.s32 $0x100, s17;
	v18 =	vand.u32 $0x7F, v18  }
0x25c: {  	v19 =	vand.u32 $0x7E, v19;
	v20 =	vld [tilespmem:s14+$0xFFFFFFD0];
	v21 =	vadd.s32 v0, v18  }
0x25d: {  	v22 =	vld [tilespmem:s14+$0xFFFFFF50];
	v23 =	vadd.s32 v0, v19;
	_ =	sdelay $0x2  }
0x25e: {  	[tilespmem:v17+s26+$0x0] =	vst.idx.msk $0xffff, v16;
	v16 =	vld [tilespmem:s17+$0xFFFFFFE0];
	v17 =	vadd.s32 v1, v6  }
0x25f: {  	v60 =	vadd.s32 v1, v7;
	v59 =	vld [tilespmem:s0+$0xFFFFFF60];
	[tilespmem:v21+s26+$0x0] =	vst.idx.msk $0xffff, v20  }
0x260: {  	v62 =	vadd.s32 v1, v18;
	[tilespmem:v23+s26+$0x0] =	vst.idx.msk $0xffff, v22;
	v61 =	vld [tilespmem:s14+$0xFFFFFFE0]  }
0x261: {  	[tilespmem:v14+s26+$0x0] =	vst.idx.msk $0xffff, v8;
	v14 =	vadd.s32 v1, v19;
	v8 =	vld [tilespmem:s14+$0xFFFFFF60]  }
0x262: {  	[tilespmem:v12+s26+$0x0] =	vst.idx.msk $0xffff, v10  }
0x263: {  	[tilespmem:v17+s26+$0x0] =	vst.idx.msk $0xffff, v16  }
0x264: {  	v12 =	vadd.s32 v2, v6;
	[tilespmem:v60+s26+$0x0] =	vst.idx.msk $0xffff, v59;
	v10 =	vld [tilespmem:s0+$0xFFFFFFF0]  }
0x265: {  	v17 =	vadd.s32 v2, v7;
	v16 =	vld [tilespmem:s0+$0xFFFFFF70];
	[tilespmem:v62+s26+$0x0] =	vst.idx.msk $0xffff, v61  }
0x266: {  	[tilespmem:v14+s26+$0x0] =	vst.idx.msk $0xffff, v8;
	v14 =	vadd.s32 v2, v18;
	v8 =	vld [tilespmem:s14+$0xFFFFFFF0]  }
0x267: {  	[tilespmem:v11+s26+$0x0] =	vst.idx.msk $0xffff, v9;
	v11 =	vadd.s32 v2, v19;
	v9 =	vld [tilespmem:s14+$0xFFFFFF70]  }
0x268: {  	v4 =	vadd.s32 v3, v4;
	[tilespmem:v15+s26+$0x0] =	vst.idx.msk $0xffff, v13;
	v13 =	vld [tilespmem:s30+$0x0]  }
0x269: {  	v5 =	vadd.s32 v3, v5;
	v15 =	vld [tilespmem:s30+$0xFFFFFF80];
	[tilespmem:v12+s26+$0x0] =	vst.idx.msk $0xffff, v10  }
0x26a: {  	v6 =	vadd.s32 v3, v6;
	[tilespmem:v17+s26+$0x0] =	vst.idx.msk $0xffff, v16;
	v10 =	vld [tilespmem:s0+$0x0]  }
0x26b: {  	v7 =	vadd.s32 v3, v7;
	v12 =	vld [tilespmem:s0+$0xFFFFFF80];
	[tilespmem:v14+s26+$0x0] =	vst.idx.msk $0xffff, v8  }
0x26c: {  	[tilespmem:v11+s26+$0x0] =	vst.idx.msk $0xffff, v9;
	v9 =	vadd.s32 v3, v18;
	v8 =	vld [tilespmem:s14+$0x0]  }
0x26d: {  	[tilespmem:v4+s26+$0x0] =	vst.idx.msk $0xffff, v13;
	v11 =	vadd.s32 v3, v19;
	v4 =	vld [tilespmem:s14+$0xFFFFFF80]  }
0x26e: {  	s15 =	sshll.u32 s1, $0x3;
	[tilespmem:v5+s26+$0x0] =	vst.idx.msk $0xffff, v15  }
0x26f: {  	s0 =	sand.u32 $0x3FFC00, s15;
	[tilespmem:v6+s26+$0x0] =	vst.idx.msk $0xffff, v10  }
0x270: {  	s0 =	sor.u32 s31, s0;
	[tilespmem:v7+s26+$0x0] =	vst.idx.msk $0xffff, v12  }
0x271: {  	s1 =	sshll.u32 s0, $0x7;
	[tilespmem:v9+s26+$0x0] =	vst.idx.msk $0xffff, v8  }
0x272: {  	s0 =	sadd.s32 s2, s1;
	[tilespmem:v11+s26+$0x0] =	vst.idx.msk $0xffff, v4  }
0x273: {  	[hbm4b:s0+s3] =	stream.linear.scatter [tilespmem:s26], [sflag:$0x7], $0x80, $0x38;
	[tilespmem:$0x1EC00] =	vst v63  }
0x274: {  	s18 =	simm.s32 $0x1A888;
	s17 =	sadd.s32 $0x10, s0  }
0x275: {  	[hbm4b:s17+s3] =	stream.linear.scatter [tilespmem:s18], [sflag:$0x7], $0x80, $0x38;
	[tilespmem:$0x1EC00] =	vst v63  }
0x276: {  	s31 =	simm.s32 $0x1A910;
	s30 =	sadd.s32 $0x20, s0  }
0x277: {  	[hbm4b:s30+s3] =	stream.linear.scatter [tilespmem:s31], [sflag:$0x7], $0x80, $0x38;
	[tilespmem:$0x1EC00] =	vst v63  }
0x278: {  	s17 =	sadd.s32 $0x30, s0;
	s18 =	simm.s32 $0x1A998  }
0x279: {  	[hbm4b:s17+s3] =	stream.linear.scatter [tilespmem:s18], [sflag:$0x7], $0x80, $0x38;
	[tilespmem:$0x1EC00] =	vst v63  }
0x27a: {  	s30 =	sadd.s32 $0x40, s0;
	s31 =	simm.s32 $0x1AA20  }
0x27b: {  	[hbm4b:s30+s3] =	stream.linear.scatter [tilespmem:s31], [sflag:$0x7], $0x80, $0x38;
	[tilespmem:$0x1EC00] =	vst v63  }
0x27c: {  	s15 =	sadd.s32 $0x50, s0;
	s17 =	simm.s32 $0x1AAA8  }
0x27d: {  	[hbm4b:s15+s3] =	stream.linear.scatter [tilespmem:s17], [sflag:$0x7], $0x80, $0x38;
	[tilespmem:$0x1EC00] =	vst v63  }
0x27e: {  	s18 =	sadd.s32 $0x60, s0;
	s30 =	simm.s32 $0x1AB30  }
0x27f: {  	[hbm4b:s18+s3] =	stream.linear.scatter [tilespmem:s30], [sflag:$0x7], $0x80, $0x38;
	[tilespmem:$0x1EC00] =	vst v63  }
0x280: {  	s0 =	sadd.s32 $0x70, s0;
	s31 =	simm.s32 $0x1ABB8  }
0x281: {  	[hbm4b:s0+s3] =	stream.linear.scatter [tilespmem:s31], [sflag:$0x7], $0x80, $0x38;
	[tilespmem:$0x1EC00] =	vst v63  }
0x282: {  	s15 =	simm.s32 $0x1AC40;
	s0 =	sadd.s32 s1, s7  }
0x283: {  	[hbm4b:s0+s3] =	stream.linear.scatter [tilespmem:s15], [sflag:$0x7], $0x80, $0x38;
	[tilespmem:$0x1EC00] =	vst v63  }
0x284: {  	s18 =	simm.s32 $0x1ACC8;
	s17 =	sadd.s32 $0x10, s0  }
0x285: {  	[hbm4b:s17+s3] =	stream.linear.scatter [tilespmem:s18], [sflag:$0x7], $0x80, $0x38;
	[tilespmem:$0x1EC00] =	vst v63  }
0x286: {  	s31 =	simm.s32 $0x1AD50;
	s30 =	sadd.s32 $0x20, s0  }
0x287: {  	[hbm4b:s30+s3] =	stream.linear.scatter [tilespmem:s31], [sflag:$0x7], $0x80, $0x38;
	[tilespmem:$0x1EC00] =	vst v63  }
0x288: {  	s17 =	sadd.s32 $0x30, s0;
	s18 =	simm.s32 $0x1ADD8  }
0x289: {  	[hbm4b:s17+s3] =	stream.linear.scatter [tilespmem:s18], [sflag:$0x7], $0x80, $0x38;
	[tilespmem:$0x1EC00] =	vst v63  }
0x28a: {  	s30 =	sadd.s32 $0x40, s0;
	s31 =	simm.s32 $0x1AE60  }
0x28b: {  	[hbm4b:s30+s3] =	stream.linear.scatter [tilespmem:s31], [sflag:$0x7], $0x80, $0x38;
	[tilespmem:$0x1EC00] =	vst v63  }
0x28c: {  	s15 =	sadd.s32 $0x50, s0;
	s17 =	simm.s32 $0x1AEE8  }
0x28d: {  	[hbm4b:s15+s3] =	stream.linear.scatter [tilespmem:s17], [sflag:$0x7], $0x80, $0x38;
	[tilespmem:$0x1EC00] =	vst v63  }
0x28e: {  	s18 =	sadd.s32 $0x60, s0;
	s30 =	simm.s32 $0x1AF70  }
0x28f: {  	[hbm4b:s18+s3] =	stream.linear.scatter [tilespmem:s30], [sflag:$0x7], $0x80, $0x38;
	[tilespmem:$0x1EC00] =	vst v63  }
0x290: {  	s0 =	sadd.s32 $0x70, s0;
	s31 =	simm.s32 $0x1AFF8  }
0x291: {  	[hbm4b:s0+s3] =	stream.linear.scatter [tilespmem:s31], [sflag:$0x7], $0x80, $0x38;
	[tilespmem:$0x1EC00] =	vst v63  }
0x292: {  	s15 =	simm.s32 $0x1B080;
	s0 =	sadd.s32 s1, s8  }
0x293: {  	[hbm4b:s0+s3] =	stream.linear.scatter [tilespmem:s15], [sflag:$0x7], $0x80, $0x38;
	[tilespmem:$0x1EC00] =	vst v63  }
0x294: {  	s18 =	simm.s32 $0x1B108;
	s17 =	sadd.s32 $0x10, s0  }
0x295: {  	[hbm4b:s17+s3] =	stream.linear.scatter [tilespmem:s18], [sflag:$0x7], $0x80, $0x38;
	[tilespmem:$0x1EC00] =	vst v63  }
0x296: {  	s31 =	simm.s32 $0x1B190;
	s30 =	sadd.s32 $0x20, s0  }
0x297: {  	[hbm4b:s30+s3] =	stream.linear.scatter [tilespmem:s31], [sflag:$0x7], $0x80, $0x38;
	[tilespmem:$0x1EC00] =	vst v63  }
0x298: {  	s17 =	sadd.s32 $0x30, s0;
	s18 =	simm.s32 $0x1B218  }
0x299: {  	[hbm4b:s17+s3] =	stream.linear.scatter [tilespmem:s18], [sflag:$0x7], $0x80, $0x38;
	[tilespmem:$0x1EC00] =	vst v63  }
0x29a: {  	s30 =	sadd.s32 $0x40, s0;
	s31 =	simm.s32 $0x1B2A0  }
0x29b: {  	[hbm4b:s30+s3] =	stream.linear.scatter [tilespmem:s31], [sflag:$0x7], $0x80, $0x38;
	[tilespmem:$0x1EC00] =	vst v63  }
0x29c: {  	s15 =	sadd.s32 $0x50, s0;
	s17 =	simm.s32 $0x1B328  }
0x29d: {  	[hbm4b:s15+s3] =	stream.linear.scatter [tilespmem:s17], [sflag:$0x7], $0x80, $0x38;
	[tilespmem:$0x1EC00] =	vst v63  }
0x29e: {  	s18 =	sadd.s32 $0x60, s0;
	s30 =	simm.s32 $0x1B3B0  }
0x29f: {  	[hbm4b:s18+s3] =	stream.linear.scatter [tilespmem:s30], [sflag:$0x7], $0x80, $0x38;
	[tilespmem:$0x1EC00] =	vst v63  }
0x2a0: {  	s0 =	sadd.s32 $0x70, s0;
	s31 =	simm.s32 $0x1B438  }
0x2a1: {  	[hbm4b:s0+s3] =	stream.linear.scatter [tilespmem:s31], [sflag:$0x7], $0x80, $0x38;
	[tilespmem:$0x1EC00] =	vst v63  }
0x2a2: {  	s15 =	simm.s32 $0x1B4C0;
	s0 =	sadd.s32 s1, s9  }
0x2a3: {  	[hbm4b:s0+s3] =	stream.linear.scatter [tilespmem:s15], [sflag:$0x7], $0x80, $0x38;
	[tilespmem:$0x1EC00] =	vst v63  }
0x2a4: {  	s18 =	simm.s32 $0x1B548;
	s17 =	sadd.s32 $0x10, s0  }
0x2a5: {  	[hbm4b:s17+s3] =	stream.linear.scatter [tilespmem:s18], [sflag:$0x7], $0x80, $0x38;
	[tilespmem:$0x1EC00] =	vst v63  }
0x2a6: {  	s31 =	simm.s32 $0x1B5D0;
	s30 =	sadd.s32 $0x20, s0  }
0x2a7: {  	[hbm4b:s30+s3] =	stream.linear.scatter [tilespmem:s31], [sflag:$0x7], $0x80, $0x38;
	[tilespmem:$0x1EC00] =	vst v63  }
0x2a8: {  	s17 =	sadd.s32 $0x30, s0;
	s18 =	simm.s32 $0x1B658  }
0x2a9: {  	[hbm4b:s17+s3] =	stream.linear.scatter [tilespmem:s18], [sflag:$0x7], $0x80, $0x38;
	[tilespmem:$0x1EC00] =	vst v63  }
0x2aa: {  	s30 =	sadd.s32 $0x40, s0;
	s31 =	simm.s32 $0x1B6E0  }
0x2ab: {  	[hbm4b:s30+s3] =	stream.linear.scatter [tilespmem:s31], [sflag:$0x7], $0x80, $0x38;
	[tilespmem:$0x1EC00] =	vst v63  }
0x2ac: {  	s15 =	sadd.s32 $0x50, s0;
	s17 =	simm.s32 $0x1B768  }
0x2ad: {  	[hbm4b:s15+s3] =	stream.linear.scatter [tilespmem:s17], [sflag:$0x7], $0x80, $0x38;
	[tilespmem:$0x1EC00] =	vst v63  }
0x2ae: {  	s18 =	sadd.s32 $0x60, s0;
	s30 =	simm.s32 $0x1B7F0  }
0x2af: {  	[hbm4b:s18+s3] =	stream.linear.scatter [tilespmem:s30], [sflag:$0x7], $0x80, $0x38;
	[tilespmem:$0x1EC00] =	vst v63  }
0x2b0: {  	s0 =	sadd.s32 $0x70, s0;
	s31 =	simm.s32 $0x1B878  }
0x2b1: {  	[hbm4b:s0+s3] =	stream.linear.scatter [tilespmem:s31], [sflag:$0x7], $0x80, $0x38;
	[tilespmem:$0x1EC00] =	vst v63  }
0x2b2: {  	s15 =	simm.s32 $0x1B900;
	s0 =	sadd.s32 s1, s10  }
0x2b3: {  	[hbm4b:s0+s3] =	stream.linear.scatter [tilespmem:s15], [sflag:$0x7], $0x80, $0x38;
	[tilespmem:$0x1EC00] =	vst v63  }
0x2b4: {  	s18 =	simm.s32 $0x1B988;
	s17 =	sadd.s32 $0x10, s0  }
0x2b5: {  	[hbm4b:s17+s3] =	stream.linear.scatter [tilespmem:s18], [sflag:$0x7], $0x80, $0x38;
	[tilespmem:$0x1EC00] =	vst v63  }
0x2b6: {  	s31 =	simm.s32 $0x1BA10;
	s30 =	sadd.s32 $0x20, s0  }
0x2b7: {  	[hbm4b:s30+s3] =	stream.linear.scatter [tilespmem:s31], [sflag:$0x7], $0x80, $0x38;
	[tilespmem:$0x1EC00] =	vst v63  }
0x2b8: {  	s17 =	sadd.s32 $0x30, s0;
	s18 =	simm.s32 $0x1BA98  }
0x2b9: {  	[hbm4b:s17+s3] =	stream.linear.scatter [tilespmem:s18], [sflag:$0x7], $0x80, $0x38;
	[tilespmem:$0x1EC00] =	vst v63  }
0x2ba: {  	s30 =	sadd.s32 $0x40, s0;
	s31 =	simm.s32 $0x1BB20  }
0x2bb: {  	[hbm4b:s30+s3] =	stream.linear.scatter [tilespmem:s31], [sflag:$0x7], $0x80, $0x38;
	[tilespmem:$0x1EC00] =	vst v63  }
0x2bc: {  	s15 =	sadd.s32 $0x50, s0;
	s17 =	simm.s32 $0x1BBA8  }
0x2bd: {  	[hbm4b:s15+s3] =	stream.linear.scatter [tilespmem:s17], [sflag:$0x7], $0x80, $0x38;
	[tilespmem:$0x1EC00] =	vst v63  }
0x2be: {  	s18 =	sadd.s32 $0x60, s0;
	s30 =	simm.s32 $0x1BC30  }
0x2bf: {  	[hbm4b:s18+s3] =	stream.linear.scatter [tilespmem:s30], [sflag:$0x7], $0x80, $0x38;
	[tilespmem:$0x1EC00] =	vst v63  }
0x2c0: {  	s0 =	sadd.s32 $0x70, s0;
	s31 =	simm.s32 $0x1BCB8  }
0x2c1: {  	[hbm4b:s0+s3] =	stream.linear.scatter [tilespmem:s31], [sflag:$0x7], $0x80, $0x38;
	[tilespmem:$0x1EC00] =	vst v63  }
0x2c2: {  	s15 =	simm.s32 $0x1BD40;
	s0 =	sadd.s32 s1, s11  }
0x2c3: {  	[hbm4b:s0+s3] =	stream.linear.scatter [tilespmem:s15], [sflag:$0x7], $0x80, $0x38;
	[tilespmem:$0x1EC00] =	vst v63  }
0x2c4: {  	s18 =	simm.s32 $0x1BDC8;
	s17 =	sadd.s32 $0x10, s0  }
0x2c5: {  	[hbm4b:s17+s3] =	stream.linear.scatter [tilespmem:s18], [sflag:$0x7], $0x80, $0x38;
	[tilespmem:$0x1EC00] =	vst v63  }
0x2c6: {  	s31 =	simm.s32 $0x1BE50;
	s30 =	sadd.s32 $0x20, s0  }
0x2c7: {  	[hbm4b:s30+s3] =	stream.linear.scatter [tilespmem:s31], [sflag:$0x7], $0x80, $0x38;
	[tilespmem:$0x1EC00] =	vst v63  }
0x2c8: {  	s17 =	sadd.s32 $0x30, s0;
	s18 =	simm.s32 $0x1BED8  }
0x2c9: {  	[hbm4b:s17+s3] =	stream.linear.scatter [tilespmem:s18], [sflag:$0x7], $0x80, $0x38;
	[tilespmem:$0x1EC00] =	vst v63  }
0x2ca: {  	s30 =	sadd.s32 $0x40, s0;
	s31 =	simm.s32 $0x1BF60  }
0x2cb: {  	[hbm4b:s30+s3] =	stream.linear.scatter [tilespmem:s31], [sflag:$0x7], $0x80, $0x38;
	[tilespmem:$0x1EC00] =	vst v63  }
0x2cc: {  	s15 =	sadd.s32 $0x50, s0;
	s17 =	simm.s32 $0x1BFE8  }
0x2cd: {  	[hbm4b:s15+s3] =	stream.linear.scatter [tilespmem:s17], [sflag:$0x7], $0x80, $0x38;
	[tilespmem:$0x1EC00] =	vst v63  }
0x2ce: {  	s18 =	sadd.s32 $0x60, s0;
	s30 =	simm.s32 $0x1C070  }
0x2cf: {  	[hbm4b:s18+s3] =	stream.linear.scatter [tilespmem:s30], [sflag:$0x7], $0x80, $0x38;
	[tilespmem:$0x1EC00] =	vst v63  }
0x2d0: {  	s0 =	sadd.s32 $0x70, s0;
	s31 =	simm.s32 $0x1C0F8  }
0x2d1: {  	[hbm4b:s0+s3] =	stream.linear.scatter [tilespmem:s31], [sflag:$0x7], $0x80, $0x38;
	[tilespmem:$0x1EC00] =	vst v63  }
0x2d2: {  	s15 =	simm.s32 $0x1C180;
	s0 =	sadd.s32 s1, s12  }
0x2d3: {  	[hbm4b:s0+s3] =	stream.linear.scatter [tilespmem:s15], [sflag:$0x7], $0x80, $0x38;
	[tilespmem:$0x1EC00] =	vst v63  }
0x2d4: {  	s18 =	simm.s32 $0x1C208;
	s17 =	sadd.s32 $0x10, s0  }
0x2d5: {  	[hbm4b:s17+s3] =	stream.linear.scatter [tilespmem:s18], [sflag:$0x7], $0x80, $0x38;
	[tilespmem:$0x1EC00] =	vst v63  }
0x2d6: {  	s31 =	simm.s32 $0x1C290;
	s30 =	sadd.s32 $0x20, s0  }
0x2d7: {  	[hbm4b:s30+s3] =	stream.linear.scatter [tilespmem:s31], [sflag:$0x7], $0x80, $0x38;
	[tilespmem:$0x1EC00] =	vst v63  }
0x2d8: {  	s17 =	sadd.s32 $0x30, s0;
	s18 =	simm.s32 $0x1C318  }
0x2d9: {  	[hbm4b:s17+s3] =	stream.linear.scatter [tilespmem:s18], [sflag:$0x7], $0x80, $0x38;
	[tilespmem:$0x1EC00] =	vst v63  }
0x2da: {  	s30 =	sadd.s32 $0x40, s0;
	s31 =	simm.s32 $0x1C3A0  }
0x2db: {  	[hbm4b:s30+s3] =	stream.linear.scatter [tilespmem:s31], [sflag:$0x7], $0x80, $0x38;
	[tilespmem:$0x1EC00] =	vst v63  }
0x2dc: {  	s15 =	sadd.s32 $0x50, s0;
	s17 =	simm.s32 $0x1C428  }
0x2dd: {  	[hbm4b:s15+s3] =	stream.linear.scatter [tilespmem:s17], [sflag:$0x7], $0x80, $0x38;
	[tilespmem:$0x1EC00] =	vst v63  }
0x2de: {  	s18 =	sadd.s32 $0x60, s0;
	s30 =	simm.s32 $0x1C4B0  }
0x2df: {  	[hbm4b:s18+s3] =	stream.linear.scatter [tilespmem:s30], [sflag:$0x7], $0x80, $0x38;
	[tilespmem:$0x1EC00] =	vst v63  }
0x2e0: {  	s0 =	sadd.s32 $0x70, s0;
	s31 =	simm.s32 $0x1C538  }
0x2e1: {  	[hbm4b:s0+s3] =	stream.linear.scatter [tilespmem:s31], [sflag:$0x7], $0x80, $0x38;
	[tilespmem:$0x1EC00] =	vst v63  }
0x2e2: {  	s15 =	simm.s32 $0x1C5C0;
	s0 =	sadd.s32 s1, s13  }
0x2e3: {  	[hbm4b:s0+s3] =	stream.linear.scatter [tilespmem:s15], [sflag:$0x7], $0x80, $0x38;
	[tilespmem:$0x1EC00] =	vst v63  }
0x2e4: {  	s18 =	simm.s32 $0x1C648;
	s17 =	sadd.s32 $0x10, s0  }
0x2e5: {  	[hbm4b:s17+s3] =	stream.linear.scatter [tilespmem:s18], [sflag:$0x7], $0x80, $0x38;
	[tilespmem:$0x1EC00] =	vst v63  }
0x2e6: {  	s31 =	simm.s32 $0x1C6D0;
	s30 =	sadd.s32 $0x20, s0  }
0x2e7: {  	[hbm4b:s30+s3] =	stream.linear.scatter [tilespmem:s31], [sflag:$0x7], $0x80, $0x38;
	[tilespmem:$0x1EC00] =	vst v63  }
0x2e8: {  	s14 =	sadd.s32 $0x30, s0;
	s15 =	simm.s32 $0x1C758  }
0x2e9: {  	[hbm4b:s14+s3] =	stream.linear.scatter [tilespmem:s15], [sflag:$0x7], $0x80, $0x38;
	[tilespmem:$0x1EC00] =	vst v63  }
0x2ea: {  	s17 =	sadd.s32 $0x40, s0;
	s18 =	simm.s32 $0x1C7E0  }
0x2eb: {  	[hbm4b:s17+s3] =	stream.linear.scatter [tilespmem:s18], [sflag:$0x7], $0x80, $0x38;
	[tilespmem:$0x1EC00] =	vst v63  }
0x2ec: {  	s30 =	sadd.s32 $0x50, s0;
	s31 =	simm.s32 $0x1C868  }
0x2ed: {  	[hbm4b:s30+s3] =	stream.linear.scatter [tilespmem:s31], [sflag:$0x7], $0x80, $0x38;
	[tilespmem:$0x1EC00] =	vst v63  }
0x2ee: {  	s15 =	sadd.s32 $0x60, s0;
	s17 =	simm.s32 $0x1C8F0  }
0x2ef: {  	[hbm4b:s15+s3] =	stream.linear.scatter [tilespmem:s17], [sflag:$0x7], $0x80, $0x38;
	[tilespmem:$0x1EC00] =	vst v63  }
0x2f0: {  	s0 =	sadd.s32 $0x70, s0;
	s18 =	simm.s32 $0x1C978  }
0x2f1: {  	[hbm4b:s0+s3] =	stream.linear.scatter [tilespmem:s18], [sflag:$0x7], $0x80, $0x38;
	[tilespmem:$0x1EC00] =	vst v63  }
0x2f2: {  	s1 =	simm.s32 @!p1 $0x80;
	s14 =	simm.s32 @!p1 $0xE400;
	s0 =	sadd.s32 @!p1 $0x300, s16  }
0x2f3: {  	[tilespmem:s14], [sflag:$0x3] =	stream.indirect.gather @!p1 [hbm4b:s4+s1], $0x80, s0, s1, $0xb8;
	[tilespmem:$0x1EC00] =	vst v63  }
0x2f4: {  	_ =	swait.ge [sflag:s19], $0x4000  }
0x2f5: {  	[sflag:s19] =	ssyncset.done $0x0  }
0x2f6: {  	s0 =	simm.s32 @!p0 $0x8;
	[sflag:s19] =	ssyncadd.s32 $0xFFFFC000  }
0x2f7: {  	_ =	swait.ge @!p0 [sflag:s0], $0x400  }
0x2f8: {  	[sflag:s0] =	ssyncset.done @!p0 $0x0  }
0x2f9: {  	[sflag:s0] =	ssyncadd.s32 @!p0 $0xFFFFFC00  }
0x2fa: {  	_ =	swait.ge @!p0 [sflag:s0], $0x400  }
0x2fb: {  	[sflag:s0] =	ssyncset.done @!p0 $0x0  }
0x2fc: {  	[sflag:s0] =	ssyncadd.s32 @!p0 $0xFFFFFC00  }
0x2fd: {  	_ =	swait.ge @!p0 [sflag:s0], $0x400  }
0x2fe: {  	[sflag:s0] =	ssyncset.done @!p0 $0x0  }
0x2ff: {  	[sflag:s0] =	ssyncadd.s32 @!p0 $0xFFFFFC00  }
0x300: {  	_ =	swait.ge @!p0 [sflag:s0], $0x400  }
0x301: {  	[sflag:s0] =	ssyncset.done @!p0 $0x0  }
0x302: {  	[sflag:s0] =	ssyncadd.s32 @!p0 $0xFFFFFC00  }
0x303: {  	_ =	swait.ge @!p0 [sflag:s0], $0x400  }
0x304: {  	[sflag:s0] =	ssyncset.done @!p0 $0x0  }
0x305: {  	[sflag:s0] =	ssyncadd.s32 @!p0 $0xFFFFFC00  }
0x306: {  	_ =	swait.ge @!p0 [sflag:s0], $0x400  }
0x307: {  	[sflag:s0] =	ssyncset.done @!p0 $0x0  }
0x308: {  	[sflag:s0] =	ssyncadd.s32 @!p0 $0xFFFFFC00  }
0x309: {  	_ =	swait.ge @!p0 [sflag:s0], $0x400  }
0x30a: {  	[sflag:s0] =	ssyncset.done @!p0 $0x0  }
0x30b: {  	[sflag:s0] =	ssyncadd.s32 @!p0 $0xFFFFFC00  }
0x30c: {  	s30 =	simm.s32 $0x1;
	_ =	swait.ge @!p0 [sflag:s0], $0x400  }
0x30d: {  	s31 =	simm.s32 $0x0;
	v4 =	vmov s30;
	[sflag:s0] =	ssyncset.done @!p0 $0x0  }
0x30e: {  	v5 =	vmov s31;
	s15 =	simm.s32 $0x124B0;
	v9 =	vand.u32 $0x7F, v4;
	[sflag:s0] =	ssyncadd.s32 @!p0 $0xFFFFFC00  }
0x30f: {  	v11 =	vand.u32 $0x7E, v5;
	v5 =	vadd.s32 v0, v9;
	v4 =	vld [tilespmem:s15+$0xFFFFFFD0]  }
0x310: {  	v7 =	vadd.s32 v0, v11;
	v6 =	vld [tilespmem:s15+$0xFFFFFF50];
	_ =	sdelay $0x3  }
0x311: {  	s17 =	simm.s32 $0x3;
	[tilespmem:v5+s20+$0x0] =	vst.idx.msk $0xffff, v4  }
0x312: {  	s18 =	simm.s32 $0x2;
	v4 =	vmov s17;
	[tilespmem:v7+s20+$0x0] =	vst.idx.msk $0xffff, v6;
	v7 =	vadd.s32 v1, v9;
	v6 =	vld [tilespmem:s15+$0xFFFFFFE0]  }
0x313: {  	v10 =	vadd.s32 v1, v11;
	s16 =	simm.s32 $0x125B0;
	v5 =	vmov s18;
	v4 =	vand.u32 $0x7F, v4;
	v8 =	vld [tilespmem:s15+$0xFFFFFF60]  }
0x314: {  	v12 =	vld [tilespmem:s16+$0xFFFFFFD0];
	v5 =	vand.u32 $0x7E, v5;
	v13 =	vadd.s32 v0, v4  }
0x315: {  	v14 =	vld [tilespmem:s16+$0xFFFFFF50];
	v15 =	vadd.s32 v0, v5;
	_ =	sdelay $0x1  }
0x316: {  	[tilespmem:v7+s20+$0x0] =	vst.idx.msk $0xffff, v6  }
0x317: {  	[tilespmem:v10+s20+$0x0] =	vst.idx.msk $0xffff, v8;
	v8 =	vadd.s32 v2, v9;
	v7 =	vld [tilespmem:s15+$0xFFFFFFF0]  }
0x318: {  	[tilespmem:v13+s20+$0x0] =	vst.idx.msk $0xffff, v12;
	v10 =	vld [tilespmem:s15+$0xFFFFFF70];
	v12 =	vadd.s32 v2, v11  }
0x319: {  	s30 =	simm.s32 $0x5;
	[tilespmem:v15+s20+$0x0] =	vst.idx.msk $0xffff, v14;
	v15 =	vadd.s32 v1, v4;
	v13 =	vld [tilespmem:s16+$0xFFFFFFE0]  }
0x31a: {  	s31 =	simm.s32 $0x4;
	v6 =	vmov s30  }
0x31b: {  	v17 =	vmov s31;
	s17 =	simm.s32 $0x126B0;
	v18 =	vadd.s32 v1, v5;
	v6 =	vand.u32 $0x7F, v6;
	v16 =	vld [tilespmem:s16+$0xFFFFFF60]  }
0x31c: {  	v19 =	vld [tilespmem:s17+$0xFFFFFFD0];
	v63 =	vadd.s32 v0, v6;
	[tilespmem:v8+s20+$0x0] =	vst.idx.msk $0xffff, v7;
	v7 =	vand.u32 $0x7E, v17  }
0x31d: {  	v14 =	vld [tilespmem:s17+$0xFFFFFF50];
	[tilespmem:v12+s20+$0x0] =	vst.idx.msk $0xffff, v10;
	v17 =	vadd.s32 v0, v7  }
0x31e: {  	v8 =	vld [tilespmem:s15+$0x0];
	[tilespmem:v15+s20+$0x0] =	vst.idx.msk $0xffff, v13;
	v15 =	vadd.s32 v3, v9  }
0x31f: {  	s1 =	sadd.s32 $0x3, s29;
	v12 =	vadd.s32 v3, v11;
	v10 =	vld [tilespmem:s15+$0xFFFFFF80]  }
0x320: {  	s14 =	simm.s32 $0x8;
	s29 =	sand.u32 $0x7F, s1;
	v11 =	vadd.s32 v2, v4;
	[tilespmem:v18+s20+$0x0] =	vst.idx.msk $0xffff, v16;
	v9 =	vld [tilespmem:s16+$0xFFFFFFF0]  }
0x321: {  	s0 =	simm.s32 $0x126B0;
	s18 =	simm.s32 $0x6;
	s15 =	simm.s32 $0x7;
	[tilespmem:v63+s20+$0x0] =	vst.idx.msk $0xffff, v19;
	v16 =	vadd.s32 v2, v5;
	v13 =	vld [tilespmem:s16+$0xFFFFFF70]  }
.LBB2_9:
0x322: {  	p0 =	slt.u32 s14, $0x7E;
	v18 =	vmov s15;
	[tilespmem:v17+s20+$0x0] =	vst.idx.msk $0xffff, v14;
	v19 =	vld [tilespmem:s17+$0xFFFFFFE0];
	v20 =	vadd.s32 v1, v6  }
0x323: {  	v14 =	vmov s18;
	v22 =	vadd.s32 v1, v7;
	s17 =	sadd.s32 $0x100, s17;
	s18 =	smov.u32 s14;
	v18 =	vand.u32 $0x7F, v18;
	v21 =	vld [tilespmem:s0+$0xFFFFFF60];
	[tilespmem:v15+s20+$0x0] =	vst.idx.msk $0xffff, v8  }
0x324: {  	v23 =	vand.u32 $0x7E, v14;
	v24 =	vld [tilespmem:s17+$0xFFFFFFD0];
	v25 =	vadd.s32 v0, v18;
	[tilespmem:v12+s20+$0x0] =	vst.idx.msk $0xffff, v10  }
.Ltmp5:
0x325: {  	v17 =	vadd.s32 v0, v23;
	v14 =	vld [tilespmem:s17+$0xFFFFFF50];
	[tilespmem:v11+s20+$0x0] =	vst.idx.msk $0xffff, v9;
	(pc) =	sbr.rel @p0 .LBB2_9-.Ltmp5, $4  }
0x326: {  	v15 =	vadd.s32 v3, v4;
	v4 =	vmov v6;
	v6 =	vmov v18;
	[tilespmem:v16+s20+$0x0] =	vst.idx.msk $0xffff, v13;
	v8 =	vld [tilespmem:s16+$0x0]  }
0x327: {  	v12 =	vadd.s32 v3, v5;
	v5 =	vmov v7;
	v7 =	vmov v23;
	[tilespmem:v20+s20+$0x0] =	vst.idx.msk $0xffff, v19;
	v10 =	vld [tilespmem:s16+$0xFFFFFF80];
	s16 =	smov.u32 s0;
	s0 =	smov.u32 s17  }
0x328: {  	v11 =	vadd.s32 v2, v4;
	[tilespmem:v22+s20+$0x0] =	vst.idx.msk $0xffff, v21;
	v9 =	vld [tilespmem:s16+$0xFFFFFFF0]  }
0x329: {  	s14 =	sadd.s32 $0x2, s14;
	s15 =	sadd.s32 $0x1, s18;
	v16 =	vadd.s32 v2, v5;
	[tilespmem:v25+s20+$0x0] =	vst.idx.msk $0xffff, v24;
	v13 =	vld [tilespmem:s16+$0xFFFFFF70]  }
0x32a: {  	v18 =	vmov s15  }
0x32b: {  	v19 =	vmov s18;
	s14 =	sadd.s32 $0x100, s17;
	v18 =	vand.u32 $0x7F, v18  }
0x32c: {  	v19 =	vand.u32 $0x7E, v19;
	v20 =	vld [tilespmem:s14+$0xFFFFFFD0];
	v21 =	vadd.s32 v0, v18  }
0x32d: {  	v22 =	vld [tilespmem:s14+$0xFFFFFF50];
	v23 =	vadd.s32 v0, v19;
	_ =	sdelay $0x2  }
0x32e: {  	v24 =	vld [tilespmem:s17+$0xFFFFFFE0];
	[tilespmem:v17+s20+$0x0] =	vst.idx.msk $0xffff, v14;
	v45 =	vadd.s32 v1, v6  }
0x32f: {  	v46 =	vadd.s32 v1, v7;
	v17 =	vld [tilespmem:s0+$0xFFFFFF60];
	[tilespmem:v21+s20+$0x0] =	vst.idx.msk $0xffff, v20  }
0x330: {  	v47 =	vadd.s32 v1, v18;
	[tilespmem:v23+s20+$0x0] =	vst.idx.msk $0xffff, v22;
	v21 =	vld [tilespmem:s14+$0xFFFFFFE0]  }
0x331: {  	[tilespmem:v15+s20+$0x0] =	vst.idx.msk $0xffff, v8;
	v49 =	vadd.s32 v1, v19;
	v48 =	vld [tilespmem:s14+$0xFFFFFF60]  }
0x332: {  	[tilespmem:v12+s20+$0x0] =	vst.idx.msk $0xffff, v10  }
0x333: {  	[tilespmem:v45+s20+$0x0] =	vst.idx.msk $0xffff, v24  }
0x334: {  	v51 =	vadd.s32 v2, v6;
	[tilespmem:v46+s20+$0x0] =	vst.idx.msk $0xffff, v17;
	v50 =	vld [tilespmem:s0+$0xFFFFFFF0]  }
0x335: {  	v53 =	vadd.s32 v2, v7;
	v52 =	vld [tilespmem:s0+$0xFFFFFF70];
	[tilespmem:v47+s20+$0x0] =	vst.idx.msk $0xffff, v21  }
0x336: {  	v55 =	vadd.s32 v2, v18;
	[tilespmem:v49+s20+$0x0] =	vst.idx.msk $0xffff, v48;
	v54 =	vld [tilespmem:s14+$0xFFFFFFF0]  }
0x337: {  	v57 =	vadd.s32 v2, v19;
	[tilespmem:v11+s20+$0x0] =	vst.idx.msk $0xffff, v9;
	v56 =	vld [tilespmem:s14+$0xFFFFFF70]  }
0x338: {  	v4 =	vadd.s32 v3, v4;
	[tilespmem:v16+s20+$0x0] =	vst.idx.msk $0xffff, v13;
	v58 =	vld [tilespmem:s16+$0x0]  }
0x339: {  	v5 =	vadd.s32 v3, v5;
	v16 =	vld [tilespmem:s16+$0xFFFFFF80];
	[tilespmem:v51+s20+$0x0] =	vst.idx.msk $0xffff, v50  }
0x33a: {  	v59 =	vadd.s32 v3, v6;
	[tilespmem:v53+s20+$0x0] =	vst.idx.msk $0xffff, v52;
	v10 =	vld [tilespmem:s0+$0x0]  }
0x33b: {  	v61 =	vadd.s32 v3, v7;
	v60 =	vld [tilespmem:s0+$0xFFFFFF80];
	[tilespmem:v55+s20+$0x0] =	vst.idx.msk $0xffff, v54  }
0x33c: {  	v62 =	vadd.s32 v3, v18;
	[tilespmem:v57+s20+$0x0] =	vst.idx.msk $0xffff, v56;
	v8 =	vld [tilespmem:s14+$0x0]  }
0x33d: {  	v63 =	vadd.s32 v3, v19;
	[tilespmem:v4+s20+$0x0] =	vst.idx.msk $0xffff, v58;
	v4 =	vld [tilespmem:s14+$0xFFFFFF80]  }
0x33e: {  	s15 =	sshll.u32 s1, $0x3;
	[tilespmem:v5+s20+$0x0] =	vst.idx.msk $0xffff, v16  }
0x33f: {  	s0 =	sand.u32 $0x3FFC00, s15;
	[tilespmem:v59+s20+$0x0] =	vst.idx.msk $0xffff, v10  }
0x340: {  	s0 =	sor.u32 s29, s0;
	[tilespmem:v61+s20+$0x0] =	vst.idx.msk $0xffff, v60  }
0x341: {  	s1 =	sshll.u32 s0, $0x7;
	[tilespmem:v62+s20+$0x0] =	vst.idx.msk $0xffff, v8  }
0x342: {  	s0 =	sadd.s32 s2, s1;
	[tilespmem:v63+s20+$0x0] =	vst.idx.msk $0xffff, v4  }
0x343: {  	[hbm4b:s0+s3] =	stream.linear.scatter [tilespmem:s20], [sflag:$0x8], $0x80, $0x38;
	[tilespmem:$0x1EC00] =	vst v63  }
0x344: {  	s17 =	simm.s32 $0x1CA88;
	s16 =	sadd.s32 $0x10, s0  }
0x345: {  	[hbm4b:s16+s3] =	stream.linear.scatter [tilespmem:s17], [sflag:$0x8], $0x80, $0x38;
	[tilespmem:$0x1EC00] =	vst v63  }
0x346: {  	s29 =	simm.s32 $0x1CB10;
	s18 =	sadd.s32 $0x20, s0  }
0x347: {  	[hbm4b:s18+s3] =	stream.linear.scatter [tilespmem:s29], [sflag:$0x8], $0x80, $0x38;
	[tilespmem:$0x1EC00] =	vst v63  }
0x348: {  	s31 =	simm.s32 $0x1CB98;
	s30 =	sadd.s32 $0x30, s0  }
0x349: {  	[hbm4b:s30+s3] =	stream.linear.scatter [tilespmem:s31], [sflag:$0x8], $0x80, $0x38;
	[tilespmem:$0x1EC00] =	vst v63  }
0x34a: {  	s15 =	sadd.s32 $0x40, s0;
	s16 =	simm.s32 $0x1CC20  }
0x34b: {  	[hbm4b:s15+s3] =	stream.linear.scatter [tilespmem:s16], [sflag:$0x8], $0x80, $0x38;
	[tilespmem:$0x1EC00] =	vst v63  }
0x34c: {  	s17 =	sadd.s32 $0x50, s0;
	s18 =	simm.s32 $0x1CCA8  }
0x34d: {  	[hbm4b:s17+s3] =	stream.linear.scatter [tilespmem:s18], [sflag:$0x8], $0x80, $0x38;
	[tilespmem:$0x1EC00] =	vst v63  }
0x34e: {  	s29 =	sadd.s32 $0x60, s0;
	s30 =	simm.s32 $0x1CD30  }
0x34f: {  	[hbm4b:s29+s3] =	stream.linear.scatter [tilespmem:s30], [sflag:$0x8], $0x80, $0x38;
	[tilespmem:$0x1EC00] =	vst v63  }
0x350: {  	s0 =	sadd.s32 $0x70, s0;
	s31 =	simm.s32 $0x1CDB8  }
0x351: {  	[hbm4b:s0+s3] =	stream.linear.scatter [tilespmem:s31], [sflag:$0x8], $0x80, $0x38;
	[tilespmem:$0x1EC00] =	vst v63  }
0x352: {  	s15 =	simm.s32 $0x1CE40;
	s0 =	sadd.s32 s1, s7  }
0x353: {  	[hbm4b:s0+s3] =	stream.linear.scatter [tilespmem:s15], [sflag:$0x8], $0x80, $0x38;
	[tilespmem:$0x1EC00] =	vst v63  }
0x354: {  	s17 =	simm.s32 $0x1CEC8;
	s16 =	sadd.s32 $0x10, s0  }
0x355: {  	[hbm4b:s16+s3] =	stream.linear.scatter [tilespmem:s17], [sflag:$0x8], $0x80, $0x38;
	[tilespmem:$0x1EC00] =	vst v63  }
0x356: {  	s29 =	simm.s32 $0x1CF50;
	s18 =	sadd.s32 $0x20, s0  }
0x357: {  	[hbm4b:s18+s3] =	stream.linear.scatter [tilespmem:s29], [sflag:$0x8], $0x80, $0x38;
	[tilespmem:$0x1EC00] =	vst v63  }
0x358: {  	s31 =	simm.s32 $0x1CFD8;
	s30 =	sadd.s32 $0x30, s0  }
0x359: {  	[hbm4b:s30+s3] =	stream.linear.scatter [tilespmem:s31], [sflag:$0x8], $0x80, $0x38;
	[tilespmem:$0x1EC00] =	vst v63  }
0x35a: {  	s15 =	sadd.s32 $0x40, s0;
	s16 =	simm.s32 $0x1D060  }
0x35b: {  	[hbm4b:s15+s3] =	stream.linear.scatter [tilespmem:s16], [sflag:$0x8], $0x80, $0x38;
	[tilespmem:$0x1EC00] =	vst v63  }
0x35c: {  	s17 =	sadd.s32 $0x50, s0;
	s18 =	simm.s32 $0x1D0E8  }
0x35d: {  	[hbm4b:s17+s3] =	stream.linear.scatter [tilespmem:s18], [sflag:$0x8], $0x80, $0x38;
	[tilespmem:$0x1EC00] =	vst v63  }
0x35e: {  	s29 =	sadd.s32 $0x60, s0;
	s30 =	simm.s32 $0x1D170  }
0x35f: {  	[hbm4b:s29+s3] =	stream.linear.scatter [tilespmem:s30], [sflag:$0x8], $0x80, $0x38;
	[tilespmem:$0x1EC00] =	vst v63  }
0x360: {  	s0 =	sadd.s32 $0x70, s0;
	s31 =	simm.s32 $0x1D1F8  }
0x361: {  	[hbm4b:s0+s3] =	stream.linear.scatter [tilespmem:s31], [sflag:$0x8], $0x80, $0x38;
	[tilespmem:$0x1EC00] =	vst v63  }
0x362: {  	s15 =	simm.s32 $0x1D280;
	s0 =	sadd.s32 s1, s8  }
0x363: {  	[hbm4b:s0+s3] =	stream.linear.scatter [tilespmem:s15], [sflag:$0x8], $0x80, $0x38;
	[tilespmem:$0x1EC00] =	vst v63  }
0x364: {  	s17 =	simm.s32 $0x1D308;
	s16 =	sadd.s32 $0x10, s0  }
0x365: {  	[hbm4b:s16+s3] =	stream.linear.scatter [tilespmem:s17], [sflag:$0x8], $0x80, $0x38;
	[tilespmem:$0x1EC00] =	vst v63  }
0x366: {  	s29 =	simm.s32 $0x1D390;
	s18 =	sadd.s32 $0x20, s0  }
0x367: {  	[hbm4b:s18+s3] =	stream.linear.scatter [tilespmem:s29], [sflag:$0x8], $0x80, $0x38;
	[tilespmem:$0x1EC00] =	vst v63  }
0x368: {  	s31 =	simm.s32 $0x1D418;
	s30 =	sadd.s32 $0x30, s0  }
0x369: {  	[hbm4b:s30+s3] =	stream.linear.scatter [tilespmem:s31], [sflag:$0x8], $0x80, $0x38;
	[tilespmem:$0x1EC00] =	vst v63  }
0x36a: {  	s15 =	sadd.s32 $0x40, s0;
	s16 =	simm.s32 $0x1D4A0  }
0x36b: {  	[hbm4b:s15+s3] =	stream.linear.scatter [tilespmem:s16], [sflag:$0x8], $0x80, $0x38;
	[tilespmem:$0x1EC00] =	vst v63  }
0x36c: {  	s17 =	sadd.s32 $0x50, s0;
	s18 =	simm.s32 $0x1D528  }
0x36d: {  	[hbm4b:s17+s3] =	stream.linear.scatter [tilespmem:s18], [sflag:$0x8], $0x80, $0x38;
	[tilespmem:$0x1EC00] =	vst v63  }
0x36e: {  	s29 =	sadd.s32 $0x60, s0;
	s30 =	simm.s32 $0x1D5B0  }
0x36f: {  	[hbm4b:s29+s3] =	stream.linear.scatter [tilespmem:s30], [sflag:$0x8], $0x80, $0x38;
	[tilespmem:$0x1EC00] =	vst v63  }
0x370: {  	s0 =	sadd.s32 $0x70, s0;
	s31 =	simm.s32 $0x1D638  }
0x371: {  	[hbm4b:s0+s3] =	stream.linear.scatter [tilespmem:s31], [sflag:$0x8], $0x80, $0x38;
	[tilespmem:$0x1EC00] =	vst v63  }
0x372: {  	s15 =	simm.s32 $0x1D6C0;
	s0 =	sadd.s32 s1, s9  }
0x373: {  	[hbm4b:s0+s3] =	stream.linear.scatter [tilespmem:s15], [sflag:$0x8], $0x80, $0x38;
	[tilespmem:$0x1EC00] =	vst v63  }
0x374: {  	s17 =	simm.s32 $0x1D748;
	s16 =	sadd.s32 $0x10, s0  }
0x375: {  	[hbm4b:s16+s3] =	stream.linear.scatter [tilespmem:s17], [sflag:$0x8], $0x80, $0x38;
	[tilespmem:$0x1EC00] =	vst v63  }
0x376: {  	s29 =	simm.s32 $0x1D7D0;
	s18 =	sadd.s32 $0x20, s0  }
0x377: {  	[hbm4b:s18+s3] =	stream.linear.scatter [tilespmem:s29], [sflag:$0x8], $0x80, $0x38;
	[tilespmem:$0x1EC00] =	vst v63  }
0x378: {  	s31 =	simm.s32 $0x1D858;
	s30 =	sadd.s32 $0x30, s0  }
0x379: {  	[hbm4b:s30+s3] =	stream.linear.scatter [tilespmem:s31], [sflag:$0x8], $0x80, $0x38;
	[tilespmem:$0x1EC00] =	vst v63  }
0x37a: {  	s15 =	sadd.s32 $0x40, s0;
	s16 =	simm.s32 $0x1D8E0  }
0x37b: {  	[hbm4b:s15+s3] =	stream.linear.scatter [tilespmem:s16], [sflag:$0x8], $0x80, $0x38;
	[tilespmem:$0x1EC00] =	vst v63  }
0x37c: {  	s17 =	sadd.s32 $0x50, s0;
	s18 =	simm.s32 $0x1D968  }
0x37d: {  	[hbm4b:s17+s3] =	stream.linear.scatter [tilespmem:s18], [sflag:$0x8], $0x80, $0x38;
	[tilespmem:$0x1EC00] =	vst v63  }
0x37e: {  	s29 =	sadd.s32 $0x60, s0;
	s30 =	simm.s32 $0x1D9F0  }
0x37f: {  	[hbm4b:s29+s3] =	stream.linear.scatter [tilespmem:s30], [sflag:$0x8], $0x80, $0x38;
	[tilespmem:$0x1EC00] =	vst v63  }
0x380: {  	s0 =	sadd.s32 $0x70, s0;
	s31 =	simm.s32 $0x1DA78  }
0x381: {  	[hbm4b:s0+s3] =	stream.linear.scatter [tilespmem:s31], [sflag:$0x8], $0x80, $0x38;
	[tilespmem:$0x1EC00] =	vst v63  }
0x382: {  	s15 =	simm.s32 $0x1DB00;
	s0 =	sadd.s32 s1, s10  }
0x383: {  	[hbm4b:s0+s3] =	stream.linear.scatter [tilespmem:s15], [sflag:$0x8], $0x80, $0x38;
	[tilespmem:$0x1EC00] =	vst v63  }
0x384: {  	s17 =	simm.s32 $0x1DB88;
	s16 =	sadd.s32 $0x10, s0  }
0x385: {  	[hbm4b:s16+s3] =	stream.linear.scatter [tilespmem:s17], [sflag:$0x8], $0x80, $0x38;
	[tilespmem:$0x1EC00] =	vst v63  }
0x386: {  	s29 =	simm.s32 $0x1DC10;
	s18 =	sadd.s32 $0x20, s0  }
0x387: {  	[hbm4b:s18+s3] =	stream.linear.scatter [tilespmem:s29], [sflag:$0x8], $0x80, $0x38;
	[tilespmem:$0x1EC00] =	vst v63  }
0x388: {  	s31 =	simm.s32 $0x1DC98;
	s30 =	sadd.s32 $0x30, s0  }
0x389: {  	[hbm4b:s30+s3] =	stream.linear.scatter [tilespmem:s31], [sflag:$0x8], $0x80, $0x38;
	[tilespmem:$0x1EC00] =	vst v63  }
0x38a: {  	s15 =	sadd.s32 $0x40, s0;
	s16 =	simm.s32 $0x1DD20  }
0x38b: {  	[hbm4b:s15+s3] =	stream.linear.scatter [tilespmem:s16], [sflag:$0x8], $0x80, $0x38;
	[tilespmem:$0x1EC00] =	vst v63  }
0x38c: {  	s17 =	sadd.s32 $0x50, s0;
	s18 =	simm.s32 $0x1DDA8  }
0x38d: {  	[hbm4b:s17+s3] =	stream.linear.scatter [tilespmem:s18], [sflag:$0x8], $0x80, $0x38;
	[tilespmem:$0x1EC00] =	vst v63  }
0x38e: {  	s29 =	sadd.s32 $0x60, s0;
	s30 =	simm.s32 $0x1DE30  }
0x38f: {  	[hbm4b:s29+s3] =	stream.linear.scatter [tilespmem:s30], [sflag:$0x8], $0x80, $0x38;
	[tilespmem:$0x1EC00] =	vst v63  }
0x390: {  	s0 =	sadd.s32 $0x70, s0;
	s31 =	simm.s32 $0x1DEB8  }
0x391: {  	[hbm4b:s0+s3] =	stream.linear.scatter [tilespmem:s31], [sflag:$0x8], $0x80, $0x38;
	[tilespmem:$0x1EC00] =	vst v63  }
0x392: {  	s15 =	simm.s32 $0x1DF40;
	s0 =	sadd.s32 s1, s11  }
0x393: {  	[hbm4b:s0+s3] =	stream.linear.scatter [tilespmem:s15], [sflag:$0x8], $0x80, $0x38;
	[tilespmem:$0x1EC00] =	vst v63  }
0x394: {  	s17 =	simm.s32 $0x1DFC8;
	s16 =	sadd.s32 $0x10, s0  }
0x395: {  	[hbm4b:s16+s3] =	stream.linear.scatter [tilespmem:s17], [sflag:$0x8], $0x80, $0x38;
	[tilespmem:$0x1EC00] =	vst v63  }
0x396: {  	s29 =	simm.s32 $0x1E050;
	s18 =	sadd.s32 $0x20, s0  }
0x397: {  	[hbm4b:s18+s3] =	stream.linear.scatter [tilespmem:s29], [sflag:$0x8], $0x80, $0x38;
	[tilespmem:$0x1EC00] =	vst v63  }
0x398: {  	s31 =	simm.s32 $0x1E0D8;
	s30 =	sadd.s32 $0x30, s0  }
0x399: {  	[hbm4b:s30+s3] =	stream.linear.scatter [tilespmem:s31], [sflag:$0x8], $0x80, $0x38;
	[tilespmem:$0x1EC00] =	vst v63  }
0x39a: {  	s15 =	sadd.s32 $0x40, s0;
	s16 =	simm.s32 $0x1E160  }
0x39b: {  	[hbm4b:s15+s3] =	stream.linear.scatter [tilespmem:s16], [sflag:$0x8], $0x80, $0x38;
	[tilespmem:$0x1EC00] =	vst v63  }
0x39c: {  	s17 =	sadd.s32 $0x50, s0;
	s18 =	simm.s32 $0x1E1E8  }
0x39d: {  	[hbm4b:s17+s3] =	stream.linear.scatter [tilespmem:s18], [sflag:$0x8], $0x80, $0x38;
	[tilespmem:$0x1EC00] =	vst v63  }
0x39e: {  	s29 =	sadd.s32 $0x60, s0;
	s30 =	simm.s32 $0x1E270  }
0x39f: {  	[hbm4b:s29+s3] =	stream.linear.scatter [tilespmem:s30], [sflag:$0x8], $0x80, $0x38;
	[tilespmem:$0x1EC00] =	vst v63  }
0x3a0: {  	s0 =	sadd.s32 $0x70, s0;
	s31 =	simm.s32 $0x1E2F8  }
0x3a1: {  	[hbm4b:s0+s3] =	stream.linear.scatter [tilespmem:s31], [sflag:$0x8], $0x80, $0x38;
	[tilespmem:$0x1EC00] =	vst v63  }
0x3a2: {  	s15 =	simm.s32 $0x1E380;
	s0 =	sadd.s32 s1, s12  }
0x3a3: {  	[hbm4b:s0+s3] =	stream.linear.scatter [tilespmem:s15], [sflag:$0x8], $0x80, $0x38;
	[tilespmem:$0x1EC00] =	vst v63  }
0x3a4: {  	s17 =	simm.s32 $0x1E408;
	s16 =	sadd.s32 $0x10, s0  }
0x3a5: {  	[hbm4b:s16+s3] =	stream.linear.scatter [tilespmem:s17], [sflag:$0x8], $0x80, $0x38;
	[tilespmem:$0x1EC00] =	vst v63  }
0x3a6: {  	s29 =	simm.s32 $0x1E490;
	s18 =	sadd.s32 $0x20, s0  }
0x3a7: {  	[hbm4b:s18+s3] =	stream.linear.scatter [tilespmem:s29], [sflag:$0x8], $0x80, $0x38;
	[tilespmem:$0x1EC00] =	vst v63  }
0x3a8: {  	s31 =	simm.s32 $0x1E518;
	s30 =	sadd.s32 $0x30, s0  }
0x3a9: {  	[hbm4b:s30+s3] =	stream.linear.scatter [tilespmem:s31], [sflag:$0x8], $0x80, $0x38;
	[tilespmem:$0x1EC00] =	vst v63  }
0x3aa: {  	s15 =	sadd.s32 $0x40, s0;
	s16 =	simm.s32 $0x1E5A0  }
0x3ab: {  	[hbm4b:s15+s3] =	stream.linear.scatter [tilespmem:s16], [sflag:$0x8], $0x80, $0x38;
	[tilespmem:$0x1EC00] =	vst v63  }
0x3ac: {  	s17 =	sadd.s32 $0x50, s0;
	s18 =	simm.s32 $0x1E628  }
0x3ad: {  	[hbm4b:s17+s3] =	stream.linear.scatter [tilespmem:s18], [sflag:$0x8], $0x80, $0x38;
	[tilespmem:$0x1EC00] =	vst v63  }
0x3ae: {  	s29 =	sadd.s32 $0x60, s0;
	s30 =	simm.s32 $0x1E6B0  }
0x3af: {  	[hbm4b:s29+s3] =	stream.linear.scatter [tilespmem:s30], [sflag:$0x8], $0x80, $0x38;
	[tilespmem:$0x1EC00] =	vst v63  }
0x3b0: {  	s0 =	sadd.s32 $0x70, s0;
	s31 =	simm.s32 $0x1E738  }
0x3b1: {  	[hbm4b:s0+s3] =	stream.linear.scatter [tilespmem:s31], [sflag:$0x8], $0x80, $0x38;
	[tilespmem:$0x1EC00] =	vst v63  }
0x3b2: {  	s15 =	simm.s32 $0x1E7C0;
	s0 =	sadd.s32 s1, s13  }
0x3b3: {  	[hbm4b:s0+s3] =	stream.linear.scatter [tilespmem:s15], [sflag:$0x8], $0x80, $0x38;
	[tilespmem:$0x1EC00] =	vst v63  }
0x3b4: {  	s17 =	simm.s32 $0x1E848;
	s16 =	sadd.s32 $0x10, s0  }
0x3b5: {  	[hbm4b:s16+s3] =	stream.linear.scatter [tilespmem:s17], [sflag:$0x8], $0x80, $0x38;
	[tilespmem:$0x1EC00] =	vst v63  }
0x3b6: {  	s29 =	simm.s32 $0x1E8D0;
	s18 =	sadd.s32 $0x20, s0  }
0x3b7: {  	[hbm4b:s18+s3] =	stream.linear.scatter [tilespmem:s29], [sflag:$0x8], $0x80, $0x38;
	[tilespmem:$0x1EC00] =	vst v63  }
0x3b8: {  	s31 =	simm.s32 $0x1E958;
	s30 =	sadd.s32 $0x30, s0  }
0x3b9: {  	[hbm4b:s30+s3] =	stream.linear.scatter [tilespmem:s31], [sflag:$0x8], $0x80, $0x38;
	[tilespmem:$0x1EC00] =	vst v63  }
0x3ba: {  	s15 =	sadd.s32 $0x40, s0;
	s16 =	simm.s32 $0x1E9E0  }
0x3bb: {  	[hbm4b:s15+s3] =	stream.linear.scatter [tilespmem:s16], [sflag:$0x8], $0x80, $0x38;
	[tilespmem:$0x1EC00] =	vst v63  }
0x3bc: {  	s17 =	sadd.s32 $0x50, s0;
	s18 =	simm.s32 $0x1EA68  }
0x3bd: {  	[hbm4b:s17+s3] =	stream.linear.scatter [tilespmem:s18], [sflag:$0x8], $0x80, $0x38;
	[tilespmem:$0x1EC00] =	vst v63  }
.Ltmp6:
0x3be: {  	_ = 	snop;
	(pc) =	sbr.rel @p1 .LBB2_12-.Ltmp6, $4  }
0x3bf: {  	s29 =	sadd.s32 $0x60, s0;
	s30 =	simm.s32 $0x1EAF0  }
0x3c0: {  	[hbm4b:s29+s3] =	stream.linear.scatter [tilespmem:s30], [sflag:$0x8], $0x80, $0x38;
	[tilespmem:$0x1EC00] =	vst v63  }
0x3c1: {  	s0 =	sadd.s32 $0x70, s0;
	s31 =	simm.s32 $0x1EB78  }
0x3c2: {  	[hbm4b:s0+s3] =	stream.linear.scatter [tilespmem:s31], [sflag:$0x8], $0x80, $0x38;
	[tilespmem:$0x1EC00] =	vst v63  }
.Ltmp7:
0x3c3: {  	(pc) =	sbr.rel .LBB2_2-.Ltmp7, $4  }
0x3c4: {  	s0 =	sshll.u32 s28, $0x9  }
0x3c5: {  	s0 =	sand.u32 $0x3FFFFE00, s0  }
0x3c6: {  	s1 =	simm.s32 $0x12400;
	s28 =	sadd.s32 $0x1, s28;
	s0 =	sadd.s32 $0x380, s0  }
0x3c7: {  	[tilespmem:s1], [sflag:$0x4] =	stream.indirect.gather [hbm4b:s4+s22], $0x80, s0, s22, $0xb8;
	[tilespmem:$0x1EC00] =	vst v63  }
.LBB2_13:
0x3c8: {  	_ =	sfence.sel $0x180000  }
0x3c9: {  	[bflag:$0x0] =	sbarrier.arrive $0xFFFF  }
0x3ca: {  	_ =	strace $0x90000047  }
0x3cb: {  	s0 =	stileid.u32;
	[bflag:$0x2] =	sbarrier.arrive $0xFFFF  }
0x3cc: {  	p0 =	sne.s32 s0, $0x0;
	s0 =	rddreg [dreg:$0x2]  }
0x3cd: {  	s0 =	sadd.s32 @!p0 $0x100000, s0  }
0x3ce: {  	[sflag:s0] =	ssyncadd.tile.s32 @!p0 $0x1;
	_ =	shalt  }
.Lfunc_end2:
_tile_overlayer_lowered:
.L_overlay_start_2:
0x3cf: {  	(tag) =	ssettag $0x2  }
0x3d0: {  	s0 =	rddreg [dreg:$0x0];
	s2 =	stileid.u32  }
0x3d1: {  	s1 =	rddreg [dreg:$0x1];
	p0 =	sne.s32 s2, $0x0  }
0x3d2: {  	s3 =	rddreg [dreg:$0x2];
	[bflag:$0x3] =	sbarrier.arrive $0xFFFF;
	s2 =	simm.s32 @!p0 $0x1C09  }
0x3d3: {  	[timem:s3], [sflag:s2] =	dma.local @!p0 [hbm:s0], s1  }
0x3d4: {  	s0 =	simm.s32 @!p0 $0x9  }
0x3d5: {  	_ =	swait.ge @!p0 [sflag:s0], s1  }
0x3d6: {  	s1 =	ssub.s32 @!p0 $0x0, s1;
	[sflag:s0] =	ssyncset.done @!p0 $0x0  }
0x3d7: {  	[sflag:s0] =	ssyncadd.s32 @!p0 s1  }
0x3d8: {  	[bflag:$0x3] =	sbarrier.arrive $0xFFFF  }
0x3d9: {  	_ =	shalt  }

</sc_bundles>
